<compile_context>
chip_gen: v7x
topology: tpu7x:2x2x1
jax: 0.10.2.dev20260603
libtpu: 0.0.44.dev20260713+nightly
codegen_flags: <defaults>
</compile_context>

<pallas_src>
import jax
import jax.numpy as jnp
from jax import lax
from jax.experimental import pallas as pl
from jax.experimental.pallas import tpu as pltpu
from jax.experimental.pallas import tpu_sc as plsc

B = 1024
K = 16
D = 128
NW = 32
BPW = B // NW
SPW = BPW * K
HSPW = SPW // 2
L = 16


def _sc_body(u_h, v_h, adj_h, usr_h, ent_h,
             U_h, E0_h, E1_h, S2_h,
             vbuf, ubuf, vdiv8, vpad, adjv, e1idx, e1div8, e2big, e2idx,
             ent0, ent1, ent2, ent3, idx0, idx1, idx2, idx3,
             s2acc, zbuf, urows, e0rows,
             sem_u, sem_e0, sem_adj, sem_z, sem0, sem1, sem2, sem3):
    ents = (ent0, ent1, ent2, ent3)
    idxs = (idx0, idx1, idx2, idx3)
    sems = (sem0, sem1, sem2, sem3)
    cid = lax.axis_index("c")
    sid = lax.axis_index("s")
    wid = sid * 2 + cid
    base = wid * BPW
    sbase = wid * SPW

    pltpu.sync_copy(v_h.at[pl.ds(base, BPW)], vbuf)
    pltpu.sync_copy(u_h.at[pl.ds(base, BPW)], ubuf)

    pltpu.async_copy(usr_h.at[ubuf], urows, sem_u)
    pltpu.async_copy(ent_h.at[vbuf], e0rows, sem_e0)

    zero = jnp.zeros((L,), jnp.float32)

    @pl.loop(0, 64)
    def _zero(r):
        for d in range(8):
            zbuf[r, pl.ds(d * L, L)] = zero

    for z in range(4):
        pltpu.async_copy(zbuf, s2acc.at[pl.ds(sid * HSPW + z * 64, 64)], sem_z)

    for g in range(BPW // L):
        vv = vbuf[pl.ds(g * L, L)]
        vdiv8[pl.ds(g * L, L)] = vv >> 3
        vpad[pl.ds(g * L, L)] = vv
    pltpu.async_copy(adj_h.at[vdiv8], adjv, sem_adj).wait()

    @pl.loop(0, BPW, unroll=8)
    def _extract1(r):
        off = (vpad[pl.ds(r, L)][0] & 7) * K
        e1idx[pl.ds(r * K, K)] = adjv[r, pl.ds(off, K)]

    for g in range(SPW // L):
        e1div8[pl.ds(g * L, L)] = e1idx[pl.ds(g * L, L)] >> 3

    pltpu.async_copy(adj_h.at[e1div8.at[pl.ds(0, 128)]], e2big, sem0)
    for c in range(4):
        pltpu.make_async_copy(adj_h.at[e1div8.at[pl.ds(c * 128, 128)]],
                              e2big, sem0).wait()

        @pl.loop(0, 128, unroll=16)
        def _extract2(r, c=c):
            p = c * 128 + r
            off = (e1idx[pl.ds(p, L)][0] & 7) * K
            e2idx[pl.ds(p * K, K)] = e2big[r, pl.ds(off, K)]

        if c < 3:
            pltpu.async_copy(adj_h.at[e1div8.at[pl.ds((c + 1) * 128, 128)]],
                             e2big, sem0)

    for c in range(4):
        pltpu.async_copy(ent_h.at[e1idx.at[pl.ds(c * 64, 64)]],
                         ents[c], sems[c])
    for c in range(8):
        j = c % 4
        pltpu.make_async_copy(ent_h.at[e1idx.at[pl.ds(0, 64)]],
                              ents[j], sems[j]).wait()
        pltpu.sync_copy(ents[j], E1_h.at[pl.ds(sbase + c * 64, 64)])
        if c < 4:
            pltpu.async_copy(ent_h.at[e1idx.at[pl.ds((c + 4) * 64, 64)]],
                             ents[j], sems[j])

    for h in range(2):
        for z in range(4):
            pltpu.make_async_copy(
                zbuf, s2acc.at[pl.ds(sid * HSPW + z * 64, 64)], sem_z).wait()

        for j in range(4):
            pltpu.async_copy(
                ent_h.at[e2idx.at[pl.ds((h * 64 + j) * 64, 64)]],
                ents[j], sems[j])

        @pl.loop(0, 16)
        def _hop2(i, h=h):
            for j in range(4):
                tbase = sid * HSPW + i * 16 + j * 4
                for t in range(4):
                    idxs[j][pl.ds(t * L, L)] = jnp.full((L,), tbase + t,
                                                        jnp.int32)
                pltpu.make_async_copy(ent_h.at[e2idx.at[pl.ds(0, 64)]],
                                      ents[j], sems[j]).wait()
                pltpu.sync_copy(ents[j], s2acc.at[idxs[j]], add=True)
                pltpu.async_copy(
                    ent_h.at[
                        e2idx.at[pl.ds((h * 64 + ((4 * i + j + 4) & 63)) * 64,
                                       64)]],
                    ents[j], sems[j])

        for j in range(4):
            pltpu.make_async_copy(ent_h.at[e2idx.at[pl.ds(0, 64)]],
                                  ents[j], sems[j]).wait()

        pltpu.sync_copy(s2acc.at[pl.ds(sid * HSPW, HSPW)],
                        S2_h.at[pl.ds(sbase + h * HSPW, HSPW)])

        if h == 0:
            for z in range(4):
                pltpu.async_copy(
                    zbuf, s2acc.at[pl.ds(sid * HSPW + z * 64, 64)], sem_z)

    pltpu.make_async_copy(usr_h.at[ubuf], urows, sem_u).wait()
    pltpu.sync_copy(urows, U_h.at[pl.ds(base, BPW)])
    pltpu.make_async_copy(ent_h.at[vbuf], e0rows, sem_e0).wait()
    pltpu.sync_copy(e0rows, E0_h.at[pl.ds(base, BPW)])


def _sc_gather(u, v, adj128, usr_table, ent_table):
    mesh = plsc.VectorSubcoreMesh(core_axis_name="c", subcore_axis_name="s")
    f32 = jnp.float32
    kern = pl.kernel(
        _sc_body,
        out_type=(
            jax.ShapeDtypeStruct((B, D), f32),
            jax.ShapeDtypeStruct((B, D), f32),
            jax.ShapeDtypeStruct((B * K, D), f32),
            jax.ShapeDtypeStruct((B * K, D), f32),
        ),
        mesh=mesh,
        scratch_types=[
            pltpu.VMEM((BPW,), jnp.int32),
            pltpu.VMEM((BPW,), jnp.int32),
            pltpu.VMEM((BPW,), jnp.int32),
            pltpu.VMEM((BPW + L,), jnp.int32),
            pltpu.VMEM((BPW, 128), jnp.int32),
            pltpu.VMEM((SPW + L,), jnp.int32),
            pltpu.VMEM((SPW,), jnp.int32),
            pltpu.VMEM((128, 128), jnp.int32),
            pltpu.VMEM((SPW * K,), jnp.int32),
            pltpu.VMEM((64, D), f32),
            pltpu.VMEM((64, D), f32),
            pltpu.VMEM((64, D), f32),
            pltpu.VMEM((64, D), f32),
            pltpu.VMEM((64,), jnp.int32),
            pltpu.VMEM((64,), jnp.int32),
            pltpu.VMEM((64,), jnp.int32),
            pltpu.VMEM((64,), jnp.int32),
            pltpu.VMEM_SHARED((16 * HSPW, D), f32),
            pltpu.VMEM((64, D), f32),
            pltpu.VMEM((BPW, D), f32),
            pltpu.VMEM((BPW, D), f32),
            pltpu.SemaphoreType.DMA,
            pltpu.SemaphoreType.DMA,
            pltpu.SemaphoreType.DMA,
            pltpu.SemaphoreType.DMA,
            pltpu.SemaphoreType.DMA,
            pltpu.SemaphoreType.DMA,
            pltpu.SemaphoreType.DMA,
            pltpu.SemaphoreType.DMA,
        ],
    )
    return kern(u, v, adj128, usr_table, ent_table)


def _tc_body(u_ref, e0_ref, e1_ref, s2_ref, w0_ref, b0_ref, w1_ref, b1_ref,
             out_ref):
    f32 = jnp.float32
    bb = e0_ref.shape[0]
    w0 = w0_ref[...]
    b0 = b0_ref[...]
    comb1 = e1_ref[...] + s2_ref[...] * (1.0 / K)
    x1 = jnp.maximum(jnp.dot(comb1, w0, preferred_element_type=f32) + b0, 0.0)
    m0 = jnp.mean(e1_ref[...].reshape(bb, K, D), axis=1)
    x0 = jnp.maximum(
        jnp.dot(e0_ref[...] + m0, w0, preferred_element_type=f32) + b0, 0.0)
    m1 = jnp.mean(x1.reshape(bb, K, D), axis=1)
    item = jnp.tanh(
        jnp.dot(x0 + m1, w1_ref[...], preferred_element_type=f32) + b1_ref[...])
    out_ref[...] = jnp.sum(u_ref[...] * item, axis=1)


def _tc_dense(U, E0, E1, S2, W0, b0, W1, b1):
    BB = 128
    grid = B // BB
    return pl.pallas_call(
        _tc_body,
        grid=(grid,),
        in_specs=[
            pl.BlockSpec((BB, D), lambda i: (i, 0)),
            pl.BlockSpec((BB, D), lambda i: (i, 0)),
            pl.BlockSpec((BB * K, D), lambda i: (i, 0)),
            pl.BlockSpec((BB * K, D), lambda i: (i, 0)),
            pl.BlockSpec((D, D), lambda i: (0, 0)),
            pl.BlockSpec((1, D), lambda i: (0, 0)),
            pl.BlockSpec((D, D), lambda i: (0, 0)),
            pl.BlockSpec((1, D), lambda i: (0, 0)),
        ],
        out_specs=pl.BlockSpec((BB,), lambda i: (i,)),
        out_shape=jax.ShapeDtypeStruct((B,), jnp.float32),
    )(U, E0, E1, S2, W0, b0, W1, b1)


def kernel(u, v, adj, rel, usr_table, ent_table, rel_table, W0, b0, W1, b1):
    del rel, rel_table
    u = u.astype(jnp.int32)
    v = v.astype(jnp.int32)
    adj128 = adj.astype(jnp.int32).reshape(-1, 128)
    U, E0, E1, S2 = _sc_gather(u, v, adj128, usr_table, ent_table)
    return _tc_dense(U, E0, E1, S2, W0, b0.reshape(1, D), W1, b1.reshape(1, D))

# --- scband reference (transcript-rebuilt; emitter-appended) ---
"""Pipeline reference for scband-kgraph-saint-23476291240172 (READ-ONLY COPY).

The authoritative reference and input builder live on the scoring server;
editing this copy changes nothing except your own understanding.
"""

import jax, jax.numpy as jnp
import numpy as np

NUM_USR = 10000
NUM_ENT = 100000
NUM_REL = 32
DIM = 128
N_ITER = 2
N_NEIGHBOR = 16
BATCH = 1024


def setup_inputs(seed: int = 0) -> dict:
    key = jax.random.key(seed)
    ks = jax.random.split(key, 10)
    u = jax.random.randint(ks[0], (BATCH,), 0, NUM_USR)
    v = jax.random.randint(ks[1], (BATCH,), 1, NUM_ENT)
    adj = jax.random.randint(ks[2], (NUM_ENT, N_NEIGHBOR), 1, NUM_ENT)
    rel = jax.random.randint(ks[3], (NUM_ENT, N_NEIGHBOR), 1, NUM_REL + 1)
    usr_table = jax.random.normal(ks[4], (NUM_USR, DIM), dtype=jnp.float32) * 0.05
    ent_table = jax.random.normal(ks[5], (NUM_ENT, DIM), dtype=jnp.float32) * 0.05
    ent_table = ent_table.at[0].set(0.0)  # padding_idx=0
    rel_table = jax.random.normal(ks[6], (NUM_REL + 1, DIM), dtype=jnp.float32) * 0.05
    rel_table = rel_table.at[0].set(0.0)  # padding_idx=0
    W0 = jax.random.normal(ks[7], (DIM, DIM), dtype=jnp.float32) * (1.0 / np.sqrt(DIM))
    b0 = jnp.zeros((DIM,), dtype=jnp.float32)
    W1 = jax.random.normal(ks[8], (DIM, DIM), dtype=jnp.float32) * (1.0 / np.sqrt(DIM))
    b1 = jnp.zeros((DIM,), dtype=jnp.float32)
    return {"u": u, "v": v, "adj": adj, "rel": rel,
            "usr_table": usr_table, "ent_table": ent_table, "rel_table": rel_table,
            "W0": W0, "b0": b0, "W1": W1, "b1": b1}


def reference(u, v, adj, rel, usr_table, ent_table, rel_table, W0, b0, W1, b1):
    # Eval-mode (train_mode=False) path of KGraphSAINT.forward:
    # dense fixed-fanout adjacency (KGCN-style), no SAINT norm reweighting.
    batch = v.shape[0]
    user_embeddings = jnp.take(usr_table, u, axis=0)  # usr(u).squeeze(1)

    # _get_neighbors: iterative index_select(adj, entities[h])
    entities = [v.reshape(batch, 1)]
    for h in range(N_ITER):
        nbr = jnp.take(adj, entities[h].reshape(-1), axis=0).reshape(batch, -1)
        entities.append(nbr)

    # _aggregate: embed every hop, then iteratively aggregate inward
    entity_vectors = [jnp.take(ent_table, e, axis=0) for e in entities]
    Ws = [W0, W1]
    bs = [b0, b1]
    for i in range(N_ITER):
        act = jnp.tanh if i == N_ITER - 1 else jax.nn.relu
        entity_vectors_next_iter = []
        for hop in range(N_ITER - i):
            self_vectors = entity_vectors[hop]  # [B, m, D]
            neighbor_vectors = entity_vectors[hop + 1].reshape(batch, -1, N_NEIGHBOR, DIM)
            neighbors_agg = neighbor_vectors.mean(axis=2)  # [B, m, D]
            combined = (self_vectors + neighbors_agg).reshape(-1, DIM)  # sum aggregator
            out = act(combined @ Ws[i] + bs[i]).reshape(batch, -1, DIM)
            entity_vectors_next_iter.append(out)
        entity_vectors = entity_vectors_next_iter

    item_embeddings = entity_vectors[0].reshape(batch, DIM)
    scores = (user_embeddings * item_embeddings).sum(axis=1)
    return scores

if __name__ == "__main__":
    import jax
    _d = setup_inputs()
    print(jax.jit(kernel)(*tuple(_d.values())))

</pallas_src>

<mosaic_0001>
#map = affine_map<(d0, d1) -> (0)>
#map1 = affine_map<(d0, d1) -> (0, 0)>
module attributes {stable_mosaic.version = 14 : i64} {
  func.func @_sc_body(%arg0: i32, %arg1: i32, %arg2: memref<1024xi32, #tpu.memory_space<hbm>>, %arg3: memref<1024xi32, #tpu.memory_space<hbm>>, %arg4: memref<12500x128xi32, #tpu.memory_space<hbm>>, %arg5: memref<10000x128xf32, #tpu.memory_space<hbm>>, %arg6: memref<100000x128xf32, #tpu.memory_space<hbm>>, %arg7: memref<1024x128xf32, #tpu.memory_space<hbm>>, %arg8: memref<1024x128xf32, #tpu.memory_space<hbm>>, %arg9: memref<16384x128xf32, #tpu.memory_space<hbm>>, %arg10: memref<16384x128xf32, #tpu.memory_space<hbm>>, %arg11: memref<32xi32, #tpu.memory_space<vmem>>, %arg12: memref<32xi32, #tpu.memory_space<vmem>>, %arg13: memref<32xi32, #tpu.memory_space<vmem>>, %arg14: memref<48xi32, #tpu.memory_space<vmem>>, %arg15: memref<32x128xi32, #tpu.memory_space<vmem>>, %arg16: memref<528xi32, #tpu.memory_space<vmem>>, %arg17: memref<512xi32, #tpu.memory_space<vmem>>, %arg18: memref<128x128xi32, #tpu.memory_space<vmem>>, %arg19: memref<8192xi32, #tpu.memory_space<vmem>>, %arg20: memref<64x128xf32, #tpu.memory_space<vmem>>, %arg21: memref<64x128xf32, #tpu.memory_space<vmem>>, %arg22: memref<64x128xf32, #tpu.memory_space<vmem>>, %arg23: memref<64x128xf32, #tpu.memory_space<vmem>>, %arg24: memref<64xi32, #tpu.memory_space<vmem>>, %arg25: memref<64xi32, #tpu.memory_space<vmem>>, %arg26: memref<64xi32, #tpu.memory_space<vmem>>, %arg27: memref<64xi32, #tpu.memory_space<vmem>>, %arg28: memref<4096x128xf32, #tpu.memory_space<vmem_shared>>, %arg29: memref<64x128xf32, #tpu.memory_space<vmem>>, %arg30: memref<32x128xf32, #tpu.memory_space<vmem>>, %arg31: memref<32x128xf32, #tpu.memory_space<vmem>>, %arg32: memref<!tpu.dma_semaphore, #tpu.memory_space<semaphore_mem>>, %arg33: memref<!tpu.dma_semaphore, #tpu.memory_space<semaphore_mem>>, %arg34: memref<!tpu.dma_semaphore, #tpu.memory_space<semaphore_mem>>, %arg35: memref<!tpu.dma_semaphore, #tpu.memory_space<semaphore_mem>>, %arg36: memref<!tpu.dma_semaphore, #tpu.memory_space<semaphore_mem>>, %arg37: memref<!tpu.dma_semaphore, #tpu.memory_space<semaphore_mem>>, %arg38: memref<!tpu.dma_semaphore, #tpu.memory_space<semaphore_mem>>, %arg39: memref<!tpu.dma_semaphore, #tpu.memory_space<semaphore_mem>>) attributes {dimension_semantics = [#tpu.dimension_semantics<core_parallel>, #tpu.dimension_semantics<subcore_parallel>], iteration_bounds = array<i64: 2, 16>, scalar_prefetch = 0 : i64, scratch_operands = 29 : i64, tpu.core_type = #tpu.core_type<sc_vector_subcore>, window_params = [{transform_indices = #map}, {transform_indices = #map}, {transform_indices = #map1}, {transform_indices = #map1}, {transform_indices = #map1}, {transform_indices = #map1}, {transform_indices = #map1}, {transform_indices = #map1}, {transform_indices = #map1}]} {
    %mul3A = arith.constant 2 : i32
    %mul3A_0 = arith.muli %arg1, %mul3A : i32
    %add3A = arith.addi %mul3A_0, %arg0 : i32
    %mul3A_1 = arith.constant 32 : i32
    %mul3A_2 = arith.muli %add3A, %mul3A_1 : i32
    %mul3A_3 = arith.constant 512 : i32
    %mul3A_4 = arith.muli %add3A, %mul3A_3 : i32
    "tpu.region"() ({
      %run_scoped3A = tpu.sem_alloc : memref<!tpu.dma_semaphore, #tpu.memory_space<semaphore_mem>>
      %dma_start3A_758 = tpu.memref_slice %arg3[%mul3A_2] : memref<1024xi32, #tpu.memory_space<hbm>> -> memref<32xi32, #tpu.memory_space<hbm>>
      %dma_start3A_759 = tpu.memref_slice %arg3[%mul3A_2] : memref<1024xi32, #tpu.memory_space<hbm>> -> memref<32xi32, #tpu.memory_space<hbm>>
      tpu.enqueue_dma source(%dma_start3A_759 : memref<32xi32, #tpu.memory_space<hbm>>) target(%arg11 : memref<32xi32, #tpu.memory_space<vmem>>) target_semaphore(%run_scoped3A : memref<!tpu.dma_semaphore, #tpu.memory_space<semaphore_mem>>)
      %dma_wait3A_760 = tpu.memref_slice %arg3[%mul3A_2] : memref<1024xi32, #tpu.memory_space<hbm>> -> memref<32xi32, #tpu.memory_space<hbm>>
      %dma_wait3A_761 = tpu.memref_slice %arg3[%mul3A_2] : memref<1024xi32, #tpu.memory_space<hbm>> -> memref<32xi32, #tpu.memory_space<hbm>>
      tpu.wait_dma2 semaphore(%run_scoped3A : memref<!tpu.dma_semaphore, #tpu.memory_space<semaphore_mem>>) src(%dma_wait3A_761 : memref<32xi32, #tpu.memory_space<hbm>>) dst(%arg11 : memref<32xi32, #tpu.memory_space<vmem>>)
      tpu.yield
    }) : () -> ()
    "tpu.region"() ({
      %run_scoped3A = tpu.sem_alloc : memref<!tpu.dma_semaphore, #tpu.memory_space<semaphore_mem>>
      %dma_start3A_758 = tpu.memref_slice %arg2[%mul3A_2] : memref<1024xi32, #tpu.memory_space<hbm>> -> memref<32xi32, #tpu.memory_space<hbm>>
      %dma_start3A_759 = tpu.memref_slice %arg2[%mul3A_2] : memref<1024xi32, #tpu.memory_space<hbm>> -> memref<32xi32, #tpu.memory_space<hbm>>
      tpu.enqueue_dma source(%dma_start3A_759 : memref<32xi32, #tpu.memory_space<hbm>>) target(%arg12 : memref<32xi32, #tpu.memory_space<vmem>>) target_semaphore(%run_scoped3A : memref<!tpu.dma_semaphore, #tpu.memory_space<semaphore_mem>>)
      %dma_wait3A_760 = tpu.memref_slice %arg2[%mul3A_2] : memref<1024xi32, #tpu.memory_space<hbm>> -> memref<32xi32, #tpu.memory_space<hbm>>
      %dma_wait3A_761 = tpu.memref_slice %arg2[%mul3A_2] : memref<1024xi32, #tpu.memory_space<hbm>> -> memref<32xi32, #tpu.memory_space<hbm>>
      tpu.wait_dma2 semaphore(%run_scoped3A : memref<!tpu.dma_semaphore, #tpu.memory_space<semaphore_mem>>) src(%dma_wait3A_761 : memref<32xi32, #tpu.memory_space<hbm>>) dst(%arg12 : memref<32xi32, #tpu.memory_space<vmem>>)
      tpu.yield
    }) : () -> ()
    %dma_start3A = arith.constant 0 : i32
    %dma_start3A_5 = arith.constant 0 : i32
    %dma_start3A_6 = tpu.memref_slice %arg5[%dma_start3A, %dma_start3A_5] : memref<10000x128xf32, #tpu.memory_space<hbm>> -> memref<10000x128xf32, #tpu.memory_space<hbm>>
    tpu.enqueue_indirect_dma source(%dma_start3A_6 : memref<10000x128xf32, #tpu.memory_space<hbm>>) target(%arg30 : memref<32x128xf32, #tpu.memory_space<vmem>>) offsets(%arg12 : memref<32xi32, #tpu.memory_space<vmem>>) semaphore(%arg32 : memref<!tpu.dma_semaphore, #tpu.memory_space<semaphore_mem>>)
    %dma_start3A_7 = arith.constant 0 : i32
    %dma_start3A_8 = arith.constant 0 : i32
    %dma_start3A_9 = tpu.memref_slice %arg6[%dma_start3A_7, %dma_start3A_8] : memref<100000x128xf32, #tpu.memory_space<hbm>> -> memref<100000x128xf32, #tpu.memory_space<hbm>>
    tpu.enqueue_indirect_dma source(%dma_start3A_9 : memref<100000x128xf32, #tpu.memory_space<hbm>>) target(%arg31 : memref<32x128xf32, #tpu.memory_space<vmem>>) offsets(%arg11 : memref<32xi32, #tpu.memory_space<vmem>>) semaphore(%arg33 : memref<!tpu.dma_semaphore, #tpu.memory_space<semaphore_mem>>)
    %broadcast_in_dim3A = arith.constant 0.000000e+00 : f32
    %broadcast_in_dim3A_10 = vector.broadcast %broadcast_in_dim3A : f32 to vector<16xf32>
    %scan3A = arith.constant 0 : i32
    %scan3A_11 = arith.constant 64 : i32
    %scan3A_12 = arith.addi %scan3A, %scan3A_11 : i32
    %scan3A_13 = arith.constant 1 : i32
    scf.for %scan3A_758 = %scan3A to %scan3A_12 step %scan3A_13  : i32 {
      %mul3A_759 = arith.constant 1 : i32
      %mul3A_760 = arith.muli %scan3A_758, %mul3A_759 : i32
      %add3A_761 = arith.constant 0 : i32
      %add3A_762 = arith.addi %add3A_761, %mul3A_760 : i32
      %swap3A_763 = arith.index_cast %add3A_762 : i32 to index
      %swap3A_764 = arith.constant 0 : index
      %swap3A_765 = tpu.vector_load %arg29[%swap3A_763, %swap3A_764] {strides = array<i32>} : memref<64x128xf32, #tpu.memory_space<vmem>>, vector<1x16xf32>,
      %swap3A_766 = vector.shape_cast %swap3A_765 : vector<1x16xf32> to vector<16xf32>
      %swap3A_767 = vector.shape_cast %broadcast_in_dim3A_10 : vector<16xf32> to vector<1x16xf32>
      tpu.vector_store %arg29[%swap3A_763, %swap3A_764], %swap3A_767 {strides = array<i32>} : memref<64x128xf32, #tpu.memory_space<vmem>>, vector<1x16xf32>,
      %swap3A_768 = arith.index_cast %add3A_762 : i32 to index
      %swap3A_769 = arith.constant 16 : index
      %swap3A_770 = tpu.vector_load %arg29[%swap3A_768, %swap3A_769] {strides = array<i32>} : memref<64x128xf32, #tpu.memory_space<vmem>>, vector<1x16xf32>,
      %swap3A_771 = vector.shape_cast %swap3A_770 : vector<1x16xf32> to vector<16xf32>
      %swap3A_772 = vector.shape_cast %broadcast_in_dim3A_10 : vector<16xf32> to vector<1x16xf32>
      tpu.vector_store %arg29[%swap3A_768, %swap3A_769], %swap3A_772 {strides = array<i32>} : memref<64x128xf32, #tpu.memory_space<vmem>>, vector<1x16xf32>,
      %swap3A_773 = arith.index_cast %add3A_762 : i32 to index
      %swap3A_774 = arith.constant 32 : index
      %swap3A_775 = tpu.vector_load %arg29[%swap3A_773, %swap3A_774] {strides = array<i32>} : memref<64x128xf32, #tpu.memory_space<vmem>>, vector<1x16xf32>,
      %swap3A_776 = vector.shape_cast %swap3A_775 : vector<1x16xf32> to vector<16xf32>
      %swap3A_777 = vector.shape_cast %broadcast_in_dim3A_10 : vector<16xf32> to vector<1x16xf32>
      tpu.vector_store %arg29[%swap3A_773, %swap3A_774], %swap3A_777 {strides = array<i32>} : memref<64x128xf32, #tpu.memory_space<vmem>>, vector<1x16xf32>,
      %swap3A_778 = arith.index_cast %add3A_762 : i32 to index
      %swap3A_779 = arith.constant 48 : index
      %swap3A_780 = tpu.vector_load %arg29[%swap3A_778, %swap3A_779] {strides = array<i32>} : memref<64x128xf32, #tpu.memory_space<vmem>>, vector<1x16xf32>,
      %swap3A_781 = vector.shape_cast %swap3A_780 : vector<1x16xf32> to vector<16xf32>
      %swap3A_782 = vector.shape_cast %broadcast_in_dim3A_10 : vector<16xf32> to vector<1x16xf32>
      tpu.vector_store %arg29[%swap3A_778, %swap3A_779], %swap3A_782 {strides = array<i32>} : memref<64x128xf32, #tpu.memory_space<vmem>>, vector<1x16xf32>,
      %swap3A_783 = arith.index_cast %add3A_762 : i32 to index
      %swap3A_784 = arith.constant 64 : index
      %swap3A_785 = tpu.vector_load %arg29[%swap3A_783, %swap3A_784] {strides = array<i32>} : memref<64x128xf32, #tpu.memory_space<vmem>>, vector<1x16xf32>,
      %swap3A_786 = vector.shape_cast %swap3A_785 : vector<1x16xf32> to vector<16xf32>
      %swap3A_787 = vector.shape_cast %broadcast_in_dim3A_10 : vector<16xf32> to vector<1x16xf32>
      tpu.vector_store %arg29[%swap3A_783, %swap3A_784], %swap3A_787 {strides = array<i32>} : memref<64x128xf32, #tpu.memory_space<vmem>>, vector<1x16xf32>,
      %swap3A_788 = arith.index_cast %add3A_762 : i32 to index
      %swap3A_789 = arith.constant 80 : index
      %swap3A_790 = tpu.vector_load %arg29[%swap3A_788, %swap3A_789] {strides = array<i32>} : memref<64x128xf32, #tpu.memory_space<vmem>>, vector<1x16xf32>,
      %swap3A_791 = vector.shape_cast %swap3A_790 : vector<1x16xf32> to vector<16xf32>
      %swap3A_792 = vector.shape_cast %broadcast_in_dim3A_10 : vector<16xf32> to vector<1x16xf32>
      tpu.vector_store %arg29[%swap3A_788, %swap3A_789], %swap3A_792 {strides = array<i32>} : memref<64x128xf32, #tpu.memory_space<vmem>>, vector<1x16xf32>,
      %swap3A_793 = arith.index_cast %add3A_762 : i32 to index
      %swap3A_794 = arith.constant 96 : index
      %swap3A_795 = tpu.vector_load %arg29[%swap3A_793, %swap3A_794] {strides = array<i32>} : memref<64x128xf32, #tpu.memory_space<vmem>>, vector<1x16xf32>,
      %swap3A_796 = vector.shape_cast %swap3A_795 : vector<1x16xf32> to vector<16xf32>
      %swap3A_797 = vector.shape_cast %broadcast_in_dim3A_10 : vector<16xf32> to vector<1x16xf32>
      tpu.vector_store %arg29[%swap3A_793, %swap3A_794], %swap3A_797 {strides = array<i32>} : memref<64x128xf32, #tpu.memory_space<vmem>>, vector<1x16xf32>,
      %swap3A_798 = arith.index_cast %add3A_762 : i32 to index
      %swap3A_799 = arith.constant 112 : index
      %swap3A_800 = tpu.vector_load %arg29[%swap3A_798, %swap3A_799] {strides = array<i32>} : memref<64x128xf32, #tpu.memory_space<vmem>>, vector<1x16xf32>,
      %swap3A_801 = vector.shape_cast %swap3A_800 : vector<1x16xf32> to vector<16xf32>
      %swap3A_802 = vector.shape_cast %broadcast_in_dim3A_10 : vector<16xf32> to vector<1x16xf32>
      tpu.vector_store %arg29[%swap3A_798, %swap3A_799], %swap3A_802 {strides = array<i32>} : memref<64x128xf32, #tpu.memory_space<vmem>>, vector<1x16xf32>,
    }
    %scan3A_14 = arith.constant 64 : i32
    %mul3A_15 = arith.constant 256 : i32
    %mul3A_16 = arith.muli %arg1, %mul3A_15 : i32
    %add3A_17 = arith.constant 0 : i32
    %add3A_18 = arith.addi %mul3A_16, %add3A_17 : i32
    %dma_start3A_19 = arith.constant 0 : i32
    %dma_start3A_20 = tpu.memref_slice %arg28[%add3A_18, %dma_start3A_19] : memref<4096x128xf32, #tpu.memory_space<vmem_shared>> -> memref<64x128xf32, #tpu.memory_space<vmem_shared>>
    %dma_start3A_21 = arith.constant 0 : i32
    %dma_start3A_22 = tpu.memref_slice %arg28[%add3A_18, %dma_start3A_21] : memref<4096x128xf32, #tpu.memory_space<vmem_shared>> -> memref<64x128xf32, #tpu.memory_space<vmem_shared>>
    tpu.enqueue_dma source(%arg29 : memref<64x128xf32, #tpu.memory_space<vmem>>) target(%dma_start3A_22 : memref<64x128xf32, #tpu.memory_space<vmem_shared>>) target_semaphore(%arg35 : memref<!tpu.dma_semaphore, #tpu.memory_space<semaphore_mem>>)
    %mul3A_23 = arith.constant 256 : i32
    %mul3A_24 = arith.muli %arg1, %mul3A_23 : i32
    %add3A_25 = arith.constant 64 : i32
    %add3A_26 = arith.addi %mul3A_24, %add3A_25 : i32
    %dma_start3A_27 = arith.constant 0 : i32
    %dma_start3A_28 = tpu.memref_slice %arg28[%add3A_26, %dma_start3A_27] : memref<4096x128xf32, #tpu.memory_space<vmem_shared>> -> memref<64x128xf32, #tpu.memory_space<vmem_shared>>
    %dma_start3A_29 = arith.constant 0 : i32
    %dma_start3A_30 = tpu.memref_slice %arg28[%add3A_26, %dma_start3A_29] : memref<4096x128xf32, #tpu.memory_space<vmem_shared>> -> memref<64x128xf32, #tpu.memory_space<vmem_shared>>
    tpu.enqueue_dma source(%arg29 : memref<64x128xf32, #tpu.memory_space<vmem>>) target(%dma_start3A_30 : memref<64x128xf32, #tpu.memory_space<vmem_shared>>) target_semaphore(%arg35 : memref<!tpu.dma_semaphore, #tpu.memory_space<semaphore_mem>>)
    %mul3A_31 = arith.constant 256 : i32
    %mul3A_32 = arith.muli %arg1, %mul3A_31 : i32
    %add3A_33 = arith.constant 128 : i32
    %add3A_34 = arith.addi %mul3A_32, %add3A_33 : i32
    %dma_start3A_35 = arith.constant 0 : i32
    %dma_start3A_36 = tpu.memref_slice %arg28[%add3A_34, %dma_start3A_35] : memref<4096x128xf32, #tpu.memory_space<vmem_shared>> -> memref<64x128xf32, #tpu.memory_space<vmem_shared>>
    %dma_start3A_37 = arith.constant 0 : i32
    %dma_start3A_38 = tpu.memref_slice %arg28[%add3A_34, %dma_start3A_37] : memref<4096x128xf32, #tpu.memory_space<vmem_shared>> -> memref<64x128xf32, #tpu.memory_space<vmem_shared>>
    tpu.enqueue_dma source(%arg29 : memref<64x128xf32, #tpu.memory_space<vmem>>) target(%dma_start3A_38 : memref<64x128xf32, #tpu.memory_space<vmem_shared>>) target_semaphore(%arg35 : memref<!tpu.dma_semaphore, #tpu.memory_space<semaphore_mem>>)
    %mul3A_39 = arith.constant 256 : i32
    %mul3A_40 = arith.muli %arg1, %mul3A_39 : i32
    %add3A_41 = arith.constant 192 : i32
    %add3A_42 = arith.addi %mul3A_40, %add3A_41 : i32
    %dma_start3A_43 = arith.constant 0 : i32
    %dma_start3A_44 = tpu.memref_slice %arg28[%add3A_42, %dma_start3A_43] : memref<4096x128xf32, #tpu.memory_space<vmem_shared>> -> memref<64x128xf32, #tpu.memory_space<vmem_shared>>
    %dma_start3A_45 = arith.constant 0 : i32
    %dma_start3A_46 = tpu.memref_slice %arg28[%add3A_42, %dma_start3A_45] : memref<4096x128xf32, #tpu.memory_space<vmem_shared>> -> memref<64x128xf32, #tpu.memory_space<vmem_shared>>
    tpu.enqueue_dma source(%arg29 : memref<64x128xf32, #tpu.memory_space<vmem>>) target(%dma_start3A_46 : memref<64x128xf32, #tpu.memory_space<vmem_shared>>) target_semaphore(%arg35 : memref<!tpu.dma_semaphore, #tpu.memory_space<semaphore_mem>>)
    %get3A = arith.constant 0 : index
    %get3A_47 = tpu.vector_load %arg11[%get3A] {strides = array<i32>} : memref<32xi32, #tpu.memory_space<vmem>>, vector<16xi32>,
    %get3A_48 = vector.shape_cast %get3A_47 : vector<16xi32> to vector<16xi32>
    %shift_right_arithmetic3A = arith.constant 3 : i32
    %shift_right_arithmetic3A_49 = vector.broadcast %shift_right_arithmetic3A : i32 to vector<16xi32>
    %shift_right_arithmetic3A_50 = arith.shrsi %get3A_48, %shift_right_arithmetic3A_49 : vector<16xi32>
    %swap3A = arith.constant 0 : index
    %swap3A_51 = tpu.vector_load %arg13[%swap3A] {strides = array<i32>} : memref<32xi32, #tpu.memory_space<vmem>>, vector<16xi32>,
    %swap3A_52 = vector.shape_cast %swap3A_51 : vector<16xi32> to vector<16xi32>
    %swap3A_53 = vector.shape_cast %shift_right_arithmetic3A_50 : vector<16xi32> to vector<16xi32>
    tpu.vector_store %arg13[%swap3A], %swap3A_53 {strides = array<i32>} : memref<32xi32, #tpu.memory_space<vmem>>, vector<16xi32>,
    %swap3A_54 = arith.constant 0 : index
    %swap3A_55 = tpu.vector_load %arg14[%swap3A_54] {strides = array<i32>} : memref<48xi32, #tpu.memory_space<vmem>>, vector<16xi32>,
    %swap3A_56 = vector.shape_cast %swap3A_55 : vector<16xi32> to vector<16xi32>
    %swap3A_57 = vector.shape_cast %get3A_48 : vector<16xi32> to vector<16xi32>
    tpu.vector_store %arg14[%swap3A_54], %swap3A_57 {strides = array<i32>} : memref<48xi32, #tpu.memory_space<vmem>>, vector<16xi32>,
    %get3A_58 = arith.constant 16 : index
    %get3A_59 = tpu.vector_load %arg11[%get3A_58] {strides = array<i32>} : memref<32xi32, #tpu.memory_space<vmem>>, vector<16xi32>,
    %get3A_60 = vector.shape_cast %get3A_59 : vector<16xi32> to vector<16xi32>
    %shift_right_arithmetic3A_61 = arith.constant 3 : i32
    %shift_right_arithmetic3A_62 = vector.broadcast %shift_right_arithmetic3A_61 : i32 to vector<16xi32>
    %shift_right_arithmetic3A_63 = arith.shrsi %get3A_60, %shift_right_arithmetic3A_62 : vector<16xi32>
    %swap3A_64 = arith.constant 16 : index
    %swap3A_65 = tpu.vector_load %arg13[%swap3A_64] {strides = array<i32>} : memref<32xi32, #tpu.memory_space<vmem>>, vector<16xi32>,
    %swap3A_66 = vector.shape_cast %swap3A_65 : vector<16xi32> to vector<16xi32>
    %swap3A_67 = vector.shape_cast %shift_right_arithmetic3A_63 : vector<16xi32> to vector<16xi32>
    tpu.vector_store %arg13[%swap3A_64], %swap3A_67 {strides = array<i32>} : memref<32xi32, #tpu.memory_space<vmem>>, vector<16xi32>,
    %swap3A_68 = arith.constant 16 : index
    %swap3A_69 = tpu.vector_load %arg14[%swap3A_68] {strides = array<i32>} : memref<48xi32, #tpu.memory_space<vmem>>, vector<16xi32>,
    %swap3A_70 = vector.shape_cast %swap3A_69 : vector<16xi32> to vector<16xi32>
    %swap3A_71 = vector.shape_cast %get3A_60 : vector<16xi32> to vector<16xi32>
    tpu.vector_store %arg14[%swap3A_68], %swap3A_71 {strides = array<i32>} : memref<48xi32, #tpu.memory_space<vmem>>, vector<16xi32>,
    %dma_start3A_72 = arith.constant 0 : i32
    %dma_start3A_73 = arith.constant 0 : i32
    %dma_start3A_74 = tpu.memref_slice %arg4[%dma_start3A_72, %dma_start3A_73] : memref<12500x128xi32, #tpu.memory_space<hbm>> -> memref<12500x128xi32, #tpu.memory_space<hbm>>
    tpu.enqueue_indirect_dma source(%dma_start3A_74 : memref<12500x128xi32, #tpu.memory_space<hbm>>) target(%arg15 : memref<32x128xi32, #tpu.memory_space<vmem>>) offsets(%arg13 : memref<32xi32, #tpu.memory_space<vmem>>) semaphore(%arg34 : memref<!tpu.dma_semaphore, #tpu.memory_space<semaphore_mem>>)
    %dma_wait3A = arith.constant 0 : i32
    %dma_wait3A_75 = arith.constant 0 : i32
    %dma_wait3A_76 = tpu.memref_slice %arg4[%dma_wait3A, %dma_wait3A_75] : memref<12500x128xi32, #tpu.memory_space<hbm>> -> memref<12500x128xi32, #tpu.memory_space<hbm>>
    tpu.wait_indirect_dma semaphore(%arg34 : memref<!tpu.dma_semaphore, #tpu.memory_space<semaphore_mem>>) src(%dma_wait3A_76 : memref<12500x128xi32, #tpu.memory_space<hbm>>) dst(%arg15 : memref<32x128xi32, #tpu.memory_space<vmem>>)
    %scan3A_77 = arith.constant 0 : i32
    %scan3A_78 = arith.constant 32 : i32
    %scan3A_79 = arith.addi %scan3A_77, %scan3A_78 : i32
    %scan3A_80 = arith.constant 8 : i32
    scf.for %scan3A_758 = %scan3A_77 to %scan3A_79 step %scan3A_80  : i32 {
      %mul3A_759 = arith.constant 1 : i32
      %mul3A_760 = arith.muli %scan3A_758, %mul3A_759 : i32
      %add3A_761 = arith.constant 0 : i32
      %add3A_762 = arith.addi %add3A_761, %mul3A_760 : i32
      %get3A_763 = arith.index_cast %add3A_762 : i32 to index
      %get3A_764 = tpu.vector_load %arg14[%get3A_763] {strides = array<i32>} : memref<48xi32, #tpu.memory_space<vmem>>, vector<16xi32>,
      %get3A_765 = vector.shape_cast %get3A_764 : vector<16xi32> to vector<16xi32>
      %slice3A = vector.extract_strided_slice %get3A_765 {offsets = [0], sizes = [1], strides = [1]} : vector<16xi32> to vector<1xi32>
      %squeeze3A = vector.extract %slice3A[0] : i32 from vector<1xi32>
      %and3A = arith.constant 7 : i32
      %and3A_766 = arith.andi %squeeze3A, %and3A : i32
      %mul3A_767 = arith.constant 16 : i32
      %mul3A_768 = arith.muli %and3A_766, %mul3A_767 : i32
      %get3A_769 = arith.index_cast %add3A_762 : i32 to index
      %get3A_770 = arith.index_cast %mul3A_768 : i32 to index
      %get3A_771 = tpu.vector_load %arg15[%get3A_769, %get3A_770] {strides = array<i32>} : memref<32x128xi32, #tpu.memory_space<vmem>>, vector<1x16xi32>,
      %get3A_772 = vector.shape_cast %get3A_771 : vector<1x16xi32> to vector<16xi32>
      %mul3A_773 = arith.constant 16 : i32
      %mul3A_774 = arith.muli %add3A_762, %mul3A_773 : i32
      %swap3A_775 = arith.index_cast %mul3A_774 : i32 to index
      %swap3A_776 = tpu.vector_load %arg16[%swap3A_775] {strides = array<i32>} : memref<528xi32, #tpu.memory_space<vmem>>, vector<16xi32>,
      %swap3A_777 = vector.shape_cast %swap3A_776 : vector<16xi32> to vector<16xi32>
      %swap3A_778 = vector.shape_cast %get3A_772 : vector<16xi32> to vector<16xi32>
      tpu.vector_store %arg16[%swap3A_775], %swap3A_778 {strides = array<i32>} : memref<528xi32, #tpu.memory_space<vmem>>, vector<16xi32>,
      %scan3A_779 = arith.constant 1 : i32
      %scan3A_780 = arith.addi %scan3A_758, %scan3A_779 : i32
      %mul3A_781 = arith.constant 1 : i32
      %mul3A_782 = arith.muli %scan3A_780, %mul3A_781 : i32
      %add3A_783 = arith.constant 0 : i32
      %add3A_784 = arith.addi %add3A_783, %mul3A_782 : i32
      %get3A_785 = arith.index_cast %add3A_784 : i32 to index
      %get3A_786 = tpu.vector_load %arg14[%get3A_785] {strides = array<i32>} : memref<48xi32, #tpu.memory_space<vmem>>, vector<16xi32>,
      %get3A_787 = vector.shape_cast %get3A_786 : vector<16xi32> to vector<16xi32>
      %slice3A_788 = vector.extract_strided_slice %get3A_787 {offsets = [0], sizes = [1], strides = [1]} : vector<16xi32> to vector<1xi32>
      %squeeze3A_789 = vector.extract %slice3A_788[0] : i32 from vector<1xi32>
      %and3A_790 = arith.constant 7 : i32
      %and3A_791 = arith.andi %squeeze3A_789, %and3A_790 : i32
      %mul3A_792 = arith.constant 16 : i32
      %mul3A_793 = arith.muli %and3A_791, %mul3A_792 : i32
      %get3A_794 = arith.index_cast %add3A_784 : i32 to index
      %get3A_795 = arith.index_cast %mul3A_793 : i32 to index
      %get3A_796 = tpu.vector_load %arg15[%get3A_794, %get3A_795] {strides = array<i32>} : memref<32x128xi32, #tpu.memory_space<vmem>>, vector<1x16xi32>,
      %get3A_797 = vector.shape_cast %get3A_796 : vector<1x16xi32> to vector<16xi32>
      %mul3A_798 = arith.constant 16 : i32
      %mul3A_799 = arith.muli %add3A_784, %mul3A_798 : i32
      %swap3A_800 = arith.index_cast %mul3A_799 : i32 to index
      %swap3A_801 = tpu.vector_load %arg16[%swap3A_800] {strides = array<i32>} : memref<528xi32, #tpu.memory_space<vmem>>, vector<16xi32>,
      %swap3A_802 = vector.shape_cast %swap3A_801 : vector<16xi32> to vector<16xi32>
      %swap3A_803 = vector.shape_cast %get3A_797 : vector<16xi32> to vector<16xi32>
      tpu.vector_store %arg16[%swap3A_800], %swap3A_803 {strides = array<i32>} : memref<528xi32, #tpu.memory_space<vmem>>, vector<16xi32>,
      %scan3A_804 = arith.constant 2 : i32
      %scan3A_805 = arith.addi %scan3A_758, %scan3A_804 : i32
      %mul3A_806 = arith.constant 1 : i32
      %mul3A_807 = arith.muli %scan3A_805, %mul3A_806 : i32
      %add3A_808 = arith.constant 0 : i32
      %add3A_809 = arith.addi %add3A_808, %mul3A_807 : i32
      %get3A_810 = arith.index_cast %add3A_809 : i32 to index
      %get3A_811 = tpu.vector_load %arg14[%get3A_810] {strides = array<i32>} : memref<48xi32, #tpu.memory_space<vmem>>, vector<16xi32>,
      %get3A_812 = vector.shape_cast %get3A_811 : vector<16xi32> to vector<16xi32>
      %slice3A_813 = vector.extract_strided_slice %get3A_812 {offsets = [0], sizes = [1], strides = [1]} : vector<16xi32> to vector<1xi32>
      %squeeze3A_814 = vector.extract %slice3A_813[0] : i32 from vector<1xi32>
      %and3A_815 = arith.constant 7 : i32
      %and3A_816 = arith.andi %squeeze3A_814, %and3A_815 : i32
      %mul3A_817 = arith.constant 16 : i32
      %mul3A_818 = arith.muli %and3A_816, %mul3A_817 : i32
      %get3A_819 = arith.index_cast %add3A_809 : i32 to index
      %get3A_820 = arith.index_cast %mul3A_818 : i32 to index
      %get3A_821 = tpu.vector_load %arg15[%get3A_819, %get3A_820] {strides = array<i32>} : memref<32x128xi32, #tpu.memory_space<vmem>>, vector<1x16xi32>,
      %get3A_822 = vector.shape_cast %get3A_821 : vector<1x16xi32> to vector<16xi32>
      %mul3A_823 = arith.constant 16 : i32
      %mul3A_824 = arith.muli %add3A_809, %mul3A_823 : i32
      %swap3A_825 = arith.index_cast %mul3A_824 : i32 to index
      %swap3A_826 = tpu.vector_load %arg16[%swap3A_825] {strides = array<i32>} : memref<528xi32, #tpu.memory_space<vmem>>, vector<16xi32>,
      %swap3A_827 = vector.shape_cast %swap3A_826 : vector<16xi32> to vector<16xi32>
      %swap3A_828 = vector.shape_cast %get3A_822 : vector<16xi32> to vector<16xi32>
      tpu.vector_store %arg16[%swap3A_825], %swap3A_828 {strides = array<i32>} : memref<528xi32, #tpu.memory_space<vmem>>, vector<16xi32>,
      %scan3A_829 = arith.constant 3 : i32
      %scan3A_830 = arith.addi %scan3A_758, %scan3A_829 : i32
      %mul3A_831 = arith.constant 1 : i32
      %mul3A_832 = arith.muli %scan3A_830, %mul3A_831 : i32
      %add3A_833 = arith.constant 0 : i32
      %add3A_834 = arith.addi %add3A_833, %mul3A_832 : i32
      %get3A_835 = arith.index_cast %add3A_834 : i32 to index
      %get3A_836 = tpu.vector_load %arg14[%get3A_835] {strides = array<i32>} : memref<48xi32, #tpu.memory_space<vmem>>, vector<16xi32>,
      %get3A_837 = vector.shape_cast %get3A_836 : vector<16xi32> to vector<16xi32>
      %slice3A_838 = vector.extract_strided_slice %get3A_837 {offsets = [0], sizes = [1], strides = [1]} : vector<16xi32> to vector<1xi32>
      %squeeze3A_839 = vector.extract %slice3A_838[0] : i32 from vector<1xi32>
      %and3A_840 = arith.constant 7 : i32
      %and3A_841 = arith.andi %squeeze3A_839, %and3A_840 : i32
      %mul3A_842 = arith.constant 16 : i32
      %mul3A_843 = arith.muli %and3A_841, %mul3A_842 : i32
      %get3A_844 = arith.index_cast %add3A_834 : i32 to index
      %get3A_845 = arith.index_cast %mul3A_843 : i32 to index
      %get3A_846 = tpu.vector_load %arg15[%get3A_844, %get3A_845] {strides = array<i32>} : memref<32x128xi32, #tpu.memory_space<vmem>>, vector<1x16xi32>,
      %get3A_847 = vector.shape_cast %get3A_846 : vector<1x16xi32> to vector<16xi32>
      %mul3A_848 = arith.constant 16 : i32
      %mul3A_849 = arith.muli %add3A_834, %mul3A_848 : i32
      %swap3A_850 = arith.index_cast %mul3A_849 : i32 to index
      %swap3A_851 = tpu.vector_load %arg16[%swap3A_850] {strides = array<i32>} : memref<528xi32, #tpu.memory_space<vmem>>, vector<16xi32>,
      %swap3A_852 = vector.shape_cast %swap3A_851 : vector<16xi32> to vector<16xi32>
      %swap3A_853 = vector.shape_cast %get3A_847 : vector<16xi32> to vector<16xi32>
      tpu.vector_store %arg16[%swap3A_850], %swap3A_853 {strides = array<i32>} : memref<528xi32, #tpu.memory_space<vmem>>, vector<16xi32>,
      %scan3A_854 = arith.constant 4 : i32
      %scan3A_855 = arith.addi %scan3A_758, %scan3A_854 : i32
      %mul3A_856 = arith.constant 1 : i32
      %mul3A_857 = arith.muli %scan3A_855, %mul3A_856 : i32
      %add3A_858 = arith.constant 0 : i32
      %add3A_859 = arith.addi %add3A_858, %mul3A_857 : i32
      %get3A_860 = arith.index_cast %add3A_859 : i32 to index
      %get3A_861 = tpu.vector_load %arg14[%get3A_860] {strides = array<i32>} : memref<48xi32, #tpu.memory_space<vmem>>, vector<16xi32>,
      %get3A_862 = vector.shape_cast %get3A_861 : vector<16xi32> to vector<16xi32>
      %slice3A_863 = vector.extract_strided_slice %get3A_862 {offsets = [0], sizes = [1], strides = [1]} : vector<16xi32> to vector<1xi32>
      %squeeze3A_864 = vector.extract %slice3A_863[0] : i32 from vector<1xi32>
      %and3A_865 = arith.constant 7 : i32
      %and3A_866 = arith.andi %squeeze3A_864, %and3A_865 : i32
      %mul3A_867 = arith.constant 16 : i32
      %mul3A_868 = arith.muli %and3A_866, %mul3A_867 : i32
      %get3A_869 = arith.index_cast %add3A_859 : i32 to index
      %get3A_870 = arith.index_cast %mul3A_868 : i32 to index
      %get3A_871 = tpu.vector_load %arg15[%get3A_869, %get3A_870] {strides = array<i32>} : memref<32x128xi32, #tpu.memory_space<vmem>>, vector<1x16xi32>,
      %get3A_872 = vector.shape_cast %get3A_871 : vector<1x16xi32> to vector<16xi32>
      %mul3A_873 = arith.constant 16 : i32
      %mul3A_874 = arith.muli %add3A_859, %mul3A_873 : i32
      %swap3A_875 = arith.index_cast %mul3A_874 : i32 to index
      %swap3A_876 = tpu.vector_load %arg16[%swap3A_875] {strides = array<i32>} : memref<528xi32, #tpu.memory_space<vmem>>, vector<16xi32>,
      %swap3A_877 = vector.shape_cast %swap3A_876 : vector<16xi32> to vector<16xi32>
      %swap3A_878 = vector.shape_cast %get3A_872 : vector<16xi32> to vector<16xi32>
      tpu.vector_store %arg16[%swap3A_875], %swap3A_878 {strides = array<i32>} : memref<528xi32, #tpu.memory_space<vmem>>, vector<16xi32>,
      %scan3A_879 = arith.constant 5 : i32
      %scan3A_880 = arith.addi %scan3A_758, %scan3A_879 : i32
      %mul3A_881 = arith.constant 1 : i32
      %mul3A_882 = arith.muli %scan3A_880, %mul3A_881 : i32
      %add3A_883 = arith.constant 0 : i32
      %add3A_884 = arith.addi %add3A_883, %mul3A_882 : i32
      %get3A_885 = arith.index_cast %add3A_884 : i32 to index
      %get3A_886 = tpu.vector_load %arg14[%get3A_885] {strides = array<i32>} : memref<48xi32, #tpu.memory_space<vmem>>, vector<16xi32>,
      %get3A_887 = vector.shape_cast %get3A_886 : vector<16xi32> to vector<16xi32>
      %slice3A_888 = vector.extract_strided_slice %get3A_887 {offsets = [0], sizes = [1], strides = [1]} : vector<16xi32> to vector<1xi32>
      %squeeze3A_889 = vector.extract %slice3A_888[0] : i32 from vector<1xi32>
      %and3A_890 = arith.constant 7 : i32
      %and3A_891 = arith.andi %squeeze3A_889, %and3A_890 : i32
      %mul3A_892 = arith.constant 16 : i32
      %mul3A_893 = arith.muli %and3A_891, %mul3A_892 : i32
      %get3A_894 = arith.index_cast %add3A_884 : i32 to index
      %get3A_895 = arith.index_cast %mul3A_893 : i32 to index
      %get3A_896 = tpu.vector_load %arg15[%get3A_894, %get3A_895] {strides = array<i32>} : memref<32x128xi32, #tpu.memory_space<vmem>>, vector<1x16xi32>,
      %get3A_897 = vector.shape_cast %get3A_896 : vector<1x16xi32> to vector<16xi32>
      %mul3A_898 = arith.constant 16 : i32
      %mul3A_899 = arith.muli %add3A_884, %mul3A_898 : i32
      %swap3A_900 = arith.index_cast %mul3A_899 : i32 to index
      %swap3A_901 = tpu.vector_load %arg16[%swap3A_900] {strides = array<i32>} : memref<528xi32, #tpu.memory_space<vmem>>, vector<16xi32>,
      %swap3A_902 = vector.shape_cast %swap3A_901 : vector<16xi32> to vector<16xi32>
      %swap3A_903 = vector.shape_cast %get3A_897 : vector<16xi32> to vector<16xi32>
      tpu.vector_store %arg16[%swap3A_900], %swap3A_903 {strides = array<i32>} : memref<528xi32, #tpu.memory_space<vmem>>, vector<16xi32>,
      %scan3A_904 = arith.constant 6 : i32
      %scan3A_905 = arith.addi %scan3A_758, %scan3A_904 : i32
      %mul3A_906 = arith.constant 1 : i32
      %mul3A_907 = arith.muli %scan3A_905, %mul3A_906 : i32
      %add3A_908 = arith.constant 0 : i32
      %add3A_909 = arith.addi %add3A_908, %mul3A_907 : i32
      %get3A_910 = arith.index_cast %add3A_909 : i32 to index
      %get3A_911 = tpu.vector_load %arg14[%get3A_910] {strides = array<i32>} : memref<48xi32, #tpu.memory_space<vmem>>, vector<16xi32>,
      %get3A_912 = vector.shape_cast %get3A_911 : vector<16xi32> to vector<16xi32>
      %slice3A_913 = vector.extract_strided_slice %get3A_912 {offsets = [0], sizes = [1], strides = [1]} : vector<16xi32> to vector<1xi32>
      %squeeze3A_914 = vector.extract %slice3A_913[0] : i32 from vector<1xi32>
      %and3A_915 = arith.constant 7 : i32
      %and3A_916 = arith.andi %squeeze3A_914, %and3A_915 : i32
      %mul3A_917 = arith.constant 16 : i32
      %mul3A_918 = arith.muli %and3A_916, %mul3A_917 : i32
      %get3A_919 = arith.index_cast %add3A_909 : i32 to index
      %get3A_920 = arith.index_cast %mul3A_918 : i32 to index
      %get3A_921 = tpu.vector_load %arg15[%get3A_919, %get3A_920] {strides = array<i32>} : memref<32x128xi32, #tpu.memory_space<vmem>>, vector<1x16xi32>,
      %get3A_922 = vector.shape_cast %get3A_921 : vector<1x16xi32> to vector<16xi32>
      %mul3A_923 = arith.constant 16 : i32
      %mul3A_924 = arith.muli %add3A_909, %mul3A_923 : i32
      %swap3A_925 = arith.index_cast %mul3A_924 : i32 to index
      %swap3A_926 = tpu.vector_load %arg16[%swap3A_925] {strides = array<i32>} : memref<528xi32, #tpu.memory_space<vmem>>, vector<16xi32>,
      %swap3A_927 = vector.shape_cast %swap3A_926 : vector<16xi32> to vector<16xi32>
      %swap3A_928 = vector.shape_cast %get3A_922 : vector<16xi32> to vector<16xi32>
      tpu.vector_store %arg16[%swap3A_925], %swap3A_928 {strides = array<i32>} : memref<528xi32, #tpu.memory_space<vmem>>, vector<16xi32>,
      %scan3A_929 = arith.constant 7 : i32
      %scan3A_930 = arith.addi %scan3A_758, %scan3A_929 : i32
      %mul3A_931 = arith.constant 1 : i32
      %mul3A_932 = arith.muli %scan3A_930, %mul3A_931 : i32
      %add3A_933 = arith.constant 0 : i32
      %add3A_934 = arith.addi %add3A_933, %mul3A_932 : i32
      %get3A_935 = arith.index_cast %add3A_934 : i32 to index
      %get3A_936 = tpu.vector_load %arg14[%get3A_935] {strides = array<i32>} : memref<48xi32, #tpu.memory_space<vmem>>, vector<16xi32>,
      %get3A_937 = vector.shape_cast %get3A_936 : vector<16xi32> to vector<16xi32>
      %slice3A_938 = vector.extract_strided_slice %get3A_937 {offsets = [0], sizes = [1], strides = [1]} : vector<16xi32> to vector<1xi32>
      %squeeze3A_939 = vector.extract %slice3A_938[0] : i32 from vector<1xi32>
      %and3A_940 = arith.constant 7 : i32
      %and3A_941 = arith.andi %squeeze3A_939, %and3A_940 : i32
      %mul3A_942 = arith.constant 16 : i32
      %mul3A_943 = arith.muli %and3A_941, %mul3A_942 : i32
      %get3A_944 = arith.index_cast %add3A_934 : i32 to index
      %get3A_945 = arith.index_cast %mul3A_943 : i32 to index
      %get3A_946 = tpu.vector_load %arg15[%get3A_944, %get3A_945] {strides = array<i32>} : memref<32x128xi32, #tpu.memory_space<vmem>>, vector<1x16xi32>,
      %get3A_947 = vector.shape_cast %get3A_946 : vector<1x16xi32> to vector<16xi32>
      %mul3A_948 = arith.constant 16 : i32
      %mul3A_949 = arith.muli %add3A_934, %mul3A_948 : i32
      %swap3A_950 = arith.index_cast %mul3A_949 : i32 to index
      %swap3A_951 = tpu.vector_load %arg16[%swap3A_950] {strides = array<i32>} : memref<528xi32, #tpu.memory_space<vmem>>, vector<16xi32>,
      %swap3A_952 = vector.shape_cast %swap3A_951 : vector<16xi32> to vector<16xi32>
      %swap3A_953 = vector.shape_cast %get3A_947 : vector<16xi32> to vector<16xi32>
      tpu.vector_store %arg16[%swap3A_950], %swap3A_953 {strides = array<i32>} : memref<528xi32, #tpu.memory_space<vmem>>, vector<16xi32>,
    }
    %scan3A_81 = arith.constant 32 : i32
    %get3A_82 = arith.constant 0 : index
    %get3A_83 = tpu.vector_load %arg16[%get3A_82] {strides = array<i32>} : memref<528xi32, #tpu.memory_space<vmem>>, vector<16xi32>,
    %get3A_84 = vector.shape_cast %get3A_83 : vector<16xi32> to vector<16xi32>
    %shift_right_arithmetic3A_85 = arith.constant 3 : i32
    %shift_right_arithmetic3A_86 = vector.broadcast %shift_right_arithmetic3A_85 : i32 to vector<16xi32>
    %shift_right_arithmetic3A_87 = arith.shrsi %get3A_84, %shift_right_arithmetic3A_86 : vector<16xi32>
    %swap3A_88 = arith.constant 0 : index
    %swap3A_89 = tpu.vector_load %arg17[%swap3A_88] {strides = array<i32>} : memref<512xi32, #tpu.memory_space<vmem>>, vector<16xi32>,
    %swap3A_90 = vector.shape_cast %swap3A_89 : vector<16xi32> to vector<16xi32>
    %swap3A_91 = vector.shape_cast %shift_right_arithmetic3A_87 : vector<16xi32> to vector<16xi32>
    tpu.vector_store %arg17[%swap3A_88], %swap3A_91 {strides = array<i32>} : memref<512xi32, #tpu.memory_space<vmem>>, vector<16xi32>,
    %get3A_92 = arith.constant 16 : index
    %get3A_93 = tpu.vector_load %arg16[%get3A_92] {strides = array<i32>} : memref<528xi32, #tpu.memory_space<vmem>>, vector<16xi32>,
    %get3A_94 = vector.shape_cast %get3A_93 : vector<16xi32> to vector<16xi32>
    %shift_right_arithmetic3A_95 = arith.constant 3 : i32
    %shift_right_arithmetic3A_96 = vector.broadcast %shift_right_arithmetic3A_95 : i32 to vector<16xi32>
    %shift_right_arithmetic3A_97 = arith.shrsi %get3A_94, %shift_right_arithmetic3A_96 : vector<16xi32>
    %swap3A_98 = arith.constant 16 : index
    %swap3A_99 = tpu.vector_load %arg17[%swap3A_98] {strides = array<i32>} : memref<512xi32, #tpu.memory_space<vmem>>, vector<16xi32>,
    %swap3A_100 = vector.shape_cast %swap3A_99 : vector<16xi32> to vector<16xi32>
    %swap3A_101 = vector.shape_cast %shift_right_arithmetic3A_97 : vector<16xi32> to vector<16xi32>
    tpu.vector_store %arg17[%swap3A_98], %swap3A_101 {strides = array<i32>} : memref<512xi32, #tpu.memory_space<vmem>>, vector<16xi32>,
    %get3A_102 = arith.constant 32 : index
    %get3A_103 = tpu.vector_load %arg16[%get3A_102] {strides = array<i32>} : memref<528xi32, #tpu.memory_space<vmem>>, vector<16xi32>,
    %get3A_104 = vector.shape_cast %get3A_103 : vector<16xi32> to vector<16xi32>
    %shift_right_arithmetic3A_105 = arith.constant 3 : i32
    %shift_right_arithmetic3A_106 = vector.broadcast %shift_right_arithmetic3A_105 : i32 to vector<16xi32>
    %shift_right_arithmetic3A_107 = arith.shrsi %get3A_104, %shift_right_arithmetic3A_106 : vector<16xi32>
    %swap3A_108 = arith.constant 32 : index
    %swap3A_109 = tpu.vector_load %arg17[%swap3A_108] {strides = array<i32>} : memref<512xi32, #tpu.memory_space<vmem>>, vector<16xi32>,
    %swap3A_110 = vector.shape_cast %swap3A_109 : vector<16xi32> to vector<16xi32>
    %swap3A_111 = vector.shape_cast %shift_right_arithmetic3A_107 : vector<16xi32> to vector<16xi32>
    tpu.vector_store %arg17[%swap3A_108], %swap3A_111 {strides = array<i32>} : memref<512xi32, #tpu.memory_space<vmem>>, vector<16xi32>,
    %get3A_112 = arith.constant 48 : index
    %get3A_113 = tpu.vector_load %arg16[%get3A_112] {strides = array<i32>} : memref<528xi32, #tpu.memory_space<vmem>>, vector<16xi32>,
    %get3A_114 = vector.shape_cast %get3A_113 : vector<16xi32> to vector<16xi32>
    %shift_right_arithmetic3A_115 = arith.constant 3 : i32
    %shift_right_arithmetic3A_116 = vector.broadcast %shift_right_arithmetic3A_115 : i32 to vector<16xi32>
    %shift_right_arithmetic3A_117 = arith.shrsi %get3A_114, %shift_right_arithmetic3A_116 : vector<16xi32>
    %swap3A_118 = arith.constant 48 : index
    %swap3A_119 = tpu.vector_load %arg17[%swap3A_118] {strides = array<i32>} : memref<512xi32, #tpu.memory_space<vmem>>, vector<16xi32>,
    %swap3A_120 = vector.shape_cast %swap3A_119 : vector<16xi32> to vector<16xi32>
    %swap3A_121 = vector.shape_cast %shift_right_arithmetic3A_117 : vector<16xi32> to vector<16xi32>
    tpu.vector_store %arg17[%swap3A_118], %swap3A_121 {strides = array<i32>} : memref<512xi32, #tpu.memory_space<vmem>>, vector<16xi32>,
    %get3A_122 = arith.constant 64 : index
    %get3A_123 = tpu.vector_load %arg16[%get3A_122] {strides = array<i32>} : memref<528xi32, #tpu.memory_space<vmem>>, vector<16xi32>,
    %get3A_124 = vector.shape_cast %get3A_123 : vector<16xi32> to vector<16xi32>
    %shift_right_arithmetic3A_125 = arith.constant 3 : i32
    %shift_right_arithmetic3A_126 = vector.broadcast %shift_right_arithmetic3A_125 : i32 to vector<16xi32>
    %shift_right_arithmetic3A_127 = arith.shrsi %get3A_124, %shift_right_arithmetic3A_126 : vector<16xi32>
    %swap3A_128 = arith.constant 64 : index
    %swap3A_129 = tpu.vector_load %arg17[%swap3A_128] {strides = array<i32>} : memref<512xi32, #tpu.memory_space<vmem>>, vector<16xi32>,
    %swap3A_130 = vector.shape_cast %swap3A_129 : vector<16xi32> to vector<16xi32>
    %swap3A_131 = vector.shape_cast %shift_right_arithmetic3A_127 : vector<16xi32> to vector<16xi32>
    tpu.vector_store %arg17[%swap3A_128], %swap3A_131 {strides = array<i32>} : memref<512xi32, #tpu.memory_space<vmem>>, vector<16xi32>,
    %get3A_132 = arith.constant 80 : index
    %get3A_133 = tpu.vector_load %arg16[%get3A_132] {strides = array<i32>} : memref<528xi32, #tpu.memory_space<vmem>>, vector<16xi32>,
    %get3A_134 = vector.shape_cast %get3A_133 : vector<16xi32> to vector<16xi32>
    %shift_right_arithmetic3A_135 = arith.constant 3 : i32
    %shift_right_arithmetic3A_136 = vector.broadcast %shift_right_arithmetic3A_135 : i32 to vector<16xi32>
    %shift_right_arithmetic3A_137 = arith.shrsi %get3A_134, %shift_right_arithmetic3A_136 : vector<16xi32>
    %swap3A_138 = arith.constant 80 : index
    %swap3A_139 = tpu.vector_load %arg17[%swap3A_138] {strides = array<i32>} : memref<512xi32, #tpu.memory_space<vmem>>, vector<16xi32>,
    %swap3A_140 = vector.shape_cast %swap3A_139 : vector<16xi32> to vector<16xi32>
    %swap3A_141 = vector.shape_cast %shift_right_arithmetic3A_137 : vector<16xi32> to vector<16xi32>
    tpu.vector_store %arg17[%swap3A_138], %swap3A_141 {strides = array<i32>} : memref<512xi32, #tpu.memory_space<vmem>>, vector<16xi32>,
    %get3A_142 = arith.constant 96 : index
    %get3A_143 = tpu.vector_load %arg16[%get3A_142] {strides = array<i32>} : memref<528xi32, #tpu.memory_space<vmem>>, vector<16xi32>,
    %get3A_144 = vector.shape_cast %get3A_143 : vector<16xi32> to vector<16xi32>
    %shift_right_arithmetic3A_145 = arith.constant 3 : i32
    %shift_right_arithmetic3A_146 = vector.broadcast %shift_right_arithmetic3A_145 : i32 to vector<16xi32>
    %shift_right_arithmetic3A_147 = arith.shrsi %get3A_144, %shift_right_arithmetic3A_146 : vector<16xi32>
    %swap3A_148 = arith.constant 96 : index
    %swap3A_149 = tpu.vector_load %arg17[%swap3A_148] {strides = array<i32>} : memref<512xi32, #tpu.memory_space<vmem>>, vector<16xi32>,
    %swap3A_150 = vector.shape_cast %swap3A_149 : vector<16xi32> to vector<16xi32>
    %swap3A_151 = vector.shape_cast %shift_right_arithmetic3A_147 : vector<16xi32> to vector<16xi32>
    tpu.vector_store %arg17[%swap3A_148], %swap3A_151 {strides = array<i32>} : memref<512xi32, #tpu.memory_space<vmem>>, vector<16xi32>,
    %get3A_152 = arith.constant 112 : index
    %get3A_153 = tpu.vector_load %arg16[%get3A_152] {strides = array<i32>} : memref<528xi32, #tpu.memory_space<vmem>>, vector<16xi32>,
    %get3A_154 = vector.shape_cast %get3A_153 : vector<16xi32> to vector<16xi32>
    %shift_right_arithmetic3A_155 = arith.constant 3 : i32
    %shift_right_arithmetic3A_156 = vector.broadcast %shift_right_arithmetic3A_155 : i32 to vector<16xi32>
    %shift_right_arithmetic3A_157 = arith.shrsi %get3A_154, %shift_right_arithmetic3A_156 : vector<16xi32>
    %swap3A_158 = arith.constant 112 : index
    %swap3A_159 = tpu.vector_load %arg17[%swap3A_158] {strides = array<i32>} : memref<512xi32, #tpu.memory_space<vmem>>, vector<16xi32>,
    %swap3A_160 = vector.shape_cast %swap3A_159 : vector<16xi32> to vector<16xi32>
    %swap3A_161 = vector.shape_cast %shift_right_arithmetic3A_157 : vector<16xi32> to vector<16xi32>
    tpu.vector_store %arg17[%swap3A_158], %swap3A_161 {strides = array<i32>} : memref<512xi32, #tpu.memory_space<vmem>>, vector<16xi32>,
    %get3A_162 = arith.constant 128 : index
    %get3A_163 = tpu.vector_load %arg16[%get3A_162] {strides = array<i32>} : memref<528xi32, #tpu.memory_space<vmem>>, vector<16xi32>,
    %get3A_164 = vector.shape_cast %get3A_163 : vector<16xi32> to vector<16xi32>
    %shift_right_arithmetic3A_165 = arith.constant 3 : i32
    %shift_right_arithmetic3A_166 = vector.broadcast %shift_right_arithmetic3A_165 : i32 to vector<16xi32>
    %shift_right_arithmetic3A_167 = arith.shrsi %get3A_164, %shift_right_arithmetic3A_166 : vector<16xi32>
    %swap3A_168 = arith.constant 128 : index
    %swap3A_169 = tpu.vector_load %arg17[%swap3A_168] {strides = array<i32>} : memref<512xi32, #tpu.memory_space<vmem>>, vector<16xi32>,
    %swap3A_170 = vector.shape_cast %swap3A_169 : vector<16xi32> to vector<16xi32>
    %swap3A_171 = vector.shape_cast %shift_right_arithmetic3A_167 : vector<16xi32> to vector<16xi32>
    tpu.vector_store %arg17[%swap3A_168], %swap3A_171 {strides = array<i32>} : memref<512xi32, #tpu.memory_space<vmem>>, vector<16xi32>,
    %get3A_172 = arith.constant 144 : index
    %get3A_173 = tpu.vector_load %arg16[%get3A_172] {strides = array<i32>} : memref<528xi32, #tpu.memory_space<vmem>>, vector<16xi32>,
    %get3A_174 = vector.shape_cast %get3A_173 : vector<16xi32> to vector<16xi32>
    %shift_right_arithmetic3A_175 = arith.constant 3 : i32
    %shift_right_arithmetic3A_176 = vector.broadcast %shift_right_arithmetic3A_175 : i32 to vector<16xi32>
    %shift_right_arithmetic3A_177 = arith.shrsi %get3A_174, %shift_right_arithmetic3A_176 : vector<16xi32>
    %swap3A_178 = arith.constant 144 : index
    %swap3A_179 = tpu.vector_load %arg17[%swap3A_178] {strides = array<i32>} : memref<512xi32, #tpu.memory_space<vmem>>, vector<16xi32>,
    %swap3A_180 = vector.shape_cast %swap3A_179 : vector<16xi32> to vector<16xi32>
    %swap3A_181 = vector.shape_cast %shift_right_arithmetic3A_177 : vector<16xi32> to vector<16xi32>
    tpu.vector_store %arg17[%swap3A_178], %swap3A_181 {strides = array<i32>} : memref<512xi32, #tpu.memory_space<vmem>>, vector<16xi32>,
    %get3A_182 = arith.constant 160 : index
    %get3A_183 = tpu.vector_load %arg16[%get3A_182] {strides = array<i32>} : memref<528xi32, #tpu.memory_space<vmem>>, vector<16xi32>,
    %get3A_184 = vector.shape_cast %get3A_183 : vector<16xi32> to vector<16xi32>
    %shift_right_arithmetic3A_185 = arith.constant 3 : i32
    %shift_right_arithmetic3A_186 = vector.broadcast %shift_right_arithmetic3A_185 : i32 to vector<16xi32>
    %shift_right_arithmetic3A_187 = arith.shrsi %get3A_184, %shift_right_arithmetic3A_186 : vector<16xi32>
    %swap3A_188 = arith.constant 160 : index
    %swap3A_189 = tpu.vector_load %arg17[%swap3A_188] {strides = array<i32>} : memref<512xi32, #tpu.memory_space<vmem>>, vector<16xi32>,
    %swap3A_190 = vector.shape_cast %swap3A_189 : vector<16xi32> to vector<16xi32>
    %swap3A_191 = vector.shape_cast %shift_right_arithmetic3A_187 : vector<16xi32> to vector<16xi32>
    tpu.vector_store %arg17[%swap3A_188], %swap3A_191 {strides = array<i32>} : memref<512xi32, #tpu.memory_space<vmem>>, vector<16xi32>,
    %get3A_192 = arith.constant 176 : index
    %get3A_193 = tpu.vector_load %arg16[%get3A_192] {strides = array<i32>} : memref<528xi32, #tpu.memory_space<vmem>>, vector<16xi32>,
    %get3A_194 = vector.shape_cast %get3A_193 : vector<16xi32> to vector<16xi32>
    %shift_right_arithmetic3A_195 = arith.constant 3 : i32
    %shift_right_arithmetic3A_196 = vector.broadcast %shift_right_arithmetic3A_195 : i32 to vector<16xi32>
    %shift_right_arithmetic3A_197 = arith.shrsi %get3A_194, %shift_right_arithmetic3A_196 : vector<16xi32>
    %swap3A_198 = arith.constant 176 : index
    %swap3A_199 = tpu.vector_load %arg17[%swap3A_198] {strides = array<i32>} : memref<512xi32, #tpu.memory_space<vmem>>, vector<16xi32>,
    %swap3A_200 = vector.shape_cast %swap3A_199 : vector<16xi32> to vector<16xi32>
    %swap3A_201 = vector.shape_cast %shift_right_arithmetic3A_197 : vector<16xi32> to vector<16xi32>
    tpu.vector_store %arg17[%swap3A_198], %swap3A_201 {strides = array<i32>} : memref<512xi32, #tpu.memory_space<vmem>>, vector<16xi32>,
    %get3A_202 = arith.constant 192 : index
    %get3A_203 = tpu.vector_load %arg16[%get3A_202] {strides = array<i32>} : memref<528xi32, #tpu.memory_space<vmem>>, vector<16xi32>,
    %get3A_204 = vector.shape_cast %get3A_203 : vector<16xi32> to vector<16xi32>
    %shift_right_arithmetic3A_205 = arith.constant 3 : i32
    %shift_right_arithmetic3A_206 = vector.broadcast %shift_right_arithmetic3A_205 : i32 to vector<16xi32>
    %shift_right_arithmetic3A_207 = arith.shrsi %get3A_204, %shift_right_arithmetic3A_206 : vector<16xi32>
    %swap3A_208 = arith.constant 192 : index
    %swap3A_209 = tpu.vector_load %arg17[%swap3A_208] {strides = array<i32>} : memref<512xi32, #tpu.memory_space<vmem>>, vector<16xi32>,
    %swap3A_210 = vector.shape_cast %swap3A_209 : vector<16xi32> to vector<16xi32>
    %swap3A_211 = vector.shape_cast %shift_right_arithmetic3A_207 : vector<16xi32> to vector<16xi32>
    tpu.vector_store %arg17[%swap3A_208], %swap3A_211 {strides = array<i32>} : memref<512xi32, #tpu.memory_space<vmem>>, vector<16xi32>,
    %get3A_212 = arith.constant 208 : index
    %get3A_213 = tpu.vector_load %arg16[%get3A_212] {strides = array<i32>} : memref<528xi32, #tpu.memory_space<vmem>>, vector<16xi32>,
    %get3A_214 = vector.shape_cast %get3A_213 : vector<16xi32> to vector<16xi32>
    %shift_right_arithmetic3A_215 = arith.constant 3 : i32
    %shift_right_arithmetic3A_216 = vector.broadcast %shift_right_arithmetic3A_215 : i32 to vector<16xi32>
    %shift_right_arithmetic3A_217 = arith.shrsi %get3A_214, %shift_right_arithmetic3A_216 : vector<16xi32>
    %swap3A_218 = arith.constant 208 : index
    %swap3A_219 = tpu.vector_load %arg17[%swap3A_218] {strides = array<i32>} : memref<512xi32, #tpu.memory_space<vmem>>, vector<16xi32>,
    %swap3A_220 = vector.shape_cast %swap3A_219 : vector<16xi32> to vector<16xi32>
    %swap3A_221 = vector.shape_cast %shift_right_arithmetic3A_217 : vector<16xi32> to vector<16xi32>
    tpu.vector_store %arg17[%swap3A_218], %swap3A_221 {strides = array<i32>} : memref<512xi32, #tpu.memory_space<vmem>>, vector<16xi32>,
    %get3A_222 = arith.constant 224 : index
    %get3A_223 = tpu.vector_load %arg16[%get3A_222] {strides = array<i32>} : memref<528xi32, #tpu.memory_space<vmem>>, vector<16xi32>,
    %get3A_224 = vector.shape_cast %get3A_223 : vector<16xi32> to vector<16xi32>
    %shift_right_arithmetic3A_225 = arith.constant 3 : i32
    %shift_right_arithmetic3A_226 = vector.broadcast %shift_right_arithmetic3A_225 : i32 to vector<16xi32>
    %shift_right_arithmetic3A_227 = arith.shrsi %get3A_224, %shift_right_arithmetic3A_226 : vector<16xi32>
    %swap3A_228 = arith.constant 224 : index
    %swap3A_229 = tpu.vector_load %arg17[%swap3A_228] {strides = array<i32>} : memref<512xi32, #tpu.memory_space<vmem>>, vector<16xi32>,
    %swap3A_230 = vector.shape_cast %swap3A_229 : vector<16xi32> to vector<16xi32>
    %swap3A_231 = vector.shape_cast %shift_right_arithmetic3A_227 : vector<16xi32> to vector<16xi32>
    tpu.vector_store %arg17[%swap3A_228], %swap3A_231 {strides = array<i32>} : memref<512xi32, #tpu.memory_space<vmem>>, vector<16xi32>,
    %get3A_232 = arith.constant 240 : index
    %get3A_233 = tpu.vector_load %arg16[%get3A_232] {strides = array<i32>} : memref<528xi32, #tpu.memory_space<vmem>>, vector<16xi32>,
    %get3A_234 = vector.shape_cast %get3A_233 : vector<16xi32> to vector<16xi32>
    %shift_right_arithmetic3A_235 = arith.constant 3 : i32
    %shift_right_arithmetic3A_236 = vector.broadcast %shift_right_arithmetic3A_235 : i32 to vector<16xi32>
    %shift_right_arithmetic3A_237 = arith.shrsi %get3A_234, %shift_right_arithmetic3A_236 : vector<16xi32>
    %swap3A_238 = arith.constant 240 : index
    %swap3A_239 = tpu.vector_load %arg17[%swap3A_238] {strides = array<i32>} : memref<512xi32, #tpu.memory_space<vmem>>, vector<16xi32>,
    %swap3A_240 = vector.shape_cast %swap3A_239 : vector<16xi32> to vector<16xi32>
    %swap3A_241 = vector.shape_cast %shift_right_arithmetic3A_237 : vector<16xi32> to vector<16xi32>
    tpu.vector_store %arg17[%swap3A_238], %swap3A_241 {strides = array<i32>} : memref<512xi32, #tpu.memory_space<vmem>>, vector<16xi32>,
    %get3A_242 = arith.constant 256 : index
    %get3A_243 = tpu.vector_load %arg16[%get3A_242] {strides = array<i32>} : memref<528xi32, #tpu.memory_space<vmem>>, vector<16xi32>,
    %get3A_244 = vector.shape_cast %get3A_243 : vector<16xi32> to vector<16xi32>
    %shift_right_arithmetic3A_245 = arith.constant 3 : i32
    %shift_right_arithmetic3A_246 = vector.broadcast %shift_right_arithmetic3A_245 : i32 to vector<16xi32>
    %shift_right_arithmetic3A_247 = arith.shrsi %get3A_244, %shift_right_arithmetic3A_246 : vector<16xi32>
    %swap3A_248 = arith.constant 256 : index
    %swap3A_249 = tpu.vector_load %arg17[%swap3A_248] {strides = array<i32>} : memref<512xi32, #tpu.memory_space<vmem>>, vector<16xi32>,
    %swap3A_250 = vector.shape_cast %swap3A_249 : vector<16xi32> to vector<16xi32>
    %swap3A_251 = vector.shape_cast %shift_right_arithmetic3A_247 : vector<16xi32> to vector<16xi32>
    tpu.vector_store %arg17[%swap3A_248], %swap3A_251 {strides = array<i32>} : memref<512xi32, #tpu.memory_space<vmem>>, vector<16xi32>,
    %get3A_252 = arith.constant 272 : index
    %get3A_253 = tpu.vector_load %arg16[%get3A_252] {strides = array<i32>} : memref<528xi32, #tpu.memory_space<vmem>>, vector<16xi32>,
    %get3A_254 = vector.shape_cast %get3A_253 : vector<16xi32> to vector<16xi32>
    %shift_right_arithmetic3A_255 = arith.constant 3 : i32
    %shift_right_arithmetic3A_256 = vector.broadcast %shift_right_arithmetic3A_255 : i32 to vector<16xi32>
    %shift_right_arithmetic3A_257 = arith.shrsi %get3A_254, %shift_right_arithmetic3A_256 : vector<16xi32>
    %swap3A_258 = arith.constant 272 : index
    %swap3A_259 = tpu.vector_load %arg17[%swap3A_258] {strides = array<i32>} : memref<512xi32, #tpu.memory_space<vmem>>, vector<16xi32>,
    %swap3A_260 = vector.shape_cast %swap3A_259 : vector<16xi32> to vector<16xi32>
    %swap3A_261 = vector.shape_cast %shift_right_arithmetic3A_257 : vector<16xi32> to vector<16xi32>
    tpu.vector_store %arg17[%swap3A_258], %swap3A_261 {strides = array<i32>} : memref<512xi32, #tpu.memory_space<vmem>>, vector<16xi32>,
    %get3A_262 = arith.constant 288 : index
    %get3A_263 = tpu.vector_load %arg16[%get3A_262] {strides = array<i32>} : memref<528xi32, #tpu.memory_space<vmem>>, vector<16xi32>,
    %get3A_264 = vector.shape_cast %get3A_263 : vector<16xi32> to vector<16xi32>
    %shift_right_arithmetic3A_265 = arith.constant 3 : i32
    %shift_right_arithmetic3A_266 = vector.broadcast %shift_right_arithmetic3A_265 : i32 to vector<16xi32>
    %shift_right_arithmetic3A_267 = arith.shrsi %get3A_264, %shift_right_arithmetic3A_266 : vector<16xi32>
    %swap3A_268 = arith.constant 288 : index
    %swap3A_269 = tpu.vector_load %arg17[%swap3A_268] {strides = array<i32>} : memref<512xi32, #tpu.memory_space<vmem>>, vector<16xi32>,
    %swap3A_270 = vector.shape_cast %swap3A_269 : vector<16xi32> to vector<16xi32>
    %swap3A_271 = vector.shape_cast %shift_right_arithmetic3A_267 : vector<16xi32> to vector<16xi32>
    tpu.vector_store %arg17[%swap3A_268], %swap3A_271 {strides = array<i32>} : memref<512xi32, #tpu.memory_space<vmem>>, vector<16xi32>,
    %get3A_272 = arith.constant 304 : index
    %get3A_273 = tpu.vector_load %arg16[%get3A_272] {strides = array<i32>} : memref<528xi32, #tpu.memory_space<vmem>>, vector<16xi32>,
    %get3A_274 = vector.shape_cast %get3A_273 : vector<16xi32> to vector<16xi32>
    %shift_right_arithmetic3A_275 = arith.constant 3 : i32
    %shift_right_arithmetic3A_276 = vector.broadcast %shift_right_arithmetic3A_275 : i32 to vector<16xi32>
    %shift_right_arithmetic3A_277 = arith.shrsi %get3A_274, %shift_right_arithmetic3A_276 : vector<16xi32>
    %swap3A_278 = arith.constant 304 : index
    %swap3A_279 = tpu.vector_load %arg17[%swap3A_278] {strides = array<i32>} : memref<512xi32, #tpu.memory_space<vmem>>, vector<16xi32>,
    %swap3A_280 = vector.shape_cast %swap3A_279 : vector<16xi32> to vector<16xi32>
    %swap3A_281 = vector.shape_cast %shift_right_arithmetic3A_277 : vector<16xi32> to vector<16xi32>
    tpu.vector_store %arg17[%swap3A_278], %swap3A_281 {strides = array<i32>} : memref<512xi32, #tpu.memory_space<vmem>>, vector<16xi32>,
    %get3A_282 = arith.constant 320 : index
    %get3A_283 = tpu.vector_load %arg16[%get3A_282] {strides = array<i32>} : memref<528xi32, #tpu.memory_space<vmem>>, vector<16xi32>,
    %get3A_284 = vector.shape_cast %get3A_283 : vector<16xi32> to vector<16xi32>
    %shift_right_arithmetic3A_285 = arith.constant 3 : i32
    %shift_right_arithmetic3A_286 = vector.broadcast %shift_right_arithmetic3A_285 : i32 to vector<16xi32>
    %shift_right_arithmetic3A_287 = arith.shrsi %get3A_284, %shift_right_arithmetic3A_286 : vector<16xi32>
    %swap3A_288 = arith.constant 320 : index
    %swap3A_289 = tpu.vector_load %arg17[%swap3A_288] {strides = array<i32>} : memref<512xi32, #tpu.memory_space<vmem>>, vector<16xi32>,
    %swap3A_290 = vector.shape_cast %swap3A_289 : vector<16xi32> to vector<16xi32>
    %swap3A_291 = vector.shape_cast %shift_right_arithmetic3A_287 : vector<16xi32> to vector<16xi32>
    tpu.vector_store %arg17[%swap3A_288], %swap3A_291 {strides = array<i32>} : memref<512xi32, #tpu.memory_space<vmem>>, vector<16xi32>,
    %get3A_292 = arith.constant 336 : index
    %get3A_293 = tpu.vector_load %arg16[%get3A_292] {strides = array<i32>} : memref<528xi32, #tpu.memory_space<vmem>>, vector<16xi32>,
    %get3A_294 = vector.shape_cast %get3A_293 : vector<16xi32> to vector<16xi32>
    %shift_right_arithmetic3A_295 = arith.constant 3 : i32
    %shift_right_arithmetic3A_296 = vector.broadcast %shift_right_arithmetic3A_295 : i32 to vector<16xi32>
    %shift_right_arithmetic3A_297 = arith.shrsi %get3A_294, %shift_right_arithmetic3A_296 : vector<16xi32>
    %swap3A_298 = arith.constant 336 : index
    %swap3A_299 = tpu.vector_load %arg17[%swap3A_298] {strides = array<i32>} : memref<512xi32, #tpu.memory_space<vmem>>, vector<16xi32>,
    %swap3A_300 = vector.shape_cast %swap3A_299 : vector<16xi32> to vector<16xi32>
    %swap3A_301 = vector.shape_cast %shift_right_arithmetic3A_297 : vector<16xi32> to vector<16xi32>
    tpu.vector_store %arg17[%swap3A_298], %swap3A_301 {strides = array<i32>} : memref<512xi32, #tpu.memory_space<vmem>>, vector<16xi32>,
    %get3A_302 = arith.constant 352 : index
    %get3A_303 = tpu.vector_load %arg16[%get3A_302] {strides = array<i32>} : memref<528xi32, #tpu.memory_space<vmem>>, vector<16xi32>,
    %get3A_304 = vector.shape_cast %get3A_303 : vector<16xi32> to vector<16xi32>
    %shift_right_arithmetic3A_305 = arith.constant 3 : i32
    %shift_right_arithmetic3A_306 = vector.broadcast %shift_right_arithmetic3A_305 : i32 to vector<16xi32>
    %shift_right_arithmetic3A_307 = arith.shrsi %get3A_304, %shift_right_arithmetic3A_306 : vector<16xi32>
    %swap3A_308 = arith.constant 352 : index
    %swap3A_309 = tpu.vector_load %arg17[%swap3A_308] {strides = array<i32>} : memref<512xi32, #tpu.memory_space<vmem>>, vector<16xi32>,
    %swap3A_310 = vector.shape_cast %swap3A_309 : vector<16xi32> to vector<16xi32>
    %swap3A_311 = vector.shape_cast %shift_right_arithmetic3A_307 : vector<16xi32> to vector<16xi32>
    tpu.vector_store %arg17[%swap3A_308], %swap3A_311 {strides = array<i32>} : memref<512xi32, #tpu.memory_space<vmem>>, vector<16xi32>,
    %get3A_312 = arith.constant 368 : index
    %get3A_313 = tpu.vector_load %arg16[%get3A_312] {strides = array<i32>} : memref<528xi32, #tpu.memory_space<vmem>>, vector<16xi32>,
    %get3A_314 = vector.shape_cast %get3A_313 : vector<16xi32> to vector<16xi32>
    %shift_right_arithmetic3A_315 = arith.constant 3 : i32
    %shift_right_arithmetic3A_316 = vector.broadcast %shift_right_arithmetic3A_315 : i32 to vector<16xi32>
    %shift_right_arithmetic3A_317 = arith.shrsi %get3A_314, %shift_right_arithmetic3A_316 : vector<16xi32>
    %swap3A_318 = arith.constant 368 : index
    %swap3A_319 = tpu.vector_load %arg17[%swap3A_318] {strides = array<i32>} : memref<512xi32, #tpu.memory_space<vmem>>, vector<16xi32>,
    %swap3A_320 = vector.shape_cast %swap3A_319 : vector<16xi32> to vector<16xi32>
    %swap3A_321 = vector.shape_cast %shift_right_arithmetic3A_317 : vector<16xi32> to vector<16xi32>
    tpu.vector_store %arg17[%swap3A_318], %swap3A_321 {strides = array<i32>} : memref<512xi32, #tpu.memory_space<vmem>>, vector<16xi32>,
    %get3A_322 = arith.constant 384 : index
    %get3A_323 = tpu.vector_load %arg16[%get3A_322] {strides = array<i32>} : memref<528xi32, #tpu.memory_space<vmem>>, vector<16xi32>,
    %get3A_324 = vector.shape_cast %get3A_323 : vector<16xi32> to vector<16xi32>
    %shift_right_arithmetic3A_325 = arith.constant 3 : i32
    %shift_right_arithmetic3A_326 = vector.broadcast %shift_right_arithmetic3A_325 : i32 to vector<16xi32>
    %shift_right_arithmetic3A_327 = arith.shrsi %get3A_324, %shift_right_arithmetic3A_326 : vector<16xi32>
    %swap3A_328 = arith.constant 384 : index
    %swap3A_329 = tpu.vector_load %arg17[%swap3A_328] {strides = array<i32>} : memref<512xi32, #tpu.memory_space<vmem>>, vector<16xi32>,
    %swap3A_330 = vector.shape_cast %swap3A_329 : vector<16xi32> to vector<16xi32>
    %swap3A_331 = vector.shape_cast %shift_right_arithmetic3A_327 : vector<16xi32> to vector<16xi32>
    tpu.vector_store %arg17[%swap3A_328], %swap3A_331 {strides = array<i32>} : memref<512xi32, #tpu.memory_space<vmem>>, vector<16xi32>,
    %get3A_332 = arith.constant 400 : index
    %get3A_333 = tpu.vector_load %arg16[%get3A_332] {strides = array<i32>} : memref<528xi32, #tpu.memory_space<vmem>>, vector<16xi32>,
    %get3A_334 = vector.shape_cast %get3A_333 : vector<16xi32> to vector<16xi32>
    %shift_right_arithmetic3A_335 = arith.constant 3 : i32
    %shift_right_arithmetic3A_336 = vector.broadcast %shift_right_arithmetic3A_335 : i32 to vector<16xi32>
    %shift_right_arithmetic3A_337 = arith.shrsi %get3A_334, %shift_right_arithmetic3A_336 : vector<16xi32>
    %swap3A_338 = arith.constant 400 : index
    %swap3A_339 = tpu.vector_load %arg17[%swap3A_338] {strides = array<i32>} : memref<512xi32, #tpu.memory_space<vmem>>, vector<16xi32>,
    %swap3A_340 = vector.shape_cast %swap3A_339 : vector<16xi32> to vector<16xi32>
    %swap3A_341 = vector.shape_cast %shift_right_arithmetic3A_337 : vector<16xi32> to vector<16xi32>
    tpu.vector_store %arg17[%swap3A_338], %swap3A_341 {strides = array<i32>} : memref<512xi32, #tpu.memory_space<vmem>>, vector<16xi32>,
    %get3A_342 = arith.constant 416 : index
    %get3A_343 = tpu.vector_load %arg16[%get3A_342] {strides = array<i32>} : memref<528xi32, #tpu.memory_space<vmem>>, vector<16xi32>,
    %get3A_344 = vector.shape_cast %get3A_343 : vector<16xi32> to vector<16xi32>
    %shift_right_arithmetic3A_345 = arith.constant 3 : i32
    %shift_right_arithmetic3A_346 = vector.broadcast %shift_right_arithmetic3A_345 : i32 to vector<16xi32>
    %shift_right_arithmetic3A_347 = arith.shrsi %get3A_344, %shift_right_arithmetic3A_346 : vector<16xi32>
    %swap3A_348 = arith.constant 416 : index
    %swap3A_349 = tpu.vector_load %arg17[%swap3A_348] {strides = array<i32>} : memref<512xi32, #tpu.memory_space<vmem>>, vector<16xi32>,
    %swap3A_350 = vector.shape_cast %swap3A_349 : vector<16xi32> to vector<16xi32>
    %swap3A_351 = vector.shape_cast %shift_right_arithmetic3A_347 : vector<16xi32> to vector<16xi32>
    tpu.vector_store %arg17[%swap3A_348], %swap3A_351 {strides = array<i32>} : memref<512xi32, #tpu.memory_space<vmem>>, vector<16xi32>,
    %get3A_352 = arith.constant 432 : index
    %get3A_353 = tpu.vector_load %arg16[%get3A_352] {strides = array<i32>} : memref<528xi32, #tpu.memory_space<vmem>>, vector<16xi32>,
    %get3A_354 = vector.shape_cast %get3A_353 : vector<16xi32> to vector<16xi32>
    %shift_right_arithmetic3A_355 = arith.constant 3 : i32
    %shift_right_arithmetic3A_356 = vector.broadcast %shift_right_arithmetic3A_355 : i32 to vector<16xi32>
    %shift_right_arithmetic3A_357 = arith.shrsi %get3A_354, %shift_right_arithmetic3A_356 : vector<16xi32>
    %swap3A_358 = arith.constant 432 : index
    %swap3A_359 = tpu.vector_load %arg17[%swap3A_358] {strides = array<i32>} : memref<512xi32, #tpu.memory_space<vmem>>, vector<16xi32>,
    %swap3A_360 = vector.shape_cast %swap3A_359 : vector<16xi32> to vector<16xi32>
    %swap3A_361 = vector.shape_cast %shift_right_arithmetic3A_357 : vector<16xi32> to vector<16xi32>
    tpu.vector_store %arg17[%swap3A_358], %swap3A_361 {strides = array<i32>} : memref<512xi32, #tpu.memory_space<vmem>>, vector<16xi32>,
    %get3A_362 = arith.constant 448 : index
    %get3A_363 = tpu.vector_load %arg16[%get3A_362] {strides = array<i32>} : memref<528xi32, #tpu.memory_space<vmem>>, vector<16xi32>,
    %get3A_364 = vector.shape_cast %get3A_363 : vector<16xi32> to vector<16xi32>
    %shift_right_arithmetic3A_365 = arith.constant 3 : i32
    %shift_right_arithmetic3A_366 = vector.broadcast %shift_right_arithmetic3A_365 : i32 to vector<16xi32>
    %shift_right_arithmetic3A_367 = arith.shrsi %get3A_364, %shift_right_arithmetic3A_366 : vector<16xi32>
    %swap3A_368 = arith.constant 448 : index
    %swap3A_369 = tpu.vector_load %arg17[%swap3A_368] {strides = array<i32>} : memref<512xi32, #tpu.memory_space<vmem>>, vector<16xi32>,
    %swap3A_370 = vector.shape_cast %swap3A_369 : vector<16xi32> to vector<16xi32>
    %swap3A_371 = vector.shape_cast %shift_right_arithmetic3A_367 : vector<16xi32> to vector<16xi32>
    tpu.vector_store %arg17[%swap3A_368], %swap3A_371 {strides = array<i32>} : memref<512xi32, #tpu.memory_space<vmem>>, vector<16xi32>,
    %get3A_372 = arith.constant 464 : index
    %get3A_373 = tpu.vector_load %arg16[%get3A_372] {strides = array<i32>} : memref<528xi32, #tpu.memory_space<vmem>>, vector<16xi32>,
    %get3A_374 = vector.shape_cast %get3A_373 : vector<16xi32> to vector<16xi32>
    %shift_right_arithmetic3A_375 = arith.constant 3 : i32
    %shift_right_arithmetic3A_376 = vector.broadcast %shift_right_arithmetic3A_375 : i32 to vector<16xi32>
    %shift_right_arithmetic3A_377 = arith.shrsi %get3A_374, %shift_right_arithmetic3A_376 : vector<16xi32>
    %swap3A_378 = arith.constant 464 : index
    %swap3A_379 = tpu.vector_load %arg17[%swap3A_378] {strides = array<i32>} : memref<512xi32, #tpu.memory_space<vmem>>, vector<16xi32>,
    %swap3A_380 = vector.shape_cast %swap3A_379 : vector<16xi32> to vector<16xi32>
    %swap3A_381 = vector.shape_cast %shift_right_arithmetic3A_377 : vector<16xi32> to vector<16xi32>
    tpu.vector_store %arg17[%swap3A_378], %swap3A_381 {strides = array<i32>} : memref<512xi32, #tpu.memory_space<vmem>>, vector<16xi32>,
    %get3A_382 = arith.constant 480 : index
    %get3A_383 = tpu.vector_load %arg16[%get3A_382] {strides = array<i32>} : memref<528xi32, #tpu.memory_space<vmem>>, vector<16xi32>,
    %get3A_384 = vector.shape_cast %get3A_383 : vector<16xi32> to vector<16xi32>
    %shift_right_arithmetic3A_385 = arith.constant 3 : i32
    %shift_right_arithmetic3A_386 = vector.broadcast %shift_right_arithmetic3A_385 : i32 to vector<16xi32>
    %shift_right_arithmetic3A_387 = arith.shrsi %get3A_384, %shift_right_arithmetic3A_386 : vector<16xi32>
    %swap3A_388 = arith.constant 480 : index
    %swap3A_389 = tpu.vector_load %arg17[%swap3A_388] {strides = array<i32>} : memref<512xi32, #tpu.memory_space<vmem>>, vector<16xi32>,
    %swap3A_390 = vector.shape_cast %swap3A_389 : vector<16xi32> to vector<16xi32>
    %swap3A_391 = vector.shape_cast %shift_right_arithmetic3A_387 : vector<16xi32> to vector<16xi32>
    tpu.vector_store %arg17[%swap3A_388], %swap3A_391 {strides = array<i32>} : memref<512xi32, #tpu.memory_space<vmem>>, vector<16xi32>,
    %get3A_392 = arith.constant 496 : index
    %get3A_393 = tpu.vector_load %arg16[%get3A_392] {strides = array<i32>} : memref<528xi32, #tpu.memory_space<vmem>>, vector<16xi32>,
    %get3A_394 = vector.shape_cast %get3A_393 : vector<16xi32> to vector<16xi32>
    %shift_right_arithmetic3A_395 = arith.constant 3 : i32
    %shift_right_arithmetic3A_396 = vector.broadcast %shift_right_arithmetic3A_395 : i32 to vector<16xi32>
    %shift_right_arithmetic3A_397 = arith.shrsi %get3A_394, %shift_right_arithmetic3A_396 : vector<16xi32>
    %swap3A_398 = arith.constant 496 : index
    %swap3A_399 = tpu.vector_load %arg17[%swap3A_398] {strides = array<i32>} : memref<512xi32, #tpu.memory_space<vmem>>, vector<16xi32>,
    %swap3A_400 = vector.shape_cast %swap3A_399 : vector<16xi32> to vector<16xi32>
    %swap3A_401 = vector.shape_cast %shift_right_arithmetic3A_397 : vector<16xi32> to vector<16xi32>
    tpu.vector_store %arg17[%swap3A_398], %swap3A_401 {strides = array<i32>} : memref<512xi32, #tpu.memory_space<vmem>>, vector<16xi32>,
    %dma_start3A_402 = arith.constant 0 : i32
    %dma_start3A_403 = tpu.memref_slice %arg17[%dma_start3A_402] : memref<512xi32, #tpu.memory_space<vmem>> -> memref<128xi32, #tpu.memory_space<vmem>>
    %dma_start3A_404 = arith.constant 0 : i32
    %dma_start3A_405 = arith.constant 0 : i32
    %dma_start3A_406 = tpu.memref_slice %arg4[%dma_start3A_404, %dma_start3A_405] : memref<12500x128xi32, #tpu.memory_space<hbm>> -> memref<12500x128xi32, #tpu.memory_space<hbm>>
    tpu.enqueue_indirect_dma source(%dma_start3A_406 : memref<12500x128xi32, #tpu.memory_space<hbm>>) target(%arg18 : memref<128x128xi32, #tpu.memory_space<vmem>>) offsets(%dma_start3A_403 : memref<128xi32, #tpu.memory_space<vmem>>) semaphore(%arg36 : memref<!tpu.dma_semaphore, #tpu.memory_space<semaphore_mem>>)
    %dma_wait3A_407 = arith.constant 0 : i32
    %dma_wait3A_408 = tpu.memref_slice %arg17[%dma_wait3A_407] : memref<512xi32, #tpu.memory_space<vmem>> -> memref<128xi32, #tpu.memory_space<vmem>>
    %dma_wait3A_409 = arith.constant 0 : i32
    %dma_wait3A_410 = arith.constant 0 : i32
    %dma_wait3A_411 = tpu.memref_slice %arg4[%dma_wait3A_409, %dma_wait3A_410] : memref<12500x128xi32, #tpu.memory_space<hbm>> -> memref<12500x128xi32, #tpu.memory_space<hbm>>
    tpu.wait_indirect_dma semaphore(%arg36 : memref<!tpu.dma_semaphore, #tpu.memory_space<semaphore_mem>>) src(%dma_wait3A_411 : memref<12500x128xi32, #tpu.memory_space<hbm>>) dst(%arg18 : memref<128x128xi32, #tpu.memory_space<vmem>>)
    %scan3A_412 = arith.constant 0 : i32
    %scan3A_413 = arith.constant 128 : i32
    %scan3A_414 = arith.addi %scan3A_412, %scan3A_413 : i32
    %scan3A_415 = arith.constant 16 : i32
    scf.for %scan3A_758 = %scan3A_412 to %scan3A_414 step %scan3A_415  : i32 {
      %mul3A_759 = arith.constant 1 : i32
      %mul3A_760 = arith.muli %scan3A_758, %mul3A_759 : i32
      %add3A_761 = arith.constant 0 : i32
      %add3A_762 = arith.addi %add3A_761, %mul3A_760 : i32
      %add3A_763 = arith.constant 0 : i32
      %add3A_764 = arith.addi %add3A_763, %add3A_762 : i32
      %get3A_765 = arith.index_cast %add3A_764 : i32 to index
      %get3A_766 = tpu.vector_load %arg16[%get3A_765] {strides = array<i32>} : memref<528xi32, #tpu.memory_space<vmem>>, vector<16xi32>,
      %get3A_767 = vector.shape_cast %get3A_766 : vector<16xi32> to vector<16xi32>
      %slice3A = vector.extract_strided_slice %get3A_767 {offsets = [0], sizes = [1], strides = [1]} : vector<16xi32> to vector<1xi32>
      %squeeze3A = vector.extract %slice3A[0] : i32 from vector<1xi32>
      %and3A = arith.constant 7 : i32
      %and3A_768 = arith.andi %squeeze3A, %and3A : i32
      %mul3A_769 = arith.constant 16 : i32
      %mul3A_770 = arith.muli %and3A_768, %mul3A_769 : i32
      %get3A_771 = arith.index_cast %add3A_762 : i32 to index
      %get3A_772 = arith.index_cast %mul3A_770 : i32 to index
      %get3A_773 = tpu.vector_load %arg18[%get3A_771, %get3A_772] {strides = array<i32>} : memref<128x128xi32, #tpu.memory_space<vmem>>, vector<1x16xi32>,
      %get3A_774 = vector.shape_cast %get3A_773 : vector<1x16xi32> to vector<16xi32>
      %mul3A_775 = arith.constant 16 : i32
      %mul3A_776 = arith.muli %add3A_764, %mul3A_775 : i32
      %swap3A_777 = arith.index_cast %mul3A_776 : i32 to index
      %swap3A_778 = tpu.vector_load %arg19[%swap3A_777] {strides = array<i32>} : memref<8192xi32, #tpu.memory_space<vmem>>, vector<16xi32>,
      %swap3A_779 = vector.shape_cast %swap3A_778 : vector<16xi32> to vector<16xi32>
      %swap3A_780 = vector.shape_cast %get3A_774 : vector<16xi32> to vector<16xi32>
      tpu.vector_store %arg19[%swap3A_777], %swap3A_780 {strides = array<i32>} : memref<8192xi32, #tpu.memory_space<vmem>>, vector<16xi32>,
      %scan3A_781 = arith.constant 1 : i32
      %scan3A_782 = arith.addi %scan3A_758, %scan3A_781 : i32
      %mul3A_783 = arith.constant 1 : i32
      %mul3A_784 = arith.muli %scan3A_782, %mul3A_783 : i32
      %add3A_785 = arith.constant 0 : i32
      %add3A_786 = arith.addi %add3A_785, %mul3A_784 : i32
      %add3A_787 = arith.constant 0 : i32
      %add3A_788 = arith.addi %add3A_787, %add3A_786 : i32
      %get3A_789 = arith.index_cast %add3A_788 : i32 to index
      %get3A_790 = tpu.vector_load %arg16[%get3A_789] {strides = array<i32>} : memref<528xi32, #tpu.memory_space<vmem>>, vector<16xi32>,
      %get3A_791 = vector.shape_cast %get3A_790 : vector<16xi32> to vector<16xi32>
      %slice3A_792 = vector.extract_strided_slice %get3A_791 {offsets = [0], sizes = [1], strides = [1]} : vector<16xi32> to vector<1xi32>
      %squeeze3A_793 = vector.extract %slice3A_792[0] : i32 from vector<1xi32>
      %and3A_794 = arith.constant 7 : i32
      %and3A_795 = arith.andi %squeeze3A_793, %and3A_794 : i32
      %mul3A_796 = arith.constant 16 : i32
      %mul3A_797 = arith.muli %and3A_795, %mul3A_796 : i32
      %get3A_798 = arith.index_cast %add3A_786 : i32 to index
      %get3A_799 = arith.index_cast %mul3A_797 : i32 to index
      %get3A_800 = tpu.vector_load %arg18[%get3A_798, %get3A_799] {strides = array<i32>} : memref<128x128xi32, #tpu.memory_space<vmem>>, vector<1x16xi32>,
      %get3A_801 = vector.shape_cast %get3A_800 : vector<1x16xi32> to vector<16xi32>
      %mul3A_802 = arith.constant 16 : i32
      %mul3A_803 = arith.muli %add3A_788, %mul3A_802 : i32
      %swap3A_804 = arith.index_cast %mul3A_803 : i32 to index
      %swap3A_805 = tpu.vector_load %arg19[%swap3A_804] {strides = array<i32>} : memref<8192xi32, #tpu.memory_space<vmem>>, vector<16xi32>,
      %swap3A_806 = vector.shape_cast %swap3A_805 : vector<16xi32> to vector<16xi32>
      %swap3A_807 = vector.shape_cast %get3A_801 : vector<16xi32> to vector<16xi32>
      tpu.vector_store %arg19[%swap3A_804], %swap3A_807 {strides = array<i32>} : memref<8192xi32, #tpu.memory_space<vmem>>, vector<16xi32>,
      %scan3A_808 = arith.constant 2 : i32
      %scan3A_809 = arith.addi %scan3A_758, %scan3A_808 : i32
      %mul3A_810 = arith.constant 1 : i32
      %mul3A_811 = arith.muli %scan3A_809, %mul3A_810 : i32
      %add3A_812 = arith.constant 0 : i32
      %add3A_813 = arith.addi %add3A_812, %mul3A_811 : i32
      %add3A_814 = arith.constant 0 : i32
      %add3A_815 = arith.addi %add3A_814, %add3A_813 : i32
      %get3A_816 = arith.index_cast %add3A_815 : i32 to index
      %get3A_817 = tpu.vector_load %arg16[%get3A_816] {strides = array<i32>} : memref<528xi32, #tpu.memory_space<vmem>>, vector<16xi32>,
      %get3A_818 = vector.shape_cast %get3A_817 : vector<16xi32> to vector<16xi32>
      %slice3A_819 = vector.extract_strided_slice %get3A_818 {offsets = [0], sizes = [1], strides = [1]} : vector<16xi32> to vector<1xi32>
      %squeeze3A_820 = vector.extract %slice3A_819[0] : i32 from vector<1xi32>
      %and3A_821 = arith.constant 7 : i32
      %and3A_822 = arith.andi %squeeze3A_820, %and3A_821 : i32
      %mul3A_823 = arith.constant 16 : i32
      %mul3A_824 = arith.muli %and3A_822, %mul3A_823 : i32
      %get3A_825 = arith.index_cast %add3A_813 : i32 to index
      %get3A_826 = arith.index_cast %mul3A_824 : i32 to index
      %get3A_827 = tpu.vector_load %arg18[%get3A_825, %get3A_826] {strides = array<i32>} : memref<128x128xi32, #tpu.memory_space<vmem>>, vector<1x16xi32>,
      %get3A_828 = vector.shape_cast %get3A_827 : vector<1x16xi32> to vector<16xi32>
      %mul3A_829 = arith.constant 16 : i32
      %mul3A_830 = arith.muli %add3A_815, %mul3A_829 : i32
      %swap3A_831 = arith.index_cast %mul3A_830 : i32 to index
      %swap3A_832 = tpu.vector_load %arg19[%swap3A_831] {strides = array<i32>} : memref<8192xi32, #tpu.memory_space<vmem>>, vector<16xi32>,
      %swap3A_833 = vector.shape_cast %swap3A_832 : vector<16xi32> to vector<16xi32>
      %swap3A_834 = vector.shape_cast %get3A_828 : vector<16xi32> to vector<16xi32>
      tpu.vector_store %arg19[%swap3A_831], %swap3A_834 {strides = array<i32>} : memref<8192xi32, #tpu.memory_space<vmem>>, vector<16xi32>,
      %scan3A_835 = arith.constant 3 : i32
      %scan3A_836 = arith.addi %scan3A_758, %scan3A_835 : i32
      %mul3A_837 = arith.constant 1 : i32
      %mul3A_838 = arith.muli %scan3A_836, %mul3A_837 : i32
      %add3A_839 = arith.constant 0 : i32
      %add3A_840 = arith.addi %add3A_839, %mul3A_838 : i32
      %add3A_841 = arith.constant 0 : i32
      %add3A_842 = arith.addi %add3A_841, %add3A_840 : i32
      %get3A_843 = arith.index_cast %add3A_842 : i32 to index
      %get3A_844 = tpu.vector_load %arg16[%get3A_843] {strides = array<i32>} : memref<528xi32, #tpu.memory_space<vmem>>, vector<16xi32>,
      %get3A_845 = vector.shape_cast %get3A_844 : vector<16xi32> to vector<16xi32>
      %slice3A_846 = vector.extract_strided_slice %get3A_845 {offsets = [0], sizes = [1], strides = [1]} : vector<16xi32> to vector<1xi32>
      %squeeze3A_847 = vector.extract %slice3A_846[0] : i32 from vector<1xi32>
      %and3A_848 = arith.constant 7 : i32
      %and3A_849 = arith.andi %squeeze3A_847, %and3A_848 : i32
      %mul3A_850 = arith.constant 16 : i32
      %mul3A_851 = arith.muli %and3A_849, %mul3A_850 : i32
      %get3A_852 = arith.index_cast %add3A_840 : i32 to index
      %get3A_853 = arith.index_cast %mul3A_851 : i32 to index
      %get3A_854 = tpu.vector_load %arg18[%get3A_852, %get3A_853] {strides = array<i32>} : memref<128x128xi32, #tpu.memory_space<vmem>>, vector<1x16xi32>,
      %get3A_855 = vector.shape_cast %get3A_854 : vector<1x16xi32> to vector<16xi32>
      %mul3A_856 = arith.constant 16 : i32
      %mul3A_857 = arith.muli %add3A_842, %mul3A_856 : i32
      %swap3A_858 = arith.index_cast %mul3A_857 : i32 to index
      %swap3A_859 = tpu.vector_load %arg19[%swap3A_858] {strides = array<i32>} : memref<8192xi32, #tpu.memory_space<vmem>>, vector<16xi32>,
      %swap3A_860 = vector.shape_cast %swap3A_859 : vector<16xi32> to vector<16xi32>
      %swap3A_861 = vector.shape_cast %get3A_855 : vector<16xi32> to vector<16xi32>
      tpu.vector_store %arg19[%swap3A_858], %swap3A_861 {strides = array<i32>} : memref<8192xi32, #tpu.memory_space<vmem>>, vector<16xi32>,
      %scan3A_862 = arith.constant 4 : i32
      %scan3A_863 = arith.addi %scan3A_758, %scan3A_862 : i32
      %mul3A_864 = arith.constant 1 : i32
      %mul3A_865 = arith.muli %scan3A_863, %mul3A_864 : i32
      %add3A_866 = arith.constant 0 : i32
      %add3A_867 = arith.addi %add3A_866, %mul3A_865 : i32
      %add3A_868 = arith.constant 0 : i32
      %add3A_869 = arith.addi %add3A_868, %add3A_867 : i32
      %get3A_870 = arith.index_cast %add3A_869 : i32 to index
      %get3A_871 = tpu.vector_load %arg16[%get3A_870] {strides = array<i32>} : memref<528xi32, #tpu.memory_space<vmem>>, vector<16xi32>,
      %get3A_872 = vector.shape_cast %get3A_871 : vector<16xi32> to vector<16xi32>
      %slice3A_873 = vector.extract_strided_slice %get3A_872 {offsets = [0], sizes = [1], strides = [1]} : vector<16xi32> to vector<1xi32>
      %squeeze3A_874 = vector.extract %slice3A_873[0] : i32 from vector<1xi32>
      %and3A_875 = arith.constant 7 : i32
      %and3A_876 = arith.andi %squeeze3A_874, %and3A_875 : i32
      %mul3A_877 = arith.constant 16 : i32
      %mul3A_878 = arith.muli %and3A_876, %mul3A_877 : i32
      %get3A_879 = arith.index_cast %add3A_867 : i32 to index
      %get3A_880 = arith.index_cast %mul3A_878 : i32 to index
      %get3A_881 = tpu.vector_load %arg18[%get3A_879, %get3A_880] {strides = array<i32>} : memref<128x128xi32, #tpu.memory_space<vmem>>, vector<1x16xi32>,
      %get3A_882 = vector.shape_cast %get3A_881 : vector<1x16xi32> to vector<16xi32>
      %mul3A_883 = arith.constant 16 : i32
      %mul3A_884 = arith.muli %add3A_869, %mul3A_883 : i32
      %swap3A_885 = arith.index_cast %mul3A_884 : i32 to index
      %swap3A_886 = tpu.vector_load %arg19[%swap3A_885] {strides = array<i32>} : memref<8192xi32, #tpu.memory_space<vmem>>, vector<16xi32>,
      %swap3A_887 = vector.shape_cast %swap3A_886 : vector<16xi32> to vector<16xi32>
      %swap3A_888 = vector.shape_cast %get3A_882 : vector<16xi32> to vector<16xi32>
      tpu.vector_store %arg19[%swap3A_885], %swap3A_888 {strides = array<i32>} : memref<8192xi32, #tpu.memory_space<vmem>>, vector<16xi32>,
      %scan3A_889 = arith.constant 5 : i32
      %scan3A_890 = arith.addi %scan3A_758, %scan3A_889 : i32
      %mul3A_891 = arith.constant 1 : i32
      %mul3A_892 = arith.muli %scan3A_890, %mul3A_891 : i32
      %add3A_893 = arith.constant 0 : i32
      %add3A_894 = arith.addi %add3A_893, %mul3A_892 : i32
      %add3A_895 = arith.constant 0 : i32
      %add3A_896 = arith.addi %add3A_895, %add3A_894 : i32
      %get3A_897 = arith.index_cast %add3A_896 : i32 to index
      %get3A_898 = tpu.vector_load %arg16[%get3A_897] {strides = array<i32>} : memref<528xi32, #tpu.memory_space<vmem>>, vector<16xi32>,
      %get3A_899 = vector.shape_cast %get3A_898 : vector<16xi32> to vector<16xi32>
      %slice3A_900 = vector.extract_strided_slice %get3A_899 {offsets = [0], sizes = [1], strides = [1]} : vector<16xi32> to vector<1xi32>
      %squeeze3A_901 = vector.extract %slice3A_900[0] : i32 from vector<1xi32>
      %and3A_902 = arith.constant 7 : i32
      %and3A_903 = arith.andi %squeeze3A_901, %and3A_902 : i32
      %mul3A_904 = arith.constant 16 : i32
      %mul3A_905 = arith.muli %and3A_903, %mul3A_904 : i32
      %get3A_906 = arith.index_cast %add3A_894 : i32 to index
      %get3A_907 = arith.index_cast %mul3A_905 : i32 to index
      %get3A_908 = tpu.vector_load %arg18[%get3A_906, %get3A_907] {strides = array<i32>} : memref<128x128xi32, #tpu.memory_space<vmem>>, vector<1x16xi32>,
      %get3A_909 = vector.shape_cast %get3A_908 : vector<1x16xi32> to vector<16xi32>
      %mul3A_910 = arith.constant 16 : i32
      %mul3A_911 = arith.muli %add3A_896, %mul3A_910 : i32
      %swap3A_912 = arith.index_cast %mul3A_911 : i32 to index
      %swap3A_913 = tpu.vector_load %arg19[%swap3A_912] {strides = array<i32>} : memref<8192xi32, #tpu.memory_space<vmem>>, vector<16xi32>,
      %swap3A_914 = vector.shape_cast %swap3A_913 : vector<16xi32> to vector<16xi32>
      %swap3A_915 = vector.shape_cast %get3A_909 : vector<16xi32> to vector<16xi32>
      tpu.vector_store %arg19[%swap3A_912], %swap3A_915 {strides = array<i32>} : memref<8192xi32, #tpu.memory_space<vmem>>, vector<16xi32>,
      %scan3A_916 = arith.constant 6 : i32
      %scan3A_917 = arith.addi %scan3A_758, %scan3A_916 : i32
      %mul3A_918 = arith.constant 1 : i32
      %mul3A_919 = arith.muli %scan3A_917, %mul3A_918 : i32
      %add3A_920 = arith.constant 0 : i32
      %add3A_921 = arith.addi %add3A_920, %mul3A_919 : i32
      %add3A_922 = arith.constant 0 : i32
      %add3A_923 = arith.addi %add3A_922, %add3A_921 : i32
      %get3A_924 = arith.index_cast %add3A_923 : i32 to index
      %get3A_925 = tpu.vector_load %arg16[%get3A_924] {strides = array<i32>} : memref<528xi32, #tpu.memory_space<vmem>>, vector<16xi32>,
      %get3A_926 = vector.shape_cast %get3A_925 : vector<16xi32> to vector<16xi32>
      %slice3A_927 = vector.extract_strided_slice %get3A_926 {offsets = [0], sizes = [1], strides = [1]} : vector<16xi32> to vector<1xi32>
      %squeeze3A_928 = vector.extract %slice3A_927[0] : i32 from vector<1xi32>
      %and3A_929 = arith.constant 7 : i32
      %and3A_930 = arith.andi %squeeze3A_928, %and3A_929 : i32
      %mul3A_931 = arith.constant 16 : i32
      %mul3A_932 = arith.muli %and3A_930, %mul3A_931 : i32
      %get3A_933 = arith.index_cast %add3A_921 : i32 to index
      %get3A_934 = arith.index_cast %mul3A_932 : i32 to index
      %get3A_935 = tpu.vector_load %arg18[%get3A_933, %get3A_934] {strides = array<i32>} : memref<128x128xi32, #tpu.memory_space<vmem>>, vector<1x16xi32>,
      %get3A_936 = vector.shape_cast %get3A_935 : vector<1x16xi32> to vector<16xi32>
      %mul3A_937 = arith.constant 16 : i32
      %mul3A_938 = arith.muli %add3A_923, %mul3A_937 : i32
      %swap3A_939 = arith.index_cast %mul3A_938 : i32 to index
      %swap3A_940 = tpu.vector_load %arg19[%swap3A_939] {strides = array<i32>} : memref<8192xi32, #tpu.memory_space<vmem>>, vector<16xi32>,
      %swap3A_941 = vector.shape_cast %swap3A_940 : vector<16xi32> to vector<16xi32>
      %swap3A_942 = vector.shape_cast %get3A_936 : vector<16xi32> to vector<16xi32>
      tpu.vector_store %arg19[%swap3A_939], %swap3A_942 {strides = array<i32>} : memref<8192xi32, #tpu.memory_space<vmem>>, vector<16xi32>,
      %scan3A_943 = arith.constant 7 : i32
      %scan3A_944 = arith.addi %scan3A_758, %scan3A_943 : i32
      %mul3A_945 = arith.constant 1 : i32
      %mul3A_946 = arith.muli %scan3A_944, %mul3A_945 : i32
      %add3A_947 = arith.constant 0 : i32
      %add3A_948 = arith.addi %add3A_947, %mul3A_946 : i32
      %add3A_949 = arith.constant 0 : i32
      %add3A_950 = arith.addi %add3A_949, %add3A_948 : i32
      %get3A_951 = arith.index_cast %add3A_950 : i32 to index
      %get3A_952 = tpu.vector_load %arg16[%get3A_951] {strides = array<i32>} : memref<528xi32, #tpu.memory_space<vmem>>, vector<16xi32>,
      %get3A_953 = vector.shape_cast %get3A_952 : vector<16xi32> to vector<16xi32>
      %slice3A_954 = vector.extract_strided_slice %get3A_953 {offsets = [0], sizes = [1], strides = [1]} : vector<16xi32> to vector<1xi32>
      %squeeze3A_955 = vector.extract %slice3A_954[0] : i32 from vector<1xi32>
      %and3A_956 = arith.constant 7 : i32
      %and3A_957 = arith.andi %squeeze3A_955, %and3A_956 : i32
      %mul3A_958 = arith.constant 16 : i32
      %mul3A_959 = arith.muli %and3A_957, %mul3A_958 : i32
      %get3A_960 = arith.index_cast %add3A_948 : i32 to index
      %get3A_961 = arith.index_cast %mul3A_959 : i32 to index
      %get3A_962 = tpu.vector_load %arg18[%get3A_960, %get3A_961] {strides = array<i32>} : memref<128x128xi32, #tpu.memory_space<vmem>>, vector<1x16xi32>,
      %get3A_963 = vector.shape_cast %get3A_962 : vector<1x16xi32> to vector<16xi32>
      %mul3A_964 = arith.constant 16 : i32
      %mul3A_965 = arith.muli %add3A_950, %mul3A_964 : i32
      %swap3A_966 = arith.index_cast %mul3A_965 : i32 to index
      %swap3A_967 = tpu.vector_load %arg19[%swap3A_966] {strides = array<i32>} : memref<8192xi32, #tpu.memory_space<vmem>>, vector<16xi32>,
      %swap3A_968 = vector.shape_cast %swap3A_967 : vector<16xi32> to vector<16xi32>
      %swap3A_969 = vector.shape_cast %get3A_963 : vector<16xi32> to vector<16xi32>
      tpu.vector_store %arg19[%swap3A_966], %swap3A_969 {strides = array<i32>} : memref<8192xi32, #tpu.memory_space<vmem>>, vector<16xi32>,
      %scan3A_970 = arith.constant 8 : i32
      %scan3A_971 = arith.addi %scan3A_758, %scan3A_970 : i32
      %mul3A_972 = arith.constant 1 : i32
      %mul3A_973 = arith.muli %scan3A_971, %mul3A_972 : i32
      %add3A_974 = arith.constant 0 : i32
      %add3A_975 = arith.addi %add3A_974, %mul3A_973 : i32
      %add3A_976 = arith.constant 0 : i32
      %add3A_977 = arith.addi %add3A_976, %add3A_975 : i32
      %get3A_978 = arith.index_cast %add3A_977 : i32 to index
      %get3A_979 = tpu.vector_load %arg16[%get3A_978] {strides = array<i32>} : memref<528xi32, #tpu.memory_space<vmem>>, vector<16xi32>,
      %get3A_980 = vector.shape_cast %get3A_979 : vector<16xi32> to vector<16xi32>
      %slice3A_981 = vector.extract_strided_slice %get3A_980 {offsets = [0], sizes = [1], strides = [1]} : vector<16xi32> to vector<1xi32>
      %squeeze3A_982 = vector.extract %slice3A_981[0] : i32 from vector<1xi32>
      %and3A_983 = arith.constant 7 : i32
      %and3A_984 = arith.andi %squeeze3A_982, %and3A_983 : i32
      %mul3A_985 = arith.constant 16 : i32
      %mul3A_986 = arith.muli %and3A_984, %mul3A_985 : i32
      %get3A_987 = arith.index_cast %add3A_975 : i32 to index
      %get3A_988 = arith.index_cast %mul3A_986 : i32 to index
      %get3A_989 = tpu.vector_load %arg18[%get3A_987, %get3A_988] {strides = array<i32>} : memref<128x128xi32, #tpu.memory_space<vmem>>, vector<1x16xi32>,
      %get3A_990 = vector.shape_cast %get3A_989 : vector<1x16xi32> to vector<16xi32>
      %mul3A_991 = arith.constant 16 : i32
      %mul3A_992 = arith.muli %add3A_977, %mul3A_991 : i32
      %swap3A_993 = arith.index_cast %mul3A_992 : i32 to index
      %swap3A_994 = tpu.vector_load %arg19[%swap3A_993] {strides = array<i32>} : memref<8192xi32, #tpu.memory_space<vmem>>, vector<16xi32>,
      %swap3A_995 = vector.shape_cast %swap3A_994 : vector<16xi32> to vector<16xi32>
      %swap3A_996 = vector.shape_cast %get3A_990 : vector<16xi32> to vector<16xi32>
      tpu.vector_store %arg19[%swap3A_993], %swap3A_996 {strides = array<i32>} : memref<8192xi32, #tpu.memory_space<vmem>>, vector<16xi32>,
      %scan3A_997 = arith.constant 9 : i32
      %scan3A_998 = arith.addi %scan3A_758, %scan3A_997 : i32
      %mul3A_999 = arith.constant 1 : i32
      %mul3A_1000 = arith.muli %scan3A_998, %mul3A_999 : i32
      %add3A_1001 = arith.constant 0 : i32
      %add3A_1002 = arith.addi %add3A_1001, %mul3A_1000 : i32
      %add3A_1003 = arith.constant 0 : i32
      %add3A_1004 = arith.addi %add3A_1003, %add3A_1002 : i32
      %get3A_1005 = arith.index_cast %add3A_1004 : i32 to index
      %get3A_1006 = tpu.vector_load %arg16[%get3A_1005] {strides = array<i32>} : memref<528xi32, #tpu.memory_space<vmem>>, vector<16xi32>,
      %get3A_1007 = vector.shape_cast %get3A_1006 : vector<16xi32> to vector<16xi32>
      %slice3A_1008 = vector.extract_strided_slice %get3A_1007 {offsets = [0], sizes = [1], strides = [1]} : vector<16xi32> to vector<1xi32>
      %squeeze3A_1009 = vector.extract %slice3A_1008[0] : i32 from vector<1xi32>
      %and3A_1010 = arith.constant 7 : i32
      %and3A_1011 = arith.andi %squeeze3A_1009, %and3A_1010 : i32
      %mul3A_1012 = arith.constant 16 : i32
      %mul3A_1013 = arith.muli %and3A_1011, %mul3A_1012 : i32
      %get3A_1014 = arith.index_cast %add3A_1002 : i32 to index
      %get3A_1015 = arith.index_cast %mul3A_1013 : i32 to index
      %get3A_1016 = tpu.vector_load %arg18[%get3A_1014, %get3A_1015] {strides = array<i32>} : memref<128x128xi32, #tpu.memory_space<vmem>>, vector<1x16xi32>,
      %get3A_1017 = vector.shape_cast %get3A_1016 : vector<1x16xi32> to vector<16xi32>
      %mul3A_1018 = arith.constant 16 : i32
      %mul3A_1019 = arith.muli %add3A_1004, %mul3A_1018 : i32
      %swap3A_1020 = arith.index_cast %mul3A_1019 : i32 to index
      %swap3A_1021 = tpu.vector_load %arg19[%swap3A_1020] {strides = array<i32>} : memref<8192xi32, #tpu.memory_space<vmem>>, vector<16xi32>,
      %swap3A_1022 = vector.shape_cast %swap3A_1021 : vector<16xi32> to vector<16xi32>
      %swap3A_1023 = vector.shape_cast %get3A_1017 : vector<16xi32> to vector<16xi32>
      tpu.vector_store %arg19[%swap3A_1020], %swap3A_1023 {strides = array<i32>} : memref<8192xi32, #tpu.memory_space<vmem>>, vector<16xi32>,
      %scan3A_1024 = arith.constant 10 : i32
      %scan3A_1025 = arith.addi %scan3A_758, %scan3A_1024 : i32
      %mul3A_1026 = arith.constant 1 : i32
      %mul3A_1027 = arith.muli %scan3A_1025, %mul3A_1026 : i32
      %add3A_1028 = arith.constant 0 : i32
      %add3A_1029 = arith.addi %add3A_1028, %mul3A_1027 : i32
      %add3A_1030 = arith.constant 0 : i32
      %add3A_1031 = arith.addi %add3A_1030, %add3A_1029 : i32
      %get3A_1032 = arith.index_cast %add3A_1031 : i32 to index
      %get3A_1033 = tpu.vector_load %arg16[%get3A_1032] {strides = array<i32>} : memref<528xi32, #tpu.memory_space<vmem>>, vector<16xi32>,
      %get3A_1034 = vector.shape_cast %get3A_1033 : vector<16xi32> to vector<16xi32>
      %slice3A_1035 = vector.extract_strided_slice %get3A_1034 {offsets = [0], sizes = [1], strides = [1]} : vector<16xi32> to vector<1xi32>
      %squeeze3A_1036 = vector.extract %slice3A_1035[0] : i32 from vector<1xi32>
      %and3A_1037 = arith.constant 7 : i32
      %and3A_1038 = arith.andi %squeeze3A_1036, %and3A_1037 : i32
      %mul3A_1039 = arith.constant 16 : i32
      %mul3A_1040 = arith.muli %and3A_1038, %mul3A_1039 : i32
      %get3A_1041 = arith.index_cast %add3A_1029 : i32 to index
      %get3A_1042 = arith.index_cast %mul3A_1040 : i32 to index
      %get3A_1043 = tpu.vector_load %arg18[%get3A_1041, %get3A_1042] {strides = array<i32>} : memref<128x128xi32, #tpu.memory_space<vmem>>, vector<1x16xi32>,
      %get3A_1044 = vector.shape_cast %get3A_1043 : vector<1x16xi32> to vector<16xi32>
      %mul3A_1045 = arith.constant 16 : i32
      %mul3A_1046 = arith.muli %add3A_1031, %mul3A_1045 : i32
      %swap3A_1047 = arith.index_cast %mul3A_1046 : i32 to index
      %swap3A_1048 = tpu.vector_load %arg19[%swap3A_1047] {strides = array<i32>} : memref<8192xi32, #tpu.memory_space<vmem>>, vector<16xi32>,
      %swap3A_1049 = vector.shape_cast %swap3A_1048 : vector<16xi32> to vector<16xi32>
      %swap3A_1050 = vector.shape_cast %get3A_1044 : vector<16xi32> to vector<16xi32>
      tpu.vector_store %arg19[%swap3A_1047], %swap3A_1050 {strides = array<i32>} : memref<8192xi32, #tpu.memory_space<vmem>>, vector<16xi32>,
      %scan3A_1051 = arith.constant 11 : i32
      %scan3A_1052 = arith.addi %scan3A_758, %scan3A_1051 : i32
      %mul3A_1053 = arith.constant 1 : i32
      %mul3A_1054 = arith.muli %scan3A_1052, %mul3A_1053 : i32
      %add3A_1055 = arith.constant 0 : i32
      %add3A_1056 = arith.addi %add3A_1055, %mul3A_1054 : i32
      %add3A_1057 = arith.constant 0 : i32
      %add3A_1058 = arith.addi %add3A_1057, %add3A_1056 : i32
      %get3A_1059 = arith.index_cast %add3A_1058 : i32 to index
      %get3A_1060 = tpu.vector_load %arg16[%get3A_1059] {strides = array<i32>} : memref<528xi32, #tpu.memory_space<vmem>>, vector<16xi32>,
      %get3A_1061 = vector.shape_cast %get3A_1060 : vector<16xi32> to vector<16xi32>
      %slice3A_1062 = vector.extract_strided_slice %get3A_1061 {offsets = [0], sizes = [1], strides = [1]} : vector<16xi32> to vector<1xi32>
      %squeeze3A_1063 = vector.extract %slice3A_1062[0] : i32 from vector<1xi32>
      %and3A_1064 = arith.constant 7 : i32
      %and3A_1065 = arith.andi %squeeze3A_1063, %and3A_1064 : i32
      %mul3A_1066 = arith.constant 16 : i32
      %mul3A_1067 = arith.muli %and3A_1065, %mul3A_1066 : i32
      %get3A_1068 = arith.index_cast %add3A_1056 : i32 to index
      %get3A_1069 = arith.index_cast %mul3A_1067 : i32 to index
      %get3A_1070 = tpu.vector_load %arg18[%get3A_1068, %get3A_1069] {strides = array<i32>} : memref<128x128xi32, #tpu.memory_space<vmem>>, vector<1x16xi32>,
      %get3A_1071 = vector.shape_cast %get3A_1070 : vector<1x16xi32> to vector<16xi32>
      %mul3A_1072 = arith.constant 16 : i32
      %mul3A_1073 = arith.muli %add3A_1058, %mul3A_1072 : i32
      %swap3A_1074 = arith.index_cast %mul3A_1073 : i32 to index
      %swap3A_1075 = tpu.vector_load %arg19[%swap3A_1074] {strides = array<i32>} : memref<8192xi32, #tpu.memory_space<vmem>>, vector<16xi32>,
      %swap3A_1076 = vector.shape_cast %swap3A_1075 : vector<16xi32> to vector<16xi32>
      %swap3A_1077 = vector.shape_cast %get3A_1071 : vector<16xi32> to vector<16xi32>
      tpu.vector_store %arg19[%swap3A_1074], %swap3A_1077 {strides = array<i32>} : memref<8192xi32, #tpu.memory_space<vmem>>, vector<16xi32>,
      %scan3A_1078 = arith.constant 12 : i32
      %scan3A_1079 = arith.addi %scan3A_758, %scan3A_1078 : i32
      %mul3A_1080 = arith.constant 1 : i32
      %mul3A_1081 = arith.muli %scan3A_1079, %mul3A_1080 : i32
      %add3A_1082 = arith.constant 0 : i32
      %add3A_1083 = arith.addi %add3A_1082, %mul3A_1081 : i32
      %add3A_1084 = arith.constant 0 : i32
      %add3A_1085 = arith.addi %add3A_1084, %add3A_1083 : i32
      %get3A_1086 = arith.index_cast %add3A_1085 : i32 to index
      %get3A_1087 = tpu.vector_load %arg16[%get3A_1086] {strides = array<i32>} : memref<528xi32, #tpu.memory_space<vmem>>, vector<16xi32>,
      %get3A_1088 = vector.shape_cast %get3A_1087 : vector<16xi32> to vector<16xi32>
      %slice3A_1089 = vector.extract_strided_slice %get3A_1088 {offsets = [0], sizes = [1], strides = [1]} : vector<16xi32> to vector<1xi32>
      %squeeze3A_1090 = vector.extract %slice3A_1089[0] : i32 from vector<1xi32>
      %and3A_1091 = arith.constant 7 : i32
      %and3A_1092 = arith.andi %squeeze3A_1090, %and3A_1091 : i32
      %mul3A_1093 = arith.constant 16 : i32
      %mul3A_1094 = arith.muli %and3A_1092, %mul3A_1093 : i32
      %get3A_1095 = arith.index_cast %add3A_1083 : i32 to index
      %get3A_1096 = arith.index_cast %mul3A_1094 : i32 to index
      %get3A_1097 = tpu.vector_load %arg18[%get3A_1095, %get3A_1096] {strides = array<i32>} : memref<128x128xi32, #tpu.memory_space<vmem>>, vector<1x16xi32>,
      %get3A_1098 = vector.shape_cast %get3A_1097 : vector<1x16xi32> to vector<16xi32>
      %mul3A_1099 = arith.constant 16 : i32
      %mul3A_1100 = arith.muli %add3A_1085, %mul3A_1099 : i32
      %swap3A_1101 = arith.index_cast %mul3A_1100 : i32 to index
      %swap3A_1102 = tpu.vector_load %arg19[%swap3A_1101] {strides = array<i32>} : memref<8192xi32, #tpu.memory_space<vmem>>, vector<16xi32>,
      %swap3A_1103 = vector.shape_cast %swap3A_1102 : vector<16xi32> to vector<16xi32>
      %swap3A_1104 = vector.shape_cast %get3A_1098 : vector<16xi32> to vector<16xi32>
      tpu.vector_store %arg19[%swap3A_1101], %swap3A_1104 {strides = array<i32>} : memref<8192xi32, #tpu.memory_space<vmem>>, vector<16xi32>,
      %scan3A_1105 = arith.constant 13 : i32
      %scan3A_1106 = arith.addi %scan3A_758, %scan3A_1105 : i32
      %mul3A_1107 = arith.constant 1 : i32
      %mul3A_1108 = arith.muli %scan3A_1106, %mul3A_1107 : i32
      %add3A_1109 = arith.constant 0 : i32
      %add3A_1110 = arith.addi %add3A_1109, %mul3A_1108 : i32
      %add3A_1111 = arith.constant 0 : i32
      %add3A_1112 = arith.addi %add3A_1111, %add3A_1110 : i32
      %get3A_1113 = arith.index_cast %add3A_1112 : i32 to index
      %get3A_1114 = tpu.vector_load %arg16[%get3A_1113] {strides = array<i32>} : memref<528xi32, #tpu.memory_space<vmem>>, vector<16xi32>,
      %get3A_1115 = vector.shape_cast %get3A_1114 : vector<16xi32> to vector<16xi32>
      %slice3A_1116 = vector.extract_strided_slice %get3A_1115 {offsets = [0], sizes = [1], strides = [1]} : vector<16xi32> to vector<1xi32>
      %squeeze3A_1117 = vector.extract %slice3A_1116[0] : i32 from vector<1xi32>
      %and3A_1118 = arith.constant 7 : i32
      %and3A_1119 = arith.andi %squeeze3A_1117, %and3A_1118 : i32
      %mul3A_1120 = arith.constant 16 : i32
      %mul3A_1121 = arith.muli %and3A_1119, %mul3A_1120 : i32
      %get3A_1122 = arith.index_cast %add3A_1110 : i32 to index
      %get3A_1123 = arith.index_cast %mul3A_1121 : i32 to index
      %get3A_1124 = tpu.vector_load %arg18[%get3A_1122, %get3A_1123] {strides = array<i32>} : memref<128x128xi32, #tpu.memory_space<vmem>>, vector<1x16xi32>,
      %get3A_1125 = vector.shape_cast %get3A_1124 : vector<1x16xi32> to vector<16xi32>
      %mul3A_1126 = arith.constant 16 : i32
      %mul3A_1127 = arith.muli %add3A_1112, %mul3A_1126 : i32
      %swap3A_1128 = arith.index_cast %mul3A_1127 : i32 to index
      %swap3A_1129 = tpu.vector_load %arg19[%swap3A_1128] {strides = array<i32>} : memref<8192xi32, #tpu.memory_space<vmem>>, vector<16xi32>,
      %swap3A_1130 = vector.shape_cast %swap3A_1129 : vector<16xi32> to vector<16xi32>
      %swap3A_1131 = vector.shape_cast %get3A_1125 : vector<16xi32> to vector<16xi32>
      tpu.vector_store %arg19[%swap3A_1128], %swap3A_1131 {strides = array<i32>} : memref<8192xi32, #tpu.memory_space<vmem>>, vector<16xi32>,
      %scan3A_1132 = arith.constant 14 : i32
      %scan3A_1133 = arith.addi %scan3A_758, %scan3A_1132 : i32
      %mul3A_1134 = arith.constant 1 : i32
      %mul3A_1135 = arith.muli %scan3A_1133, %mul3A_1134 : i32
      %add3A_1136 = arith.constant 0 : i32
      %add3A_1137 = arith.addi %add3A_1136, %mul3A_1135 : i32
      %add3A_1138 = arith.constant 0 : i32
      %add3A_1139 = arith.addi %add3A_1138, %add3A_1137 : i32
      %get3A_1140 = arith.index_cast %add3A_1139 : i32 to index
      %get3A_1141 = tpu.vector_load %arg16[%get3A_1140] {strides = array<i32>} : memref<528xi32, #tpu.memory_space<vmem>>, vector<16xi32>,
      %get3A_1142 = vector.shape_cast %get3A_1141 : vector<16xi32> to vector<16xi32>
      %slice3A_1143 = vector.extract_strided_slice %get3A_1142 {offsets = [0], sizes = [1], strides = [1]} : vector<16xi32> to vector<1xi32>
      %squeeze3A_1144 = vector.extract %slice3A_1143[0] : i32 from vector<1xi32>
      %and3A_1145 = arith.constant 7 : i32
      %and3A_1146 = arith.andi %squeeze3A_1144, %and3A_1145 : i32
      %mul3A_1147 = arith.constant 16 : i32
      %mul3A_1148 = arith.muli %and3A_1146, %mul3A_1147 : i32
      %get3A_1149 = arith.index_cast %add3A_1137 : i32 to index
      %get3A_1150 = arith.index_cast %mul3A_1148 : i32 to index
      %get3A_1151 = tpu.vector_load %arg18[%get3A_1149, %get3A_1150] {strides = array<i32>} : memref<128x128xi32, #tpu.memory_space<vmem>>, vector<1x16xi32>,
      %get3A_1152 = vector.shape_cast %get3A_1151 : vector<1x16xi32> to vector<16xi32>
      %mul3A_1153 = arith.constant 16 : i32
      %mul3A_1154 = arith.muli %add3A_1139, %mul3A_1153 : i32
      %swap3A_1155 = arith.index_cast %mul3A_1154 : i32 to index
      %swap3A_1156 = tpu.vector_load %arg19[%swap3A_1155] {strides = array<i32>} : memref<8192xi32, #tpu.memory_space<vmem>>, vector<16xi32>,
      %swap3A_1157 = vector.shape_cast %swap3A_1156 : vector<16xi32> to vector<16xi32>
      %swap3A_1158 = vector.shape_cast %get3A_1152 : vector<16xi32> to vector<16xi32>
      tpu.vector_store %arg19[%swap3A_1155], %swap3A_1158 {strides = array<i32>} : memref<8192xi32, #tpu.memory_space<vmem>>, vector<16xi32>,
      %scan3A_1159 = arith.constant 15 : i32
      %scan3A_1160 = arith.addi %scan3A_758, %scan3A_1159 : i32
      %mul3A_1161 = arith.constant 1 : i32
      %mul3A_1162 = arith.muli %scan3A_1160, %mul3A_1161 : i32
      %add3A_1163 = arith.constant 0 : i32
      %add3A_1164 = arith.addi %add3A_1163, %mul3A_1162 : i32
      %add3A_1165 = arith.constant 0 : i32
      %add3A_1166 = arith.addi %add3A_1165, %add3A_1164 : i32
      %get3A_1167 = arith.index_cast %add3A_1166 : i32 to index
      %get3A_1168 = tpu.vector_load %arg16[%get3A_1167] {strides = array<i32>} : memref<528xi32, #tpu.memory_space<vmem>>, vector<16xi32>,
      %get3A_1169 = vector.shape_cast %get3A_1168 : vector<16xi32> to vector<16xi32>
      %slice3A_1170 = vector.extract_strided_slice %get3A_1169 {offsets = [0], sizes = [1], strides = [1]} : vector<16xi32> to vector<1xi32>
      %squeeze3A_1171 = vector.extract %slice3A_1170[0] : i32 from vector<1xi32>
      %and3A_1172 = arith.constant 7 : i32
      %and3A_1173 = arith.andi %squeeze3A_1171, %and3A_1172 : i32
      %mul3A_1174 = arith.constant 16 : i32
      %mul3A_1175 = arith.muli %and3A_1173, %mul3A_1174 : i32
      %get3A_1176 = arith.index_cast %add3A_1164 : i32 to index
      %get3A_1177 = arith.index_cast %mul3A_1175 : i32 to index
      %get3A_1178 = tpu.vector_load %arg18[%get3A_1176, %get3A_1177] {strides = array<i32>} : memref<128x128xi32, #tpu.memory_space<vmem>>, vector<1x16xi32>,
      %get3A_1179 = vector.shape_cast %get3A_1178 : vector<1x16xi32> to vector<16xi32>
      %mul3A_1180 = arith.constant 16 : i32
      %mul3A_1181 = arith.muli %add3A_1166, %mul3A_1180 : i32
      %swap3A_1182 = arith.index_cast %mul3A_1181 : i32 to index
      %swap3A_1183 = tpu.vector_load %arg19[%swap3A_1182] {strides = array<i32>} : memref<8192xi32, #tpu.memory_space<vmem>>, vector<16xi32>,
      %swap3A_1184 = vector.shape_cast %swap3A_1183 : vector<16xi32> to vector<16xi32>
      %swap3A_1185 = vector.shape_cast %get3A_1179 : vector<16xi32> to vector<16xi32>
      tpu.vector_store %arg19[%swap3A_1182], %swap3A_1185 {strides = array<i32>} : memref<8192xi32, #tpu.memory_space<vmem>>, vector<16xi32>,
    }
    %scan3A_416 = arith.constant 128 : i32
    %dma_start3A_417 = arith.constant 128 : i32
    %dma_start3A_418 = tpu.memref_slice %arg17[%dma_start3A_417] : memref<512xi32, #tpu.memory_space<vmem>> -> memref<128xi32, #tpu.memory_space<vmem>>
    %dma_start3A_419 = arith.constant 0 : i32
    %dma_start3A_420 = arith.constant 0 : i32
    %dma_start3A_421 = tpu.memref_slice %arg4[%dma_start3A_419, %dma_start3A_420] : memref<12500x128xi32, #tpu.memory_space<hbm>> -> memref<12500x128xi32, #tpu.memory_space<hbm>>
    tpu.enqueue_indirect_dma source(%dma_start3A_421 : memref<12500x128xi32, #tpu.memory_space<hbm>>) target(%arg18 : memref<128x128xi32, #tpu.memory_space<vmem>>) offsets(%dma_start3A_418 : memref<128xi32, #tpu.memory_space<vmem>>) semaphore(%arg36 : memref<!tpu.dma_semaphore, #tpu.memory_space<semaphore_mem>>)
    %dma_wait3A_422 = arith.constant 128 : i32
    %dma_wait3A_423 = tpu.memref_slice %arg17[%dma_wait3A_422] : memref<512xi32, #tpu.memory_space<vmem>> -> memref<128xi32, #tpu.memory_space<vmem>>
    %dma_wait3A_424 = arith.constant 0 : i32
    %dma_wait3A_425 = arith.constant 0 : i32
    %dma_wait3A_426 = tpu.memref_slice %arg4[%dma_wait3A_424, %dma_wait3A_425] : memref<12500x128xi32, #tpu.memory_space<hbm>> -> memref<12500x128xi32, #tpu.memory_space<hbm>>
    tpu.wait_indirect_dma semaphore(%arg36 : memref<!tpu.dma_semaphore, #tpu.memory_space<semaphore_mem>>) src(%dma_wait3A_426 : memref<12500x128xi32, #tpu.memory_space<hbm>>) dst(%arg18 : memref<128x128xi32, #tpu.memory_space<vmem>>)
    %scan3A_427 = arith.constant 0 : i32
    %scan3A_428 = arith.constant 128 : i32
    %scan3A_429 = arith.addi %scan3A_427, %scan3A_428 : i32
    %scan3A_430 = arith.constant 16 : i32
    scf.for %scan3A_758 = %scan3A_427 to %scan3A_429 step %scan3A_430  : i32 {
      %mul3A_759 = arith.constant 1 : i32
      %mul3A_760 = arith.muli %scan3A_758, %mul3A_759 : i32
      %add3A_761 = arith.constant 0 : i32
      %add3A_762 = arith.addi %add3A_761, %mul3A_760 : i32
      %add3A_763 = arith.constant 128 : i32
      %add3A_764 = arith.addi %add3A_763, %add3A_762 : i32
      %get3A_765 = arith.index_cast %add3A_764 : i32 to index
      %get3A_766 = tpu.vector_load %arg16[%get3A_765] {strides = array<i32>} : memref<528xi32, #tpu.memory_space<vmem>>, vector<16xi32>,
      %get3A_767 = vector.shape_cast %get3A_766 : vector<16xi32> to vector<16xi32>
      %slice3A = vector.extract_strided_slice %get3A_767 {offsets = [0], sizes = [1], strides = [1]} : vector<16xi32> to vector<1xi32>
      %squeeze3A = vector.extract %slice3A[0] : i32 from vector<1xi32>
      %and3A = arith.constant 7 : i32
      %and3A_768 = arith.andi %squeeze3A, %and3A : i32
      %mul3A_769 = arith.constant 16 : i32
      %mul3A_770 = arith.muli %and3A_768, %mul3A_769 : i32
      %get3A_771 = arith.index_cast %add3A_762 : i32 to index
      %get3A_772 = arith.index_cast %mul3A_770 : i32 to index
      %get3A_773 = tpu.vector_load %arg18[%get3A_771, %get3A_772] {strides = array<i32>} : memref<128x128xi32, #tpu.memory_space<vmem>>, vector<1x16xi32>,
      %get3A_774 = vector.shape_cast %get3A_773 : vector<1x16xi32> to vector<16xi32>
      %mul3A_775 = arith.constant 16 : i32
      %mul3A_776 = arith.muli %add3A_764, %mul3A_775 : i32
      %swap3A_777 = arith.index_cast %mul3A_776 : i32 to index
      %swap3A_778 = tpu.vector_load %arg19[%swap3A_777] {strides = array<i32>} : memref<8192xi32, #tpu.memory_space<vmem>>, vector<16xi32>,
      %swap3A_779 = vector.shape_cast %swap3A_778 : vector<16xi32> to vector<16xi32>
      %swap3A_780 = vector.shape_cast %get3A_774 : vector<16xi32> to vector<16xi32>
      tpu.vector_store %arg19[%swap3A_777], %swap3A_780 {strides = array<i32>} : memref<8192xi32, #tpu.memory_space<vmem>>, vector<16xi32>,
      %scan3A_781 = arith.constant 1 : i32
      %scan3A_782 = arith.addi %scan3A_758, %scan3A_781 : i32
      %mul3A_783 = arith.constant 1 : i32
      %mul3A_784 = arith.muli %scan3A_782, %mul3A_783 : i32
      %add3A_785 = arith.constant 0 : i32
      %add3A_786 = arith.addi %add3A_785, %mul3A_784 : i32
      %add3A_787 = arith.constant 128 : i32
      %add3A_788 = arith.addi %add3A_787, %add3A_786 : i32
      %get3A_789 = arith.index_cast %add3A_788 : i32 to index
      %get3A_790 = tpu.vector_load %arg16[%get3A_789] {strides = array<i32>} : memref<528xi32, #tpu.memory_space<vmem>>, vector<16xi32>,
      %get3A_791 = vector.shape_cast %get3A_790 : vector<16xi32> to vector<16xi32>
      %slice3A_792 = vector.extract_strided_slice %get3A_791 {offsets = [0], sizes = [1], strides = [1]} : vector<16xi32> to vector<1xi32>
      %squeeze3A_793 = vector.extract %slice3A_792[0] : i32 from vector<1xi32>
      %and3A_794 = arith.constant 7 : i32
      %and3A_795 = arith.andi %squeeze3A_793, %and3A_794 : i32
      %mul3A_796 = arith.constant 16 : i32
      %mul3A_797 = arith.muli %and3A_795, %mul3A_796 : i32
      %get3A_798 = arith.index_cast %add3A_786 : i32 to index
      %get3A_799 = arith.index_cast %mul3A_797 : i32 to index
      %get3A_800 = tpu.vector_load %arg18[%get3A_798, %get3A_799] {strides = array<i32>} : memref<128x128xi32, #tpu.memory_space<vmem>>, vector<1x16xi32>,
      %get3A_801 = vector.shape_cast %get3A_800 : vector<1x16xi32> to vector<16xi32>
      %mul3A_802 = arith.constant 16 : i32
      %mul3A_803 = arith.muli %add3A_788, %mul3A_802 : i32
      %swap3A_804 = arith.index_cast %mul3A_803 : i32 to index
      %swap3A_805 = tpu.vector_load %arg19[%swap3A_804] {strides = array<i32>} : memref<8192xi32, #tpu.memory_space<vmem>>, vector<16xi32>,
      %swap3A_806 = vector.shape_cast %swap3A_805 : vector<16xi32> to vector<16xi32>
      %swap3A_807 = vector.shape_cast %get3A_801 : vector<16xi32> to vector<16xi32>
      tpu.vector_store %arg19[%swap3A_804], %swap3A_807 {strides = array<i32>} : memref<8192xi32, #tpu.memory_space<vmem>>, vector<16xi32>,
      %scan3A_808 = arith.constant 2 : i32
      %scan3A_809 = arith.addi %scan3A_758, %scan3A_808 : i32
      %mul3A_810 = arith.constant 1 : i32
      %mul3A_811 = arith.muli %scan3A_809, %mul3A_810 : i32
      %add3A_812 = arith.constant 0 : i32
      %add3A_813 = arith.addi %add3A_812, %mul3A_811 : i32
      %add3A_814 = arith.constant 128 : i32
      %add3A_815 = arith.addi %add3A_814, %add3A_813 : i32
      %get3A_816 = arith.index_cast %add3A_815 : i32 to index
      %get3A_817 = tpu.vector_load %arg16[%get3A_816] {strides = array<i32>} : memref<528xi32, #tpu.memory_space<vmem>>, vector<16xi32>,
      %get3A_818 = vector.shape_cast %get3A_817 : vector<16xi32> to vector<16xi32>
      %slice3A_819 = vector.extract_strided_slice %get3A_818 {offsets = [0], sizes = [1], strides = [1]} : vector<16xi32> to vector<1xi32>
      %squeeze3A_820 = vector.extract %slice3A_819[0] : i32 from vector<1xi32>
      %and3A_821 = arith.constant 7 : i32
      %and3A_822 = arith.andi %squeeze3A_820, %and3A_821 : i32
      %mul3A_823 = arith.constant 16 : i32
      %mul3A_824 = arith.muli %and3A_822, %mul3A_823 : i32
      %get3A_825 = arith.index_cast %add3A_813 : i32 to index
      %get3A_826 = arith.index_cast %mul3A_824 : i32 to index
      %get3A_827 = tpu.vector_load %arg18[%get3A_825, %get3A_826] {strides = array<i32>} : memref<128x128xi32, #tpu.memory_space<vmem>>, vector<1x16xi32>,
      %get3A_828 = vector.shape_cast %get3A_827 : vector<1x16xi32> to vector<16xi32>
      %mul3A_829 = arith.constant 16 : i32
      %mul3A_830 = arith.muli %add3A_815, %mul3A_829 : i32
      %swap3A_831 = arith.index_cast %mul3A_830 : i32 to index
      %swap3A_832 = tpu.vector_load %arg19[%swap3A_831] {strides = array<i32>} : memref<8192xi32, #tpu.memory_space<vmem>>, vector<16xi32>,
      %swap3A_833 = vector.shape_cast %swap3A_832 : vector<16xi32> to vector<16xi32>
      %swap3A_834 = vector.shape_cast %get3A_828 : vector<16xi32> to vector<16xi32>
      tpu.vector_store %arg19[%swap3A_831], %swap3A_834 {strides = array<i32>} : memref<8192xi32, #tpu.memory_space<vmem>>, vector<16xi32>,
      %scan3A_835 = arith.constant 3 : i32
      %scan3A_836 = arith.addi %scan3A_758, %scan3A_835 : i32
      %mul3A_837 = arith.constant 1 : i32
      %mul3A_838 = arith.muli %scan3A_836, %mul3A_837 : i32
      %add3A_839 = arith.constant 0 : i32
      %add3A_840 = arith.addi %add3A_839, %mul3A_838 : i32
      %add3A_841 = arith.constant 128 : i32
      %add3A_842 = arith.addi %add3A_841, %add3A_840 : i32
      %get3A_843 = arith.index_cast %add3A_842 : i32 to index
      %get3A_844 = tpu.vector_load %arg16[%get3A_843] {strides = array<i32>} : memref<528xi32, #tpu.memory_space<vmem>>, vector<16xi32>,
      %get3A_845 = vector.shape_cast %get3A_844 : vector<16xi32> to vector<16xi32>
      %slice3A_846 = vector.extract_strided_slice %get3A_845 {offsets = [0], sizes = [1], strides = [1]} : vector<16xi32> to vector<1xi32>
      %squeeze3A_847 = vector.extract %slice3A_846[0] : i32 from vector<1xi32>
      %and3A_848 = arith.constant 7 : i32
      %and3A_849 = arith.andi %squeeze3A_847, %and3A_848 : i32
      %mul3A_850 = arith.constant 16 : i32
      %mul3A_851 = arith.muli %and3A_849, %mul3A_850 : i32
      %get3A_852 = arith.index_cast %add3A_840 : i32 to index
      %get3A_853 = arith.index_cast %mul3A_851 : i32 to index
      %get3A_854 = tpu.vector_load %arg18[%get3A_852, %get3A_853] {strides = array<i32>} : memref<128x128xi32, #tpu.memory_space<vmem>>, vector<1x16xi32>,
      %get3A_855 = vector.shape_cast %get3A_854 : vector<1x16xi32> to vector<16xi32>
      %mul3A_856 = arith.constant 16 : i32
      %mul3A_857 = arith.muli %add3A_842, %mul3A_856 : i32
      %swap3A_858 = arith.index_cast %mul3A_857 : i32 to index
      %swap3A_859 = tpu.vector_load %arg19[%swap3A_858] {strides = array<i32>} : memref<8192xi32, #tpu.memory_space<vmem>>, vector<16xi32>,
      %swap3A_860 = vector.shape_cast %swap3A_859 : vector<16xi32> to vector<16xi32>
      %swap3A_861 = vector.shape_cast %get3A_855 : vector<16xi32> to vector<16xi32>
      tpu.vector_store %arg19[%swap3A_858], %swap3A_861 {strides = array<i32>} : memref<8192xi32, #tpu.memory_space<vmem>>, vector<16xi32>,
      %scan3A_862 = arith.constant 4 : i32
      %scan3A_863 = arith.addi %scan3A_758, %scan3A_862 : i32
      %mul3A_864 = arith.constant 1 : i32
      %mul3A_865 = arith.muli %scan3A_863, %mul3A_864 : i32
      %add3A_866 = arith.constant 0 : i32
      %add3A_867 = arith.addi %add3A_866, %mul3A_865 : i32
      %add3A_868 = arith.constant 128 : i32
      %add3A_869 = arith.addi %add3A_868, %add3A_867 : i32
      %get3A_870 = arith.index_cast %add3A_869 : i32 to index
      %get3A_871 = tpu.vector_load %arg16[%get3A_870] {strides = array<i32>} : memref<528xi32, #tpu.memory_space<vmem>>, vector<16xi32>,
      %get3A_872 = vector.shape_cast %get3A_871 : vector<16xi32> to vector<16xi32>
      %slice3A_873 = vector.extract_strided_slice %get3A_872 {offsets = [0], sizes = [1], strides = [1]} : vector<16xi32> to vector<1xi32>
      %squeeze3A_874 = vector.extract %slice3A_873[0] : i32 from vector<1xi32>
      %and3A_875 = arith.constant 7 : i32
      %and3A_876 = arith.andi %squeeze3A_874, %and3A_875 : i32
      %mul3A_877 = arith.constant 16 : i32
      %mul3A_878 = arith.muli %and3A_876, %mul3A_877 : i32
      %get3A_879 = arith.index_cast %add3A_867 : i32 to index
      %get3A_880 = arith.index_cast %mul3A_878 : i32 to index
      %get3A_881 = tpu.vector_load %arg18[%get3A_879, %get3A_880] {strides = array<i32>} : memref<128x128xi32, #tpu.memory_space<vmem>>, vector<1x16xi32>,
      %get3A_882 = vector.shape_cast %get3A_881 : vector<1x16xi32> to vector<16xi32>
      %mul3A_883 = arith.constant 16 : i32
      %mul3A_884 = arith.muli %add3A_869, %mul3A_883 : i32
      %swap3A_885 = arith.index_cast %mul3A_884 : i32 to index
      %swap3A_886 = tpu.vector_load %arg19[%swap3A_885] {strides = array<i32>} : memref<8192xi32, #tpu.memory_space<vmem>>, vector<16xi32>,
      %swap3A_887 = vector.shape_cast %swap3A_886 : vector<16xi32> to vector<16xi32>
      %swap3A_888 = vector.shape_cast %get3A_882 : vector<16xi32> to vector<16xi32>
      tpu.vector_store %arg19[%swap3A_885], %swap3A_888 {strides = array<i32>} : memref<8192xi32, #tpu.memory_space<vmem>>, vector<16xi32>,
      %scan3A_889 = arith.constant 5 : i32
      %scan3A_890 = arith.addi %scan3A_758, %scan3A_889 : i32
      %mul3A_891 = arith.constant 1 : i32
      %mul3A_892 = arith.muli %scan3A_890, %mul3A_891 : i32
      %add3A_893 = arith.constant 0 : i32
      %add3A_894 = arith.addi %add3A_893, %mul3A_892 : i32
      %add3A_895 = arith.constant 128 : i32
      %add3A_896 = arith.addi %add3A_895, %add3A_894 : i32
      %get3A_897 = arith.index_cast %add3A_896 : i32 to index
      %get3A_898 = tpu.vector_load %arg16[%get3A_897] {strides = array<i32>} : memref<528xi32, #tpu.memory_space<vmem>>, vector<16xi32>,
      %get3A_899 = vector.shape_cast %get3A_898 : vector<16xi32> to vector<16xi32>
      %slice3A_900 = vector.extract_strided_slice %get3A_899 {offsets = [0], sizes = [1], strides = [1]} : vector<16xi32> to vector<1xi32>
      %squeeze3A_901 = vector.extract %slice3A_900[0] : i32 from vector<1xi32>
      %and3A_902 = arith.constant 7 : i32
      %and3A_903 = arith.andi %squeeze3A_901, %and3A_902 : i32
      %mul3A_904 = arith.constant 16 : i32
      %mul3A_905 = arith.muli %and3A_903, %mul3A_904 : i32
      %get3A_906 = arith.index_cast %add3A_894 : i32 to index
      %get3A_907 = arith.index_cast %mul3A_905 : i32 to index
      %get3A_908 = tpu.vector_load %arg18[%get3A_906, %get3A_907] {strides = array<i32>} : memref<128x128xi32, #tpu.memory_space<vmem>>, vector<1x16xi32>,
      %get3A_909 = vector.shape_cast %get3A_908 : vector<1x16xi32> to vector<16xi32>
      %mul3A_910 = arith.constant 16 : i32
      %mul3A_911 = arith.muli %add3A_896, %mul3A_910 : i32
      %swap3A_912 = arith.index_cast %mul3A_911 : i32 to index
      %swap3A_913 = tpu.vector_load %arg19[%swap3A_912] {strides = array<i32>} : memref<8192xi32, #tpu.memory_space<vmem>>, vector<16xi32>,
      %swap3A_914 = vector.shape_cast %swap3A_913 : vector<16xi32> to vector<16xi32>
      %swap3A_915 = vector.shape_cast %get3A_909 : vector<16xi32> to vector<16xi32>
      tpu.vector_store %arg19[%swap3A_912], %swap3A_915 {strides = array<i32>} : memref<8192xi32, #tpu.memory_space<vmem>>, vector<16xi32>,
      %scan3A_916 = arith.constant 6 : i32
      %scan3A_917 = arith.addi %scan3A_758, %scan3A_916 : i32
      %mul3A_918 = arith.constant 1 : i32
      %mul3A_919 = arith.muli %scan3A_917, %mul3A_918 : i32
      %add3A_920 = arith.constant 0 : i32
      %add3A_921 = arith.addi %add3A_920, %mul3A_919 : i32
      %add3A_922 = arith.constant 128 : i32
      %add3A_923 = arith.addi %add3A_922, %add3A_921 : i32
      %get3A_924 = arith.index_cast %add3A_923 : i32 to index
      %get3A_925 = tpu.vector_load %arg16[%get3A_924] {strides = array<i32>} : memref<528xi32, #tpu.memory_space<vmem>>, vector<16xi32>,
      %get3A_926 = vector.shape_cast %get3A_925 : vector<16xi32> to vector<16xi32>
      %slice3A_927 = vector.extract_strided_slice %get3A_926 {offsets = [0], sizes = [1], strides = [1]} : vector<16xi32> to vector<1xi32>
      %squeeze3A_928 = vector.extract %slice3A_927[0] : i32 from vector<1xi32>
      %and3A_929 = arith.constant 7 : i32
      %and3A_930 = arith.andi %squeeze3A_928, %and3A_929 : i32
      %mul3A_931 = arith.constant 16 : i32
      %mul3A_932 = arith.muli %and3A_930, %mul3A_931 : i32
      %get3A_933 = arith.index_cast %add3A_921 : i32 to index
      %get3A_934 = arith.index_cast %mul3A_932 : i32 to index
      %get3A_935 = tpu.vector_load %arg18[%get3A_933, %get3A_934] {strides = array<i32>} : memref<128x128xi32, #tpu.memory_space<vmem>>, vector<1x16xi32>,
      %get3A_936 = vector.shape_cast %get3A_935 : vector<1x16xi32> to vector<16xi32>
      %mul3A_937 = arith.constant 16 : i32
      %mul3A_938 = arith.muli %add3A_923, %mul3A_937 : i32
      %swap3A_939 = arith.index_cast %mul3A_938 : i32 to index
      %swap3A_940 = tpu.vector_load %arg19[%swap3A_939] {strides = array<i32>} : memref<8192xi32, #tpu.memory_space<vmem>>, vector<16xi32>,
      %swap3A_941 = vector.shape_cast %swap3A_940 : vector<16xi32> to vector<16xi32>
      %swap3A_942 = vector.shape_cast %get3A_936 : vector<16xi32> to vector<16xi32>
      tpu.vector_store %arg19[%swap3A_939], %swap3A_942 {strides = array<i32>} : memref<8192xi32, #tpu.memory_space<vmem>>, vector<16xi32>,
      %scan3A_943 = arith.constant 7 : i32
      %scan3A_944 = arith.addi %scan3A_758, %scan3A_943 : i32
      %mul3A_945 = arith.constant 1 : i32
      %mul3A_946 = arith.muli %scan3A_944, %mul3A_945 : i32
      %add3A_947 = arith.constant 0 : i32
      %add3A_948 = arith.addi %add3A_947, %mul3A_946 : i32
      %add3A_949 = arith.constant 128 : i32
      %add3A_950 = arith.addi %add3A_949, %add3A_948 : i32
      %get3A_951 = arith.index_cast %add3A_950 : i32 to index
      %get3A_952 = tpu.vector_load %arg16[%get3A_951] {strides = array<i32>} : memref<528xi32, #tpu.memory_space<vmem>>, vector<16xi32>,
      %get3A_953 = vector.shape_cast %get3A_952 : vector<16xi32> to vector<16xi32>
      %slice3A_954 = vector.extract_strided_slice %get3A_953 {offsets = [0], sizes = [1], strides = [1]} : vector<16xi32> to vector<1xi32>
      %squeeze3A_955 = vector.extract %slice3A_954[0] : i32 from vector<1xi32>
      %and3A_956 = arith.constant 7 : i32
      %and3A_957 = arith.andi %squeeze3A_955, %and3A_956 : i32
      %mul3A_958 = arith.constant 16 : i32
      %mul3A_959 = arith.muli %and3A_957, %mul3A_958 : i32
      %get3A_960 = arith.index_cast %add3A_948 : i32 to index
      %get3A_961 = arith.index_cast %mul3A_959 : i32 to index
      %get3A_962 = tpu.vector_load %arg18[%get3A_960, %get3A_961] {strides = array<i32>} : memref<128x128xi32, #tpu.memory_space<vmem>>, vector<1x16xi32>,
      %get3A_963 = vector.shape_cast %get3A_962 : vector<1x16xi32> to vector<16xi32>
      %mul3A_964 = arith.constant 16 : i32
      %mul3A_965 = arith.muli %add3A_950, %mul3A_964 : i32
      %swap3A_966 = arith.index_cast %mul3A_965 : i32 to index
      %swap3A_967 = tpu.vector_load %arg19[%swap3A_966] {strides = array<i32>} : memref<8192xi32, #tpu.memory_space<vmem>>, vector<16xi32>,
      %swap3A_968 = vector.shape_cast %swap3A_967 : vector<16xi32> to vector<16xi32>
      %swap3A_969 = vector.shape_cast %get3A_963 : vector<16xi32> to vector<16xi32>
      tpu.vector_store %arg19[%swap3A_966], %swap3A_969 {strides = array<i32>} : memref<8192xi32, #tpu.memory_space<vmem>>, vector<16xi32>,
      %scan3A_970 = arith.constant 8 : i32
      %scan3A_971 = arith.addi %scan3A_758, %scan3A_970 : i32
      %mul3A_972 = arith.constant 1 : i32
      %mul3A_973 = arith.muli %scan3A_971, %mul3A_972 : i32
      %add3A_974 = arith.constant 0 : i32
      %add3A_975 = arith.addi %add3A_974, %mul3A_973 : i32
      %add3A_976 = arith.constant 128 : i32
      %add3A_977 = arith.addi %add3A_976, %add3A_975 : i32
      %get3A_978 = arith.index_cast %add3A_977 : i32 to index
      %get3A_979 = tpu.vector_load %arg16[%get3A_978] {strides = array<i32>} : memref<528xi32, #tpu.memory_space<vmem>>, vector<16xi32>,
      %get3A_980 = vector.shape_cast %get3A_979 : vector<16xi32> to vector<16xi32>
      %slice3A_981 = vector.extract_strided_slice %get3A_980 {offsets = [0], sizes = [1], strides = [1]} : vector<16xi32> to vector<1xi32>
      %squeeze3A_982 = vector.extract %slice3A_981[0] : i32 from vector<1xi32>
      %and3A_983 = arith.constant 7 : i32
      %and3A_984 = arith.andi %squeeze3A_982, %and3A_983 : i32
      %mul3A_985 = arith.constant 16 : i32
      %mul3A_986 = arith.muli %and3A_984, %mul3A_985 : i32
      %get3A_987 = arith.index_cast %add3A_975 : i32 to index
      %get3A_988 = arith.index_cast %mul3A_986 : i32 to index
      %get3A_989 = tpu.vector_load %arg18[%get3A_987, %get3A_988] {strides = array<i32>} : memref<128x128xi32, #tpu.memory_space<vmem>>, vector<1x16xi32>,
      %get3A_990 = vector.shape_cast %get3A_989 : vector<1x16xi32> to vector<16xi32>
      %mul3A_991 = arith.constant 16 : i32
      %mul3A_992 = arith.muli %add3A_977, %mul3A_991 : i32
      %swap3A_993 = arith.index_cast %mul3A_992 : i32 to index
      %swap3A_994 = tpu.vector_load %arg19[%swap3A_993] {strides = array<i32>} : memref<8192xi32, #tpu.memory_space<vmem>>, vector<16xi32>,
      %swap3A_995 = vector.shape_cast %swap3A_994 : vector<16xi32> to vector<16xi32>
      %swap3A_996 = vector.shape_cast %get3A_990 : vector<16xi32> to vector<16xi32>
      tpu.vector_store %arg19[%swap3A_993], %swap3A_996 {strides = array<i32>} : memref<8192xi32, #tpu.memory_space<vmem>>, vector<16xi32>,
      %scan3A_997 = arith.constant 9 : i32
      %scan3A_998 = arith.addi %scan3A_758, %scan3A_997 : i32
      %mul3A_999 = arith.constant 1 : i32
      %mul3A_1000 = arith.muli %scan3A_998, %mul3A_999 : i32
      %add3A_1001 = arith.constant 0 : i32
      %add3A_1002 = arith.addi %add3A_1001, %mul3A_1000 : i32
      %add3A_1003 = arith.constant 128 : i32
      %add3A_1004 = arith.addi %add3A_1003, %add3A_1002 : i32
      %get3A_1005 = arith.index_cast %add3A_1004 : i32 to index
      %get3A_1006 = tpu.vector_load %arg16[%get3A_1005] {strides = array<i32>} : memref<528xi32, #tpu.memory_space<vmem>>, vector<16xi32>,
      %get3A_1007 = vector.shape_cast %get3A_1006 : vector<16xi32> to vector<16xi32>
      %slice3A_1008 = vector.extract_strided_slice %get3A_1007 {offsets = [0], sizes = [1], strides = [1]} : vector<16xi32> to vector<1xi32>
      %squeeze3A_1009 = vector.extract %slice3A_1008[0] : i32 from vector<1xi32>
      %and3A_1010 = arith.constant 7 : i32
      %and3A_1011 = arith.andi %squeeze3A_1009, %and3A_1010 : i32
      %mul3A_1012 = arith.constant 16 : i32
      %mul3A_1013 = arith.muli %and3A_1011, %mul3A_1012 : i32
      %get3A_1014 = arith.index_cast %add3A_1002 : i32 to index
      %get3A_1015 = arith.index_cast %mul3A_1013 : i32 to index
      %get3A_1016 = tpu.vector_load %arg18[%get3A_1014, %get3A_1015] {strides = array<i32>} : memref<128x128xi32, #tpu.memory_space<vmem>>, vector<1x16xi32>,
      %get3A_1017 = vector.shape_cast %get3A_1016 : vector<1x16xi32> to vector<16xi32>
      %mul3A_1018 = arith.constant 16 : i32
      %mul3A_1019 = arith.muli %add3A_1004, %mul3A_1018 : i32
      %swap3A_1020 = arith.index_cast %mul3A_1019 : i32 to index
      %swap3A_1021 = tpu.vector_load %arg19[%swap3A_1020] {strides = array<i32>} : memref<8192xi32, #tpu.memory_space<vmem>>, vector<16xi32>,
      %swap3A_1022 = vector.shape_cast %swap3A_1021 : vector<16xi32> to vector<16xi32>
      %swap3A_1023 = vector.shape_cast %get3A_1017 : vector<16xi32> to vector<16xi32>
      tpu.vector_store %arg19[%swap3A_1020], %swap3A_1023 {strides = array<i32>} : memref<8192xi32, #tpu.memory_space<vmem>>, vector<16xi32>,
      %scan3A_1024 = arith.constant 10 : i32
      %scan3A_1025 = arith.addi %scan3A_758, %scan3A_1024 : i32
      %mul3A_1026 = arith.constant 1 : i32
      %mul3A_1027 = arith.muli %scan3A_1025, %mul3A_1026 : i32
      %add3A_1028 = arith.constant 0 : i32
      %add3A_1029 = arith.addi %add3A_1028, %mul3A_1027 : i32
      %add3A_1030 = arith.constant 128 : i32
      %add3A_1031 = arith.addi %add3A_1030, %add3A_1029 : i32
      %get3A_1032 = arith.index_cast %add3A_1031 : i32 to index
      %get3A_1033 = tpu.vector_load %arg16[%get3A_1032] {strides = array<i32>} : memref<528xi32, #tpu.memory_space<vmem>>, vector<16xi32>,
      %get3A_1034 = vector.shape_cast %get3A_1033 : vector<16xi32> to vector<16xi32>
      %slice3A_1035 = vector.extract_strided_slice %get3A_1034 {offsets = [0], sizes = [1], strides = [1]} : vector<16xi32> to vector<1xi32>
      %squeeze3A_1036 = vector.extract %slice3A_1035[0] : i32 from vector<1xi32>
      %and3A_1037 = arith.constant 7 : i32
      %and3A_1038 = arith.andi %squeeze3A_1036, %and3A_1037 : i32
      %mul3A_1039 = arith.constant 16 : i32
      %mul3A_1040 = arith.muli %and3A_1038, %mul3A_1039 : i32
      %get3A_1041 = arith.index_cast %add3A_1029 : i32 to index
      %get3A_1042 = arith.index_cast %mul3A_1040 : i32 to index
      %get3A_1043 = tpu.vector_load %arg18[%get3A_1041, %get3A_1042] {strides = array<i32>} : memref<128x128xi32, #tpu.memory_space<vmem>>, vector<1x16xi32>,
      %get3A_1044 = vector.shape_cast %get3A_1043 : vector<1x16xi32> to vector<16xi32>
      %mul3A_1045 = arith.constant 16 : i32
      %mul3A_1046 = arith.muli %add3A_1031, %mul3A_1045 : i32
      %swap3A_1047 = arith.index_cast %mul3A_1046 : i32 to index
      %swap3A_1048 = tpu.vector_load %arg19[%swap3A_1047] {strides = array<i32>} : memref<8192xi32, #tpu.memory_space<vmem>>, vector<16xi32>,
      %swap3A_1049 = vector.shape_cast %swap3A_1048 : vector<16xi32> to vector<16xi32>
      %swap3A_1050 = vector.shape_cast %get3A_1044 : vector<16xi32> to vector<16xi32>
      tpu.vector_store %arg19[%swap3A_1047], %swap3A_1050 {strides = array<i32>} : memref<8192xi32, #tpu.memory_space<vmem>>, vector<16xi32>,
      %scan3A_1051 = arith.constant 11 : i32
      %scan3A_1052 = arith.addi %scan3A_758, %scan3A_1051 : i32
      %mul3A_1053 = arith.constant 1 : i32
      %mul3A_1054 = arith.muli %scan3A_1052, %mul3A_1053 : i32
      %add3A_1055 = arith.constant 0 : i32
      %add3A_1056 = arith.addi %add3A_1055, %mul3A_1054 : i32
      %add3A_1057 = arith.constant 128 : i32
      %add3A_1058 = arith.addi %add3A_1057, %add3A_1056 : i32
      %get3A_1059 = arith.index_cast %add3A_1058 : i32 to index
      %get3A_1060 = tpu.vector_load %arg16[%get3A_1059] {strides = array<i32>} : memref<528xi32, #tpu.memory_space<vmem>>, vector<16xi32>,
      %get3A_1061 = vector.shape_cast %get3A_1060 : vector<16xi32> to vector<16xi32>
      %slice3A_1062 = vector.extract_strided_slice %get3A_1061 {offsets = [0], sizes = [1], strides = [1]} : vector<16xi32> to vector<1xi32>
      %squeeze3A_1063 = vector.extract %slice3A_1062[0] : i32 from vector<1xi32>
      %and3A_1064 = arith.constant 7 : i32
      %and3A_1065 = arith.andi %squeeze3A_1063, %and3A_1064 : i32
      %mul3A_1066 = arith.constant 16 : i32
      %mul3A_1067 = arith.muli %and3A_1065, %mul3A_1066 : i32
      %get3A_1068 = arith.index_cast %add3A_1056 : i32 to index
      %get3A_1069 = arith.index_cast %mul3A_1067 : i32 to index
      %get3A_1070 = tpu.vector_load %arg18[%get3A_1068, %get3A_1069] {strides = array<i32>} : memref<128x128xi32, #tpu.memory_space<vmem>>, vector<1x16xi32>,
      %get3A_1071 = vector.shape_cast %get3A_1070 : vector<1x16xi32> to vector<16xi32>
      %mul3A_1072 = arith.constant 16 : i32
      %mul3A_1073 = arith.muli %add3A_1058, %mul3A_1072 : i32
      %swap3A_1074 = arith.index_cast %mul3A_1073 : i32 to index
      %swap3A_1075 = tpu.vector_load %arg19[%swap3A_1074] {strides = array<i32>} : memref<8192xi32, #tpu.memory_space<vmem>>, vector<16xi32>,
      %swap3A_1076 = vector.shape_cast %swap3A_1075 : vector<16xi32> to vector<16xi32>
      %swap3A_1077 = vector.shape_cast %get3A_1071 : vector<16xi32> to vector<16xi32>
      tpu.vector_store %arg19[%swap3A_1074], %swap3A_1077 {strides = array<i32>} : memref<8192xi32, #tpu.memory_space<vmem>>, vector<16xi32>,
      %scan3A_1078 = arith.constant 12 : i32
      %scan3A_1079 = arith.addi %scan3A_758, %scan3A_1078 : i32
      %mul3A_1080 = arith.constant 1 : i32
      %mul3A_1081 = arith.muli %scan3A_1079, %mul3A_1080 : i32
      %add3A_1082 = arith.constant 0 : i32
      %add3A_1083 = arith.addi %add3A_1082, %mul3A_1081 : i32
      %add3A_1084 = arith.constant 128 : i32
      %add3A_1085 = arith.addi %add3A_1084, %add3A_1083 : i32
      %get3A_1086 = arith.index_cast %add3A_1085 : i32 to index
      %get3A_1087 = tpu.vector_load %arg16[%get3A_1086] {strides = array<i32>} : memref<528xi32, #tpu.memory_space<vmem>>, vector<16xi32>,
      %get3A_1088 = vector.shape_cast %get3A_1087 : vector<16xi32> to vector<16xi32>
      %slice3A_1089 = vector.extract_strided_slice %get3A_1088 {offsets = [0], sizes = [1], strides = [1]} : vector<16xi32> to vector<1xi32>
      %squeeze3A_1090 = vector.extract %slice3A_1089[0] : i32 from vector<1xi32>
      %and3A_1091 = arith.constant 7 : i32
      %and3A_1092 = arith.andi %squeeze3A_1090, %and3A_1091 : i32
      %mul3A_1093 = arith.constant 16 : i32
      %mul3A_1094 = arith.muli %and3A_1092, %mul3A_1093 : i32
      %get3A_1095 = arith.index_cast %add3A_1083 : i32 to index
      %get3A_1096 = arith.index_cast %mul3A_1094 : i32 to index
      %get3A_1097 = tpu.vector_load %arg18[%get3A_1095, %get3A_1096] {strides = array<i32>} : memref<128x128xi32, #tpu.memory_space<vmem>>, vector<1x16xi32>,
      %get3A_1098 = vector.shape_cast %get3A_1097 : vector<1x16xi32> to vector<16xi32>
      %mul3A_1099 = arith.constant 16 : i32
      %mul3A_1100 = arith.muli %add3A_1085, %mul3A_1099 : i32
      %swap3A_1101 = arith.index_cast %mul3A_1100 : i32 to index
      %swap3A_1102 = tpu.vector_load %arg19[%swap3A_1101] {strides = array<i32>} : memref<8192xi32, #tpu.memory_space<vmem>>, vector<16xi32>,
      %swap3A_1103 = vector.shape_cast %swap3A_1102 : vector<16xi32> to vector<16xi32>
      %swap3A_1104 = vector.shape_cast %get3A_1098 : vector<16xi32> to vector<16xi32>
      tpu.vector_store %arg19[%swap3A_1101], %swap3A_1104 {strides = array<i32>} : memref<8192xi32, #tpu.memory_space<vmem>>, vector<16xi32>,
      %scan3A_1105 = arith.constant 13 : i32
      %scan3A_1106 = arith.addi %scan3A_758, %scan3A_1105 : i32
      %mul3A_1107 = arith.constant 1 : i32
      %mul3A_1108 = arith.muli %scan3A_1106, %mul3A_1107 : i32
      %add3A_1109 = arith.constant 0 : i32
      %add3A_1110 = arith.addi %add3A_1109, %mul3A_1108 : i32
      %add3A_1111 = arith.constant 128 : i32
      %add3A_1112 = arith.addi %add3A_1111, %add3A_1110 : i32
      %get3A_1113 = arith.index_cast %add3A_1112 : i32 to index
      %get3A_1114 = tpu.vector_load %arg16[%get3A_1113] {strides = array<i32>} : memref<528xi32, #tpu.memory_space<vmem>>, vector<16xi32>,
      %get3A_1115 = vector.shape_cast %get3A_1114 : vector<16xi32> to vector<16xi32>
      %slice3A_1116 = vector.extract_strided_slice %get3A_1115 {offsets = [0], sizes = [1], strides = [1]} : vector<16xi32> to vector<1xi32>
      %squeeze3A_1117 = vector.extract %slice3A_1116[0] : i32 from vector<1xi32>
      %and3A_1118 = arith.constant 7 : i32
      %and3A_1119 = arith.andi %squeeze3A_1117, %and3A_1118 : i32
      %mul3A_1120 = arith.constant 16 : i32
      %mul3A_1121 = arith.muli %and3A_1119, %mul3A_1120 : i32
      %get3A_1122 = arith.index_cast %add3A_1110 : i32 to index
      %get3A_1123 = arith.index_cast %mul3A_1121 : i32 to index
      %get3A_1124 = tpu.vector_load %arg18[%get3A_1122, %get3A_1123] {strides = array<i32>} : memref<128x128xi32, #tpu.memory_space<vmem>>, vector<1x16xi32>,
      %get3A_1125 = vector.shape_cast %get3A_1124 : vector<1x16xi32> to vector<16xi32>
      %mul3A_1126 = arith.constant 16 : i32
      %mul3A_1127 = arith.muli %add3A_1112, %mul3A_1126 : i32
      %swap3A_1128 = arith.index_cast %mul3A_1127 : i32 to index
      %swap3A_1129 = tpu.vector_load %arg19[%swap3A_1128] {strides = array<i32>} : memref<8192xi32, #tpu.memory_space<vmem>>, vector<16xi32>,
      %swap3A_1130 = vector.shape_cast %swap3A_1129 : vector<16xi32> to vector<16xi32>
      %swap3A_1131 = vector.shape_cast %get3A_1125 : vector<16xi32> to vector<16xi32>
      tpu.vector_store %arg19[%swap3A_1128], %swap3A_1131 {strides = array<i32>} : memref<8192xi32, #tpu.memory_space<vmem>>, vector<16xi32>,
      %scan3A_1132 = arith.constant 14 : i32
      %scan3A_1133 = arith.addi %scan3A_758, %scan3A_1132 : i32
      %mul3A_1134 = arith.constant 1 : i32
      %mul3A_1135 = arith.muli %scan3A_1133, %mul3A_1134 : i32
      %add3A_1136 = arith.constant 0 : i32
      %add3A_1137 = arith.addi %add3A_1136, %mul3A_1135 : i32
      %add3A_1138 = arith.constant 128 : i32
      %add3A_1139 = arith.addi %add3A_1138, %add3A_1137 : i32
      %get3A_1140 = arith.index_cast %add3A_1139 : i32 to index
      %get3A_1141 = tpu.vector_load %arg16[%get3A_1140] {strides = array<i32>} : memref<528xi32, #tpu.memory_space<vmem>>, vector<16xi32>,
      %get3A_1142 = vector.shape_cast %get3A_1141 : vector<16xi32> to vector<16xi32>
      %slice3A_1143 = vector.extract_strided_slice %get3A_1142 {offsets = [0], sizes = [1], strides = [1]} : vector<16xi32> to vector<1xi32>
      %squeeze3A_1144 = vector.extract %slice3A_1143[0] : i32 from vector<1xi32>
      %and3A_1145 = arith.constant 7 : i32
      %and3A_1146 = arith.andi %squeeze3A_1144, %and3A_1145 : i32
      %mul3A_1147 = arith.constant 16 : i32
      %mul3A_1148 = arith.muli %and3A_1146, %mul3A_1147 : i32
      %get3A_1149 = arith.index_cast %add3A_1137 : i32 to index
      %get3A_1150 = arith.index_cast %mul3A_1148 : i32 to index
      %get3A_1151 = tpu.vector_load %arg18[%get3A_1149, %get3A_1150] {strides = array<i32>} : memref<128x128xi32, #tpu.memory_space<vmem>>, vector<1x16xi32>,
      %get3A_1152 = vector.shape_cast %get3A_1151 : vector<1x16xi32> to vector<16xi32>
      %mul3A_1153 = arith.constant 16 : i32
      %mul3A_1154 = arith.muli %add3A_1139, %mul3A_1153 : i32
      %swap3A_1155 = arith.index_cast %mul3A_1154 : i32 to index
      %swap3A_1156 = tpu.vector_load %arg19[%swap3A_1155] {strides = array<i32>} : memref<8192xi32, #tpu.memory_space<vmem>>, vector<16xi32>,
      %swap3A_1157 = vector.shape_cast %swap3A_1156 : vector<16xi32> to vector<16xi32>
      %swap3A_1158 = vector.shape_cast %get3A_1152 : vector<16xi32> to vector<16xi32>
      tpu.vector_store %arg19[%swap3A_1155], %swap3A_1158 {strides = array<i32>} : memref<8192xi32, #tpu.memory_space<vmem>>, vector<16xi32>,
      %scan3A_1159 = arith.constant 15 : i32
      %scan3A_1160 = arith.addi %scan3A_758, %scan3A_1159 : i32
      %mul3A_1161 = arith.constant 1 : i32
      %mul3A_1162 = arith.muli %scan3A_1160, %mul3A_1161 : i32
      %add3A_1163 = arith.constant 0 : i32
      %add3A_1164 = arith.addi %add3A_1163, %mul3A_1162 : i32
      %add3A_1165 = arith.constant 128 : i32
      %add3A_1166 = arith.addi %add3A_1165, %add3A_1164 : i32
      %get3A_1167 = arith.index_cast %add3A_1166 : i32 to index
      %get3A_1168 = tpu.vector_load %arg16[%get3A_1167] {strides = array<i32>} : memref<528xi32, #tpu.memory_space<vmem>>, vector<16xi32>,
      %get3A_1169 = vector.shape_cast %get3A_1168 : vector<16xi32> to vector<16xi32>
      %slice3A_1170 = vector.extract_strided_slice %get3A_1169 {offsets = [0], sizes = [1], strides = [1]} : vector<16xi32> to vector<1xi32>
      %squeeze3A_1171 = vector.extract %slice3A_1170[0] : i32 from vector<1xi32>
      %and3A_1172 = arith.constant 7 : i32
      %and3A_1173 = arith.andi %squeeze3A_1171, %and3A_1172 : i32
      %mul3A_1174 = arith.constant 16 : i32
      %mul3A_1175 = arith.muli %and3A_1173, %mul3A_1174 : i32
      %get3A_1176 = arith.index_cast %add3A_1164 : i32 to index
      %get3A_1177 = arith.index_cast %mul3A_1175 : i32 to index
      %get3A_1178 = tpu.vector_load %arg18[%get3A_1176, %get3A_1177] {strides = array<i32>} : memref<128x128xi32, #tpu.memory_space<vmem>>, vector<1x16xi32>,
      %get3A_1179 = vector.shape_cast %get3A_1178 : vector<1x16xi32> to vector<16xi32>
      %mul3A_1180 = arith.constant 16 : i32
      %mul3A_1181 = arith.muli %add3A_1166, %mul3A_1180 : i32
      %swap3A_1182 = arith.index_cast %mul3A_1181 : i32 to index
      %swap3A_1183 = tpu.vector_load %arg19[%swap3A_1182] {strides = array<i32>} : memref<8192xi32, #tpu.memory_space<vmem>>, vector<16xi32>,
      %swap3A_1184 = vector.shape_cast %swap3A_1183 : vector<16xi32> to vector<16xi32>
      %swap3A_1185 = vector.shape_cast %get3A_1179 : vector<16xi32> to vector<16xi32>
      tpu.vector_store %arg19[%swap3A_1182], %swap3A_1185 {strides = array<i32>} : memref<8192xi32, #tpu.memory_space<vmem>>, vector<16xi32>,
    }
    %scan3A_431 = arith.constant 128 : i32
    %dma_start3A_432 = arith.constant 256 : i32
    %dma_start3A_433 = tpu.memref_slice %arg17[%dma_start3A_432] : memref<512xi32, #tpu.memory_space<vmem>> -> memref<128xi32, #tpu.memory_space<vmem>>
    %dma_start3A_434 = arith.constant 0 : i32
    %dma_start3A_435 = arith.constant 0 : i32
    %dma_start3A_436 = tpu.memref_slice %arg4[%dma_start3A_434, %dma_start3A_435] : memref<12500x128xi32, #tpu.memory_space<hbm>> -> memref<12500x128xi32, #tpu.memory_space<hbm>>
    tpu.enqueue_indirect_dma source(%dma_start3A_436 : memref<12500x128xi32, #tpu.memory_space<hbm>>) target(%arg18 : memref<128x128xi32, #tpu.memory_space<vmem>>) offsets(%dma_start3A_433 : memref<128xi32, #tpu.memory_space<vmem>>) semaphore(%arg36 : memref<!tpu.dma_semaphore, #tpu.memory_space<semaphore_mem>>)
    %dma_wait3A_437 = arith.constant 256 : i32
    %dma_wait3A_438 = tpu.memref_slice %arg17[%dma_wait3A_437] : memref<512xi32, #tpu.memory_space<vmem>> -> memref<128xi32, #tpu.memory_space<vmem>>
    %dma_wait3A_439 = arith.constant 0 : i32
    %dma_wait3A_440 = arith.constant 0 : i32
    %dma_wait3A_441 = tpu.memref_slice %arg4[%dma_wait3A_439, %dma_wait3A_440] : memref<12500x128xi32, #tpu.memory_space<hbm>> -> memref<12500x128xi32, #tpu.memory_space<hbm>>
    tpu.wait_indirect_dma semaphore(%arg36 : memref<!tpu.dma_semaphore, #tpu.memory_space<semaphore_mem>>) src(%dma_wait3A_441 : memref<12500x128xi32, #tpu.memory_space<hbm>>) dst(%arg18 : memref<128x128xi32, #tpu.memory_space<vmem>>)
    %scan3A_442 = arith.constant 0 : i32
    %scan3A_443 = arith.constant 128 : i32
    %scan3A_444 = arith.addi %scan3A_442, %scan3A_443 : i32
    %scan3A_445 = arith.constant 16 : i32
    scf.for %scan3A_758 = %scan3A_442 to %scan3A_444 step %scan3A_445  : i32 {
      %mul3A_759 = arith.constant 1 : i32
      %mul3A_760 = arith.muli %scan3A_758, %mul3A_759 : i32
      %add3A_761 = arith.constant 0 : i32
      %add3A_762 = arith.addi %add3A_761, %mul3A_760 : i32
      %add3A_763 = arith.constant 256 : i32
      %add3A_764 = arith.addi %add3A_763, %add3A_762 : i32
      %get3A_765 = arith.index_cast %add3A_764 : i32 to index
      %get3A_766 = tpu.vector_load %arg16[%get3A_765] {strides = array<i32>} : memref<528xi32, #tpu.memory_space<vmem>>, vector<16xi32>,
      %get3A_767 = vector.shape_cast %get3A_766 : vector<16xi32> to vector<16xi32>
      %slice3A = vector.extract_strided_slice %get3A_767 {offsets = [0], sizes = [1], strides = [1]} : vector<16xi32> to vector<1xi32>
      %squeeze3A = vector.extract %slice3A[0] : i32 from vector<1xi32>
      %and3A = arith.constant 7 : i32
      %and3A_768 = arith.andi %squeeze3A, %and3A : i32
      %mul3A_769 = arith.constant 16 : i32
      %mul3A_770 = arith.muli %and3A_768, %mul3A_769 : i32
      %get3A_771 = arith.index_cast %add3A_762 : i32 to index
      %get3A_772 = arith.index_cast %mul3A_770 : i32 to index
      %get3A_773 = tpu.vector_load %arg18[%get3A_771, %get3A_772] {strides = array<i32>} : memref<128x128xi32, #tpu.memory_space<vmem>>, vector<1x16xi32>,
      %get3A_774 = vector.shape_cast %get3A_773 : vector<1x16xi32> to vector<16xi32>
      %mul3A_775 = arith.constant 16 : i32
      %mul3A_776 = arith.muli %add3A_764, %mul3A_775 : i32
      %swap3A_777 = arith.index_cast %mul3A_776 : i32 to index
      %swap3A_778 = tpu.vector_load %arg19[%swap3A_777] {strides = array<i32>} : memref<8192xi32, #tpu.memory_space<vmem>>, vector<16xi32>,
      %swap3A_779 = vector.shape_cast %swap3A_778 : vector<16xi32> to vector<16xi32>
      %swap3A_780 = vector.shape_cast %get3A_774 : vector<16xi32> to vector<16xi32>
      tpu.vector_store %arg19[%swap3A_777], %swap3A_780 {strides = array<i32>} : memref<8192xi32, #tpu.memory_space<vmem>>, vector<16xi32>,
      %scan3A_781 = arith.constant 1 : i32
      %scan3A_782 = arith.addi %scan3A_758, %scan3A_781 : i32
      %mul3A_783 = arith.constant 1 : i32
      %mul3A_784 = arith.muli %scan3A_782, %mul3A_783 : i32
      %add3A_785 = arith.constant 0 : i32
      %add3A_786 = arith.addi %add3A_785, %mul3A_784 : i32
      %add3A_787 = arith.constant 256 : i32
      %add3A_788 = arith.addi %add3A_787, %add3A_786 : i32
      %get3A_789 = arith.index_cast %add3A_788 : i32 to index
      %get3A_790 = tpu.vector_load %arg16[%get3A_789] {strides = array<i32>} : memref<528xi32, #tpu.memory_space<vmem>>, vector<16xi32>,
      %get3A_791 = vector.shape_cast %get3A_790 : vector<16xi32> to vector<16xi32>
      %slice3A_792 = vector.extract_strided_slice %get3A_791 {offsets = [0], sizes = [1], strides = [1]} : vector<16xi32> to vector<1xi32>
      %squeeze3A_793 = vector.extract %slice3A_792[0] : i32 from vector<1xi32>
      %and3A_794 = arith.constant 7 : i32
      %and3A_795 = arith.andi %squeeze3A_793, %and3A_794 : i32
      %mul3A_796 = arith.constant 16 : i32
      %mul3A_797 = arith.muli %and3A_795, %mul3A_796 : i32
      %get3A_798 = arith.index_cast %add3A_786 : i32 to index
      %get3A_799 = arith.index_cast %mul3A_797 : i32 to index
      %get3A_800 = tpu.vector_load %arg18[%get3A_798, %get3A_799] {strides = array<i32>} : memref<128x128xi32, #tpu.memory_space<vmem>>, vector<1x16xi32>,
      %get3A_801 = vector.shape_cast %get3A_800 : vector<1x16xi32> to vector<16xi32>
      %mul3A_802 = arith.constant 16 : i32
      %mul3A_803 = arith.muli %add3A_788, %mul3A_802 : i32
      %swap3A_804 = arith.index_cast %mul3A_803 : i32 to index
      %swap3A_805 = tpu.vector_load %arg19[%swap3A_804] {strides = array<i32>} : memref<8192xi32, #tpu.memory_space<vmem>>, vector<16xi32>,
      %swap3A_806 = vector.shape_cast %swap3A_805 : vector<16xi32> to vector<16xi32>
      %swap3A_807 = vector.shape_cast %get3A_801 : vector<16xi32> to vector<16xi32>
      tpu.vector_store %arg19[%swap3A_804], %swap3A_807 {strides = array<i32>} : memref<8192xi32, #tpu.memory_space<vmem>>, vector<16xi32>,
      %scan3A_808 = arith.constant 2 : i32
      %scan3A_809 = arith.addi %scan3A_758, %scan3A_808 : i32
      %mul3A_810 = arith.constant 1 : i32
      %mul3A_811 = arith.muli %scan3A_809, %mul3A_810 : i32
      %add3A_812 = arith.constant 0 : i32
      %add3A_813 = arith.addi %add3A_812, %mul3A_811 : i32
      %add3A_814 = arith.constant 256 : i32
      %add3A_815 = arith.addi %add3A_814, %add3A_813 : i32
      %get3A_816 = arith.index_cast %add3A_815 : i32 to index
      %get3A_817 = tpu.vector_load %arg16[%get3A_816] {strides = array<i32>} : memref<528xi32, #tpu.memory_space<vmem>>, vector<16xi32>,
      %get3A_818 = vector.shape_cast %get3A_817 : vector<16xi32> to vector<16xi32>
      %slice3A_819 = vector.extract_strided_slice %get3A_818 {offsets = [0], sizes = [1], strides = [1]} : vector<16xi32> to vector<1xi32>
      %squeeze3A_820 = vector.extract %slice3A_819[0] : i32 from vector<1xi32>
      %and3A_821 = arith.constant 7 : i32
      %and3A_822 = arith.andi %squeeze3A_820, %and3A_821 : i32
      %mul3A_823 = arith.constant 16 : i32
      %mul3A_824 = arith.muli %and3A_822, %mul3A_823 : i32
      %get3A_825 = arith.index_cast %add3A_813 : i32 to index
      %get3A_826 = arith.index_cast %mul3A_824 : i32 to index
      %get3A_827 = tpu.vector_load %arg18[%get3A_825, %get3A_826] {strides = array<i32>} : memref<128x128xi32, #tpu.memory_space<vmem>>, vector<1x16xi32>,
      %get3A_828 = vector.shape_cast %get3A_827 : vector<1x16xi32> to vector<16xi32>
      %mul3A_829 = arith.constant 16 : i32
      %mul3A_830 = arith.muli %add3A_815, %mul3A_829 : i32
      %swap3A_831 = arith.index_cast %mul3A_830 : i32 to index
      %swap3A_832 = tpu.vector_load %arg19[%swap3A_831] {strides = array<i32>} : memref<8192xi32, #tpu.memory_space<vmem>>, vector<16xi32>,
      %swap3A_833 = vector.shape_cast %swap3A_832 : vector<16xi32> to vector<16xi32>
      %swap3A_834 = vector.shape_cast %get3A_828 : vector<16xi32> to vector<16xi32>
      tpu.vector_store %arg19[%swap3A_831], %swap3A_834 {strides = array<i32>} : memref<8192xi32, #tpu.memory_space<vmem>>, vector<16xi32>,
      %scan3A_835 = arith.constant 3 : i32
      %scan3A_836 = arith.addi %scan3A_758, %scan3A_835 : i32
      %mul3A_837 = arith.constant 1 : i32
      %mul3A_838 = arith.muli %scan3A_836, %mul3A_837 : i32
      %add3A_839 = arith.constant 0 : i32
      %add3A_840 = arith.addi %add3A_839, %mul3A_838 : i32
      %add3A_841 = arith.constant 256 : i32
      %add3A_842 = arith.addi %add3A_841, %add3A_840 : i32
      %get3A_843 = arith.index_cast %add3A_842 : i32 to index
      %get3A_844 = tpu.vector_load %arg16[%get3A_843] {strides = array<i32>} : memref<528xi32, #tpu.memory_space<vmem>>, vector<16xi32>,
      %get3A_845 = vector.shape_cast %get3A_844 : vector<16xi32> to vector<16xi32>
      %slice3A_846 = vector.extract_strided_slice %get3A_845 {offsets = [0], sizes = [1], strides = [1]} : vector<16xi32> to vector<1xi32>
      %squeeze3A_847 = vector.extract %slice3A_846[0] : i32 from vector<1xi32>
      %and3A_848 = arith.constant 7 : i32
      %and3A_849 = arith.andi %squeeze3A_847, %and3A_848 : i32
      %mul3A_850 = arith.constant 16 : i32
      %mul3A_851 = arith.muli %and3A_849, %mul3A_850 : i32
      %get3A_852 = arith.index_cast %add3A_840 : i32 to index
      %get3A_853 = arith.index_cast %mul3A_851 : i32 to index
      %get3A_854 = tpu.vector_load %arg18[%get3A_852, %get3A_853] {strides = array<i32>} : memref<128x128xi32, #tpu.memory_space<vmem>>, vector<1x16xi32>,
      %get3A_855 = vector.shape_cast %get3A_854 : vector<1x16xi32> to vector<16xi32>
      %mul3A_856 = arith.constant 16 : i32
      %mul3A_857 = arith.muli %add3A_842, %mul3A_856 : i32
      %swap3A_858 = arith.index_cast %mul3A_857 : i32 to index
      %swap3A_859 = tpu.vector_load %arg19[%swap3A_858] {strides = array<i32>} : memref<8192xi32, #tpu.memory_space<vmem>>, vector<16xi32>,
      %swap3A_860 = vector.shape_cast %swap3A_859 : vector<16xi32> to vector<16xi32>
      %swap3A_861 = vector.shape_cast %get3A_855 : vector<16xi32> to vector<16xi32>
      tpu.vector_store %arg19[%swap3A_858], %swap3A_861 {strides = array<i32>} : memref<8192xi32, #tpu.memory_space<vmem>>, vector<16xi32>,
      %scan3A_862 = arith.constant 4 : i32
      %scan3A_863 = arith.addi %scan3A_758, %scan3A_862 : i32
      %mul3A_864 = arith.constant 1 : i32
      %mul3A_865 = arith.muli %scan3A_863, %mul3A_864 : i32
      %add3A_866 = arith.constant 0 : i32
      %add3A_867 = arith.addi %add3A_866, %mul3A_865 : i32
      %add3A_868 = arith.constant 256 : i32
      %add3A_869 = arith.addi %add3A_868, %add3A_867 : i32
      %get3A_870 = arith.index_cast %add3A_869 : i32 to index
      %get3A_871 = tpu.vector_load %arg16[%get3A_870] {strides = array<i32>} : memref<528xi32, #tpu.memory_space<vmem>>, vector<16xi32>,
      %get3A_872 = vector.shape_cast %get3A_871 : vector<16xi32> to vector<16xi32>
      %slice3A_873 = vector.extract_strided_slice %get3A_872 {offsets = [0], sizes = [1], strides = [1]} : vector<16xi32> to vector<1xi32>
      %squeeze3A_874 = vector.extract %slice3A_873[0] : i32 from vector<1xi32>
      %and3A_875 = arith.constant 7 : i32
      %and3A_876 = arith.andi %squeeze3A_874, %and3A_875 : i32
      %mul3A_877 = arith.constant 16 : i32
      %mul3A_878 = arith.muli %and3A_876, %mul3A_877 : i32
      %get3A_879 = arith.index_cast %add3A_867 : i32 to index
      %get3A_880 = arith.index_cast %mul3A_878 : i32 to index
      %get3A_881 = tpu.vector_load %arg18[%get3A_879, %get3A_880] {strides = array<i32>} : memref<128x128xi32, #tpu.memory_space<vmem>>, vector<1x16xi32>,
      %get3A_882 = vector.shape_cast %get3A_881 : vector<1x16xi32> to vector<16xi32>
      %mul3A_883 = arith.constant 16 : i32
      %mul3A_884 = arith.muli %add3A_869, %mul3A_883 : i32
      %swap3A_885 = arith.index_cast %mul3A_884 : i32 to index
      %swap3A_886 = tpu.vector_load %arg19[%swap3A_885] {strides = array<i32>} : memref<8192xi32, #tpu.memory_space<vmem>>, vector<16xi32>,
      %swap3A_887 = vector.shape_cast %swap3A_886 : vector<16xi32> to vector<16xi32>
      %swap3A_888 = vector.shape_cast %get3A_882 : vector<16xi32> to vector<16xi32>
      tpu.vector_store %arg19[%swap3A_885], %swap3A_888 {strides = array<i32>} : memref<8192xi32, #tpu.memory_space<vmem>>, vector<16xi32>,
      %scan3A_889 = arith.constant 5 : i32
      %scan3A_890 = arith.addi %scan3A_758, %scan3A_889 : i32
      %mul3A_891 = arith.constant 1 : i32
      %mul3A_892 = arith.muli %scan3A_890, %mul3A_891 : i32
      %add3A_893 = arith.constant 0 : i32
      %add3A_894 = arith.addi %add3A_893, %mul3A_892 : i32
      %add3A_895 = arith.constant 256 : i32
      %add3A_896 = arith.addi %add3A_895, %add3A_894 : i32
      %get3A_897 = arith.index_cast %add3A_896 : i32 to index
      %get3A_898 = tpu.vector_load %arg16[%get3A_897] {strides = array<i32>} : memref<528xi32, #tpu.memory_space<vmem>>, vector<16xi32>,
      %get3A_899 = vector.shape_cast %get3A_898 : vector<16xi32> to vector<16xi32>
      %slice3A_900 = vector.extract_strided_slice %get3A_899 {offsets = [0], sizes = [1], strides = [1]} : vector<16xi32> to vector<1xi32>
      %squeeze3A_901 = vector.extract %slice3A_900[0] : i32 from vector<1xi32>
      %and3A_902 = arith.constant 7 : i32
      %and3A_903 = arith.andi %squeeze3A_901, %and3A_902 : i32
      %mul3A_904 = arith.constant 16 : i32
      %mul3A_905 = arith.muli %and3A_903, %mul3A_904 : i32
      %get3A_906 = arith.index_cast %add3A_894 : i32 to index
      %get3A_907 = arith.index_cast %mul3A_905 : i32 to index
      %get3A_908 = tpu.vector_load %arg18[%get3A_906, %get3A_907] {strides = array<i32>} : memref<128x128xi32, #tpu.memory_space<vmem>>, vector<1x16xi32>,
      %get3A_909 = vector.shape_cast %get3A_908 : vector<1x16xi32> to vector<16xi32>
      %mul3A_910 = arith.constant 16 : i32
      %mul3A_911 = arith.muli %add3A_896, %mul3A_910 : i32
      %swap3A_912 = arith.index_cast %mul3A_911 : i32 to index
      %swap3A_913 = tpu.vector_load %arg19[%swap3A_912] {strides = array<i32>} : memref<8192xi32, #tpu.memory_space<vmem>>, vector<16xi32>,
      %swap3A_914 = vector.shape_cast %swap3A_913 : vector<16xi32> to vector<16xi32>
      %swap3A_915 = vector.shape_cast %get3A_909 : vector<16xi32> to vector<16xi32>
      tpu.vector_store %arg19[%swap3A_912], %swap3A_915 {strides = array<i32>} : memref<8192xi32, #tpu.memory_space<vmem>>, vector<16xi32>,
      %scan3A_916 = arith.constant 6 : i32
      %scan3A_917 = arith.addi %scan3A_758, %scan3A_916 : i32
      %mul3A_918 = arith.constant 1 : i32
      %mul3A_919 = arith.muli %scan3A_917, %mul3A_918 : i32
      %add3A_920 = arith.constant 0 : i32
      %add3A_921 = arith.addi %add3A_920, %mul3A_919 : i32
      %add3A_922 = arith.constant 256 : i32
      %add3A_923 = arith.addi %add3A_922, %add3A_921 : i32
      %get3A_924 = arith.index_cast %add3A_923 : i32 to index
      %get3A_925 = tpu.vector_load %arg16[%get3A_924] {strides = array<i32>} : memref<528xi32, #tpu.memory_space<vmem>>, vector<16xi32>,
      %get3A_926 = vector.shape_cast %get3A_925 : vector<16xi32> to vector<16xi32>
      %slice3A_927 = vector.extract_strided_slice %get3A_926 {offsets = [0], sizes = [1], strides = [1]} : vector<16xi32> to vector<1xi32>
      %squeeze3A_928 = vector.extract %slice3A_927[0] : i32 from vector<1xi32>
      %and3A_929 = arith.constant 7 : i32
      %and3A_930 = arith.andi %squeeze3A_928, %and3A_929 : i32
      %mul3A_931 = arith.constant 16 : i32
      %mul3A_932 = arith.muli %and3A_930, %mul3A_931 : i32
      %get3A_933 = arith.index_cast %add3A_921 : i32 to index
      %get3A_934 = arith.index_cast %mul3A_932 : i32 to index
      %get3A_935 = tpu.vector_load %arg18[%get3A_933, %get3A_934] {strides = array<i32>} : memref<128x128xi32, #tpu.memory_space<vmem>>, vector<1x16xi32>,
      %get3A_936 = vector.shape_cast %get3A_935 : vector<1x16xi32> to vector<16xi32>
      %mul3A_937 = arith.constant 16 : i32
      %mul3A_938 = arith.muli %add3A_923, %mul3A_937 : i32
      %swap3A_939 = arith.index_cast %mul3A_938 : i32 to index
      %swap3A_940 = tpu.vector_load %arg19[%swap3A_939] {strides = array<i32>} : memref<8192xi32, #tpu.memory_space<vmem>>, vector<16xi32>,
      %swap3A_941 = vector.shape_cast %swap3A_940 : vector<16xi32> to vector<16xi32>
      %swap3A_942 = vector.shape_cast %get3A_936 : vector<16xi32> to vector<16xi32>
      tpu.vector_store %arg19[%swap3A_939], %swap3A_942 {strides = array<i32>} : memref<8192xi32, #tpu.memory_space<vmem>>, vector<16xi32>,
      %scan3A_943 = arith.constant 7 : i32
      %scan3A_944 = arith.addi %scan3A_758, %scan3A_943 : i32
      %mul3A_945 = arith.constant 1 : i32
      %mul3A_946 = arith.muli %scan3A_944, %mul3A_945 : i32
      %add3A_947 = arith.constant 0 : i32
      %add3A_948 = arith.addi %add3A_947, %mul3A_946 : i32
      %add3A_949 = arith.constant 256 : i32
      %add3A_950 = arith.addi %add3A_949, %add3A_948 : i32
      %get3A_951 = arith.index_cast %add3A_950 : i32 to index
      %get3A_952 = tpu.vector_load %arg16[%get3A_951] {strides = array<i32>} : memref<528xi32, #tpu.memory_space<vmem>>, vector<16xi32>,
      %get3A_953 = vector.shape_cast %get3A_952 : vector<16xi32> to vector<16xi32>
      %slice3A_954 = vector.extract_strided_slice %get3A_953 {offsets = [0], sizes = [1], strides = [1]} : vector<16xi32> to vector<1xi32>
      %squeeze3A_955 = vector.extract %slice3A_954[0] : i32 from vector<1xi32>
      %and3A_956 = arith.constant 7 : i32
      %and3A_957 = arith.andi %squeeze3A_955, %and3A_956 : i32
      %mul3A_958 = arith.constant 16 : i32
      %mul3A_959 = arith.muli %and3A_957, %mul3A_958 : i32
      %get3A_960 = arith.index_cast %add3A_948 : i32 to index
      %get3A_961 = arith.index_cast %mul3A_959 : i32 to index
      %get3A_962 = tpu.vector_load %arg18[%get3A_960, %get3A_961] {strides = array<i32>} : memref<128x128xi32, #tpu.memory_space<vmem>>, vector<1x16xi32>,
      %get3A_963 = vector.shape_cast %get3A_962 : vector<1x16xi32> to vector<16xi32>
      %mul3A_964 = arith.constant 16 : i32
      %mul3A_965 = arith.muli %add3A_950, %mul3A_964 : i32
      %swap3A_966 = arith.index_cast %mul3A_965 : i32 to index
      %swap3A_967 = tpu.vector_load %arg19[%swap3A_966] {strides = array<i32>} : memref<8192xi32, #tpu.memory_space<vmem>>, vector<16xi32>,
      %swap3A_968 = vector.shape_cast %swap3A_967 : vector<16xi32> to vector<16xi32>
      %swap3A_969 = vector.shape_cast %get3A_963 : vector<16xi32> to vector<16xi32>
      tpu.vector_store %arg19[%swap3A_966], %swap3A_969 {strides = array<i32>} : memref<8192xi32, #tpu.memory_space<vmem>>, vector<16xi32>,
      %scan3A_970 = arith.constant 8 : i32
      %scan3A_971 = arith.addi %scan3A_758, %scan3A_970 : i32
      %mul3A_972 = arith.constant 1 : i32
      %mul3A_973 = arith.muli %scan3A_971, %mul3A_972 : i32
      %add3A_974 = arith.constant 0 : i32
      %add3A_975 = arith.addi %add3A_974, %mul3A_973 : i32
      %add3A_976 = arith.constant 256 : i32
      %add3A_977 = arith.addi %add3A_976, %add3A_975 : i32
      %get3A_978 = arith.index_cast %add3A_977 : i32 to index
      %get3A_979 = tpu.vector_load %arg16[%get3A_978] {strides = array<i32>} : memref<528xi32, #tpu.memory_space<vmem>>, vector<16xi32>,
      %get3A_980 = vector.shape_cast %get3A_979 : vector<16xi32> to vector<16xi32>
      %slice3A_981 = vector.extract_strided_slice %get3A_980 {offsets = [0], sizes = [1], strides = [1]} : vector<16xi32> to vector<1xi32>
      %squeeze3A_982 = vector.extract %slice3A_981[0] : i32 from vector<1xi32>
      %and3A_983 = arith.constant 7 : i32
      %and3A_984 = arith.andi %squeeze3A_982, %and3A_983 : i32
      %mul3A_985 = arith.constant 16 : i32
      %mul3A_986 = arith.muli %and3A_984, %mul3A_985 : i32
      %get3A_987 = arith.index_cast %add3A_975 : i32 to index
      %get3A_988 = arith.index_cast %mul3A_986 : i32 to index
      %get3A_989 = tpu.vector_load %arg18[%get3A_987, %get3A_988] {strides = array<i32>} : memref<128x128xi32, #tpu.memory_space<vmem>>, vector<1x16xi32>,
      %get3A_990 = vector.shape_cast %get3A_989 : vector<1x16xi32> to vector<16xi32>
      %mul3A_991 = arith.constant 16 : i32
      %mul3A_992 = arith.muli %add3A_977, %mul3A_991 : i32
      %swap3A_993 = arith.index_cast %mul3A_992 : i32 to index
      %swap3A_994 = tpu.vector_load %arg19[%swap3A_993] {strides = array<i32>} : memref<8192xi32, #tpu.memory_space<vmem>>, vector<16xi32>,
      %swap3A_995 = vector.shape_cast %swap3A_994 : vector<16xi32> to vector<16xi32>
      %swap3A_996 = vector.shape_cast %get3A_990 : vector<16xi32> to vector<16xi32>
      tpu.vector_store %arg19[%swap3A_993], %swap3A_996 {strides = array<i32>} : memref<8192xi32, #tpu.memory_space<vmem>>, vector<16xi32>,
      %scan3A_997 = arith.constant 9 : i32
      %scan3A_998 = arith.addi %scan3A_758, %scan3A_997 : i32
      %mul3A_999 = arith.constant 1 : i32
      %mul3A_1000 = arith.muli %scan3A_998, %mul3A_999 : i32
      %add3A_1001 = arith.constant 0 : i32
      %add3A_1002 = arith.addi %add3A_1001, %mul3A_1000 : i32
      %add3A_1003 = arith.constant 256 : i32
      %add3A_1004 = arith.addi %add3A_1003, %add3A_1002 : i32
      %get3A_1005 = arith.index_cast %add3A_1004 : i32 to index
      %get3A_1006 = tpu.vector_load %arg16[%get3A_1005] {strides = array<i32>} : memref<528xi32, #tpu.memory_space<vmem>>, vector<16xi32>,
      %get3A_1007 = vector.shape_cast %get3A_1006 : vector<16xi32> to vector<16xi32>
      %slice3A_1008 = vector.extract_strided_slice %get3A_1007 {offsets = [0], sizes = [1], strides = [1]} : vector<16xi32> to vector<1xi32>
      %squeeze3A_1009 = vector.extract %slice3A_1008[0] : i32 from vector<1xi32>
      %and3A_1010 = arith.constant 7 : i32
      %and3A_1011 = arith.andi %squeeze3A_1009, %and3A_1010 : i32
      %mul3A_1012 = arith.constant 16 : i32
      %mul3A_1013 = arith.muli %and3A_1011, %mul3A_1012 : i32
      %get3A_1014 = arith.index_cast %add3A_1002 : i32 to index
      %get3A_1015 = arith.index_cast %mul3A_1013 : i32 to index
      %get3A_1016 = tpu.vector_load %arg18[%get3A_1014, %get3A_1015] {strides = array<i32>} : memref<128x128xi32, #tpu.memory_space<vmem>>, vector<1x16xi32>,
      %get3A_1017 = vector.shape_cast %get3A_1016 : vector<1x16xi32> to vector<16xi32>
      %mul3A_1018 = arith.constant 16 : i32
      %mul3A_1019 = arith.muli %add3A_1004, %mul3A_1018 : i32
      %swap3A_1020 = arith.index_cast %mul3A_1019 : i32 to index
      %swap3A_1021 = tpu.vector_load %arg19[%swap3A_1020] {strides = array<i32>} : memref<8192xi32, #tpu.memory_space<vmem>>, vector<16xi32>,
      %swap3A_1022 = vector.shape_cast %swap3A_1021 : vector<16xi32> to vector<16xi32>
      %swap3A_1023 = vector.shape_cast %get3A_1017 : vector<16xi32> to vector<16xi32>
      tpu.vector_store %arg19[%swap3A_1020], %swap3A_1023 {strides = array<i32>} : memref<8192xi32, #tpu.memory_space<vmem>>, vector<16xi32>,
      %scan3A_1024 = arith.constant 10 : i32
      %scan3A_1025 = arith.addi %scan3A_758, %scan3A_1024 : i32
      %mul3A_1026 = arith.constant 1 : i32
      %mul3A_1027 = arith.muli %scan3A_1025, %mul3A_1026 : i32
      %add3A_1028 = arith.constant 0 : i32
      %add3A_1029 = arith.addi %add3A_1028, %mul3A_1027 : i32
      %add3A_1030 = arith.constant 256 : i32
      %add3A_1031 = arith.addi %add3A_1030, %add3A_1029 : i32
      %get3A_1032 = arith.index_cast %add3A_1031 : i32 to index
      %get3A_1033 = tpu.vector_load %arg16[%get3A_1032] {strides = array<i32>} : memref<528xi32, #tpu.memory_space<vmem>>, vector<16xi32>,
      %get3A_1034 = vector.shape_cast %get3A_1033 : vector<16xi32> to vector<16xi32>
      %slice3A_1035 = vector.extract_strided_slice %get3A_1034 {offsets = [0], sizes = [1], strides = [1]} : vector<16xi32> to vector<1xi32>
      %squeeze3A_1036 = vector.extract %slice3A_1035[0] : i32 from vector<1xi32>
      %and3A_1037 = arith.constant 7 : i32
      %and3A_1038 = arith.andi %squeeze3A_1036, %and3A_1037 : i32
      %mul3A_1039 = arith.constant 16 : i32
      %mul3A_1040 = arith.muli %and3A_1038, %mul3A_1039 : i32
      %get3A_1041 = arith.index_cast %add3A_1029 : i32 to index
      %get3A_1042 = arith.index_cast %mul3A_1040 : i32 to index
      %get3A_1043 = tpu.vector_load %arg18[%get3A_1041, %get3A_1042] {strides = array<i32>} : memref<128x128xi32, #tpu.memory_space<vmem>>, vector<1x16xi32>,
      %get3A_1044 = vector.shape_cast %get3A_1043 : vector<1x16xi32> to vector<16xi32>
      %mul3A_1045 = arith.constant 16 : i32
      %mul3A_1046 = arith.muli %add3A_1031, %mul3A_1045 : i32
      %swap3A_1047 = arith.index_cast %mul3A_1046 : i32 to index
      %swap3A_1048 = tpu.vector_load %arg19[%swap3A_1047] {strides = array<i32>} : memref<8192xi32, #tpu.memory_space<vmem>>, vector<16xi32>,
      %swap3A_1049 = vector.shape_cast %swap3A_1048 : vector<16xi32> to vector<16xi32>
      %swap3A_1050 = vector.shape_cast %get3A_1044 : vector<16xi32> to vector<16xi32>
      tpu.vector_store %arg19[%swap3A_1047], %swap3A_1050 {strides = array<i32>} : memref<8192xi32, #tpu.memory_space<vmem>>, vector<16xi32>,
      %scan3A_1051 = arith.constant 11 : i32
      %scan3A_1052 = arith.addi %scan3A_758, %scan3A_1051 : i32
      %mul3A_1053 = arith.constant 1 : i32
      %mul3A_1054 = arith.muli %scan3A_1052, %mul3A_1053 : i32
      %add3A_1055 = arith.constant 0 : i32
      %add3A_1056 = arith.addi %add3A_1055, %mul3A_1054 : i32
      %add3A_1057 = arith.constant 256 : i32
      %add3A_1058 = arith.addi %add3A_1057, %add3A_1056 : i32
      %get3A_1059 = arith.index_cast %add3A_1058 : i32 to index
      %get3A_1060 = tpu.vector_load %arg16[%get3A_1059] {strides = array<i32>} : memref<528xi32, #tpu.memory_space<vmem>>, vector<16xi32>,
      %get3A_1061 = vector.shape_cast %get3A_1060 : vector<16xi32> to vector<16xi32>
      %slice3A_1062 = vector.extract_strided_slice %get3A_1061 {offsets = [0], sizes = [1], strides = [1]} : vector<16xi32> to vector<1xi32>
      %squeeze3A_1063 = vector.extract %slice3A_1062[0] : i32 from vector<1xi32>
      %and3A_1064 = arith.constant 7 : i32
      %and3A_1065 = arith.andi %squeeze3A_1063, %and3A_1064 : i32
      %mul3A_1066 = arith.constant 16 : i32
      %mul3A_1067 = arith.muli %and3A_1065, %mul3A_1066 : i32
      %get3A_1068 = arith.index_cast %add3A_1056 : i32 to index
      %get3A_1069 = arith.index_cast %mul3A_1067 : i32 to index
      %get3A_1070 = tpu.vector_load %arg18[%get3A_1068, %get3A_1069] {strides = array<i32>} : memref<128x128xi32, #tpu.memory_space<vmem>>, vector<1x16xi32>,
      %get3A_1071 = vector.shape_cast %get3A_1070 : vector<1x16xi32> to vector<16xi32>
      %mul3A_1072 = arith.constant 16 : i32
      %mul3A_1073 = arith.muli %add3A_1058, %mul3A_1072 : i32
      %swap3A_1074 = arith.index_cast %mul3A_1073 : i32 to index
      %swap3A_1075 = tpu.vector_load %arg19[%swap3A_1074] {strides = array<i32>} : memref<8192xi32, #tpu.memory_space<vmem>>, vector<16xi32>,
      %swap3A_1076 = vector.shape_cast %swap3A_1075 : vector<16xi32> to vector<16xi32>
      %swap3A_1077 = vector.shape_cast %get3A_1071 : vector<16xi32> to vector<16xi32>
      tpu.vector_store %arg19[%swap3A_1074], %swap3A_1077 {strides = array<i32>} : memref<8192xi32, #tpu.memory_space<vmem>>, vector<16xi32>,
      %scan3A_1078 = arith.constant 12 : i32
      %scan3A_1079 = arith.addi %scan3A_758, %scan3A_1078 : i32
      %mul3A_1080 = arith.constant 1 : i32
      %mul3A_1081 = arith.muli %scan3A_1079, %mul3A_1080 : i32
      %add3A_1082 = arith.constant 0 : i32
      %add3A_1083 = arith.addi %add3A_1082, %mul3A_1081 : i32
      %add3A_1084 = arith.constant 256 : i32
      %add3A_1085 = arith.addi %add3A_1084, %add3A_1083 : i32
      %get3A_1086 = arith.index_cast %add3A_1085 : i32 to index
      %get3A_1087 = tpu.vector_load %arg16[%get3A_1086] {strides = array<i32>} : memref<528xi32, #tpu.memory_space<vmem>>, vector<16xi32>,
      %get3A_1088 = vector.shape_cast %get3A_1087 : vector<16xi32> to vector<16xi32>
      %slice3A_1089 = vector.extract_strided_slice %get3A_1088 {offsets = [0], sizes = [1], strides = [1]} : vector<16xi32> to vector<1xi32>
      %squeeze3A_1090 = vector.extract %slice3A_1089[0] : i32 from vector<1xi32>
      %and3A_1091 = arith.constant 7 : i32
      %and3A_1092 = arith.andi %squeeze3A_1090, %and3A_1091 : i32
      %mul3A_1093 = arith.constant 16 : i32
      %mul3A_1094 = arith.muli %and3A_1092, %mul3A_1093 : i32
      %get3A_1095 = arith.index_cast %add3A_1083 : i32 to index
      %get3A_1096 = arith.index_cast %mul3A_1094 : i32 to index
      %get3A_1097 = tpu.vector_load %arg18[%get3A_1095, %get3A_1096] {strides = array<i32>} : memref<128x128xi32, #tpu.memory_space<vmem>>, vector<1x16xi32>,
      %get3A_1098 = vector.shape_cast %get3A_1097 : vector<1x16xi32> to vector<16xi32>
      %mul3A_1099 = arith.constant 16 : i32
      %mul3A_1100 = arith.muli %add3A_1085, %mul3A_1099 : i32
      %swap3A_1101 = arith.index_cast %mul3A_1100 : i32 to index
      %swap3A_1102 = tpu.vector_load %arg19[%swap3A_1101] {strides = array<i32>} : memref<8192xi32, #tpu.memory_space<vmem>>, vector<16xi32>,
      %swap3A_1103 = vector.shape_cast %swap3A_1102 : vector<16xi32> to vector<16xi32>
      %swap3A_1104 = vector.shape_cast %get3A_1098 : vector<16xi32> to vector<16xi32>
      tpu.vector_store %arg19[%swap3A_1101], %swap3A_1104 {strides = array<i32>} : memref<8192xi32, #tpu.memory_space<vmem>>, vector<16xi32>,
      %scan3A_1105 = arith.constant 13 : i32
      %scan3A_1106 = arith.addi %scan3A_758, %scan3A_1105 : i32
      %mul3A_1107 = arith.constant 1 : i32
      %mul3A_1108 = arith.muli %scan3A_1106, %mul3A_1107 : i32
      %add3A_1109 = arith.constant 0 : i32
      %add3A_1110 = arith.addi %add3A_1109, %mul3A_1108 : i32
      %add3A_1111 = arith.constant 256 : i32
      %add3A_1112 = arith.addi %add3A_1111, %add3A_1110 : i32
      %get3A_1113 = arith.index_cast %add3A_1112 : i32 to index
      %get3A_1114 = tpu.vector_load %arg16[%get3A_1113] {strides = array<i32>} : memref<528xi32, #tpu.memory_space<vmem>>, vector<16xi32>,
      %get3A_1115 = vector.shape_cast %get3A_1114 : vector<16xi32> to vector<16xi32>
      %slice3A_1116 = vector.extract_strided_slice %get3A_1115 {offsets = [0], sizes = [1], strides = [1]} : vector<16xi32> to vector<1xi32>
      %squeeze3A_1117 = vector.extract %slice3A_1116[0] : i32 from vector<1xi32>
      %and3A_1118 = arith.constant 7 : i32
      %and3A_1119 = arith.andi %squeeze3A_1117, %and3A_1118 : i32
      %mul3A_1120 = arith.constant 16 : i32
      %mul3A_1121 = arith.muli %and3A_1119, %mul3A_1120 : i32
      %get3A_1122 = arith.index_cast %add3A_1110 : i32 to index
      %get3A_1123 = arith.index_cast %mul3A_1121 : i32 to index
      %get3A_1124 = tpu.vector_load %arg18[%get3A_1122, %get3A_1123] {strides = array<i32>} : memref<128x128xi32, #tpu.memory_space<vmem>>, vector<1x16xi32>,
      %get3A_1125 = vector.shape_cast %get3A_1124 : vector<1x16xi32> to vector<16xi32>
      %mul3A_1126 = arith.constant 16 : i32
      %mul3A_1127 = arith.muli %add3A_1112, %mul3A_1126 : i32
      %swap3A_1128 = arith.index_cast %mul3A_1127 : i32 to index
      %swap3A_1129 = tpu.vector_load %arg19[%swap3A_1128] {strides = array<i32>} : memref<8192xi32, #tpu.memory_space<vmem>>, vector<16xi32>,
      %swap3A_1130 = vector.shape_cast %swap3A_1129 : vector<16xi32> to vector<16xi32>
      %swap3A_1131 = vector.shape_cast %get3A_1125 : vector<16xi32> to vector<16xi32>
      tpu.vector_store %arg19[%swap3A_1128], %swap3A_1131 {strides = array<i32>} : memref<8192xi32, #tpu.memory_space<vmem>>, vector<16xi32>,
      %scan3A_1132 = arith.constant 14 : i32
      %scan3A_1133 = arith.addi %scan3A_758, %scan3A_1132 : i32
      %mul3A_1134 = arith.constant 1 : i32
      %mul3A_1135 = arith.muli %scan3A_1133, %mul3A_1134 : i32
      %add3A_1136 = arith.constant 0 : i32
      %add3A_1137 = arith.addi %add3A_1136, %mul3A_1135 : i32
      %add3A_1138 = arith.constant 256 : i32
      %add3A_1139 = arith.addi %add3A_1138, %add3A_1137 : i32
      %get3A_1140 = arith.index_cast %add3A_1139 : i32 to index
      %get3A_1141 = tpu.vector_load %arg16[%get3A_1140] {strides = array<i32>} : memref<528xi32, #tpu.memory_space<vmem>>, vector<16xi32>,
      %get3A_1142 = vector.shape_cast %get3A_1141 : vector<16xi32> to vector<16xi32>
      %slice3A_1143 = vector.extract_strided_slice %get3A_1142 {offsets = [0], sizes = [1], strides = [1]} : vector<16xi32> to vector<1xi32>
      %squeeze3A_1144 = vector.extract %slice3A_1143[0] : i32 from vector<1xi32>
      %and3A_1145 = arith.constant 7 : i32
      %and3A_1146 = arith.andi %squeeze3A_1144, %and3A_1145 : i32
      %mul3A_1147 = arith.constant 16 : i32
      %mul3A_1148 = arith.muli %and3A_1146, %mul3A_1147 : i32
      %get3A_1149 = arith.index_cast %add3A_1137 : i32 to index
      %get3A_1150 = arith.index_cast %mul3A_1148 : i32 to index
      %get3A_1151 = tpu.vector_load %arg18[%get3A_1149, %get3A_1150] {strides = array<i32>} : memref<128x128xi32, #tpu.memory_space<vmem>>, vector<1x16xi32>,
      %get3A_1152 = vector.shape_cast %get3A_1151 : vector<1x16xi32> to vector<16xi32>
      %mul3A_1153 = arith.constant 16 : i32
      %mul3A_1154 = arith.muli %add3A_1139, %mul3A_1153 : i32
      %swap3A_1155 = arith.index_cast %mul3A_1154 : i32 to index
      %swap3A_1156 = tpu.vector_load %arg19[%swap3A_1155] {strides = array<i32>} : memref<8192xi32, #tpu.memory_space<vmem>>, vector<16xi32>,
      %swap3A_1157 = vector.shape_cast %swap3A_1156 : vector<16xi32> to vector<16xi32>
      %swap3A_1158 = vector.shape_cast %get3A_1152 : vector<16xi32> to vector<16xi32>
      tpu.vector_store %arg19[%swap3A_1155], %swap3A_1158 {strides = array<i32>} : memref<8192xi32, #tpu.memory_space<vmem>>, vector<16xi32>,
      %scan3A_1159 = arith.constant 15 : i32
      %scan3A_1160 = arith.addi %scan3A_758, %scan3A_1159 : i32
      %mul3A_1161 = arith.constant 1 : i32
      %mul3A_1162 = arith.muli %scan3A_1160, %mul3A_1161 : i32
      %add3A_1163 = arith.constant 0 : i32
      %add3A_1164 = arith.addi %add3A_1163, %mul3A_1162 : i32
      %add3A_1165 = arith.constant 256 : i32
      %add3A_1166 = arith.addi %add3A_1165, %add3A_1164 : i32
      %get3A_1167 = arith.index_cast %add3A_1166 : i32 to index
      %get3A_1168 = tpu.vector_load %arg16[%get3A_1167] {strides = array<i32>} : memref<528xi32, #tpu.memory_space<vmem>>, vector<16xi32>,
      %get3A_1169 = vector.shape_cast %get3A_1168 : vector<16xi32> to vector<16xi32>
      %slice3A_1170 = vector.extract_strided_slice %get3A_1169 {offsets = [0], sizes = [1], strides = [1]} : vector<16xi32> to vector<1xi32>
      %squeeze3A_1171 = vector.extract %slice3A_1170[0] : i32 from vector<1xi32>
      %and3A_1172 = arith.constant 7 : i32
      %and3A_1173 = arith.andi %squeeze3A_1171, %and3A_1172 : i32
      %mul3A_1174 = arith.constant 16 : i32
      %mul3A_1175 = arith.muli %and3A_1173, %mul3A_1174 : i32
      %get3A_1176 = arith.index_cast %add3A_1164 : i32 to index
      %get3A_1177 = arith.index_cast %mul3A_1175 : i32 to index
      %get3A_1178 = tpu.vector_load %arg18[%get3A_1176, %get3A_1177] {strides = array<i32>} : memref<128x128xi32, #tpu.memory_space<vmem>>, vector<1x16xi32>,
      %get3A_1179 = vector.shape_cast %get3A_1178 : vector<1x16xi32> to vector<16xi32>
      %mul3A_1180 = arith.constant 16 : i32
      %mul3A_1181 = arith.muli %add3A_1166, %mul3A_1180 : i32
      %swap3A_1182 = arith.index_cast %mul3A_1181 : i32 to index
      %swap3A_1183 = tpu.vector_load %arg19[%swap3A_1182] {strides = array<i32>} : memref<8192xi32, #tpu.memory_space<vmem>>, vector<16xi32>,
      %swap3A_1184 = vector.shape_cast %swap3A_1183 : vector<16xi32> to vector<16xi32>
      %swap3A_1185 = vector.shape_cast %get3A_1179 : vector<16xi32> to vector<16xi32>
      tpu.vector_store %arg19[%swap3A_1182], %swap3A_1185 {strides = array<i32>} : memref<8192xi32, #tpu.memory_space<vmem>>, vector<16xi32>,
    }
    %scan3A_446 = arith.constant 128 : i32
    %dma_start3A_447 = arith.constant 384 : i32
    %dma_start3A_448 = tpu.memref_slice %arg17[%dma_start3A_447] : memref<512xi32, #tpu.memory_space<vmem>> -> memref<128xi32, #tpu.memory_space<vmem>>
    %dma_start3A_449 = arith.constant 0 : i32
    %dma_start3A_450 = arith.constant 0 : i32
    %dma_start3A_451 = tpu.memref_slice %arg4[%dma_start3A_449, %dma_start3A_450] : memref<12500x128xi32, #tpu.memory_space<hbm>> -> memref<12500x128xi32, #tpu.memory_space<hbm>>
    tpu.enqueue_indirect_dma source(%dma_start3A_451 : memref<12500x128xi32, #tpu.memory_space<hbm>>) target(%arg18 : memref<128x128xi32, #tpu.memory_space<vmem>>) offsets(%dma_start3A_448 : memref<128xi32, #tpu.memory_space<vmem>>) semaphore(%arg36 : memref<!tpu.dma_semaphore, #tpu.memory_space<semaphore_mem>>)
    %dma_wait3A_452 = arith.constant 384 : i32
    %dma_wait3A_453 = tpu.memref_slice %arg17[%dma_wait3A_452] : memref<512xi32, #tpu.memory_space<vmem>> -> memref<128xi32, #tpu.memory_space<vmem>>
    %dma_wait3A_454 = arith.constant 0 : i32
    %dma_wait3A_455 = arith.constant 0 : i32
    %dma_wait3A_456 = tpu.memref_slice %arg4[%dma_wait3A_454, %dma_wait3A_455] : memref<12500x128xi32, #tpu.memory_space<hbm>> -> memref<12500x128xi32, #tpu.memory_space<hbm>>
    tpu.wait_indirect_dma semaphore(%arg36 : memref<!tpu.dma_semaphore, #tpu.memory_space<semaphore_mem>>) src(%dma_wait3A_456 : memref<12500x128xi32, #tpu.memory_space<hbm>>) dst(%arg18 : memref<128x128xi32, #tpu.memory_space<vmem>>)
    %scan3A_457 = arith.constant 0 : i32
    %scan3A_458 = arith.constant 128 : i32
    %scan3A_459 = arith.addi %scan3A_457, %scan3A_458 : i32
    %scan3A_460 = arith.constant 16 : i32
    scf.for %scan3A_758 = %scan3A_457 to %scan3A_459 step %scan3A_460  : i32 {
      %mul3A_759 = arith.constant 1 : i32
      %mul3A_760 = arith.muli %scan3A_758, %mul3A_759 : i32
      %add3A_761 = arith.constant 0 : i32
      %add3A_762 = arith.addi %add3A_761, %mul3A_760 : i32
      %add3A_763 = arith.constant 384 : i32
      %add3A_764 = arith.addi %add3A_763, %add3A_762 : i32
      %get3A_765 = arith.index_cast %add3A_764 : i32 to index
      %get3A_766 = tpu.vector_load %arg16[%get3A_765] {strides = array<i32>} : memref<528xi32, #tpu.memory_space<vmem>>, vector<16xi32>,
      %get3A_767 = vector.shape_cast %get3A_766 : vector<16xi32> to vector<16xi32>
      %slice3A = vector.extract_strided_slice %get3A_767 {offsets = [0], sizes = [1], strides = [1]} : vector<16xi32> to vector<1xi32>
      %squeeze3A = vector.extract %slice3A[0] : i32 from vector<1xi32>
      %and3A = arith.constant 7 : i32
      %and3A_768 = arith.andi %squeeze3A, %and3A : i32
      %mul3A_769 = arith.constant 16 : i32
      %mul3A_770 = arith.muli %and3A_768, %mul3A_769 : i32
      %get3A_771 = arith.index_cast %add3A_762 : i32 to index
      %get3A_772 = arith.index_cast %mul3A_770 : i32 to index
      %get3A_773 = tpu.vector_load %arg18[%get3A_771, %get3A_772] {strides = array<i32>} : memref<128x128xi32, #tpu.memory_space<vmem>>, vector<1x16xi32>,
      %get3A_774 = vector.shape_cast %get3A_773 : vector<1x16xi32> to vector<16xi32>
      %mul3A_775 = arith.constant 16 : i32
      %mul3A_776 = arith.muli %add3A_764, %mul3A_775 : i32
      %swap3A_777 = arith.index_cast %mul3A_776 : i32 to index
      %swap3A_778 = tpu.vector_load %arg19[%swap3A_777] {strides = array<i32>} : memref<8192xi32, #tpu.memory_space<vmem>>, vector<16xi32>,
      %swap3A_779 = vector.shape_cast %swap3A_778 : vector<16xi32> to vector<16xi32>
      %swap3A_780 = vector.shape_cast %get3A_774 : vector<16xi32> to vector<16xi32>
      tpu.vector_store %arg19[%swap3A_777], %swap3A_780 {strides = array<i32>} : memref<8192xi32, #tpu.memory_space<vmem>>, vector<16xi32>,
      %scan3A_781 = arith.constant 1 : i32
      %scan3A_782 = arith.addi %scan3A_758, %scan3A_781 : i32
      %mul3A_783 = arith.constant 1 : i32
      %mul3A_784 = arith.muli %scan3A_782, %mul3A_783 : i32
      %add3A_785 = arith.constant 0 : i32
      %add3A_786 = arith.addi %add3A_785, %mul3A_784 : i32
      %add3A_787 = arith.constant 384 : i32
      %add3A_788 = arith.addi %add3A_787, %add3A_786 : i32
      %get3A_789 = arith.index_cast %add3A_788 : i32 to index
      %get3A_790 = tpu.vector_load %arg16[%get3A_789] {strides = array<i32>} : memref<528xi32, #tpu.memory_space<vmem>>, vector<16xi32>,
      %get3A_791 = vector.shape_cast %get3A_790 : vector<16xi32> to vector<16xi32>
      %slice3A_792 = vector.extract_strided_slice %get3A_791 {offsets = [0], sizes = [1], strides = [1]} : vector<16xi32> to vector<1xi32>
      %squeeze3A_793 = vector.extract %slice3A_792[0] : i32 from vector<1xi32>
      %and3A_794 = arith.constant 7 : i32
      %and3A_795 = arith.andi %squeeze3A_793, %and3A_794 : i32
      %mul3A_796 = arith.constant 16 : i32
      %mul3A_797 = arith.muli %and3A_795, %mul3A_796 : i32
      %get3A_798 = arith.index_cast %add3A_786 : i32 to index
      %get3A_799 = arith.index_cast %mul3A_797 : i32 to index
      %get3A_800 = tpu.vector_load %arg18[%get3A_798, %get3A_799] {strides = array<i32>} : memref<128x128xi32, #tpu.memory_space<vmem>>, vector<1x16xi32>,
      %get3A_801 = vector.shape_cast %get3A_800 : vector<1x16xi32> to vector<16xi32>
      %mul3A_802 = arith.constant 16 : i32
      %mul3A_803 = arith.muli %add3A_788, %mul3A_802 : i32
      %swap3A_804 = arith.index_cast %mul3A_803 : i32 to index
      %swap3A_805 = tpu.vector_load %arg19[%swap3A_804] {strides = array<i32>} : memref<8192xi32, #tpu.memory_space<vmem>>, vector<16xi32>,
      %swap3A_806 = vector.shape_cast %swap3A_805 : vector<16xi32> to vector<16xi32>
      %swap3A_807 = vector.shape_cast %get3A_801 : vector<16xi32> to vector<16xi32>
      tpu.vector_store %arg19[%swap3A_804], %swap3A_807 {strides = array<i32>} : memref<8192xi32, #tpu.memory_space<vmem>>, vector<16xi32>,
      %scan3A_808 = arith.constant 2 : i32
      %scan3A_809 = arith.addi %scan3A_758, %scan3A_808 : i32
      %mul3A_810 = arith.constant 1 : i32
      %mul3A_811 = arith.muli %scan3A_809, %mul3A_810 : i32
      %add3A_812 = arith.constant 0 : i32
      %add3A_813 = arith.addi %add3A_812, %mul3A_811 : i32
      %add3A_814 = arith.constant 384 : i32
      %add3A_815 = arith.addi %add3A_814, %add3A_813 : i32
      %get3A_816 = arith.index_cast %add3A_815 : i32 to index
      %get3A_817 = tpu.vector_load %arg16[%get3A_816] {strides = array<i32>} : memref<528xi32, #tpu.memory_space<vmem>>, vector<16xi32>,
      %get3A_818 = vector.shape_cast %get3A_817 : vector<16xi32> to vector<16xi32>
      %slice3A_819 = vector.extract_strided_slice %get3A_818 {offsets = [0], sizes = [1], strides = [1]} : vector<16xi32> to vector<1xi32>
      %squeeze3A_820 = vector.extract %slice3A_819[0] : i32 from vector<1xi32>
      %and3A_821 = arith.constant 7 : i32
      %and3A_822 = arith.andi %squeeze3A_820, %and3A_821 : i32
      %mul3A_823 = arith.constant 16 : i32
      %mul3A_824 = arith.muli %and3A_822, %mul3A_823 : i32
      %get3A_825 = arith.index_cast %add3A_813 : i32 to index
      %get3A_826 = arith.index_cast %mul3A_824 : i32 to index
      %get3A_827 = tpu.vector_load %arg18[%get3A_825, %get3A_826] {strides = array<i32>} : memref<128x128xi32, #tpu.memory_space<vmem>>, vector<1x16xi32>,
      %get3A_828 = vector.shape_cast %get3A_827 : vector<1x16xi32> to vector<16xi32>
      %mul3A_829 = arith.constant 16 : i32
      %mul3A_830 = arith.muli %add3A_815, %mul3A_829 : i32
      %swap3A_831 = arith.index_cast %mul3A_830 : i32 to index
      %swap3A_832 = tpu.vector_load %arg19[%swap3A_831] {strides = array<i32>} : memref<8192xi32, #tpu.memory_space<vmem>>, vector<16xi32>,
      %swap3A_833 = vector.shape_cast %swap3A_832 : vector<16xi32> to vector<16xi32>
      %swap3A_834 = vector.shape_cast %get3A_828 : vector<16xi32> to vector<16xi32>
      tpu.vector_store %arg19[%swap3A_831], %swap3A_834 {strides = array<i32>} : memref<8192xi32, #tpu.memory_space<vmem>>, vector<16xi32>,
      %scan3A_835 = arith.constant 3 : i32
      %scan3A_836 = arith.addi %scan3A_758, %scan3A_835 : i32
      %mul3A_837 = arith.constant 1 : i32
      %mul3A_838 = arith.muli %scan3A_836, %mul3A_837 : i32
      %add3A_839 = arith.constant 0 : i32
      %add3A_840 = arith.addi %add3A_839, %mul3A_838 : i32
      %add3A_841 = arith.constant 384 : i32
      %add3A_842 = arith.addi %add3A_841, %add3A_840 : i32
      %get3A_843 = arith.index_cast %add3A_842 : i32 to index
      %get3A_844 = tpu.vector_load %arg16[%get3A_843] {strides = array<i32>} : memref<528xi32, #tpu.memory_space<vmem>>, vector<16xi32>,
      %get3A_845 = vector.shape_cast %get3A_844 : vector<16xi32> to vector<16xi32>
      %slice3A_846 = vector.extract_strided_slice %get3A_845 {offsets = [0], sizes = [1], strides = [1]} : vector<16xi32> to vector<1xi32>
      %squeeze3A_847 = vector.extract %slice3A_846[0] : i32 from vector<1xi32>
      %and3A_848 = arith.constant 7 : i32
      %and3A_849 = arith.andi %squeeze3A_847, %and3A_848 : i32
      %mul3A_850 = arith.constant 16 : i32
      %mul3A_851 = arith.muli %and3A_849, %mul3A_850 : i32
      %get3A_852 = arith.index_cast %add3A_840 : i32 to index
      %get3A_853 = arith.index_cast %mul3A_851 : i32 to index
      %get3A_854 = tpu.vector_load %arg18[%get3A_852, %get3A_853] {strides = array<i32>} : memref<128x128xi32, #tpu.memory_space<vmem>>, vector<1x16xi32>,
      %get3A_855 = vector.shape_cast %get3A_854 : vector<1x16xi32> to vector<16xi32>
      %mul3A_856 = arith.constant 16 : i32
      %mul3A_857 = arith.muli %add3A_842, %mul3A_856 : i32
      %swap3A_858 = arith.index_cast %mul3A_857 : i32 to index
      %swap3A_859 = tpu.vector_load %arg19[%swap3A_858] {strides = array<i32>} : memref<8192xi32, #tpu.memory_space<vmem>>, vector<16xi32>,
      %swap3A_860 = vector.shape_cast %swap3A_859 : vector<16xi32> to vector<16xi32>
      %swap3A_861 = vector.shape_cast %get3A_855 : vector<16xi32> to vector<16xi32>
      tpu.vector_store %arg19[%swap3A_858], %swap3A_861 {strides = array<i32>} : memref<8192xi32, #tpu.memory_space<vmem>>, vector<16xi32>,
      %scan3A_862 = arith.constant 4 : i32
      %scan3A_863 = arith.addi %scan3A_758, %scan3A_862 : i32
      %mul3A_864 = arith.constant 1 : i32
      %mul3A_865 = arith.muli %scan3A_863, %mul3A_864 : i32
      %add3A_866 = arith.constant 0 : i32
      %add3A_867 = arith.addi %add3A_866, %mul3A_865 : i32
      %add3A_868 = arith.constant 384 : i32
      %add3A_869 = arith.addi %add3A_868, %add3A_867 : i32
      %get3A_870 = arith.index_cast %add3A_869 : i32 to index
      %get3A_871 = tpu.vector_load %arg16[%get3A_870] {strides = array<i32>} : memref<528xi32, #tpu.memory_space<vmem>>, vector<16xi32>,
      %get3A_872 = vector.shape_cast %get3A_871 : vector<16xi32> to vector<16xi32>
      %slice3A_873 = vector.extract_strided_slice %get3A_872 {offsets = [0], sizes = [1], strides = [1]} : vector<16xi32> to vector<1xi32>
      %squeeze3A_874 = vector.extract %slice3A_873[0] : i32 from vector<1xi32>
      %and3A_875 = arith.constant 7 : i32
      %and3A_876 = arith.andi %squeeze3A_874, %and3A_875 : i32
      %mul3A_877 = arith.constant 16 : i32
      %mul3A_878 = arith.muli %and3A_876, %mul3A_877 : i32
      %get3A_879 = arith.index_cast %add3A_867 : i32 to index
      %get3A_880 = arith.index_cast %mul3A_878 : i32 to index
      %get3A_881 = tpu.vector_load %arg18[%get3A_879, %get3A_880] {strides = array<i32>} : memref<128x128xi32, #tpu.memory_space<vmem>>, vector<1x16xi32>,
      %get3A_882 = vector.shape_cast %get3A_881 : vector<1x16xi32> to vector<16xi32>
      %mul3A_883 = arith.constant 16 : i32
      %mul3A_884 = arith.muli %add3A_869, %mul3A_883 : i32
      %swap3A_885 = arith.index_cast %mul3A_884 : i32 to index
      %swap3A_886 = tpu.vector_load %arg19[%swap3A_885] {strides = array<i32>} : memref<8192xi32, #tpu.memory_space<vmem>>, vector<16xi32>,
      %swap3A_887 = vector.shape_cast %swap3A_886 : vector<16xi32> to vector<16xi32>
      %swap3A_888 = vector.shape_cast %get3A_882 : vector<16xi32> to vector<16xi32>
      tpu.vector_store %arg19[%swap3A_885], %swap3A_888 {strides = array<i32>} : memref<8192xi32, #tpu.memory_space<vmem>>, vector<16xi32>,
      %scan3A_889 = arith.constant 5 : i32
      %scan3A_890 = arith.addi %scan3A_758, %scan3A_889 : i32
      %mul3A_891 = arith.constant 1 : i32
      %mul3A_892 = arith.muli %scan3A_890, %mul3A_891 : i32
      %add3A_893 = arith.constant 0 : i32
      %add3A_894 = arith.addi %add3A_893, %mul3A_892 : i32
      %add3A_895 = arith.constant 384 : i32
      %add3A_896 = arith.addi %add3A_895, %add3A_894 : i32
      %get3A_897 = arith.index_cast %add3A_896 : i32 to index
      %get3A_898 = tpu.vector_load %arg16[%get3A_897] {strides = array<i32>} : memref<528xi32, #tpu.memory_space<vmem>>, vector<16xi32>,
      %get3A_899 = vector.shape_cast %get3A_898 : vector<16xi32> to vector<16xi32>
      %slice3A_900 = vector.extract_strided_slice %get3A_899 {offsets = [0], sizes = [1], strides = [1]} : vector<16xi32> to vector<1xi32>
      %squeeze3A_901 = vector.extract %slice3A_900[0] : i32 from vector<1xi32>
      %and3A_902 = arith.constant 7 : i32
      %and3A_903 = arith.andi %squeeze3A_901, %and3A_902 : i32
      %mul3A_904 = arith.constant 16 : i32
      %mul3A_905 = arith.muli %and3A_903, %mul3A_904 : i32
      %get3A_906 = arith.index_cast %add3A_894 : i32 to index
      %get3A_907 = arith.index_cast %mul3A_905 : i32 to index
      %get3A_908 = tpu.vector_load %arg18[%get3A_906, %get3A_907] {strides = array<i32>} : memref<128x128xi32, #tpu.memory_space<vmem>>, vector<1x16xi32>,
      %get3A_909 = vector.shape_cast %get3A_908 : vector<1x16xi32> to vector<16xi32>
      %mul3A_910 = arith.constant 16 : i32
      %mul3A_911 = arith.muli %add3A_896, %mul3A_910 : i32
      %swap3A_912 = arith.index_cast %mul3A_911 : i32 to index
      %swap3A_913 = tpu.vector_load %arg19[%swap3A_912] {strides = array<i32>} : memref<8192xi32, #tpu.memory_space<vmem>>, vector<16xi32>,
      %swap3A_914 = vector.shape_cast %swap3A_913 : vector<16xi32> to vector<16xi32>
      %swap3A_915 = vector.shape_cast %get3A_909 : vector<16xi32> to vector<16xi32>
      tpu.vector_store %arg19[%swap3A_912], %swap3A_915 {strides = array<i32>} : memref<8192xi32, #tpu.memory_space<vmem>>, vector<16xi32>,
      %scan3A_916 = arith.constant 6 : i32
      %scan3A_917 = arith.addi %scan3A_758, %scan3A_916 : i32
      %mul3A_918 = arith.constant 1 : i32
      %mul3A_919 = arith.muli %scan3A_917, %mul3A_918 : i32
      %add3A_920 = arith.constant 0 : i32
      %add3A_921 = arith.addi %add3A_920, %mul3A_919 : i32
      %add3A_922 = arith.constant 384 : i32
      %add3A_923 = arith.addi %add3A_922, %add3A_921 : i32
      %get3A_924 = arith.index_cast %add3A_923 : i32 to index
      %get3A_925 = tpu.vector_load %arg16[%get3A_924] {strides = array<i32>} : memref<528xi32, #tpu.memory_space<vmem>>, vector<16xi32>,
      %get3A_926 = vector.shape_cast %get3A_925 : vector<16xi32> to vector<16xi32>
      %slice3A_927 = vector.extract_strided_slice %get3A_926 {offsets = [0], sizes = [1], strides = [1]} : vector<16xi32> to vector<1xi32>
      %squeeze3A_928 = vector.extract %slice3A_927[0] : i32 from vector<1xi32>
      %and3A_929 = arith.constant 7 : i32
      %and3A_930 = arith.andi %squeeze3A_928, %and3A_929 : i32
      %mul3A_931 = arith.constant 16 : i32
      %mul3A_932 = arith.muli %and3A_930, %mul3A_931 : i32
      %get3A_933 = arith.index_cast %add3A_921 : i32 to index
      %get3A_934 = arith.index_cast %mul3A_932 : i32 to index
      %get3A_935 = tpu.vector_load %arg18[%get3A_933, %get3A_934] {strides = array<i32>} : memref<128x128xi32, #tpu.memory_space<vmem>>, vector<1x16xi32>,
      %get3A_936 = vector.shape_cast %get3A_935 : vector<1x16xi32> to vector<16xi32>
      %mul3A_937 = arith.constant 16 : i32
      %mul3A_938 = arith.muli %add3A_923, %mul3A_937 : i32
      %swap3A_939 = arith.index_cast %mul3A_938 : i32 to index
      %swap3A_940 = tpu.vector_load %arg19[%swap3A_939] {strides = array<i32>} : memref<8192xi32, #tpu.memory_space<vmem>>, vector<16xi32>,
      %swap3A_941 = vector.shape_cast %swap3A_940 : vector<16xi32> to vector<16xi32>
      %swap3A_942 = vector.shape_cast %get3A_936 : vector<16xi32> to vector<16xi32>
      tpu.vector_store %arg19[%swap3A_939], %swap3A_942 {strides = array<i32>} : memref<8192xi32, #tpu.memory_space<vmem>>, vector<16xi32>,
      %scan3A_943 = arith.constant 7 : i32
      %scan3A_944 = arith.addi %scan3A_758, %scan3A_943 : i32
      %mul3A_945 = arith.constant 1 : i32
      %mul3A_946 = arith.muli %scan3A_944, %mul3A_945 : i32
      %add3A_947 = arith.constant 0 : i32
      %add3A_948 = arith.addi %add3A_947, %mul3A_946 : i32
      %add3A_949 = arith.constant 384 : i32
      %add3A_950 = arith.addi %add3A_949, %add3A_948 : i32
      %get3A_951 = arith.index_cast %add3A_950 : i32 to index
      %get3A_952 = tpu.vector_load %arg16[%get3A_951] {strides = array<i32>} : memref<528xi32, #tpu.memory_space<vmem>>, vector<16xi32>,
      %get3A_953 = vector.shape_cast %get3A_952 : vector<16xi32> to vector<16xi32>
      %slice3A_954 = vector.extract_strided_slice %get3A_953 {offsets = [0], sizes = [1], strides = [1]} : vector<16xi32> to vector<1xi32>
      %squeeze3A_955 = vector.extract %slice3A_954[0] : i32 from vector<1xi32>
      %and3A_956 = arith.constant 7 : i32
      %and3A_957 = arith.andi %squeeze3A_955, %and3A_956 : i32
      %mul3A_958 = arith.constant 16 : i32
      %mul3A_959 = arith.muli %and3A_957, %mul3A_958 : i32
      %get3A_960 = arith.index_cast %add3A_948 : i32 to index
      %get3A_961 = arith.index_cast %mul3A_959 : i32 to index
      %get3A_962 = tpu.vector_load %arg18[%get3A_960, %get3A_961] {strides = array<i32>} : memref<128x128xi32, #tpu.memory_space<vmem>>, vector<1x16xi32>,
      %get3A_963 = vector.shape_cast %get3A_962 : vector<1x16xi32> to vector<16xi32>
      %mul3A_964 = arith.constant 16 : i32
      %mul3A_965 = arith.muli %add3A_950, %mul3A_964 : i32
      %swap3A_966 = arith.index_cast %mul3A_965 : i32 to index
      %swap3A_967 = tpu.vector_load %arg19[%swap3A_966] {strides = array<i32>} : memref<8192xi32, #tpu.memory_space<vmem>>, vector<16xi32>,
      %swap3A_968 = vector.shape_cast %swap3A_967 : vector<16xi32> to vector<16xi32>
      %swap3A_969 = vector.shape_cast %get3A_963 : vector<16xi32> to vector<16xi32>
      tpu.vector_store %arg19[%swap3A_966], %swap3A_969 {strides = array<i32>} : memref<8192xi32, #tpu.memory_space<vmem>>, vector<16xi32>,
      %scan3A_970 = arith.constant 8 : i32
      %scan3A_971 = arith.addi %scan3A_758, %scan3A_970 : i32
      %mul3A_972 = arith.constant 1 : i32
      %mul3A_973 = arith.muli %scan3A_971, %mul3A_972 : i32
      %add3A_974 = arith.constant 0 : i32
      %add3A_975 = arith.addi %add3A_974, %mul3A_973 : i32
      %add3A_976 = arith.constant 384 : i32
      %add3A_977 = arith.addi %add3A_976, %add3A_975 : i32
      %get3A_978 = arith.index_cast %add3A_977 : i32 to index
      %get3A_979 = tpu.vector_load %arg16[%get3A_978] {strides = array<i32>} : memref<528xi32, #tpu.memory_space<vmem>>, vector<16xi32>,
      %get3A_980 = vector.shape_cast %get3A_979 : vector<16xi32> to vector<16xi32>
      %slice3A_981 = vector.extract_strided_slice %get3A_980 {offsets = [0], sizes = [1], strides = [1]} : vector<16xi32> to vector<1xi32>
      %squeeze3A_982 = vector.extract %slice3A_981[0] : i32 from vector<1xi32>
      %and3A_983 = arith.constant 7 : i32
      %and3A_984 = arith.andi %squeeze3A_982, %and3A_983 : i32
      %mul3A_985 = arith.constant 16 : i32
      %mul3A_986 = arith.muli %and3A_984, %mul3A_985 : i32
      %get3A_987 = arith.index_cast %add3A_975 : i32 to index
      %get3A_988 = arith.index_cast %mul3A_986 : i32 to index
      %get3A_989 = tpu.vector_load %arg18[%get3A_987, %get3A_988] {strides = array<i32>} : memref<128x128xi32, #tpu.memory_space<vmem>>, vector<1x16xi32>,
      %get3A_990 = vector.shape_cast %get3A_989 : vector<1x16xi32> to vector<16xi32>
      %mul3A_991 = arith.constant 16 : i32
      %mul3A_992 = arith.muli %add3A_977, %mul3A_991 : i32
      %swap3A_993 = arith.index_cast %mul3A_992 : i32 to index
      %swap3A_994 = tpu.vector_load %arg19[%swap3A_993] {strides = array<i32>} : memref<8192xi32, #tpu.memory_space<vmem>>, vector<16xi32>,
      %swap3A_995 = vector.shape_cast %swap3A_994 : vector<16xi32> to vector<16xi32>
      %swap3A_996 = vector.shape_cast %get3A_990 : vector<16xi32> to vector<16xi32>
      tpu.vector_store %arg19[%swap3A_993], %swap3A_996 {strides = array<i32>} : memref<8192xi32, #tpu.memory_space<vmem>>, vector<16xi32>,
      %scan3A_997 = arith.constant 9 : i32
      %scan3A_998 = arith.addi %scan3A_758, %scan3A_997 : i32
      %mul3A_999 = arith.constant 1 : i32
      %mul3A_1000 = arith.muli %scan3A_998, %mul3A_999 : i32
      %add3A_1001 = arith.constant 0 : i32
      %add3A_1002 = arith.addi %add3A_1001, %mul3A_1000 : i32
      %add3A_1003 = arith.constant 384 : i32
      %add3A_1004 = arith.addi %add3A_1003, %add3A_1002 : i32
      %get3A_1005 = arith.index_cast %add3A_1004 : i32 to index
      %get3A_1006 = tpu.vector_load %arg16[%get3A_1005] {strides = array<i32>} : memref<528xi32, #tpu.memory_space<vmem>>, vector<16xi32>,
      %get3A_1007 = vector.shape_cast %get3A_1006 : vector<16xi32> to vector<16xi32>
      %slice3A_1008 = vector.extract_strided_slice %get3A_1007 {offsets = [0], sizes = [1], strides = [1]} : vector<16xi32> to vector<1xi32>
      %squeeze3A_1009 = vector.extract %slice3A_1008[0] : i32 from vector<1xi32>
      %and3A_1010 = arith.constant 7 : i32
      %and3A_1011 = arith.andi %squeeze3A_1009, %and3A_1010 : i32
      %mul3A_1012 = arith.constant 16 : i32
      %mul3A_1013 = arith.muli %and3A_1011, %mul3A_1012 : i32
      %get3A_1014 = arith.index_cast %add3A_1002 : i32 to index
      %get3A_1015 = arith.index_cast %mul3A_1013 : i32 to index
      %get3A_1016 = tpu.vector_load %arg18[%get3A_1014, %get3A_1015] {strides = array<i32>} : memref<128x128xi32, #tpu.memory_space<vmem>>, vector<1x16xi32>,
      %get3A_1017 = vector.shape_cast %get3A_1016 : vector<1x16xi32> to vector<16xi32>
      %mul3A_1018 = arith.constant 16 : i32
      %mul3A_1019 = arith.muli %add3A_1004, %mul3A_1018 : i32
      %swap3A_1020 = arith.index_cast %mul3A_1019 : i32 to index
      %swap3A_1021 = tpu.vector_load %arg19[%swap3A_1020] {strides = array<i32>} : memref<8192xi32, #tpu.memory_space<vmem>>, vector<16xi32>,
      %swap3A_1022 = vector.shape_cast %swap3A_1021 : vector<16xi32> to vector<16xi32>
      %swap3A_1023 = vector.shape_cast %get3A_1017 : vector<16xi32> to vector<16xi32>
      tpu.vector_store %arg19[%swap3A_1020], %swap3A_1023 {strides = array<i32>} : memref<8192xi32, #tpu.memory_space<vmem>>, vector<16xi32>,
      %scan3A_1024 = arith.constant 10 : i32
      %scan3A_1025 = arith.addi %scan3A_758, %scan3A_1024 : i32
      %mul3A_1026 = arith.constant 1 : i32
      %mul3A_1027 = arith.muli %scan3A_1025, %mul3A_1026 : i32
      %add3A_1028 = arith.constant 0 : i32
      %add3A_1029 = arith.addi %add3A_1028, %mul3A_1027 : i32
      %add3A_1030 = arith.constant 384 : i32
      %add3A_1031 = arith.addi %add3A_1030, %add3A_1029 : i32
      %get3A_1032 = arith.index_cast %add3A_1031 : i32 to index
      %get3A_1033 = tpu.vector_load %arg16[%get3A_1032] {strides = array<i32>} : memref<528xi32, #tpu.memory_space<vmem>>, vector<16xi32>,
      %get3A_1034 = vector.shape_cast %get3A_1033 : vector<16xi32> to vector<16xi32>
      %slice3A_1035 = vector.extract_strided_slice %get3A_1034 {offsets = [0], sizes = [1], strides = [1]} : vector<16xi32> to vector<1xi32>
      %squeeze3A_1036 = vector.extract %slice3A_1035[0] : i32 from vector<1xi32>
      %and3A_1037 = arith.constant 7 : i32
      %and3A_1038 = arith.andi %squeeze3A_1036, %and3A_1037 : i32
      %mul3A_1039 = arith.constant 16 : i32
      %mul3A_1040 = arith.muli %and3A_1038, %mul3A_1039 : i32
      %get3A_1041 = arith.index_cast %add3A_1029 : i32 to index
      %get3A_1042 = arith.index_cast %mul3A_1040 : i32 to index
      %get3A_1043 = tpu.vector_load %arg18[%get3A_1041, %get3A_1042] {strides = array<i32>} : memref<128x128xi32, #tpu.memory_space<vmem>>, vector<1x16xi32>,
      %get3A_1044 = vector.shape_cast %get3A_1043 : vector<1x16xi32> to vector<16xi32>
      %mul3A_1045 = arith.constant 16 : i32
      %mul3A_1046 = arith.muli %add3A_1031, %mul3A_1045 : i32
      %swap3A_1047 = arith.index_cast %mul3A_1046 : i32 to index
      %swap3A_1048 = tpu.vector_load %arg19[%swap3A_1047] {strides = array<i32>} : memref<8192xi32, #tpu.memory_space<vmem>>, vector<16xi32>,
      %swap3A_1049 = vector.shape_cast %swap3A_1048 : vector<16xi32> to vector<16xi32>
      %swap3A_1050 = vector.shape_cast %get3A_1044 : vector<16xi32> to vector<16xi32>
      tpu.vector_store %arg19[%swap3A_1047], %swap3A_1050 {strides = array<i32>} : memref<8192xi32, #tpu.memory_space<vmem>>, vector<16xi32>,
      %scan3A_1051 = arith.constant 11 : i32
      %scan3A_1052 = arith.addi %scan3A_758, %scan3A_1051 : i32
      %mul3A_1053 = arith.constant 1 : i32
      %mul3A_1054 = arith.muli %scan3A_1052, %mul3A_1053 : i32
      %add3A_1055 = arith.constant 0 : i32
      %add3A_1056 = arith.addi %add3A_1055, %mul3A_1054 : i32
      %add3A_1057 = arith.constant 384 : i32
      %add3A_1058 = arith.addi %add3A_1057, %add3A_1056 : i32
      %get3A_1059 = arith.index_cast %add3A_1058 : i32 to index
      %get3A_1060 = tpu.vector_load %arg16[%get3A_1059] {strides = array<i32>} : memref<528xi32, #tpu.memory_space<vmem>>, vector<16xi32>,
      %get3A_1061 = vector.shape_cast %get3A_1060 : vector<16xi32> to vector<16xi32>
      %slice3A_1062 = vector.extract_strided_slice %get3A_1061 {offsets = [0], sizes = [1], strides = [1]} : vector<16xi32> to vector<1xi32>
      %squeeze3A_1063 = vector.extract %slice3A_1062[0] : i32 from vector<1xi32>
      %and3A_1064 = arith.constant 7 : i32
      %and3A_1065 = arith.andi %squeeze3A_1063, %and3A_1064 : i32
      %mul3A_1066 = arith.constant 16 : i32
      %mul3A_1067 = arith.muli %and3A_1065, %mul3A_1066 : i32
      %get3A_1068 = arith.index_cast %add3A_1056 : i32 to index
      %get3A_1069 = arith.index_cast %mul3A_1067 : i32 to index
      %get3A_1070 = tpu.vector_load %arg18[%get3A_1068, %get3A_1069] {strides = array<i32>} : memref<128x128xi32, #tpu.memory_space<vmem>>, vector<1x16xi32>,
      %get3A_1071 = vector.shape_cast %get3A_1070 : vector<1x16xi32> to vector<16xi32>
      %mul3A_1072 = arith.constant 16 : i32
      %mul3A_1073 = arith.muli %add3A_1058, %mul3A_1072 : i32
      %swap3A_1074 = arith.index_cast %mul3A_1073 : i32 to index
      %swap3A_1075 = tpu.vector_load %arg19[%swap3A_1074] {strides = array<i32>} : memref<8192xi32, #tpu.memory_space<vmem>>, vector<16xi32>,
      %swap3A_1076 = vector.shape_cast %swap3A_1075 : vector<16xi32> to vector<16xi32>
      %swap3A_1077 = vector.shape_cast %get3A_1071 : vector<16xi32> to vector<16xi32>
      tpu.vector_store %arg19[%swap3A_1074], %swap3A_1077 {strides = array<i32>} : memref<8192xi32, #tpu.memory_space<vmem>>, vector<16xi32>,
      %scan3A_1078 = arith.constant 12 : i32
      %scan3A_1079 = arith.addi %scan3A_758, %scan3A_1078 : i32
      %mul3A_1080 = arith.constant 1 : i32
      %mul3A_1081 = arith.muli %scan3A_1079, %mul3A_1080 : i32
      %add3A_1082 = arith.constant 0 : i32
      %add3A_1083 = arith.addi %add3A_1082, %mul3A_1081 : i32
      %add3A_1084 = arith.constant 384 : i32
      %add3A_1085 = arith.addi %add3A_1084, %add3A_1083 : i32
      %get3A_1086 = arith.index_cast %add3A_1085 : i32 to index
      %get3A_1087 = tpu.vector_load %arg16[%get3A_1086] {strides = array<i32>} : memref<528xi32, #tpu.memory_space<vmem>>, vector<16xi32>,
      %get3A_1088 = vector.shape_cast %get3A_1087 : vector<16xi32> to vector<16xi32>
      %slice3A_1089 = vector.extract_strided_slice %get3A_1088 {offsets = [0], sizes = [1], strides = [1]} : vector<16xi32> to vector<1xi32>
      %squeeze3A_1090 = vector.extract %slice3A_1089[0] : i32 from vector<1xi32>
      %and3A_1091 = arith.constant 7 : i32
      %and3A_1092 = arith.andi %squeeze3A_1090, %and3A_1091 : i32
      %mul3A_1093 = arith.constant 16 : i32
      %mul3A_1094 = arith.muli %and3A_1092, %mul3A_1093 : i32
      %get3A_1095 = arith.index_cast %add3A_1083 : i32 to index
      %get3A_1096 = arith.index_cast %mul3A_1094 : i32 to index
      %get3A_1097 = tpu.vector_load %arg18[%get3A_1095, %get3A_1096] {strides = array<i32>} : memref<128x128xi32, #tpu.memory_space<vmem>>, vector<1x16xi32>,
      %get3A_1098 = vector.shape_cast %get3A_1097 : vector<1x16xi32> to vector<16xi32>
      %mul3A_1099 = arith.constant 16 : i32
      %mul3A_1100 = arith.muli %add3A_1085, %mul3A_1099 : i32
      %swap3A_1101 = arith.index_cast %mul3A_1100 : i32 to index
      %swap3A_1102 = tpu.vector_load %arg19[%swap3A_1101] {strides = array<i32>} : memref<8192xi32, #tpu.memory_space<vmem>>, vector<16xi32>,
      %swap3A_1103 = vector.shape_cast %swap3A_1102 : vector<16xi32> to vector<16xi32>
      %swap3A_1104 = vector.shape_cast %get3A_1098 : vector<16xi32> to vector<16xi32>
      tpu.vector_store %arg19[%swap3A_1101], %swap3A_1104 {strides = array<i32>} : memref<8192xi32, #tpu.memory_space<vmem>>, vector<16xi32>,
      %scan3A_1105 = arith.constant 13 : i32
      %scan3A_1106 = arith.addi %scan3A_758, %scan3A_1105 : i32
      %mul3A_1107 = arith.constant 1 : i32
      %mul3A_1108 = arith.muli %scan3A_1106, %mul3A_1107 : i32
      %add3A_1109 = arith.constant 0 : i32
      %add3A_1110 = arith.addi %add3A_1109, %mul3A_1108 : i32
      %add3A_1111 = arith.constant 384 : i32
      %add3A_1112 = arith.addi %add3A_1111, %add3A_1110 : i32
      %get3A_1113 = arith.index_cast %add3A_1112 : i32 to index
      %get3A_1114 = tpu.vector_load %arg16[%get3A_1113] {strides = array<i32>} : memref<528xi32, #tpu.memory_space<vmem>>, vector<16xi32>,
      %get3A_1115 = vector.shape_cast %get3A_1114 : vector<16xi32> to vector<16xi32>
      %slice3A_1116 = vector.extract_strided_slice %get3A_1115 {offsets = [0], sizes = [1], strides = [1]} : vector<16xi32> to vector<1xi32>
      %squeeze3A_1117 = vector.extract %slice3A_1116[0] : i32 from vector<1xi32>
      %and3A_1118 = arith.constant 7 : i32
      %and3A_1119 = arith.andi %squeeze3A_1117, %and3A_1118 : i32
      %mul3A_1120 = arith.constant 16 : i32
      %mul3A_1121 = arith.muli %and3A_1119, %mul3A_1120 : i32
      %get3A_1122 = arith.index_cast %add3A_1110 : i32 to index
      %get3A_1123 = arith.index_cast %mul3A_1121 : i32 to index
      %get3A_1124 = tpu.vector_load %arg18[%get3A_1122, %get3A_1123] {strides = array<i32>} : memref<128x128xi32, #tpu.memory_space<vmem>>, vector<1x16xi32>,
      %get3A_1125 = vector.shape_cast %get3A_1124 : vector<1x16xi32> to vector<16xi32>
      %mul3A_1126 = arith.constant 16 : i32
      %mul3A_1127 = arith.muli %add3A_1112, %mul3A_1126 : i32
      %swap3A_1128 = arith.index_cast %mul3A_1127 : i32 to index
      %swap3A_1129 = tpu.vector_load %arg19[%swap3A_1128] {strides = array<i32>} : memref<8192xi32, #tpu.memory_space<vmem>>, vector<16xi32>,
      %swap3A_1130 = vector.shape_cast %swap3A_1129 : vector<16xi32> to vector<16xi32>
      %swap3A_1131 = vector.shape_cast %get3A_1125 : vector<16xi32> to vector<16xi32>
      tpu.vector_store %arg19[%swap3A_1128], %swap3A_1131 {strides = array<i32>} : memref<8192xi32, #tpu.memory_space<vmem>>, vector<16xi32>,
      %scan3A_1132 = arith.constant 14 : i32
      %scan3A_1133 = arith.addi %scan3A_758, %scan3A_1132 : i32
      %mul3A_1134 = arith.constant 1 : i32
      %mul3A_1135 = arith.muli %scan3A_1133, %mul3A_1134 : i32
      %add3A_1136 = arith.constant 0 : i32
      %add3A_1137 = arith.addi %add3A_1136, %mul3A_1135 : i32
      %add3A_1138 = arith.constant 384 : i32
      %add3A_1139 = arith.addi %add3A_1138, %add3A_1137 : i32
      %get3A_1140 = arith.index_cast %add3A_1139 : i32 to index
      %get3A_1141 = tpu.vector_load %arg16[%get3A_1140] {strides = array<i32>} : memref<528xi32, #tpu.memory_space<vmem>>, vector<16xi32>,
      %get3A_1142 = vector.shape_cast %get3A_1141 : vector<16xi32> to vector<16xi32>
      %slice3A_1143 = vector.extract_strided_slice %get3A_1142 {offsets = [0], sizes = [1], strides = [1]} : vector<16xi32> to vector<1xi32>
      %squeeze3A_1144 = vector.extract %slice3A_1143[0] : i32 from vector<1xi32>
      %and3A_1145 = arith.constant 7 : i32
      %and3A_1146 = arith.andi %squeeze3A_1144, %and3A_1145 : i32
      %mul3A_1147 = arith.constant 16 : i32
      %mul3A_1148 = arith.muli %and3A_1146, %mul3A_1147 : i32
      %get3A_1149 = arith.index_cast %add3A_1137 : i32 to index
      %get3A_1150 = arith.index_cast %mul3A_1148 : i32 to index
      %get3A_1151 = tpu.vector_load %arg18[%get3A_1149, %get3A_1150] {strides = array<i32>} : memref<128x128xi32, #tpu.memory_space<vmem>>, vector<1x16xi32>,
      %get3A_1152 = vector.shape_cast %get3A_1151 : vector<1x16xi32> to vector<16xi32>
      %mul3A_1153 = arith.constant 16 : i32
      %mul3A_1154 = arith.muli %add3A_1139, %mul3A_1153 : i32
      %swap3A_1155 = arith.index_cast %mul3A_1154 : i32 to index
      %swap3A_1156 = tpu.vector_load %arg19[%swap3A_1155] {strides = array<i32>} : memref<8192xi32, #tpu.memory_space<vmem>>, vector<16xi32>,
      %swap3A_1157 = vector.shape_cast %swap3A_1156 : vector<16xi32> to vector<16xi32>
      %swap3A_1158 = vector.shape_cast %get3A_1152 : vector<16xi32> to vector<16xi32>
      tpu.vector_store %arg19[%swap3A_1155], %swap3A_1158 {strides = array<i32>} : memref<8192xi32, #tpu.memory_space<vmem>>, vector<16xi32>,
      %scan3A_1159 = arith.constant 15 : i32
      %scan3A_1160 = arith.addi %scan3A_758, %scan3A_1159 : i32
      %mul3A_1161 = arith.constant 1 : i32
      %mul3A_1162 = arith.muli %scan3A_1160, %mul3A_1161 : i32
      %add3A_1163 = arith.constant 0 : i32
      %add3A_1164 = arith.addi %add3A_1163, %mul3A_1162 : i32
      %add3A_1165 = arith.constant 384 : i32
      %add3A_1166 = arith.addi %add3A_1165, %add3A_1164 : i32
      %get3A_1167 = arith.index_cast %add3A_1166 : i32 to index
      %get3A_1168 = tpu.vector_load %arg16[%get3A_1167] {strides = array<i32>} : memref<528xi32, #tpu.memory_space<vmem>>, vector<16xi32>,
      %get3A_1169 = vector.shape_cast %get3A_1168 : vector<16xi32> to vector<16xi32>
      %slice3A_1170 = vector.extract_strided_slice %get3A_1169 {offsets = [0], sizes = [1], strides = [1]} : vector<16xi32> to vector<1xi32>
      %squeeze3A_1171 = vector.extract %slice3A_1170[0] : i32 from vector<1xi32>
      %and3A_1172 = arith.constant 7 : i32
      %and3A_1173 = arith.andi %squeeze3A_1171, %and3A_1172 : i32
      %mul3A_1174 = arith.constant 16 : i32
      %mul3A_1175 = arith.muli %and3A_1173, %mul3A_1174 : i32
      %get3A_1176 = arith.index_cast %add3A_1164 : i32 to index
      %get3A_1177 = arith.index_cast %mul3A_1175 : i32 to index
      %get3A_1178 = tpu.vector_load %arg18[%get3A_1176, %get3A_1177] {strides = array<i32>} : memref<128x128xi32, #tpu.memory_space<vmem>>, vector<1x16xi32>,
      %get3A_1179 = vector.shape_cast %get3A_1178 : vector<1x16xi32> to vector<16xi32>
      %mul3A_1180 = arith.constant 16 : i32
      %mul3A_1181 = arith.muli %add3A_1166, %mul3A_1180 : i32
      %swap3A_1182 = arith.index_cast %mul3A_1181 : i32 to index
      %swap3A_1183 = tpu.vector_load %arg19[%swap3A_1182] {strides = array<i32>} : memref<8192xi32, #tpu.memory_space<vmem>>, vector<16xi32>,
      %swap3A_1184 = vector.shape_cast %swap3A_1183 : vector<16xi32> to vector<16xi32>
      %swap3A_1185 = vector.shape_cast %get3A_1179 : vector<16xi32> to vector<16xi32>
      tpu.vector_store %arg19[%swap3A_1182], %swap3A_1185 {strides = array<i32>} : memref<8192xi32, #tpu.memory_space<vmem>>, vector<16xi32>,
    }
    %scan3A_461 = arith.constant 128 : i32
    %dma_start3A_462 = arith.constant 0 : i32
    %dma_start3A_463 = tpu.memref_slice %arg16[%dma_start3A_462] : memref<528xi32, #tpu.memory_space<vmem>> -> memref<64xi32, #tpu.memory_space<vmem>>
    %dma_start3A_464 = arith.constant 0 : i32
    %dma_start3A_465 = arith.constant 0 : i32
    %dma_start3A_466 = tpu.memref_slice %arg6[%dma_start3A_464, %dma_start3A_465] : memref<100000x128xf32, #tpu.memory_space<hbm>> -> memref<100000x128xf32, #tpu.memory_space<hbm>>
    tpu.enqueue_indirect_dma source(%dma_start3A_466 : memref<100000x128xf32, #tpu.memory_space<hbm>>) target(%arg20 : memref<64x128xf32, #tpu.memory_space<vmem>>) offsets(%dma_start3A_463 : memref<64xi32, #tpu.memory_space<vmem>>) semaphore(%arg36 : memref<!tpu.dma_semaphore, #tpu.memory_space<semaphore_mem>>)
    %dma_start3A_467 = arith.constant 64 : i32
    %dma_start3A_468 = tpu.memref_slice %arg16[%dma_start3A_467] : memref<528xi32, #tpu.memory_space<vmem>> -> memref<64xi32, #tpu.memory_space<vmem>>
    %dma_start3A_469 = arith.constant 0 : i32
    %dma_start3A_470 = arith.constant 0 : i32
    %dma_start3A_471 = tpu.memref_slice %arg6[%dma_start3A_469, %dma_start3A_470] : memref<100000x128xf32, #tpu.memory_space<hbm>> -> memref<100000x128xf32, #tpu.memory_space<hbm>>
    tpu.enqueue_indirect_dma source(%dma_start3A_471 : memref<100000x128xf32, #tpu.memory_space<hbm>>) target(%arg21 : memref<64x128xf32, #tpu.memory_space<vmem>>) offsets(%dma_start3A_468 : memref<64xi32, #tpu.memory_space<vmem>>) semaphore(%arg37 : memref<!tpu.dma_semaphore, #tpu.memory_space<semaphore_mem>>)
    %dma_start3A_472 = arith.constant 128 : i32
    %dma_start3A_473 = tpu.memref_slice %arg16[%dma_start3A_472] : memref<528xi32, #tpu.memory_space<vmem>> -> memref<64xi32, #tpu.memory_space<vmem>>
    %dma_start3A_474 = arith.constant 0 : i32
    %dma_start3A_475 = arith.constant 0 : i32
    %dma_start3A_476 = tpu.memref_slice %arg6[%dma_start3A_474, %dma_start3A_475] : memref<100000x128xf32, #tpu.memory_space<hbm>> -> memref<100000x128xf32, #tpu.memory_space<hbm>>
    tpu.enqueue_indirect_dma source(%dma_start3A_476 : memref<100000x128xf32, #tpu.memory_space<hbm>>) target(%arg22 : memref<64x128xf32, #tpu.memory_space<vmem>>) offsets(%dma_start3A_473 : memref<64xi32, #tpu.memory_space<vmem>>) semaphore(%arg38 : memref<!tpu.dma_semaphore, #tpu.memory_space<semaphore_mem>>)
    %dma_start3A_477 = arith.constant 192 : i32
    %dma_start3A_478 = tpu.memref_slice %arg16[%dma_start3A_477] : memref<528xi32, #tpu.memory_space<vmem>> -> memref<64xi32, #tpu.memory_space<vmem>>
    %dma_start3A_479 = arith.constant 0 : i32
    %dma_start3A_480 = arith.constant 0 : i32
    %dma_start3A_481 = tpu.memref_slice %arg6[%dma_start3A_479, %dma_start3A_480] : memref<100000x128xf32, #tpu.memory_space<hbm>> -> memref<100000x128xf32, #tpu.memory_space<hbm>>
    tpu.enqueue_indirect_dma source(%dma_start3A_481 : memref<100000x128xf32, #tpu.memory_space<hbm>>) target(%arg23 : memref<64x128xf32, #tpu.memory_space<vmem>>) offsets(%dma_start3A_478 : memref<64xi32, #tpu.memory_space<vmem>>) semaphore(%arg39 : memref<!tpu.dma_semaphore, #tpu.memory_space<semaphore_mem>>)
    %dma_wait3A_482 = arith.constant 0 : i32
    %dma_wait3A_483 = tpu.memref_slice %arg16[%dma_wait3A_482] : memref<528xi32, #tpu.memory_space<vmem>> -> memref<64xi32, #tpu.memory_space<vmem>>
    %dma_wait3A_484 = arith.constant 0 : i32
    %dma_wait3A_485 = arith.constant 0 : i32
    %dma_wait3A_486 = tpu.memref_slice %arg6[%dma_wait3A_484, %dma_wait3A_485] : memref<100000x128xf32, #tpu.memory_space<hbm>> -> memref<100000x128xf32, #tpu.memory_space<hbm>>
    tpu.wait_indirect_dma semaphore(%arg36 : memref<!tpu.dma_semaphore, #tpu.memory_space<semaphore_mem>>) src(%dma_wait3A_486 : memref<100000x128xf32, #tpu.memory_space<hbm>>) dst(%arg20 : memref<64x128xf32, #tpu.memory_space<vmem>>)
    %add3A_487 = arith.constant 0 : i32
    %add3A_488 = arith.addi %mul3A_4, %add3A_487 : i32
    "tpu.region"() ({
      %run_scoped3A = tpu.sem_alloc : memref<!tpu.dma_semaphore, #tpu.memory_space<semaphore_mem>>
      %dma_start3A_758 = arith.constant 0 : i32
      %dma_start3A_759 = tpu.memref_slice %arg9[%add3A_488, %dma_start3A_758] : memref<16384x128xf32, #tpu.memory_space<hbm>> -> memref<64x128xf32, #tpu.memory_space<hbm>>
      %dma_start3A_760 = arith.constant 0 : i32
      %dma_start3A_761 = tpu.memref_slice %arg9[%add3A_488, %dma_start3A_760] : memref<16384x128xf32, #tpu.memory_space<hbm>> -> memref<64x128xf32, #tpu.memory_space<hbm>>
      tpu.enqueue_dma source(%arg20 : memref<64x128xf32, #tpu.memory_space<vmem>>) target(%dma_start3A_761 : memref<64x128xf32, #tpu.memory_space<hbm>>) target_semaphore(%run_scoped3A : memref<!tpu.dma_semaphore, #tpu.memory_space<semaphore_mem>>)
      %dma_wait3A_762 = arith.constant 0 : i32
      %dma_wait3A_763 = tpu.memref_slice %arg9[%add3A_488, %dma_wait3A_762] : memref<16384x128xf32, #tpu.memory_space<hbm>> -> memref<64x128xf32, #tpu.memory_space<hbm>>
      %dma_wait3A_764 = arith.constant 0 : i32
      %dma_wait3A_765 = tpu.memref_slice %arg9[%add3A_488, %dma_wait3A_764] : memref<16384x128xf32, #tpu.memory_space<hbm>> -> memref<64x128xf32, #tpu.memory_space<hbm>>
      tpu.wait_dma2 semaphore(%run_scoped3A : memref<!tpu.dma_semaphore, #tpu.memory_space<semaphore_mem>>) src(%arg20 : memref<64x128xf32, #tpu.memory_space<vmem>>) dst(%dma_wait3A_765 : memref<64x128xf32, #tpu.memory_space<hbm>>)
      tpu.yield
    }) : () -> ()
    %dma_start3A_489 = arith.constant 256 : i32
    %dma_start3A_490 = tpu.memref_slice %arg16[%dma_start3A_489] : memref<528xi32, #tpu.memory_space<vmem>> -> memref<64xi32, #tpu.memory_space<vmem>>
    %dma_start3A_491 = arith.constant 0 : i32
    %dma_start3A_492 = arith.constant 0 : i32
    %dma_start3A_493 = tpu.memref_slice %arg6[%dma_start3A_491, %dma_start3A_492] : memref<100000x128xf32, #tpu.memory_space<hbm>> -> memref<100000x128xf32, #tpu.memory_space<hbm>>
    tpu.enqueue_indirect_dma source(%dma_start3A_493 : memref<100000x128xf32, #tpu.memory_space<hbm>>) target(%arg20 : memref<64x128xf32, #tpu.memory_space<vmem>>) offsets(%dma_start3A_490 : memref<64xi32, #tpu.memory_space<vmem>>) semaphore(%arg36 : memref<!tpu.dma_semaphore, #tpu.memory_space<semaphore_mem>>)
    %dma_wait3A_494 = arith.constant 0 : i32
    %dma_wait3A_495 = tpu.memref_slice %arg16[%dma_wait3A_494] : memref<528xi32, #tpu.memory_space<vmem>> -> memref<64xi32, #tpu.memory_space<vmem>>
    %dma_wait3A_496 = arith.constant 0 : i32
    %dma_wait3A_497 = arith.constant 0 : i32
    %dma_wait3A_498 = tpu.memref_slice %arg6[%dma_wait3A_496, %dma_wait3A_497] : memref<100000x128xf32, #tpu.memory_space<hbm>> -> memref<100000x128xf32, #tpu.memory_space<hbm>>
    tpu.wait_indirect_dma semaphore(%arg37 : memref<!tpu.dma_semaphore, #tpu.memory_space<semaphore_mem>>) src(%dma_wait3A_498 : memref<100000x128xf32, #tpu.memory_space<hbm>>) dst(%arg21 : memref<64x128xf32, #tpu.memory_space<vmem>>)
    %add3A_499 = arith.constant 64 : i32
    %add3A_500 = arith.addi %mul3A_4, %add3A_499 : i32
    "tpu.region"() ({
      %run_scoped3A = tpu.sem_alloc : memref<!tpu.dma_semaphore, #tpu.memory_space<semaphore_mem>>
      %dma_start3A_758 = arith.constant 0 : i32
      %dma_start3A_759 = tpu.memref_slice %arg9[%add3A_500, %dma_start3A_758] : memref<16384x128xf32, #tpu.memory_space<hbm>> -> memref<64x128xf32, #tpu.memory_space<hbm>>
      %dma_start3A_760 = arith.constant 0 : i32
      %dma_start3A_761 = tpu.memref_slice %arg9[%add3A_500, %dma_start3A_760] : memref<16384x128xf32, #tpu.memory_space<hbm>> -> memref<64x128xf32, #tpu.memory_space<hbm>>
      tpu.enqueue_dma source(%arg21 : memref<64x128xf32, #tpu.memory_space<vmem>>) target(%dma_start3A_761 : memref<64x128xf32, #tpu.memory_space<hbm>>) target_semaphore(%run_scoped3A : memref<!tpu.dma_semaphore, #tpu.memory_space<semaphore_mem>>)
      %dma_wait3A_762 = arith.constant 0 : i32
      %dma_wait3A_763 = tpu.memref_slice %arg9[%add3A_500, %dma_wait3A_762] : memref<16384x128xf32, #tpu.memory_space<hbm>> -> memref<64x128xf32, #tpu.memory_space<hbm>>
      %dma_wait3A_764 = arith.constant 0 : i32
      %dma_wait3A_765 = tpu.memref_slice %arg9[%add3A_500, %dma_wait3A_764] : memref<16384x128xf32, #tpu.memory_space<hbm>> -> memref<64x128xf32, #tpu.memory_space<hbm>>
      tpu.wait_dma2 semaphore(%run_scoped3A : memref<!tpu.dma_semaphore, #tpu.memory_space<semaphore_mem>>) src(%arg21 : memref<64x128xf32, #tpu.memory_space<vmem>>) dst(%dma_wait3A_765 : memref<64x128xf32, #tpu.memory_space<hbm>>)
      tpu.yield
    }) : () -> ()
    %dma_start3A_501 = arith.constant 320 : i32
    %dma_start3A_502 = tpu.memref_slice %arg16[%dma_start3A_501] : memref<528xi32, #tpu.memory_space<vmem>> -> memref<64xi32, #tpu.memory_space<vmem>>
    %dma_start3A_503 = arith.constant 0 : i32
    %dma_start3A_504 = arith.constant 0 : i32
    %dma_start3A_505 = tpu.memref_slice %arg6[%dma_start3A_503, %dma_start3A_504] : memref<100000x128xf32, #tpu.memory_space<hbm>> -> memref<100000x128xf32, #tpu.memory_space<hbm>>
    tpu.enqueue_indirect_dma source(%dma_start3A_505 : memref<100000x128xf32, #tpu.memory_space<hbm>>) target(%arg21 : memref<64x128xf32, #tpu.memory_space<vmem>>) offsets(%dma_start3A_502 : memref<64xi32, #tpu.memory_space<vmem>>) semaphore(%arg37 : memref<!tpu.dma_semaphore, #tpu.memory_space<semaphore_mem>>)
    %dma_wait3A_506 = arith.constant 0 : i32
    %dma_wait3A_507 = tpu.memref_slice %arg16[%dma_wait3A_506] : memref<528xi32, #tpu.memory_space<vmem>> -> memref<64xi32, #tpu.memory_space<vmem>>
    %dma_wait3A_508 = arith.constant 0 : i32
    %dma_wait3A_509 = arith.constant 0 : i32
    %dma_wait3A_510 = tpu.memref_slice %arg6[%dma_wait3A_508, %dma_wait3A_509] : memref<100000x128xf32, #tpu.memory_space<hbm>> -> memref<100000x128xf32, #tpu.memory_space<hbm>>
    tpu.wait_indirect_dma semaphore(%arg38 : memref<!tpu.dma_semaphore, #tpu.memory_space<semaphore_mem>>) src(%dma_wait3A_510 : memref<100000x128xf32, #tpu.memory_space<hbm>>) dst(%arg22 : memref<64x128xf32, #tpu.memory_space<vmem>>)
    %add3A_511 = arith.constant 128 : i32
    %add3A_512 = arith.addi %mul3A_4, %add3A_511 : i32
    "tpu.region"() ({
      %run_scoped3A = tpu.sem_alloc : memref<!tpu.dma_semaphore, #tpu.memory_space<semaphore_mem>>
      %dma_start3A_758 = arith.constant 0 : i32
      %dma_start3A_759 = tpu.memref_slice %arg9[%add3A_512, %dma_start3A_758] : memref<16384x128xf32, #tpu.memory_space<hbm>> -> memref<64x128xf32, #tpu.memory_space<hbm>>
      %dma_start3A_760 = arith.constant 0 : i32
      %dma_start3A_761 = tpu.memref_slice %arg9[%add3A_512, %dma_start3A_760] : memref<16384x128xf32, #tpu.memory_space<hbm>> -> memref<64x128xf32, #tpu.memory_space<hbm>>
      tpu.enqueue_dma source(%arg22 : memref<64x128xf32, #tpu.memory_space<vmem>>) target(%dma_start3A_761 : memref<64x128xf32, #tpu.memory_space<hbm>>) target_semaphore(%run_scoped3A : memref<!tpu.dma_semaphore, #tpu.memory_space<semaphore_mem>>)
      %dma_wait3A_762 = arith.constant 0 : i32
      %dma_wait3A_763 = tpu.memref_slice %arg9[%add3A_512, %dma_wait3A_762] : memref<16384x128xf32, #tpu.memory_space<hbm>> -> memref<64x128xf32, #tpu.memory_space<hbm>>
      %dma_wait3A_764 = arith.constant 0 : i32
      %dma_wait3A_765 = tpu.memref_slice %arg9[%add3A_512, %dma_wait3A_764] : memref<16384x128xf32, #tpu.memory_space<hbm>> -> memref<64x128xf32, #tpu.memory_space<hbm>>
      tpu.wait_dma2 semaphore(%run_scoped3A : memref<!tpu.dma_semaphore, #tpu.memory_space<semaphore_mem>>) src(%arg22 : memref<64x128xf32, #tpu.memory_space<vmem>>) dst(%dma_wait3A_765 : memref<64x128xf32, #tpu.memory_space<hbm>>)
      tpu.yield
    }) : () -> ()
    %dma_start3A_513 = arith.constant 384 : i32
    %dma_start3A_514 = tpu.memref_slice %arg16[%dma_start3A_513] : memref<528xi32, #tpu.memory_space<vmem>> -> memref<64xi32, #tpu.memory_space<vmem>>
    %dma_start3A_515 = arith.constant 0 : i32
    %dma_start3A_516 = arith.constant 0 : i32
    %dma_start3A_517 = tpu.memref_slice %arg6[%dma_start3A_515, %dma_start3A_516] : memref<100000x128xf32, #tpu.memory_space<hbm>> -> memref<100000x128xf32, #tpu.memory_space<hbm>>
    tpu.enqueue_indirect_dma source(%dma_start3A_517 : memref<100000x128xf32, #tpu.memory_space<hbm>>) target(%arg22 : memref<64x128xf32, #tpu.memory_space<vmem>>) offsets(%dma_start3A_514 : memref<64xi32, #tpu.memory_space<vmem>>) semaphore(%arg38 : memref<!tpu.dma_semaphore, #tpu.memory_space<semaphore_mem>>)
    %dma_wait3A_518 = arith.constant 0 : i32
    %dma_wait3A_519 = tpu.memref_slice %arg16[%dma_wait3A_518] : memref<528xi32, #tpu.memory_space<vmem>> -> memref<64xi32, #tpu.memory_space<vmem>>
    %dma_wait3A_520 = arith.constant 0 : i32
    %dma_wait3A_521 = arith.constant 0 : i32
    %dma_wait3A_522 = tpu.memref_slice %arg6[%dma_wait3A_520, %dma_wait3A_521] : memref<100000x128xf32, #tpu.memory_space<hbm>> -> memref<100000x128xf32, #tpu.memory_space<hbm>>
    tpu.wait_indirect_dma semaphore(%arg39 : memref<!tpu.dma_semaphore, #tpu.memory_space<semaphore_mem>>) src(%dma_wait3A_522 : memref<100000x128xf32, #tpu.memory_space<hbm>>) dst(%arg23 : memref<64x128xf32, #tpu.memory_space<vmem>>)
    %add3A_523 = arith.constant 192 : i32
    %add3A_524 = arith.addi %mul3A_4, %add3A_523 : i32
    "tpu.region"() ({
      %run_scoped3A = tpu.sem_alloc : memref<!tpu.dma_semaphore, #tpu.memory_space<semaphore_mem>>
      %dma_start3A_758 = arith.constant 0 : i32
      %dma_start3A_759 = tpu.memref_slice %arg9[%add3A_524, %dma_start3A_758] : memref<16384x128xf32, #tpu.memory_space<hbm>> -> memref<64x128xf32, #tpu.memory_space<hbm>>
      %dma_start3A_760 = arith.constant 0 : i32
      %dma_start3A_761 = tpu.memref_slice %arg9[%add3A_524, %dma_start3A_760] : memref<16384x128xf32, #tpu.memory_space<hbm>> -> memref<64x128xf32, #tpu.memory_space<hbm>>
      tpu.enqueue_dma source(%arg23 : memref<64x128xf32, #tpu.memory_space<vmem>>) target(%dma_start3A_761 : memref<64x128xf32, #tpu.memory_space<hbm>>) target_semaphore(%run_scoped3A : memref<!tpu.dma_semaphore, #tpu.memory_space<semaphore_mem>>)
      %dma_wait3A_762 = arith.constant 0 : i32
      %dma_wait3A_763 = tpu.memref_slice %arg9[%add3A_524, %dma_wait3A_762] : memref<16384x128xf32, #tpu.memory_space<hbm>> -> memref<64x128xf32, #tpu.memory_space<hbm>>
      %dma_wait3A_764 = arith.constant 0 : i32
      %dma_wait3A_765 = tpu.memref_slice %arg9[%add3A_524, %dma_wait3A_764] : memref<16384x128xf32, #tpu.memory_space<hbm>> -> memref<64x128xf32, #tpu.memory_space<hbm>>
      tpu.wait_dma2 semaphore(%run_scoped3A : memref<!tpu.dma_semaphore, #tpu.memory_space<semaphore_mem>>) src(%arg23 : memref<64x128xf32, #tpu.memory_space<vmem>>) dst(%dma_wait3A_765 : memref<64x128xf32, #tpu.memory_space<hbm>>)
      tpu.yield
    }) : () -> ()
    %dma_start3A_525 = arith.constant 448 : i32
    %dma_start3A_526 = tpu.memref_slice %arg16[%dma_start3A_525] : memref<528xi32, #tpu.memory_space<vmem>> -> memref<64xi32, #tpu.memory_space<vmem>>
    %dma_start3A_527 = arith.constant 0 : i32
    %dma_start3A_528 = arith.constant 0 : i32
    %dma_start3A_529 = tpu.memref_slice %arg6[%dma_start3A_527, %dma_start3A_528] : memref<100000x128xf32, #tpu.memory_space<hbm>> -> memref<100000x128xf32, #tpu.memory_space<hbm>>
    tpu.enqueue_indirect_dma source(%dma_start3A_529 : memref<100000x128xf32, #tpu.memory_space<hbm>>) target(%arg23 : memref<64x128xf32, #tpu.memory_space<vmem>>) offsets(%dma_start3A_526 : memref<64xi32, #tpu.memory_space<vmem>>) semaphore(%arg39 : memref<!tpu.dma_semaphore, #tpu.memory_space<semaphore_mem>>)
    %dma_wait3A_530 = arith.constant 0 : i32
    %dma_wait3A_531 = tpu.memref_slice %arg16[%dma_wait3A_530] : memref<528xi32, #tpu.memory_space<vmem>> -> memref<64xi32, #tpu.memory_space<vmem>>
    %dma_wait3A_532 = arith.constant 0 : i32
    %dma_wait3A_533 = arith.constant 0 : i32
    %dma_wait3A_534 = tpu.memref_slice %arg6[%dma_wait3A_532, %dma_wait3A_533] : memref<100000x128xf32, #tpu.memory_space<hbm>> -> memref<100000x128xf32, #tpu.memory_space<hbm>>
    tpu.wait_indirect_dma semaphore(%arg36 : memref<!tpu.dma_semaphore, #tpu.memory_space<semaphore_mem>>) src(%dma_wait3A_534 : memref<100000x128xf32, #tpu.memory_space<hbm>>) dst(%arg20 : memref<64x128xf32, #tpu.memory_space<vmem>>)
    %add3A_535 = arith.constant 256 : i32
    %add3A_536 = arith.addi %mul3A_4, %add3A_535 : i32
    "tpu.region"() ({
      %run_scoped3A = tpu.sem_alloc : memref<!tpu.dma_semaphore, #tpu.memory_space<semaphore_mem>>
      %dma_start3A_758 = arith.constant 0 : i32
      %dma_start3A_759 = tpu.memref_slice %arg9[%add3A_536, %dma_start3A_758] : memref<16384x128xf32, #tpu.memory_space<hbm>> -> memref<64x128xf32, #tpu.memory_space<hbm>>
      %dma_start3A_760 = arith.constant 0 : i32
      %dma_start3A_761 = tpu.memref_slice %arg9[%add3A_536, %dma_start3A_760] : memref<16384x128xf32, #tpu.memory_space<hbm>> -> memref<64x128xf32, #tpu.memory_space<hbm>>
      tpu.enqueue_dma source(%arg20 : memref<64x128xf32, #tpu.memory_space<vmem>>) target(%dma_start3A_761 : memref<64x128xf32, #tpu.memory_space<hbm>>) target_semaphore(%run_scoped3A : memref<!tpu.dma_semaphore, #tpu.memory_space<semaphore_mem>>)
      %dma_wait3A_762 = arith.constant 0 : i32
      %dma_wait3A_763 = tpu.memref_slice %arg9[%add3A_536, %dma_wait3A_762] : memref<16384x128xf32, #tpu.memory_space<hbm>> -> memref<64x128xf32, #tpu.memory_space<hbm>>
      %dma_wait3A_764 = arith.constant 0 : i32
      %dma_wait3A_765 = tpu.memref_slice %arg9[%add3A_536, %dma_wait3A_764] : memref<16384x128xf32, #tpu.memory_space<hbm>> -> memref<64x128xf32, #tpu.memory_space<hbm>>
      tpu.wait_dma2 semaphore(%run_scoped3A : memref<!tpu.dma_semaphore, #tpu.memory_space<semaphore_mem>>) src(%arg20 : memref<64x128xf32, #tpu.memory_space<vmem>>) dst(%dma_wait3A_765 : memref<64x128xf32, #tpu.memory_space<hbm>>)
      tpu.yield
    }) : () -> ()
    %dma_wait3A_537 = arith.constant 0 : i32
    %dma_wait3A_538 = tpu.memref_slice %arg16[%dma_wait3A_537] : memref<528xi32, #tpu.memory_space<vmem>> -> memref<64xi32, #tpu.memory_space<vmem>>
    %dma_wait3A_539 = arith.constant 0 : i32
    %dma_wait3A_540 = arith.constant 0 : i32
    %dma_wait3A_541 = tpu.memref_slice %arg6[%dma_wait3A_539, %dma_wait3A_540] : memref<100000x128xf32, #tpu.memory_space<hbm>> -> memref<100000x128xf32, #tpu.memory_space<hbm>>
    tpu.wait_indirect_dma semaphore(%arg37 : memref<!tpu.dma_semaphore, #tpu.memory_space<semaphore_mem>>) src(%dma_wait3A_541 : memref<100000x128xf32, #tpu.memory_space<hbm>>) dst(%arg21 : memref<64x128xf32, #tpu.memory_space<vmem>>)
    %add3A_542 = arith.constant 320 : i32
    %add3A_543 = arith.addi %mul3A_4, %add3A_542 : i32
    "tpu.region"() ({
      %run_scoped3A = tpu.sem_alloc : memref<!tpu.dma_semaphore, #tpu.memory_space<semaphore_mem>>
      %dma_start3A_758 = arith.constant 0 : i32
      %dma_start3A_759 = tpu.memref_slice %arg9[%add3A_543, %dma_start3A_758] : memref<16384x128xf32, #tpu.memory_space<hbm>> -> memref<64x128xf32, #tpu.memory_space<hbm>>
      %dma_start3A_760 = arith.constant 0 : i32
      %dma_start3A_761 = tpu.memref_slice %arg9[%add3A_543, %dma_start3A_760] : memref<16384x128xf32, #tpu.memory_space<hbm>> -> memref<64x128xf32, #tpu.memory_space<hbm>>
      tpu.enqueue_dma source(%arg21 : memref<64x128xf32, #tpu.memory_space<vmem>>) target(%dma_start3A_761 : memref<64x128xf32, #tpu.memory_space<hbm>>) target_semaphore(%run_scoped3A : memref<!tpu.dma_semaphore, #tpu.memory_space<semaphore_mem>>)
      %dma_wait3A_762 = arith.constant 0 : i32
      %dma_wait3A_763 = tpu.memref_slice %arg9[%add3A_543, %dma_wait3A_762] : memref<16384x128xf32, #tpu.memory_space<hbm>> -> memref<64x128xf32, #tpu.memory_space<hbm>>
      %dma_wait3A_764 = arith.constant 0 : i32
      %dma_wait3A_765 = tpu.memref_slice %arg9[%add3A_543, %dma_wait3A_764] : memref<16384x128xf32, #tpu.memory_space<hbm>> -> memref<64x128xf32, #tpu.memory_space<hbm>>
      tpu.wait_dma2 semaphore(%run_scoped3A : memref<!tpu.dma_semaphore, #tpu.memory_space<semaphore_mem>>) src(%arg21 : memref<64x128xf32, #tpu.memory_space<vmem>>) dst(%dma_wait3A_765 : memref<64x128xf32, #tpu.memory_space<hbm>>)
      tpu.yield
    }) : () -> ()
    %dma_wait3A_544 = arith.constant 0 : i32
    %dma_wait3A_545 = tpu.memref_slice %arg16[%dma_wait3A_544] : memref<528xi32, #tpu.memory_space<vmem>> -> memref<64xi32, #tpu.memory_space<vmem>>
    %dma_wait3A_546 = arith.constant 0 : i32
    %dma_wait3A_547 = arith.constant 0 : i32
    %dma_wait3A_548 = tpu.memref_slice %arg6[%dma_wait3A_546, %dma_wait3A_547] : memref<100000x128xf32, #tpu.memory_space<hbm>> -> memref<100000x128xf32, #tpu.memory_space<hbm>>
    tpu.wait_indirect_dma semaphore(%arg38 : memref<!tpu.dma_semaphore, #tpu.memory_space<semaphore_mem>>) src(%dma_wait3A_548 : memref<100000x128xf32, #tpu.memory_space<hbm>>) dst(%arg22 : memref<64x128xf32, #tpu.memory_space<vmem>>)
    %add3A_549 = arith.constant 384 : i32
    %add3A_550 = arith.addi %mul3A_4, %add3A_549 : i32
    "tpu.region"() ({
      %run_scoped3A = tpu.sem_alloc : memref<!tpu.dma_semaphore, #tpu.memory_space<semaphore_mem>>
      %dma_start3A_758 = arith.constant 0 : i32
      %dma_start3A_759 = tpu.memref_slice %arg9[%add3A_550, %dma_start3A_758] : memref<16384x128xf32, #tpu.memory_space<hbm>> -> memref<64x128xf32, #tpu.memory_space<hbm>>
      %dma_start3A_760 = arith.constant 0 : i32
      %dma_start3A_761 = tpu.memref_slice %arg9[%add3A_550, %dma_start3A_760] : memref<16384x128xf32, #tpu.memory_space<hbm>> -> memref<64x128xf32, #tpu.memory_space<hbm>>
      tpu.enqueue_dma source(%arg22 : memref<64x128xf32, #tpu.memory_space<vmem>>) target(%dma_start3A_761 : memref<64x128xf32, #tpu.memory_space<hbm>>) target_semaphore(%run_scoped3A : memref<!tpu.dma_semaphore, #tpu.memory_space<semaphore_mem>>)
      %dma_wait3A_762 = arith.constant 0 : i32
      %dma_wait3A_763 = tpu.memref_slice %arg9[%add3A_550, %dma_wait3A_762] : memref<16384x128xf32, #tpu.memory_space<hbm>> -> memref<64x128xf32, #tpu.memory_space<hbm>>
      %dma_wait3A_764 = arith.constant 0 : i32
      %dma_wait3A_765 = tpu.memref_slice %arg9[%add3A_550, %dma_wait3A_764] : memref<16384x128xf32, #tpu.memory_space<hbm>> -> memref<64x128xf32, #tpu.memory_space<hbm>>
      tpu.wait_dma2 semaphore(%run_scoped3A : memref<!tpu.dma_semaphore, #tpu.memory_space<semaphore_mem>>) src(%arg22 : memref<64x128xf32, #tpu.memory_space<vmem>>) dst(%dma_wait3A_765 : memref<64x128xf32, #tpu.memory_space<hbm>>)
      tpu.yield
    }) : () -> ()
    %dma_wait3A_551 = arith.constant 0 : i32
    %dma_wait3A_552 = tpu.memref_slice %arg16[%dma_wait3A_551] : memref<528xi32, #tpu.memory_space<vmem>> -> memref<64xi32, #tpu.memory_space<vmem>>
    %dma_wait3A_553 = arith.constant 0 : i32
    %dma_wait3A_554 = arith.constant 0 : i32
    %dma_wait3A_555 = tpu.memref_slice %arg6[%dma_wait3A_553, %dma_wait3A_554] : memref<100000x128xf32, #tpu.memory_space<hbm>> -> memref<100000x128xf32, #tpu.memory_space<hbm>>
    tpu.wait_indirect_dma semaphore(%arg39 : memref<!tpu.dma_semaphore, #tpu.memory_space<semaphore_mem>>) src(%dma_wait3A_555 : memref<100000x128xf32, #tpu.memory_space<hbm>>) dst(%arg23 : memref<64x128xf32, #tpu.memory_space<vmem>>)
    %add3A_556 = arith.constant 448 : i32
    %add3A_557 = arith.addi %mul3A_4, %add3A_556 : i32
    "tpu.region"() ({
      %run_scoped3A = tpu.sem_alloc : memref<!tpu.dma_semaphore, #tpu.memory_space<semaphore_mem>>
      %dma_start3A_758 = arith.constant 0 : i32
      %dma_start3A_759 = tpu.memref_slice %arg9[%add3A_557, %dma_start3A_758] : memref<16384x128xf32, #tpu.memory_space<hbm>> -> memref<64x128xf32, #tpu.memory_space<hbm>>
      %dma_start3A_760 = arith.constant 0 : i32
      %dma_start3A_761 = tpu.memref_slice %arg9[%add3A_557, %dma_start3A_760] : memref<16384x128xf32, #tpu.memory_space<hbm>> -> memref<64x128xf32, #tpu.memory_space<hbm>>
      tpu.enqueue_dma source(%arg23 : memref<64x128xf32, #tpu.memory_space<vmem>>) target(%dma_start3A_761 : memref<64x128xf32, #tpu.memory_space<hbm>>) target_semaphore(%run_scoped3A : memref<!tpu.dma_semaphore, #tpu.memory_space<semaphore_mem>>)
      %dma_wait3A_762 = arith.constant 0 : i32
      %dma_wait3A_763 = tpu.memref_slice %arg9[%add3A_557, %dma_wait3A_762] : memref<16384x128xf32, #tpu.memory_space<hbm>> -> memref<64x128xf32, #tpu.memory_space<hbm>>
      %dma_wait3A_764 = arith.constant 0 : i32
      %dma_wait3A_765 = tpu.memref_slice %arg9[%add3A_557, %dma_wait3A_764] : memref<16384x128xf32, #tpu.memory_space<hbm>> -> memref<64x128xf32, #tpu.memory_space<hbm>>
      tpu.wait_dma2 semaphore(%run_scoped3A : memref<!tpu.dma_semaphore, #tpu.memory_space<semaphore_mem>>) src(%arg23 : memref<64x128xf32, #tpu.memory_space<vmem>>) dst(%dma_wait3A_765 : memref<64x128xf32, #tpu.memory_space<hbm>>)
      tpu.yield
    }) : () -> ()
    %mul3A_558 = arith.constant 256 : i32
    %mul3A_559 = arith.muli %arg1, %mul3A_558 : i32
    %add3A_560 = arith.constant 0 : i32
    %add3A_561 = arith.addi %mul3A_559, %add3A_560 : i32
    %dma_wait3A_562 = arith.constant 0 : i32
    %dma_wait3A_563 = tpu.memref_slice %arg28[%add3A_561, %dma_wait3A_562] : memref<4096x128xf32, #tpu.memory_space<vmem_shared>> -> memref<64x128xf32, #tpu.memory_space<vmem_shared>>
    %dma_wait3A_564 = arith.constant 0 : i32
    %dma_wait3A_565 = tpu.memref_slice %arg28[%add3A_561, %dma_wait3A_564] : memref<4096x128xf32, #tpu.memory_space<vmem_shared>> -> memref<64x128xf32, #tpu.memory_space<vmem_shared>>
    tpu.wait_dma2 semaphore(%arg35 : memref<!tpu.dma_semaphore, #tpu.memory_space<semaphore_mem>>) src(%arg29 : memref<64x128xf32, #tpu.memory_space<vmem>>) dst(%dma_wait3A_565 : memref<64x128xf32, #tpu.memory_space<vmem_shared>>)
    %mul3A_566 = arith.constant 256 : i32
    %mul3A_567 = arith.muli %arg1, %mul3A_566 : i32
    %add3A_568 = arith.constant 64 : i32
    %add3A_569 = arith.addi %mul3A_567, %add3A_568 : i32
    %dma_wait3A_570 = arith.constant 0 : i32
    %dma_wait3A_571 = tpu.memref_slice %arg28[%add3A_569, %dma_wait3A_570] : memref<4096x128xf32, #tpu.memory_space<vmem_shared>> -> memref<64x128xf32, #tpu.memory_space<vmem_shared>>
    %dma_wait3A_572 = arith.constant 0 : i32
    %dma_wait3A_573 = tpu.memref_slice %arg28[%add3A_569, %dma_wait3A_572] : memref<4096x128xf32, #tpu.memory_space<vmem_shared>> -> memref<64x128xf32, #tpu.memory_space<vmem_shared>>
    tpu.wait_dma2 semaphore(%arg35 : memref<!tpu.dma_semaphore, #tpu.memory_space<semaphore_mem>>) src(%arg29 : memref<64x128xf32, #tpu.memory_space<vmem>>) dst(%dma_wait3A_573 : memref<64x128xf32, #tpu.memory_space<vmem_shared>>)
    %mul3A_574 = arith.constant 256 : i32
    %mul3A_575 = arith.muli %arg1, %mul3A_574 : i32
    %add3A_576 = arith.constant 128 : i32
    %add3A_577 = arith.addi %mul3A_575, %add3A_576 : i32
    %dma_wait3A_578 = arith.constant 0 : i32
    %dma_wait3A_579 = tpu.memref_slice %arg28[%add3A_577, %dma_wait3A_578] : memref<4096x128xf32, #tpu.memory_space<vmem_shared>> -> memref<64x128xf32, #tpu.memory_space<vmem_shared>>
    %dma_wait3A_580 = arith.constant 0 : i32
    %dma_wait3A_581 = tpu.memref_slice %arg28[%add3A_577, %dma_wait3A_580] : memref<4096x128xf32, #tpu.memory_space<vmem_shared>> -> memref<64x128xf32, #tpu.memory_space<vmem_shared>>
    tpu.wait_dma2 semaphore(%arg35 : memref<!tpu.dma_semaphore, #tpu.memory_space<semaphore_mem>>) src(%arg29 : memref<64x128xf32, #tpu.memory_space<vmem>>) dst(%dma_wait3A_581 : memref<64x128xf32, #tpu.memory_space<vmem_shared>>)
    %mul3A_582 = arith.constant 256 : i32
    %mul3A_583 = arith.muli %arg1, %mul3A_582 : i32
    %add3A_584 = arith.constant 192 : i32
    %add3A_585 = arith.addi %mul3A_583, %add3A_584 : i32
    %dma_wait3A_586 = arith.constant 0 : i32
    %dma_wait3A_587 = tpu.memref_slice %arg28[%add3A_585, %dma_wait3A_586] : memref<4096x128xf32, #tpu.memory_space<vmem_shared>> -> memref<64x128xf32, #tpu.memory_space<vmem_shared>>
    %dma_wait3A_588 = arith.constant 0 : i32
    %dma_wait3A_589 = tpu.memref_slice %arg28[%add3A_585, %dma_wait3A_588] : memref<4096x128xf32, #tpu.memory_space<vmem_shared>> -> memref<64x128xf32, #tpu.memory_space<vmem_shared>>
    tpu.wait_dma2 semaphore(%arg35 : memref<!tpu.dma_semaphore, #tpu.memory_space<semaphore_mem>>) src(%arg29 : memref<64x128xf32, #tpu.memory_space<vmem>>) dst(%dma_wait3A_589 : memref<64x128xf32, #tpu.memory_space<vmem_shared>>)
    %dma_start3A_590 = arith.constant 0 : i32
    %dma_start3A_591 = tpu.memref_slice %arg19[%dma_start3A_590] : memref<8192xi32, #tpu.memory_space<vmem>> -> memref<64xi32, #tpu.memory_space<vmem>>
    %dma_start3A_592 = arith.constant 0 : i32
    %dma_start3A_593 = arith.constant 0 : i32
    %dma_start3A_594 = tpu.memref_slice %arg6[%dma_start3A_592, %dma_start3A_593] : memref<100000x128xf32, #tpu.memory_space<hbm>> -> memref<100000x128xf32, #tpu.memory_space<hbm>>
    tpu.enqueue_indirect_dma source(%dma_start3A_594 : memref<100000x128xf32, #tpu.memory_space<hbm>>) target(%arg20 : memref<64x128xf32, #tpu.memory_space<vmem>>) offsets(%dma_start3A_591 : memref<64xi32, #tpu.memory_space<vmem>>) semaphore(%arg36 : memref<!tpu.dma_semaphore, #tpu.memory_space<semaphore_mem>>)
    %dma_start3A_595 = arith.constant 64 : i32
    %dma_start3A_596 = tpu.memref_slice %arg19[%dma_start3A_595] : memref<8192xi32, #tpu.memory_space<vmem>> -> memref<64xi32, #tpu.memory_space<vmem>>
    %dma_start3A_597 = arith.constant 0 : i32
    %dma_start3A_598 = arith.constant 0 : i32
    %dma_start3A_599 = tpu.memref_slice %arg6[%dma_start3A_597, %dma_start3A_598] : memref<100000x128xf32, #tpu.memory_space<hbm>> -> memref<100000x128xf32, #tpu.memory_space<hbm>>
    tpu.enqueue_indirect_dma source(%dma_start3A_599 : memref<100000x128xf32, #tpu.memory_space<hbm>>) target(%arg21 : memref<64x128xf32, #tpu.memory_space<vmem>>) offsets(%dma_start3A_596 : memref<64xi32, #tpu.memory_space<vmem>>) semaphore(%arg37 : memref<!tpu.dma_semaphore, #tpu.memory_space<semaphore_mem>>)
    %dma_start3A_600 = arith.constant 128 : i32
    %dma_start3A_601 = tpu.memref_slice %arg19[%dma_start3A_600] : memref<8192xi32, #tpu.memory_space<vmem>> -> memref<64xi32, #tpu.memory_space<vmem>>
    %dma_start3A_602 = arith.constant 0 : i32
    %dma_start3A_603 = arith.constant 0 : i32
    %dma_start3A_604 = tpu.memref_slice %arg6[%dma_start3A_602, %dma_start3A_603] : memref<100000x128xf32, #tpu.memory_space<hbm>> -> memref<100000x128xf32, #tpu.memory_space<hbm>>
    tpu.enqueue_indirect_dma source(%dma_start3A_604 : memref<100000x128xf32, #tpu.memory_space<hbm>>) target(%arg22 : memref<64x128xf32, #tpu.memory_space<vmem>>) offsets(%dma_start3A_601 : memref<64xi32, #tpu.memory_space<vmem>>) semaphore(%arg38 : memref<!tpu.dma_semaphore, #tpu.memory_space<semaphore_mem>>)
    %dma_start3A_605 = arith.constant 192 : i32
    %dma_start3A_606 = tpu.memref_slice %arg19[%dma_start3A_605] : memref<8192xi32, #tpu.memory_space<vmem>> -> memref<64xi32, #tpu.memory_space<vmem>>
    %dma_start3A_607 = arith.constant 0 : i32
    %dma_start3A_608 = arith.constant 0 : i32
    %dma_start3A_609 = tpu.memref_slice %arg6[%dma_start3A_607, %dma_start3A_608] : memref<100000x128xf32, #tpu.memory_space<hbm>> -> memref<100000x128xf32, #tpu.memory_space<hbm>>
    tpu.enqueue_indirect_dma source(%dma_start3A_609 : memref<100000x128xf32, #tpu.memory_space<hbm>>) target(%arg23 : memref<64x128xf32, #tpu.memory_space<vmem>>) offsets(%dma_start3A_606 : memref<64xi32, #tpu.memory_space<vmem>>) semaphore(%arg39 : memref<!tpu.dma_semaphore, #tpu.memory_space<semaphore_mem>>)
    %scan3A_610 = arith.constant 0 : i32
    %scan3A_611 = arith.constant 16 : i32
    %scan3A_612 = arith.addi %scan3A_610, %scan3A_611 : i32
    %scan3A_613 = arith.constant 1 : i32
    scf.for %scan3A_758 = %scan3A_610 to %scan3A_612 step %scan3A_613  : i32 {
      %mul3A_759 = arith.constant 1 : i32
      %mul3A_760 = arith.muli %scan3A_758, %mul3A_759 : i32
      %add3A_761 = arith.constant 0 : i32
      %add3A_762 = arith.addi %add3A_761, %mul3A_760 : i32
      %mul3A_763 = arith.constant 256 : i32
      %mul3A_764 = arith.muli %arg1, %mul3A_763 : i32
      %mul3A_765 = arith.constant 16 : i32
      %mul3A_766 = arith.muli %add3A_762, %mul3A_765 : i32
      %add3A_767 = arith.addi %mul3A_764, %mul3A_766 : i32
      %add3A_768 = arith.constant 0 : i32
      %add3A_769 = arith.addi %add3A_767, %add3A_768 : i32
      %add3A_770 = arith.constant 0 : i32
      %add3A_771 = arith.addi %add3A_769, %add3A_770 : i32
      %broadcast_in_dim3A_772 = vector.broadcast %add3A_771 : i32 to vector<16xi32>
      %swap3A_773 = arith.constant 0 : index
      %swap3A_774 = tpu.vector_load %arg24[%swap3A_773] {strides = array<i32>} : memref<64xi32, #tpu.memory_space<vmem>>, vector<16xi32>,
      %swap3A_775 = vector.shape_cast %swap3A_774 : vector<16xi32> to vector<16xi32>
      %swap3A_776 = vector.shape_cast %broadcast_in_dim3A_772 : vector<16xi32> to vector<16xi32>
      tpu.vector_store %arg24[%swap3A_773], %swap3A_776 {strides = array<i32>} : memref<64xi32, #tpu.memory_space<vmem>>, vector<16xi32>,
      %add3A_777 = arith.constant 1 : i32
      %add3A_778 = arith.addi %add3A_769, %add3A_777 : i32
      %broadcast_in_dim3A_779 = vector.broadcast %add3A_778 : i32 to vector<16xi32>
      %swap3A_780 = arith.constant 16 : index
      %swap3A_781 = tpu.vector_load %arg24[%swap3A_780] {strides = array<i32>} : memref<64xi32, #tpu.memory_space<vmem>>, vector<16xi32>,
      %swap3A_782 = vector.shape_cast %swap3A_781 : vector<16xi32> to vector<16xi32>
      %swap3A_783 = vector.shape_cast %broadcast_in_dim3A_779 : vector<16xi32> to vector<16xi32>
      tpu.vector_store %arg24[%swap3A_780], %swap3A_783 {strides = array<i32>} : memref<64xi32, #tpu.memory_space<vmem>>, vector<16xi32>,
      %add3A_784 = arith.constant 2 : i32
      %add3A_785 = arith.addi %add3A_769, %add3A_784 : i32
      %broadcast_in_dim3A_786 = vector.broadcast %add3A_785 : i32 to vector<16xi32>
      %swap3A_787 = arith.constant 32 : index
      %swap3A_788 = tpu.vector_load %arg24[%swap3A_787] {strides = array<i32>} : memref<64xi32, #tpu.memory_space<vmem>>, vector<16xi32>,
      %swap3A_789 = vector.shape_cast %swap3A_788 : vector<16xi32> to vector<16xi32>
      %swap3A_790 = vector.shape_cast %broadcast_in_dim3A_786 : vector<16xi32> to vector<16xi32>
      tpu.vector_store %arg24[%swap3A_787], %swap3A_790 {strides = array<i32>} : memref<64xi32, #tpu.memory_space<vmem>>, vector<16xi32>,
      %add3A_791 = arith.constant 3 : i32
      %add3A_792 = arith.addi %add3A_769, %add3A_791 : i32
      %broadcast_in_dim3A_793 = vector.broadcast %add3A_792 : i32 to vector<16xi32>
      %swap3A_794 = arith.constant 48 : index
      %swap3A_795 = tpu.vector_load %arg24[%swap3A_794] {strides = array<i32>} : memref<64xi32, #tpu.memory_space<vmem>>, vector<16xi32>,
      %swap3A_796 = vector.shape_cast %swap3A_795 : vector<16xi32> to vector<16xi32>
      %swap3A_797 = vector.shape_cast %broadcast_in_dim3A_793 : vector<16xi32> to vector<16xi32>
      tpu.vector_store %arg24[%swap3A_794], %swap3A_797 {strides = array<i32>} : memref<64xi32, #tpu.memory_space<vmem>>, vector<16xi32>,
      %dma_wait3A_798 = arith.constant 0 : i32
      %dma_wait3A_799 = tpu.memref_slice %arg19[%dma_wait3A_798] : memref<8192xi32, #tpu.memory_space<vmem>> -> memref<64xi32, #tpu.memory_space<vmem>>
      %dma_wait3A_800 = arith.constant 0 : i32
      %dma_wait3A_801 = arith.constant 0 : i32
      %dma_wait3A_802 = tpu.memref_slice %arg6[%dma_wait3A_800, %dma_wait3A_801] : memref<100000x128xf32, #tpu.memory_space<hbm>> -> memref<100000x128xf32, #tpu.memory_space<hbm>>
      tpu.wait_indirect_dma semaphore(%arg36 : memref<!tpu.dma_semaphore, #tpu.memory_space<semaphore_mem>>) src(%dma_wait3A_802 : memref<100000x128xf32, #tpu.memory_space<hbm>>) dst(%arg20 : memref<64x128xf32, #tpu.memory_space<vmem>>)
      "tpu.region"() ({
        %run_scoped3A = tpu.sem_alloc : memref<!tpu.dma_semaphore, #tpu.memory_space<semaphore_mem>>
        %dma_start3A_986 = arith.constant 0 : i32
        %dma_start3A_987 = arith.constant 0 : i32
        %dma_start3A_988 = tpu.memref_slice %arg28[%dma_start3A_986, %dma_start3A_987] : memref<4096x128xf32, #tpu.memory_space<vmem_shared>> -> memref<4096x128xf32, #tpu.memory_space<vmem_shared>>
        tpu.enqueue_indirect_dma source(%arg20 : memref<64x128xf32, #tpu.memory_space<vmem>>) target(%dma_start3A_988 : memref<4096x128xf32, #tpu.memory_space<vmem_shared>>) offsets(%arg24 : memref<64xi32, #tpu.memory_space<vmem>>) semaphore(%run_scoped3A : memref<!tpu.dma_semaphore, #tpu.memory_space<semaphore_mem>>) {add = true}
        %dma_wait3A_989 = arith.constant 0 : i32
        %dma_wait3A_990 = arith.constant 0 : i32
        %dma_wait3A_991 = tpu.memref_slice %arg28[%dma_wait3A_989, %dma_wait3A_990] : memref<4096x128xf32, #tpu.memory_space<vmem_shared>> -> memref<4096x128xf32, #tpu.memory_space<vmem_shared>>
        tpu.wait_indirect_dma semaphore(%run_scoped3A : memref<!tpu.dma_semaphore, #tpu.memory_space<semaphore_mem>>) src(%arg20 : memref<64x128xf32, #tpu.memory_space<vmem>>) dst(%dma_wait3A_991 : memref<4096x128xf32, #tpu.memory_space<vmem_shared>>)
        tpu.yield
      }) : () -> ()
      %mul3A_803 = arith.constant 4 : i32
      %mul3A_804 = arith.muli %mul3A_803, %add3A_762 : i32
      %add3A_805 = arith.constant 0 : i32
      %add3A_806 = arith.addi %mul3A_804, %add3A_805 : i32
      %add3A_807 = arith.constant 4 : i32
      %add3A_808 = arith.addi %add3A_806, %add3A_807 : i32
      %and3A = arith.constant 63 : i32
      %and3A_809 = arith.andi %add3A_808, %and3A : i32
      %add3A_810 = arith.constant 0 : i32
      %add3A_811 = arith.addi %add3A_810, %and3A_809 : i32
      %mul3A_812 = arith.constant 64 : i32
      %mul3A_813 = arith.muli %add3A_811, %mul3A_812 : i32
      %dma_start3A_814 = tpu.memref_slice %arg19[%mul3A_813] : memref<8192xi32, #tpu.memory_space<vmem>> -> memref<64xi32, #tpu.memory_space<vmem>>
      %dma_start3A_815 = arith.constant 0 : i32
      %dma_start3A_816 = arith.constant 0 : i32
      %dma_start3A_817 = tpu.memref_slice %arg6[%dma_start3A_815, %dma_start3A_816] : memref<100000x128xf32, #tpu.memory_space<hbm>> -> memref<100000x128xf32, #tpu.memory_space<hbm>>
      tpu.enqueue_indirect_dma source(%dma_start3A_817 : memref<100000x128xf32, #tpu.memory_space<hbm>>) target(%arg20 : memref<64x128xf32, #tpu.memory_space<vmem>>) offsets(%dma_start3A_814 : memref<64xi32, #tpu.memory_space<vmem>>) semaphore(%arg36 : memref<!tpu.dma_semaphore, #tpu.memory_space<semaphore_mem>>)
      %mul3A_818 = arith.constant 256 : i32
      %mul3A_819 = arith.muli %arg1, %mul3A_818 : i32
      %mul3A_820 = arith.constant 16 : i32
      %mul3A_821 = arith.muli %add3A_762, %mul3A_820 : i32
      %add3A_822 = arith.addi %mul3A_819, %mul3A_821 : i32
      %add3A_823 = arith.constant 4 : i32
      %add3A_824 = arith.addi %add3A_822, %add3A_823 : i32
      %add3A_825 = arith.constant 0 : i32
      %add3A_826 = arith.addi %add3A_824, %add3A_825 : i32
      %broadcast_in_dim3A_827 = vector.broadcast %add3A_826 : i32 to vector<16xi32>
      %swap3A_828 = arith.constant 0 : index
      %swap3A_829 = tpu.vector_load %arg25[%swap3A_828] {strides = array<i32>} : memref<64xi32, #tpu.memory_space<vmem>>, vector<16xi32>,
      %swap3A_830 = vector.shape_cast %swap3A_829 : vector<16xi32> to vector<16xi32>
      %swap3A_831 = vector.shape_cast %broadcast_in_dim3A_827 : vector<16xi32> to vector<16xi32>
      tpu.vector_store %arg25[%swap3A_828], %swap3A_831 {strides = array<i32>} : memref<64xi32, #tpu.memory_space<vmem>>, vector<16xi32>,
      %add3A_832 = arith.constant 1 : i32
      %add3A_833 = arith.addi %add3A_824, %add3A_832 : i32
      %broadcast_in_dim3A_834 = vector.broadcast %add3A_833 : i32 to vector<16xi32>
      %swap3A_835 = arith.constant 16 : index
      %swap3A_836 = tpu.vector_load %arg25[%swap3A_835] {strides = array<i32>} : memref<64xi32, #tpu.memory_space<vmem>>, vector<16xi32>,
      %swap3A_837 = vector.shape_cast %swap3A_836 : vector<16xi32> to vector<16xi32>
      %swap3A_838 = vector.shape_cast %broadcast_in_dim3A_834 : vector<16xi32> to vector<16xi32>
      tpu.vector_store %arg25[%swap3A_835], %swap3A_838 {strides = array<i32>} : memref<64xi32, #tpu.memory_space<vmem>>, vector<16xi32>,
      %add3A_839 = arith.constant 2 : i32
      %add3A_840 = arith.addi %add3A_824, %add3A_839 : i32
      %broadcast_in_dim3A_841 = vector.broadcast %add3A_840 : i32 to vector<16xi32>
      %swap3A_842 = arith.constant 32 : index
      %swap3A_843 = tpu.vector_load %arg25[%swap3A_842] {strides = array<i32>} : memref<64xi32, #tpu.memory_space<vmem>>, vector<16xi32>,
      %swap3A_844 = vector.shape_cast %swap3A_843 : vector<16xi32> to vector<16xi32>
      %swap3A_845 = vector.shape_cast %broadcast_in_dim3A_841 : vector<16xi32> to vector<16xi32>
      tpu.vector_store %arg25[%swap3A_842], %swap3A_845 {strides = array<i32>} : memref<64xi32, #tpu.memory_space<vmem>>, vector<16xi32>,
      %add3A_846 = arith.constant 3 : i32
      %add3A_847 = arith.addi %add3A_824, %add3A_846 : i32
      %broadcast_in_dim3A_848 = vector.broadcast %add3A_847 : i32 to vector<16xi32>
      %swap3A_849 = arith.constant 48 : index
      %swap3A_850 = tpu.vector_load %arg25[%swap3A_849] {strides = array<i32>} : memref<64xi32, #tpu.memory_space<vmem>>, vector<16xi32>,
      %swap3A_851 = vector.shape_cast %swap3A_850 : vector<16xi32> to vector<16xi32>
      %swap3A_852 = vector.shape_cast %broadcast_in_dim3A_848 : vector<16xi32> to vector<16xi32>
      tpu.vector_store %arg25[%swap3A_849], %swap3A_852 {strides = array<i32>} : memref<64xi32, #tpu.memory_space<vmem>>, vector<16xi32>,
      %dma_wait3A_853 = arith.constant 0 : i32
      %dma_wait3A_854 = tpu.memref_slice %arg19[%dma_wait3A_853] : memref<8192xi32, #tpu.memory_space<vmem>> -> memref<64xi32, #tpu.memory_space<vmem>>
      %dma_wait3A_855 = arith.constant 0 : i32
      %dma_wait3A_856 = arith.constant 0 : i32
      %dma_wait3A_857 = tpu.memref_slice %arg6[%dma_wait3A_855, %dma_wait3A_856] : memref<100000x128xf32, #tpu.memory_space<hbm>> -> memref<100000x128xf32, #tpu.memory_space<hbm>>
      tpu.wait_indirect_dma semaphore(%arg37 : memref<!tpu.dma_semaphore, #tpu.memory_space<semaphore_mem>>) src(%dma_wait3A_857 : memref<100000x128xf32, #tpu.memory_space<hbm>>) dst(%arg21 : memref<64x128xf32, #tpu.memory_space<vmem>>)
      "tpu.region"() ({
        %run_scoped3A = tpu.sem_alloc : memref<!tpu.dma_semaphore, #tpu.memory_space<semaphore_mem>>
        %dma_start3A_986 = arith.constant 0 : i32
        %dma_start3A_987 = arith.constant 0 : i32
        %dma_start3A_988 = tpu.memref_slice %arg28[%dma_start3A_986, %dma_start3A_987] : memref<4096x128xf32, #tpu.memory_space<vmem_shared>> -> memref<4096x128xf32, #tpu.memory_space<vmem_shared>>
        tpu.enqueue_indirect_dma source(%arg21 : memref<64x128xf32, #tpu.memory_space<vmem>>) target(%dma_start3A_988 : memref<4096x128xf32, #tpu.memory_space<vmem_shared>>) offsets(%arg25 : memref<64xi32, #tpu.memory_space<vmem>>) semaphore(%run_scoped3A : memref<!tpu.dma_semaphore, #tpu.memory_space<semaphore_mem>>) {add = true}
        %dma_wait3A_989 = arith.constant 0 : i32
        %dma_wait3A_990 = arith.constant 0 : i32
        %dma_wait3A_991 = tpu.memref_slice %arg28[%dma_wait3A_989, %dma_wait3A_990] : memref<4096x128xf32, #tpu.memory_space<vmem_shared>> -> memref<4096x128xf32, #tpu.memory_space<vmem_shared>>
        tpu.wait_indirect_dma semaphore(%run_scoped3A : memref<!tpu.dma_semaphore, #tpu.memory_space<semaphore_mem>>) src(%arg21 : memref<64x128xf32, #tpu.memory_space<vmem>>) dst(%dma_wait3A_991 : memref<4096x128xf32, #tpu.memory_space<vmem_shared>>)
        tpu.yield
      }) : () -> ()
      %mul3A_858 = arith.constant 4 : i32
      %mul3A_859 = arith.muli %mul3A_858, %add3A_762 : i32
      %add3A_860 = arith.constant 1 : i32
      %add3A_861 = arith.addi %mul3A_859, %add3A_860 : i32
      %add3A_862 = arith.constant 4 : i32
      %add3A_863 = arith.addi %add3A_861, %add3A_862 : i32
      %and3A_864 = arith.constant 63 : i32
      %and3A_865 = arith.andi %add3A_863, %and3A_864 : i32
      %add3A_866 = arith.constant 0 : i32
      %add3A_867 = arith.addi %add3A_866, %and3A_865 : i32
      %mul3A_868 = arith.constant 64 : i32
      %mul3A_869 = arith.muli %add3A_867, %mul3A_868 : i32
      %dma_start3A_870 = tpu.memref_slice %arg19[%mul3A_869] : memref<8192xi32, #tpu.memory_space<vmem>> -> memref<64xi32, #tpu.memory_space<vmem>>
      %dma_start3A_871 = arith.constant 0 : i32
      %dma_start3A_872 = arith.constant 0 : i32
      %dma_start3A_873 = tpu.memref_slice %arg6[%dma_start3A_871, %dma_start3A_872] : memref<100000x128xf32, #tpu.memory_space<hbm>> -> memref<100000x128xf32, #tpu.memory_space<hbm>>
      tpu.enqueue_indirect_dma source(%dma_start3A_873 : memref<100000x128xf32, #tpu.memory_space<hbm>>) target(%arg21 : memref<64x128xf32, #tpu.memory_space<vmem>>) offsets(%dma_start3A_870 : memref<64xi32, #tpu.memory_space<vmem>>) semaphore(%arg37 : memref<!tpu.dma_semaphore, #tpu.memory_space<semaphore_mem>>)
      %mul3A_874 = arith.constant 256 : i32
      %mul3A_875 = arith.muli %arg1, %mul3A_874 : i32
      %mul3A_876 = arith.constant 16 : i32
      %mul3A_877 = arith.muli %add3A_762, %mul3A_876 : i32
      %add3A_878 = arith.addi %mul3A_875, %mul3A_877 : i32
      %add3A_879 = arith.constant 8 : i32
      %add3A_880 = arith.addi %add3A_878, %add3A_879 : i32
      %add3A_881 = arith.constant 0 : i32
      %add3A_882 = arith.addi %add3A_880, %add3A_881 : i32
      %broadcast_in_dim3A_883 = vector.broadcast %add3A_882 : i32 to vector<16xi32>
      %swap3A_884 = arith.constant 0 : index
      %swap3A_885 = tpu.vector_load %arg26[%swap3A_884] {strides = array<i32>} : memref<64xi32, #tpu.memory_space<vmem>>, vector<16xi32>,
      %swap3A_886 = vector.shape_cast %swap3A_885 : vector<16xi32> to vector<16xi32>
      %swap3A_887 = vector.shape_cast %broadcast_in_dim3A_883 : vector<16xi32> to vector<16xi32>
      tpu.vector_store %arg26[%swap3A_884], %swap3A_887 {strides = array<i32>} : memref<64xi32, #tpu.memory_space<vmem>>, vector<16xi32>,
      %add3A_888 = arith.constant 1 : i32
      %add3A_889 = arith.addi %add3A_880, %add3A_888 : i32
      %broadcast_in_dim3A_890 = vector.broadcast %add3A_889 : i32 to vector<16xi32>
      %swap3A_891 = arith.constant 16 : index
      %swap3A_892 = tpu.vector_load %arg26[%swap3A_891] {strides = array<i32>} : memref<64xi32, #tpu.memory_space<vmem>>, vector<16xi32>,
      %swap3A_893 = vector.shape_cast %swap3A_892 : vector<16xi32> to vector<16xi32>
      %swap3A_894 = vector.shape_cast %broadcast_in_dim3A_890 : vector<16xi32> to vector<16xi32>
      tpu.vector_store %arg26[%swap3A_891], %swap3A_894 {strides = array<i32>} : memref<64xi32, #tpu.memory_space<vmem>>, vector<16xi32>,
      %add3A_895 = arith.constant 2 : i32
      %add3A_896 = arith.addi %add3A_880, %add3A_895 : i32
      %broadcast_in_dim3A_897 = vector.broadcast %add3A_896 : i32 to vector<16xi32>
      %swap3A_898 = arith.constant 32 : index
      %swap3A_899 = tpu.vector_load %arg26[%swap3A_898] {strides = array<i32>} : memref<64xi32, #tpu.memory_space<vmem>>, vector<16xi32>,
      %swap3A_900 = vector.shape_cast %swap3A_899 : vector<16xi32> to vector<16xi32>
      %swap3A_901 = vector.shape_cast %broadcast_in_dim3A_897 : vector<16xi32> to vector<16xi32>
      tpu.vector_store %arg26[%swap3A_898], %swap3A_901 {strides = array<i32>} : memref<64xi32, #tpu.memory_space<vmem>>, vector<16xi32>,
      %add3A_902 = arith.constant 3 : i32
      %add3A_903 = arith.addi %add3A_880, %add3A_902 : i32
      %broadcast_in_dim3A_904 = vector.broadcast %add3A_903 : i32 to vector<16xi32>
      %swap3A_905 = arith.constant 48 : index
      %swap3A_906 = tpu.vector_load %arg26[%swap3A_905] {strides = array<i32>} : memref<64xi32, #tpu.memory_space<vmem>>, vector<16xi32>,
      %swap3A_907 = vector.shape_cast %swap3A_906 : vector<16xi32> to vector<16xi32>
      %swap3A_908 = vector.shape_cast %broadcast_in_dim3A_904 : vector<16xi32> to vector<16xi32>
      tpu.vector_store %arg26[%swap3A_905], %swap3A_908 {strides = array<i32>} : memref<64xi32, #tpu.memory_space<vmem>>, vector<16xi32>,
      %dma_wait3A_909 = arith.constant 0 : i32
      %dma_wait3A_910 = tpu.memref_slice %arg19[%dma_wait3A_909] : memref<8192xi32, #tpu.memory_space<vmem>> -> memref<64xi32, #tpu.memory_space<vmem>>
      %dma_wait3A_911 = arith.constant 0 : i32
      %dma_wait3A_912 = arith.constant 0 : i32
      %dma_wait3A_913 = tpu.memref_slice %arg6[%dma_wait3A_911, %dma_wait3A_912] : memref<100000x128xf32, #tpu.memory_space<hbm>> -> memref<100000x128xf32, #tpu.memory_space<hbm>>
      tpu.wait_indirect_dma semaphore(%arg38 : memref<!tpu.dma_semaphore, #tpu.memory_space<semaphore_mem>>) src(%dma_wait3A_913 : memref<100000x128xf32, #tpu.memory_space<hbm>>) dst(%arg22 : memref<64x128xf32, #tpu.memory_space<vmem>>)
      "tpu.region"() ({
        %run_scoped3A = tpu.sem_alloc : memref<!tpu.dma_semaphore, #tpu.memory_space<semaphore_mem>>
        %dma_start3A_986 = arith.constant 0 : i32
        %dma_start3A_987 = arith.constant 0 : i32
        %dma_start3A_988 = tpu.memref_slice %arg28[%dma_start3A_986, %dma_start3A_987] : memref<4096x128xf32, #tpu.memory_space<vmem_shared>> -> memref<4096x128xf32, #tpu.memory_space<vmem_shared>>
        tpu.enqueue_indirect_dma source(%arg22 : memref<64x128xf32, #tpu.memory_space<vmem>>) target(%dma_start3A_988 : memref<4096x128xf32, #tpu.memory_space<vmem_shared>>) offsets(%arg26 : memref<64xi32, #tpu.memory_space<vmem>>) semaphore(%run_scoped3A : memref<!tpu.dma_semaphore, #tpu.memory_space<semaphore_mem>>) {add = true}
        %dma_wait3A_989 = arith.constant 0 : i32
        %dma_wait3A_990 = arith.constant 0 : i32
        %dma_wait3A_991 = tpu.memref_slice %arg28[%dma_wait3A_989, %dma_wait3A_990] : memref<4096x128xf32, #tpu.memory_space<vmem_shared>> -> memref<4096x128xf32, #tpu.memory_space<vmem_shared>>
        tpu.wait_indirect_dma semaphore(%run_scoped3A : memref<!tpu.dma_semaphore, #tpu.memory_space<semaphore_mem>>) src(%arg22 : memref<64x128xf32, #tpu.memory_space<vmem>>) dst(%dma_wait3A_991 : memref<4096x128xf32, #tpu.memory_space<vmem_shared>>)
        tpu.yield
      }) : () -> ()
      %mul3A_914 = arith.constant 4 : i32
      %mul3A_915 = arith.muli %mul3A_914, %add3A_762 : i32
      %add3A_916 = arith.constant 2 : i32
      %add3A_917 = arith.addi %mul3A_915, %add3A_916 : i32
      %add3A_918 = arith.constant 4 : i32
      %add3A_919 = arith.addi %add3A_917, %add3A_918 : i32
      %and3A_920 = arith.constant 63 : i32
      %and3A_921 = arith.andi %add3A_919, %and3A_920 : i32
      %add3A_922 = arith.constant 0 : i32
      %add3A_923 = arith.addi %add3A_922, %and3A_921 : i32
      %mul3A_924 = arith.constant 64 : i32
      %mul3A_925 = arith.muli %add3A_923, %mul3A_924 : i32
      %dma_start3A_926 = tpu.memref_slice %arg19[%mul3A_925] : memref<8192xi32, #tpu.memory_space<vmem>> -> memref<64xi32, #tpu.memory_space<vmem>>
      %dma_start3A_927 = arith.constant 0 : i32
      %dma_start3A_928 = arith.constant 0 : i32
      %dma_start3A_929 = tpu.memref_slice %arg6[%dma_start3A_927, %dma_start3A_928] : memref<100000x128xf32, #tpu.memory_space<hbm>> -> memref<100000x128xf32, #tpu.memory_space<hbm>>
      tpu.enqueue_indirect_dma source(%dma_start3A_929 : memref<100000x128xf32, #tpu.memory_space<hbm>>) target(%arg22 : memref<64x128xf32, #tpu.memory_space<vmem>>) offsets(%dma_start3A_926 : memref<64xi32, #tpu.memory_space<vmem>>) semaphore(%arg38 : memref<!tpu.dma_semaphore, #tpu.memory_space<semaphore_mem>>)
      %mul3A_930 = arith.constant 256 : i32
      %mul3A_931 = arith.muli %arg1, %mul3A_930 : i32
      %mul3A_932 = arith.constant 16 : i32
      %mul3A_933 = arith.muli %add3A_762, %mul3A_932 : i32
      %add3A_934 = arith.addi %mul3A_931, %mul3A_933 : i32
      %add3A_935 = arith.constant 12 : i32
      %add3A_936 = arith.addi %add3A_934, %add3A_935 : i32
      %add3A_937 = arith.constant 0 : i32
      %add3A_938 = arith.addi %add3A_936, %add3A_937 : i32
      %broadcast_in_dim3A_939 = vector.broadcast %add3A_938 : i32 to vector<16xi32>
      %swap3A_940 = arith.constant 0 : index
      %swap3A_941 = tpu.vector_load %arg27[%swap3A_940] {strides = array<i32>} : memref<64xi32, #tpu.memory_space<vmem>>, vector<16xi32>,
      %swap3A_942 = vector.shape_cast %swap3A_941 : vector<16xi32> to vector<16xi32>
      %swap3A_943 = vector.shape_cast %broadcast_in_dim3A_939 : vector<16xi32> to vector<16xi32>
      tpu.vector_store %arg27[%swap3A_940], %swap3A_943 {strides = array<i32>} : memref<64xi32, #tpu.memory_space<vmem>>, vector<16xi32>,
      %add3A_944 = arith.constant 1 : i32
      %add3A_945 = arith.addi %add3A_936, %add3A_944 : i32
      %broadcast_in_dim3A_946 = vector.broadcast %add3A_945 : i32 to vector<16xi32>
      %swap3A_947 = arith.constant 16 : index
      %swap3A_948 = tpu.vector_load %arg27[%swap3A_947] {strides = array<i32>} : memref<64xi32, #tpu.memory_space<vmem>>, vector<16xi32>,
      %swap3A_949 = vector.shape_cast %swap3A_948 : vector<16xi32> to vector<16xi32>
      %swap3A_950 = vector.shape_cast %broadcast_in_dim3A_946 : vector<16xi32> to vector<16xi32>
      tpu.vector_store %arg27[%swap3A_947], %swap3A_950 {strides = array<i32>} : memref<64xi32, #tpu.memory_space<vmem>>, vector<16xi32>,
      %add3A_951 = arith.constant 2 : i32
      %add3A_952 = arith.addi %add3A_936, %add3A_951 : i32
      %broadcast_in_dim3A_953 = vector.broadcast %add3A_952 : i32 to vector<16xi32>
      %swap3A_954 = arith.constant 32 : index
      %swap3A_955 = tpu.vector_load %arg27[%swap3A_954] {strides = array<i32>} : memref<64xi32, #tpu.memory_space<vmem>>, vector<16xi32>,
      %swap3A_956 = vector.shape_cast %swap3A_955 : vector<16xi32> to vector<16xi32>
      %swap3A_957 = vector.shape_cast %broadcast_in_dim3A_953 : vector<16xi32> to vector<16xi32>
      tpu.vector_store %arg27[%swap3A_954], %swap3A_957 {strides = array<i32>} : memref<64xi32, #tpu.memory_space<vmem>>, vector<16xi32>,
      %add3A_958 = arith.constant 3 : i32
      %add3A_959 = arith.addi %add3A_936, %add3A_958 : i32
      %broadcast_in_dim3A_960 = vector.broadcast %add3A_959 : i32 to vector<16xi32>
      %swap3A_961 = arith.constant 48 : index
      %swap3A_962 = tpu.vector_load %arg27[%swap3A_961] {strides = array<i32>} : memref<64xi32, #tpu.memory_space<vmem>>, vector<16xi32>,
      %swap3A_963 = vector.shape_cast %swap3A_962 : vector<16xi32> to vector<16xi32>
      %swap3A_964 = vector.shape_cast %broadcast_in_dim3A_960 : vector<16xi32> to vector<16xi32>
      tpu.vector_store %arg27[%swap3A_961], %swap3A_964 {strides = array<i32>} : memref<64xi32, #tpu.memory_space<vmem>>, vector<16xi32>,
      %dma_wait3A_965 = arith.constant 0 : i32
      %dma_wait3A_966 = tpu.memref_slice %arg19[%dma_wait3A_965] : memref<8192xi32, #tpu.memory_space<vmem>> -> memref<64xi32, #tpu.memory_space<vmem>>
      %dma_wait3A_967 = arith.constant 0 : i32
      %dma_wait3A_968 = arith.constant 0 : i32
      %dma_wait3A_969 = tpu.memref_slice %arg6[%dma_wait3A_967, %dma_wait3A_968] : memref<100000x128xf32, #tpu.memory_space<hbm>> -> memref<100000x128xf32, #tpu.memory_space<hbm>>
      tpu.wait_indirect_dma semaphore(%arg39 : memref<!tpu.dma_semaphore, #tpu.memory_space<semaphore_mem>>) src(%dma_wait3A_969 : memref<100000x128xf32, #tpu.memory_space<hbm>>) dst(%arg23 : memref<64x128xf32, #tpu.memory_space<vmem>>)
      "tpu.region"() ({
        %run_scoped3A = tpu.sem_alloc : memref<!tpu.dma_semaphore, #tpu.memory_space<semaphore_mem>>
        %dma_start3A_986 = arith.constant 0 : i32
        %dma_start3A_987 = arith.constant 0 : i32
        %dma_start3A_988 = tpu.memref_slice %arg28[%dma_start3A_986, %dma_start3A_987] : memref<4096x128xf32, #tpu.memory_space<vmem_shared>> -> memref<4096x128xf32, #tpu.memory_space<vmem_shared>>
        tpu.enqueue_indirect_dma source(%arg23 : memref<64x128xf32, #tpu.memory_space<vmem>>) target(%dma_start3A_988 : memref<4096x128xf32, #tpu.memory_space<vmem_shared>>) offsets(%arg27 : memref<64xi32, #tpu.memory_space<vmem>>) semaphore(%run_scoped3A : memref<!tpu.dma_semaphore, #tpu.memory_space<semaphore_mem>>) {add = true}
        %dma_wait3A_989 = arith.constant 0 : i32
        %dma_wait3A_990 = arith.constant 0 : i32
        %dma_wait3A_991 = tpu.memref_slice %arg28[%dma_wait3A_989, %dma_wait3A_990] : memref<4096x128xf32, #tpu.memory_space<vmem_shared>> -> memref<4096x128xf32, #tpu.memory_space<vmem_shared>>
        tpu.wait_indirect_dma semaphore(%run_scoped3A : memref<!tpu.dma_semaphore, #tpu.memory_space<semaphore_mem>>) src(%arg23 : memref<64x128xf32, #tpu.memory_space<vmem>>) dst(%dma_wait3A_991 : memref<4096x128xf32, #tpu.memory_space<vmem_shared>>)
        tpu.yield
      }) : () -> ()
      %mul3A_970 = arith.constant 4 : i32
      %mul3A_971 = arith.muli %mul3A_970, %add3A_762 : i32
      %add3A_972 = arith.constant 3 : i32
      %add3A_973 = arith.addi %mul3A_971, %add3A_972 : i32
      %add3A_974 = arith.constant 4 : i32
      %add3A_975 = arith.addi %add3A_973, %add3A_974 : i32
      %and3A_976 = arith.constant 63 : i32
      %and3A_977 = arith.andi %add3A_975, %and3A_976 : i32
      %add3A_978 = arith.constant 0 : i32
      %add3A_979 = arith.addi %add3A_978, %and3A_977 : i32
      %mul3A_980 = arith.constant 64 : i32
      %mul3A_981 = arith.muli %add3A_979, %mul3A_980 : i32
      %dma_start3A_982 = tpu.memref_slice %arg19[%mul3A_981] : memref<8192xi32, #tpu.memory_space<vmem>> -> memref<64xi32, #tpu.memory_space<vmem>>
      %dma_start3A_983 = arith.constant 0 : i32
      %dma_start3A_984 = arith.constant 0 : i32
      %dma_start3A_985 = tpu.memref_slice %arg6[%dma_start3A_983, %dma_start3A_984] : memref<100000x128xf32, #tpu.memory_space<hbm>> -> memref<100000x128xf32, #tpu.memory_space<hbm>>
      tpu.enqueue_indirect_dma source(%dma_start3A_985 : memref<100000x128xf32, #tpu.memory_space<hbm>>) target(%arg23 : memref<64x128xf32, #tpu.memory_space<vmem>>) offsets(%dma_start3A_982 : memref<64xi32, #tpu.memory_space<vmem>>) semaphore(%arg39 : memref<!tpu.dma_semaphore, #tpu.memory_space<semaphore_mem>>)
    }
    %scan3A_614 = arith.constant 16 : i32
    %dma_wait3A_615 = arith.constant 0 : i32
    %dma_wait3A_616 = tpu.memref_slice %arg19[%dma_wait3A_615] : memref<8192xi32, #tpu.memory_space<vmem>> -> memref<64xi32, #tpu.memory_space<vmem>>
    %dma_wait3A_617 = arith.constant 0 : i32
    %dma_wait3A_618 = arith.constant 0 : i32
    %dma_wait3A_619 = tpu.memref_slice %arg6[%dma_wait3A_617, %dma_wait3A_618] : memref<100000x128xf32, #tpu.memory_space<hbm>> -> memref<100000x128xf32, #tpu.memory_space<hbm>>
    tpu.wait_indirect_dma semaphore(%arg36 : memref<!tpu.dma_semaphore, #tpu.memory_space<semaphore_mem>>) src(%dma_wait3A_619 : memref<100000x128xf32, #tpu.memory_space<hbm>>) dst(%arg20 : memref<64x128xf32, #tpu.memory_space<vmem>>)
    %dma_wait3A_620 = arith.constant 0 : i32
    %dma_wait3A_621 = tpu.memref_slice %arg19[%dma_wait3A_620] : memref<8192xi32, #tpu.memory_space<vmem>> -> memref<64xi32, #tpu.memory_space<vmem>>
    %dma_wait3A_622 = arith.constant 0 : i32
    %dma_wait3A_623 = arith.constant 0 : i32
    %dma_wait3A_624 = tpu.memref_slice %arg6[%dma_wait3A_622, %dma_wait3A_623] : memref<100000x128xf32, #tpu.memory_space<hbm>> -> memref<100000x128xf32, #tpu.memory_space<hbm>>
    tpu.wait_indirect_dma semaphore(%arg37 : memref<!tpu.dma_semaphore, #tpu.memory_space<semaphore_mem>>) src(%dma_wait3A_624 : memref<100000x128xf32, #tpu.memory_space<hbm>>) dst(%arg21 : memref<64x128xf32, #tpu.memory_space<vmem>>)
    %dma_wait3A_625 = arith.constant 0 : i32
    %dma_wait3A_626 = tpu.memref_slice %arg19[%dma_wait3A_625] : memref<8192xi32, #tpu.memory_space<vmem>> -> memref<64xi32, #tpu.memory_space<vmem>>
    %dma_wait3A_627 = arith.constant 0 : i32
    %dma_wait3A_628 = arith.constant 0 : i32
    %dma_wait3A_629 = tpu.memref_slice %arg6[%dma_wait3A_627, %dma_wait3A_628] : memref<100000x128xf32, #tpu.memory_space<hbm>> -> memref<100000x128xf32, #tpu.memory_space<hbm>>
    tpu.wait_indirect_dma semaphore(%arg38 : memref<!tpu.dma_semaphore, #tpu.memory_space<semaphore_mem>>) src(%dma_wait3A_629 : memref<100000x128xf32, #tpu.memory_space<hbm>>) dst(%arg22 : memref<64x128xf32, #tpu.memory_space<vmem>>)
    %dma_wait3A_630 = arith.constant 0 : i32
    %dma_wait3A_631 = tpu.memref_slice %arg19[%dma_wait3A_630] : memref<8192xi32, #tpu.memory_space<vmem>> -> memref<64xi32, #tpu.memory_space<vmem>>
    %dma_wait3A_632 = arith.constant 0 : i32
    %dma_wait3A_633 = arith.constant 0 : i32
    %dma_wait3A_634 = tpu.memref_slice %arg6[%dma_wait3A_632, %dma_wait3A_633] : memref<100000x128xf32, #tpu.memory_space<hbm>> -> memref<100000x128xf32, #tpu.memory_space<hbm>>
    tpu.wait_indirect_dma semaphore(%arg39 : memref<!tpu.dma_semaphore, #tpu.memory_space<semaphore_mem>>) src(%dma_wait3A_634 : memref<100000x128xf32, #tpu.memory_space<hbm>>) dst(%arg23 : memref<64x128xf32, #tpu.memory_space<vmem>>)
    %mul3A_635 = arith.constant 256 : i32
    %mul3A_636 = arith.muli %arg1, %mul3A_635 : i32
    %add3A_637 = arith.constant 0 : i32
    %add3A_638 = arith.addi %mul3A_4, %add3A_637 : i32
    "tpu.region"() ({
      %run_scoped3A = tpu.sem_alloc : memref<!tpu.dma_semaphore, #tpu.memory_space<semaphore_mem>>
      %dma_start3A_758 = arith.constant 0 : i32
      %dma_start3A_759 = tpu.memref_slice %arg10[%add3A_638, %dma_start3A_758] : memref<16384x128xf32, #tpu.memory_space<hbm>> -> memref<256x128xf32, #tpu.memory_space<hbm>>
      %dma_start3A_760 = arith.constant 0 : i32
      %dma_start3A_761 = tpu.memref_slice %arg28[%mul3A_636, %dma_start3A_760] : memref<4096x128xf32, #tpu.memory_space<vmem_shared>> -> memref<256x128xf32, #tpu.memory_space<vmem_shared>>
      tpu.enqueue_dma source(%dma_start3A_761 : memref<256x128xf32, #tpu.memory_space<vmem_shared>>) target(%dma_start3A_759 : memref<256x128xf32, #tpu.memory_space<hbm>>) target_semaphore(%run_scoped3A : memref<!tpu.dma_semaphore, #tpu.memory_space<semaphore_mem>>)
      %dma_wait3A_762 = arith.constant 0 : i32
      %dma_wait3A_763 = tpu.memref_slice %arg10[%add3A_638, %dma_wait3A_762] : memref<16384x128xf32, #tpu.memory_space<hbm>> -> memref<256x128xf32, #tpu.memory_space<hbm>>
      %dma_wait3A_764 = arith.constant 0 : i32
      %dma_wait3A_765 = tpu.memref_slice %arg28[%mul3A_636, %dma_wait3A_764] : memref<4096x128xf32, #tpu.memory_space<vmem_shared>> -> memref<256x128xf32, #tpu.memory_space<vmem_shared>>
      tpu.wait_dma2 semaphore(%run_scoped3A : memref<!tpu.dma_semaphore, #tpu.memory_space<semaphore_mem>>) src(%dma_wait3A_765 : memref<256x128xf32, #tpu.memory_space<vmem_shared>>) dst(%dma_wait3A_763 : memref<256x128xf32, #tpu.memory_space<hbm>>)
      tpu.yield
    }) : () -> ()
    %mul3A_639 = arith.constant 256 : i32
    %mul3A_640 = arith.muli %arg1, %mul3A_639 : i32
    %add3A_641 = arith.constant 0 : i32
    %add3A_642 = arith.addi %mul3A_640, %add3A_641 : i32
    %dma_start3A_643 = arith.constant 0 : i32
    %dma_start3A_644 = tpu.memref_slice %arg28[%add3A_642, %dma_start3A_643] : memref<4096x128xf32, #tpu.memory_space<vmem_shared>> -> memref<64x128xf32, #tpu.memory_space<vmem_shared>>
    %dma_start3A_645 = arith.constant 0 : i32
    %dma_start3A_646 = tpu.memref_slice %arg28[%add3A_642, %dma_start3A_645] : memref<4096x128xf32, #tpu.memory_space<vmem_shared>> -> memref<64x128xf32, #tpu.memory_space<vmem_shared>>
    tpu.enqueue_dma source(%arg29 : memref<64x128xf32, #tpu.memory_space<vmem>>) target(%dma_start3A_646 : memref<64x128xf32, #tpu.memory_space<vmem_shared>>) target_semaphore(%arg35 : memref<!tpu.dma_semaphore, #tpu.memory_space<semaphore_mem>>)
    %mul3A_647 = arith.constant 256 : i32
    %mul3A_648 = arith.muli %arg1, %mul3A_647 : i32
    %add3A_649 = arith.constant 64 : i32
    %add3A_650 = arith.addi %mul3A_648, %add3A_649 : i32
    %dma_start3A_651 = arith.constant 0 : i32
    %dma_start3A_652 = tpu.memref_slice %arg28[%add3A_650, %dma_start3A_651] : memref<4096x128xf32, #tpu.memory_space<vmem_shared>> -> memref<64x128xf32, #tpu.memory_space<vmem_shared>>
    %dma_start3A_653 = arith.constant 0 : i32
    %dma_start3A_654 = tpu.memref_slice %arg28[%add3A_650, %dma_start3A_653] : memref<4096x128xf32, #tpu.memory_space<vmem_shared>> -> memref<64x128xf32, #tpu.memory_space<vmem_shared>>
    tpu.enqueue_dma source(%arg29 : memref<64x128xf32, #tpu.memory_space<vmem>>) target(%dma_start3A_654 : memref<64x128xf32, #tpu.memory_space<vmem_shared>>) target_semaphore(%arg35 : memref<!tpu.dma_semaphore, #tpu.memory_space<semaphore_mem>>)
    %mul3A_655 = arith.constant 256 : i32
    %mul3A_656 = arith.muli %arg1, %mul3A_655 : i32
    %add3A_657 = arith.constant 128 : i32
    %add3A_658 = arith.addi %mul3A_656, %add3A_657 : i32
    %dma_start3A_659 = arith.constant 0 : i32
    %dma_start3A_660 = tpu.memref_slice %arg28[%add3A_658, %dma_start3A_659] : memref<4096x128xf32, #tpu.memory_space<vmem_shared>> -> memref<64x128xf32, #tpu.memory_space<vmem_shared>>
    %dma_start3A_661 = arith.constant 0 : i32
    %dma_start3A_662 = tpu.memref_slice %arg28[%add3A_658, %dma_start3A_661] : memref<4096x128xf32, #tpu.memory_space<vmem_shared>> -> memref<64x128xf32, #tpu.memory_space<vmem_shared>>
    tpu.enqueue_dma source(%arg29 : memref<64x128xf32, #tpu.memory_space<vmem>>) target(%dma_start3A_662 : memref<64x128xf32, #tpu.memory_space<vmem_shared>>) target_semaphore(%arg35 : memref<!tpu.dma_semaphore, #tpu.memory_space<semaphore_mem>>)
    %mul3A_663 = arith.constant 256 : i32
    %mul3A_664 = arith.muli %arg1, %mul3A_663 : i32
    %add3A_665 = arith.constant 192 : i32
    %add3A_666 = arith.addi %mul3A_664, %add3A_665 : i32
    %dma_start3A_667 = arith.constant 0 : i32
    %dma_start3A_668 = tpu.memref_slice %arg28[%add3A_666, %dma_start3A_667] : memref<4096x128xf32, #tpu.memory_space<vmem_shared>> -> memref<64x128xf32, #tpu.memory_space<vmem_shared>>
    %dma_start3A_669 = arith.constant 0 : i32
    %dma_start3A_670 = tpu.memref_slice %arg28[%add3A_666, %dma_start3A_669] : memref<4096x128xf32, #tpu.memory_space<vmem_shared>> -> memref<64x128xf32, #tpu.memory_space<vmem_shared>>
    tpu.enqueue_dma source(%arg29 : memref<64x128xf32, #tpu.memory_space<vmem>>) target(%dma_start3A_670 : memref<64x128xf32, #tpu.memory_space<vmem_shared>>) target_semaphore(%arg35 : memref<!tpu.dma_semaphore, #tpu.memory_space<semaphore_mem>>)
    %mul3A_671 = arith.constant 256 : i32
    %mul3A_672 = arith.muli %arg1, %mul3A_671 : i32
    %add3A_673 = arith.constant 0 : i32
    %add3A_674 = arith.addi %mul3A_672, %add3A_673 : i32
    %dma_wait3A_675 = arith.constant 0 : i32
    %dma_wait3A_676 = tpu.memref_slice %arg28[%add3A_674, %dma_wait3A_675] : memref<4096x128xf32, #tpu.memory_space<vmem_shared>> -> memref<64x128xf32, #tpu.memory_space<vmem_shared>>
    %dma_wait3A_677 = arith.constant 0 : i32
    %dma_wait3A_678 = tpu.memref_slice %arg28[%add3A_674, %dma_wait3A_677] : memref<4096x128xf32, #tpu.memory_space<vmem_shared>> -> memref<64x128xf32, #tpu.memory_space<vmem_shared>>
    tpu.wait_dma2 semaphore(%arg35 : memref<!tpu.dma_semaphore, #tpu.memory_space<semaphore_mem>>) src(%arg29 : memref<64x128xf32, #tpu.memory_space<vmem>>) dst(%dma_wait3A_678 : memref<64x128xf32, #tpu.memory_space<vmem_shared>>)
    %mul3A_679 = arith.constant 256 : i32
    %mul3A_680 = arith.muli %arg1, %mul3A_679 : i32
    %add3A_681 = arith.constant 64 : i32
    %add3A_682 = arith.addi %mul3A_680, %add3A_681 : i32
    %dma_wait3A_683 = arith.constant 0 : i32
    %dma_wait3A_684 = tpu.memref_slice %arg28[%add3A_682, %dma_wait3A_683] : memref<4096x128xf32, #tpu.memory_space<vmem_shared>> -> memref<64x128xf32, #tpu.memory_space<vmem_shared>>
    %dma_wait3A_685 = arith.constant 0 : i32
    %dma_wait3A_686 = tpu.memref_slice %arg28[%add3A_682, %dma_wait3A_685] : memref<4096x128xf32, #tpu.memory_space<vmem_shared>> -> memref<64x128xf32, #tpu.memory_space<vmem_shared>>
    tpu.wait_dma2 semaphore(%arg35 : memref<!tpu.dma_semaphore, #tpu.memory_space<semaphore_mem>>) src(%arg29 : memref<64x128xf32, #tpu.memory_space<vmem>>) dst(%dma_wait3A_686 : memref<64x128xf32, #tpu.memory_space<vmem_shared>>)
    %mul3A_687 = arith.constant 256 : i32
    %mul3A_688 = arith.muli %arg1, %mul3A_687 : i32
    %add3A_689 = arith.constant 128 : i32
    %add3A_690 = arith.addi %mul3A_688, %add3A_689 : i32
    %dma_wait3A_691 = arith.constant 0 : i32
    %dma_wait3A_692 = tpu.memref_slice %arg28[%add3A_690, %dma_wait3A_691] : memref<4096x128xf32, #tpu.memory_space<vmem_shared>> -> memref<64x128xf32, #tpu.memory_space<vmem_shared>>
    %dma_wait3A_693 = arith.constant 0 : i32
    %dma_wait3A_694 = tpu.memref_slice %arg28[%add3A_690, %dma_wait3A_693] : memref<4096x128xf32, #tpu.memory_space<vmem_shared>> -> memref<64x128xf32, #tpu.memory_space<vmem_shared>>
    tpu.wait_dma2 semaphore(%arg35 : memref<!tpu.dma_semaphore, #tpu.memory_space<semaphore_mem>>) src(%arg29 : memref<64x128xf32, #tpu.memory_space<vmem>>) dst(%dma_wait3A_694 : memref<64x128xf32, #tpu.memory_space<vmem_shared>>)
    %mul3A_695 = arith.constant 256 : i32
    %mul3A_696 = arith.muli %arg1, %mul3A_695 : i32
    %add3A_697 = arith.constant 192 : i32
    %add3A_698 = arith.addi %mul3A_696, %add3A_697 : i32
    %dma_wait3A_699 = arith.constant 0 : i32
    %dma_wait3A_700 = tpu.memref_slice %arg28[%add3A_698, %dma_wait3A_699] : memref<4096x128xf32, #tpu.memory_space<vmem_shared>> -> memref<64x128xf32, #tpu.memory_space<vmem_shared>>
    %dma_wait3A_701 = arith.constant 0 : i32
    %dma_wait3A_702 = tpu.memref_slice %arg28[%add3A_698, %dma_wait3A_701] : memref<4096x128xf32, #tpu.memory_space<vmem_shared>> -> memref<64x128xf32, #tpu.memory_space<vmem_shared>>
    tpu.wait_dma2 semaphore(%arg35 : memref<!tpu.dma_semaphore, #tpu.memory_space<semaphore_mem>>) src(%arg29 : memref<64x128xf32, #tpu.memory_space<vmem>>) dst(%dma_wait3A_702 : memref<64x128xf32, #tpu.memory_space<vmem_shared>>)
    %dma_start3A_703 = arith.constant 4096 : i32
    %dma_start3A_704 = tpu.memref_slice %arg19[%dma_start3A_703] : memref<8192xi32, #tpu.memory_space<vmem>> -> memref<64xi32, #tpu.memory_space<vmem>>
    %dma_start3A_705 = arith.constant 0 : i32
    %dma_start3A_706 = arith.constant 0 : i32
    %dma_start3A_707 = tpu.memref_slice %arg6[%dma_start3A_705, %dma_start3A_706] : memref<100000x128xf32, #tpu.memory_space<hbm>> -> memref<100000x128xf32, #tpu.memory_space<hbm>>
    tpu.enqueue_indirect_dma source(%dma_start3A_707 : memref<100000x128xf32, #tpu.memory_space<hbm>>) target(%arg20 : memref<64x128xf32, #tpu.memory_space<vmem>>) offsets(%dma_start3A_704 : memref<64xi32, #tpu.memory_space<vmem>>) semaphore(%arg36 : memref<!tpu.dma_semaphore, #tpu.memory_space<semaphore_mem>>)
    %dma_start3A_708 = arith.constant 4160 : i32
    %dma_start3A_709 = tpu.memref_slice %arg19[%dma_start3A_708] : memref<8192xi32, #tpu.memory_space<vmem>> -> memref<64xi32, #tpu.memory_space<vmem>>
    %dma_start3A_710 = arith.constant 0 : i32
    %dma_start3A_711 = arith.constant 0 : i32
    %dma_start3A_712 = tpu.memref_slice %arg6[%dma_start3A_710, %dma_start3A_711] : memref<100000x128xf32, #tpu.memory_space<hbm>> -> memref<100000x128xf32, #tpu.memory_space<hbm>>
    tpu.enqueue_indirect_dma source(%dma_start3A_712 : memref<100000x128xf32, #tpu.memory_space<hbm>>) target(%arg21 : memref<64x128xf32, #tpu.memory_space<vmem>>) offsets(%dma_start3A_709 : memref<64xi32, #tpu.memory_space<vmem>>) semaphore(%arg37 : memref<!tpu.dma_semaphore, #tpu.memory_space<semaphore_mem>>)
    %dma_start3A_713 = arith.constant 4224 : i32
    %dma_start3A_714 = tpu.memref_slice %arg19[%dma_start3A_713] : memref<8192xi32, #tpu.memory_space<vmem>> -> memref<64xi32, #tpu.memory_space<vmem>>
    %dma_start3A_715 = arith.constant 0 : i32
    %dma_start3A_716 = arith.constant 0 : i32
    %dma_start3A_717 = tpu.memref_slice %arg6[%dma_start3A_715, %dma_start3A_716] : memref<100000x128xf32, #tpu.memory_space<hbm>> -> memref<100000x128xf32, #tpu.memory_space<hbm>>
    tpu.enqueue_indirect_dma source(%dma_start3A_717 : memref<100000x128xf32, #tpu.memory_space<hbm>>) target(%arg22 : memref<64x128xf32, #tpu.memory_space<vmem>>) offsets(%dma_start3A_714 : memref<64xi32, #tpu.memory_space<vmem>>) semaphore(%arg38 : memref<!tpu.dma_semaphore, #tpu.memory_space<semaphore_mem>>)
    %dma_start3A_718 = arith.constant 4288 : i32
    %dma_start3A_719 = tpu.memref_slice %arg19[%dma_start3A_718] : memref<8192xi32, #tpu.memory_space<vmem>> -> memref<64xi32, #tpu.memory_space<vmem>>
    %dma_start3A_720 = arith.constant 0 : i32
    %dma_start3A_721 = arith.constant 0 : i32
    %dma_start3A_722 = tpu.memref_slice %arg6[%dma_start3A_720, %dma_start3A_721] : memref<100000x128xf32, #tpu.memory_space<hbm>> -> memref<100000x128xf32, #tpu.memory_space<hbm>>
    tpu.enqueue_indirect_dma source(%dma_start3A_722 : memref<100000x128xf32, #tpu.memory_space<hbm>>) target(%arg23 : memref<64x128xf32, #tpu.memory_space<vmem>>) offsets(%dma_start3A_719 : memref<64xi32, #tpu.memory_space<vmem>>) semaphore(%arg39 : memref<!tpu.dma_semaphore, #tpu.memory_space<semaphore_mem>>)
    %scan3A_723 = arith.constant 0 : i32
    %scan3A_724 = arith.constant 16 : i32
    %scan3A_725 = arith.addi %scan3A_723, %scan3A_724 : i32
    %scan3A_726 = arith.constant 1 : i32
    scf.for %scan3A_758 = %scan3A_723 to %scan3A_725 step %scan3A_726  : i32 {
      %mul3A_759 = arith.constant 1 : i32
      %mul3A_760 = arith.muli %scan3A_758, %mul3A_759 : i32
      %add3A_761 = arith.constant 0 : i32
      %add3A_762 = arith.addi %add3A_761, %mul3A_760 : i32
      %mul3A_763 = arith.constant 256 : i32
      %mul3A_764 = arith.muli %arg1, %mul3A_763 : i32
      %mul3A_765 = arith.constant 16 : i32
      %mul3A_766 = arith.muli %add3A_762, %mul3A_765 : i32
      %add3A_767 = arith.addi %mul3A_764, %mul3A_766 : i32
      %add3A_768 = arith.constant 0 : i32
      %add3A_769 = arith.addi %add3A_767, %add3A_768 : i32
      %add3A_770 = arith.constant 0 : i32
      %add3A_771 = arith.addi %add3A_769, %add3A_770 : i32
      %broadcast_in_dim3A_772 = vector.broadcast %add3A_771 : i32 to vector<16xi32>
      %swap3A_773 = arith.constant 0 : index
      %swap3A_774 = tpu.vector_load %arg24[%swap3A_773] {strides = array<i32>} : memref<64xi32, #tpu.memory_space<vmem>>, vector<16xi32>,
      %swap3A_775 = vector.shape_cast %swap3A_774 : vector<16xi32> to vector<16xi32>
      %swap3A_776 = vector.shape_cast %broadcast_in_dim3A_772 : vector<16xi32> to vector<16xi32>
      tpu.vector_store %arg24[%swap3A_773], %swap3A_776 {strides = array<i32>} : memref<64xi32, #tpu.memory_space<vmem>>, vector<16xi32>,
      %add3A_777 = arith.constant 1 : i32
      %add3A_778 = arith.addi %add3A_769, %add3A_777 : i32
      %broadcast_in_dim3A_779 = vector.broadcast %add3A_778 : i32 to vector<16xi32>
      %swap3A_780 = arith.constant 16 : index
      %swap3A_781 = tpu.vector_load %arg24[%swap3A_780] {strides = array<i32>} : memref<64xi32, #tpu.memory_space<vmem>>, vector<16xi32>,
      %swap3A_782 = vector.shape_cast %swap3A_781 : vector<16xi32> to vector<16xi32>
      %swap3A_783 = vector.shape_cast %broadcast_in_dim3A_779 : vector<16xi32> to vector<16xi32>
      tpu.vector_store %arg24[%swap3A_780], %swap3A_783 {strides = array<i32>} : memref<64xi32, #tpu.memory_space<vmem>>, vector<16xi32>,
      %add3A_784 = arith.constant 2 : i32
      %add3A_785 = arith.addi %add3A_769, %add3A_784 : i32
      %broadcast_in_dim3A_786 = vector.broadcast %add3A_785 : i32 to vector<16xi32>
      %swap3A_787 = arith.constant 32 : index
      %swap3A_788 = tpu.vector_load %arg24[%swap3A_787] {strides = array<i32>} : memref<64xi32, #tpu.memory_space<vmem>>, vector<16xi32>,
      %swap3A_789 = vector.shape_cast %swap3A_788 : vector<16xi32> to vector<16xi32>
      %swap3A_790 = vector.shape_cast %broadcast_in_dim3A_786 : vector<16xi32> to vector<16xi32>
      tpu.vector_store %arg24[%swap3A_787], %swap3A_790 {strides = array<i32>} : memref<64xi32, #tpu.memory_space<vmem>>, vector<16xi32>,
      %add3A_791 = arith.constant 3 : i32
      %add3A_792 = arith.addi %add3A_769, %add3A_791 : i32
      %broadcast_in_dim3A_793 = vector.broadcast %add3A_792 : i32 to vector<16xi32>
      %swap3A_794 = arith.constant 48 : index
      %swap3A_795 = tpu.vector_load %arg24[%swap3A_794] {strides = array<i32>} : memref<64xi32, #tpu.memory_space<vmem>>, vector<16xi32>,
      %swap3A_796 = vector.shape_cast %swap3A_795 : vector<16xi32> to vector<16xi32>
      %swap3A_797 = vector.shape_cast %broadcast_in_dim3A_793 : vector<16xi32> to vector<16xi32>
      tpu.vector_store %arg24[%swap3A_794], %swap3A_797 {strides = array<i32>} : memref<64xi32, #tpu.memory_space<vmem>>, vector<16xi32>,
      %dma_wait3A_798 = arith.constant 0 : i32
      %dma_wait3A_799 = tpu.memref_slice %arg19[%dma_wait3A_798] : memref<8192xi32, #tpu.memory_space<vmem>> -> memref<64xi32, #tpu.memory_space<vmem>>
      %dma_wait3A_800 = arith.constant 0 : i32
      %dma_wait3A_801 = arith.constant 0 : i32
      %dma_wait3A_802 = tpu.memref_slice %arg6[%dma_wait3A_800, %dma_wait3A_801] : memref<100000x128xf32, #tpu.memory_space<hbm>> -> memref<100000x128xf32, #tpu.memory_space<hbm>>
      tpu.wait_indirect_dma semaphore(%arg36 : memref<!tpu.dma_semaphore, #tpu.memory_space<semaphore_mem>>) src(%dma_wait3A_802 : memref<100000x128xf32, #tpu.memory_space<hbm>>) dst(%arg20 : memref<64x128xf32, #tpu.memory_space<vmem>>)
      "tpu.region"() ({
        %run_scoped3A = tpu.sem_alloc : memref<!tpu.dma_semaphore, #tpu.memory_space<semaphore_mem>>
        %dma_start3A_986 = arith.constant 0 : i32
        %dma_start3A_987 = arith.constant 0 : i32
        %dma_start3A_988 = tpu.memref_slice %arg28[%dma_start3A_986, %dma_start3A_987] : memref<4096x128xf32, #tpu.memory_space<vmem_shared>> -> memref<4096x128xf32, #tpu.memory_space<vmem_shared>>
        tpu.enqueue_indirect_dma source(%arg20 : memref<64x128xf32, #tpu.memory_space<vmem>>) target(%dma_start3A_988 : memref<4096x128xf32, #tpu.memory_space<vmem_shared>>) offsets(%arg24 : memref<64xi32, #tpu.memory_space<vmem>>) semaphore(%run_scoped3A : memref<!tpu.dma_semaphore, #tpu.memory_space<semaphore_mem>>) {add = true}
        %dma_wait3A_989 = arith.constant 0 : i32
        %dma_wait3A_990 = arith.constant 0 : i32
        %dma_wait3A_991 = tpu.memref_slice %arg28[%dma_wait3A_989, %dma_wait3A_990] : memref<4096x128xf32, #tpu.memory_space<vmem_shared>> -> memref<4096x128xf32, #tpu.memory_space<vmem_shared>>
        tpu.wait_indirect_dma semaphore(%run_scoped3A : memref<!tpu.dma_semaphore, #tpu.memory_space<semaphore_mem>>) src(%arg20 : memref<64x128xf32, #tpu.memory_space<vmem>>) dst(%dma_wait3A_991 : memref<4096x128xf32, #tpu.memory_space<vmem_shared>>)
        tpu.yield
      }) : () -> ()
      %mul3A_803 = arith.constant 4 : i32
      %mul3A_804 = arith.muli %mul3A_803, %add3A_762 : i32
      %add3A_805 = arith.constant 0 : i32
      %add3A_806 = arith.addi %mul3A_804, %add3A_805 : i32
      %add3A_807 = arith.constant 4 : i32
      %add3A_808 = arith.addi %add3A_806, %add3A_807 : i32
      %and3A = arith.constant 63 : i32
      %and3A_809 = arith.andi %add3A_808, %and3A : i32
      %add3A_810 = arith.constant 64 : i32
      %add3A_811 = arith.addi %add3A_810, %and3A_809 : i32
      %mul3A_812 = arith.constant 64 : i32
      %mul3A_813 = arith.muli %add3A_811, %mul3A_812 : i32
      %dma_start3A_814 = tpu.memref_slice %arg19[%mul3A_813] : memref<8192xi32, #tpu.memory_space<vmem>> -> memref<64xi32, #tpu.memory_space<vmem>>
      %dma_start3A_815 = arith.constant 0 : i32
      %dma_start3A_816 = arith.constant 0 : i32
      %dma_start3A_817 = tpu.memref_slice %arg6[%dma_start3A_815, %dma_start3A_816] : memref<100000x128xf32, #tpu.memory_space<hbm>> -> memref<100000x128xf32, #tpu.memory_space<hbm>>
      tpu.enqueue_indirect_dma source(%dma_start3A_817 : memref<100000x128xf32, #tpu.memory_space<hbm>>) target(%arg20 : memref<64x128xf32, #tpu.memory_space<vmem>>) offsets(%dma_start3A_814 : memref<64xi32, #tpu.memory_space<vmem>>) semaphore(%arg36 : memref<!tpu.dma_semaphore, #tpu.memory_space<semaphore_mem>>)
      %mul3A_818 = arith.constant 256 : i32
      %mul3A_819 = arith.muli %arg1, %mul3A_818 : i32
      %mul3A_820 = arith.constant 16 : i32
      %mul3A_821 = arith.muli %add3A_762, %mul3A_820 : i32
      %add3A_822 = arith.addi %mul3A_819, %mul3A_821 : i32
      %add3A_823 = arith.constant 4 : i32
      %add3A_824 = arith.addi %add3A_822, %add3A_823 : i32
      %add3A_825 = arith.constant 0 : i32
      %add3A_826 = arith.addi %add3A_824, %add3A_825 : i32
      %broadcast_in_dim3A_827 = vector.broadcast %add3A_826 : i32 to vector<16xi32>
      %swap3A_828 = arith.constant 0 : index
      %swap3A_829 = tpu.vector_load %arg25[%swap3A_828] {strides = array<i32>} : memref<64xi32, #tpu.memory_space<vmem>>, vector<16xi32>,
      %swap3A_830 = vector.shape_cast %swap3A_829 : vector<16xi32> to vector<16xi32>
      %swap3A_831 = vector.shape_cast %broadcast_in_dim3A_827 : vector<16xi32> to vector<16xi32>
      tpu.vector_store %arg25[%swap3A_828], %swap3A_831 {strides = array<i32>} : memref<64xi32, #tpu.memory_space<vmem>>, vector<16xi32>,
      %add3A_832 = arith.constant 1 : i32
      %add3A_833 = arith.addi %add3A_824, %add3A_832 : i32
      %broadcast_in_dim3A_834 = vector.broadcast %add3A_833 : i32 to vector<16xi32>
      %swap3A_835 = arith.constant 16 : index
      %swap3A_836 = tpu.vector_load %arg25[%swap3A_835] {strides = array<i32>} : memref<64xi32, #tpu.memory_space<vmem>>, vector<16xi32>,
      %swap3A_837 = vector.shape_cast %swap3A_836 : vector<16xi32> to vector<16xi32>
      %swap3A_838 = vector.shape_cast %broadcast_in_dim3A_834 : vector<16xi32> to vector<16xi32>
      tpu.vector_store %arg25[%swap3A_835], %swap3A_838 {strides = array<i32>} : memref<64xi32, #tpu.memory_space<vmem>>, vector<16xi32>,
      %add3A_839 = arith.constant 2 : i32
      %add3A_840 = arith.addi %add3A_824, %add3A_839 : i32
      %broadcast_in_dim3A_841 = vector.broadcast %add3A_840 : i32 to vector<16xi32>
      %swap3A_842 = arith.constant 32 : index
      %swap3A_843 = tpu.vector_load %arg25[%swap3A_842] {strides = array<i32>} : memref<64xi32, #tpu.memory_space<vmem>>, vector<16xi32>,
      %swap3A_844 = vector.shape_cast %swap3A_843 : vector<16xi32> to vector<16xi32>
      %swap3A_845 = vector.shape_cast %broadcast_in_dim3A_841 : vector<16xi32> to vector<16xi32>
      tpu.vector_store %arg25[%swap3A_842], %swap3A_845 {strides = array<i32>} : memref<64xi32, #tpu.memory_space<vmem>>, vector<16xi32>,
      %add3A_846 = arith.constant 3 : i32
      %add3A_847 = arith.addi %add3A_824, %add3A_846 : i32
      %broadcast_in_dim3A_848 = vector.broadcast %add3A_847 : i32 to vector<16xi32>
      %swap3A_849 = arith.constant 48 : index
      %swap3A_850 = tpu.vector_load %arg25[%swap3A_849] {strides = array<i32>} : memref<64xi32, #tpu.memory_space<vmem>>, vector<16xi32>,
      %swap3A_851 = vector.shape_cast %swap3A_850 : vector<16xi32> to vector<16xi32>
      %swap3A_852 = vector.shape_cast %broadcast_in_dim3A_848 : vector<16xi32> to vector<16xi32>
      tpu.vector_store %arg25[%swap3A_849], %swap3A_852 {strides = array<i32>} : memref<64xi32, #tpu.memory_space<vmem>>, vector<16xi32>,
      %dma_wait3A_853 = arith.constant 0 : i32
      %dma_wait3A_854 = tpu.memref_slice %arg19[%dma_wait3A_853] : memref<8192xi32, #tpu.memory_space<vmem>> -> memref<64xi32, #tpu.memory_space<vmem>>
      %dma_wait3A_855 = arith.constant 0 : i32
      %dma_wait3A_856 = arith.constant 0 : i32
      %dma_wait3A_857 = tpu.memref_slice %arg6[%dma_wait3A_855, %dma_wait3A_856] : memref<100000x128xf32, #tpu.memory_space<hbm>> -> memref<100000x128xf32, #tpu.memory_space<hbm>>
      tpu.wait_indirect_dma semaphore(%arg37 : memref<!tpu.dma_semaphore, #tpu.memory_space<semaphore_mem>>) src(%dma_wait3A_857 : memref<100000x128xf32, #tpu.memory_space<hbm>>) dst(%arg21 : memref<64x128xf32, #tpu.memory_space<vmem>>)
      "tpu.region"() ({
        %run_scoped3A = tpu.sem_alloc : memref<!tpu.dma_semaphore, #tpu.memory_space<semaphore_mem>>
        %dma_start3A_986 = arith.constant 0 : i32
        %dma_start3A_987 = arith.constant 0 : i32
        %dma_start3A_988 = tpu.memref_slice %arg28[%dma_start3A_986, %dma_start3A_987] : memref<4096x128xf32, #tpu.memory_space<vmem_shared>> -> memref<4096x128xf32, #tpu.memory_space<vmem_shared>>
        tpu.enqueue_indirect_dma source(%arg21 : memref<64x128xf32, #tpu.memory_space<vmem>>) target(%dma_start3A_988 : memref<4096x128xf32, #tpu.memory_space<vmem_shared>>) offsets(%arg25 : memref<64xi32, #tpu.memory_space<vmem>>) semaphore(%run_scoped3A : memref<!tpu.dma_semaphore, #tpu.memory_space<semaphore_mem>>) {add = true}
        %dma_wait3A_989 = arith.constant 0 : i32
        %dma_wait3A_990 = arith.constant 0 : i32
        %dma_wait3A_991 = tpu.memref_slice %arg28[%dma_wait3A_989, %dma_wait3A_990] : memref<4096x128xf32, #tpu.memory_space<vmem_shared>> -> memref<4096x128xf32, #tpu.memory_space<vmem_shared>>
        tpu.wait_indirect_dma semaphore(%run_scoped3A : memref<!tpu.dma_semaphore, #tpu.memory_space<semaphore_mem>>) src(%arg21 : memref<64x128xf32, #tpu.memory_space<vmem>>) dst(%dma_wait3A_991 : memref<4096x128xf32, #tpu.memory_space<vmem_shared>>)
        tpu.yield
      }) : () -> ()
      %mul3A_858 = arith.constant 4 : i32
      %mul3A_859 = arith.muli %mul3A_858, %add3A_762 : i32
      %add3A_860 = arith.constant 1 : i32
      %add3A_861 = arith.addi %mul3A_859, %add3A_860 : i32
      %add3A_862 = arith.constant 4 : i32
      %add3A_863 = arith.addi %add3A_861, %add3A_862 : i32
      %and3A_864 = arith.constant 63 : i32
      %and3A_865 = arith.andi %add3A_863, %and3A_864 : i32
      %add3A_866 = arith.constant 64 : i32
      %add3A_867 = arith.addi %add3A_866, %and3A_865 : i32
      %mul3A_868 = arith.constant 64 : i32
      %mul3A_869 = arith.muli %add3A_867, %mul3A_868 : i32
      %dma_start3A_870 = tpu.memref_slice %arg19[%mul3A_869] : memref<8192xi32, #tpu.memory_space<vmem>> -> memref<64xi32, #tpu.memory_space<vmem>>
      %dma_start3A_871 = arith.constant 0 : i32
      %dma_start3A_872 = arith.constant 0 : i32
      %dma_start3A_873 = tpu.memref_slice %arg6[%dma_start3A_871, %dma_start3A_872] : memref<100000x128xf32, #tpu.memory_space<hbm>> -> memref<100000x128xf32, #tpu.memory_space<hbm>>
      tpu.enqueue_indirect_dma source(%dma_start3A_873 : memref<100000x128xf32, #tpu.memory_space<hbm>>) target(%arg21 : memref<64x128xf32, #tpu.memory_space<vmem>>) offsets(%dma_start3A_870 : memref<64xi32, #tpu.memory_space<vmem>>) semaphore(%arg37 : memref<!tpu.dma_semaphore, #tpu.memory_space<semaphore_mem>>)
      %mul3A_874 = arith.constant 256 : i32
      %mul3A_875 = arith.muli %arg1, %mul3A_874 : i32
      %mul3A_876 = arith.constant 16 : i32
      %mul3A_877 = arith.muli %add3A_762, %mul3A_876 : i32
      %add3A_878 = arith.addi %mul3A_875, %mul3A_877 : i32
      %add3A_879 = arith.constant 8 : i32
      %add3A_880 = arith.addi %add3A_878, %add3A_879 : i32
      %add3A_881 = arith.constant 0 : i32
      %add3A_882 = arith.addi %add3A_880, %add3A_881 : i32
      %broadcast_in_dim3A_883 = vector.broadcast %add3A_882 : i32 to vector<16xi32>
      %swap3A_884 = arith.constant 0 : index
      %swap3A_885 = tpu.vector_load %arg26[%swap3A_884] {strides = array<i32>} : memref<64xi32, #tpu.memory_space<vmem>>, vector<16xi32>,
      %swap3A_886 = vector.shape_cast %swap3A_885 : vector<16xi32> to vector<16xi32>
      %swap3A_887 = vector.shape_cast %broadcast_in_dim3A_883 : vector<16xi32> to vector<16xi32>
      tpu.vector_store %arg26[%swap3A_884], %swap3A_887 {strides = array<i32>} : memref<64xi32, #tpu.memory_space<vmem>>, vector<16xi32>,
      %add3A_888 = arith.constant 1 : i32
      %add3A_889 = arith.addi %add3A_880, %add3A_888 : i32
      %broadcast_in_dim3A_890 = vector.broadcast %add3A_889 : i32 to vector<16xi32>
      %swap3A_891 = arith.constant 16 : index
      %swap3A_892 = tpu.vector_load %arg26[%swap3A_891] {strides = array<i32>} : memref<64xi32, #tpu.memory_space<vmem>>, vector<16xi32>,
      %swap3A_893 = vector.shape_cast %swap3A_892 : vector<16xi32> to vector<16xi32>
      %swap3A_894 = vector.shape_cast %broadcast_in_dim3A_890 : vector<16xi32> to vector<16xi32>
      tpu.vector_store %arg26[%swap3A_891], %swap3A_894 {strides = array<i32>} : memref<64xi32, #tpu.memory_space<vmem>>, vector<16xi32>,
      %add3A_895 = arith.constant 2 : i32
      %add3A_896 = arith.addi %add3A_880, %add3A_895 : i32
      %broadcast_in_dim3A_897 = vector.broadcast %add3A_896 : i32 to vector<16xi32>
      %swap3A_898 = arith.constant 32 : index
      %swap3A_899 = tpu.vector_load %arg26[%swap3A_898] {strides = array<i32>} : memref<64xi32, #tpu.memory_space<vmem>>, vector<16xi32>,
      %swap3A_900 = vector.shape_cast %swap3A_899 : vector<16xi32> to vector<16xi32>
      %swap3A_901 = vector.shape_cast %broadcast_in_dim3A_897 : vector<16xi32> to vector<16xi32>
      tpu.vector_store %arg26[%swap3A_898], %swap3A_901 {strides = array<i32>} : memref<64xi32, #tpu.memory_space<vmem>>, vector<16xi32>,
      %add3A_902 = arith.constant 3 : i32
      %add3A_903 = arith.addi %add3A_880, %add3A_902 : i32
      %broadcast_in_dim3A_904 = vector.broadcast %add3A_903 : i32 to vector<16xi32>
      %swap3A_905 = arith.constant 48 : index
      %swap3A_906 = tpu.vector_load %arg26[%swap3A_905] {strides = array<i32>} : memref<64xi32, #tpu.memory_space<vmem>>, vector<16xi32>,
      %swap3A_907 = vector.shape_cast %swap3A_906 : vector<16xi32> to vector<16xi32>
      %swap3A_908 = vector.shape_cast %broadcast_in_dim3A_904 : vector<16xi32> to vector<16xi32>
      tpu.vector_store %arg26[%swap3A_905], %swap3A_908 {strides = array<i32>} : memref<64xi32, #tpu.memory_space<vmem>>, vector<16xi32>,
      %dma_wait3A_909 = arith.constant 0 : i32
      %dma_wait3A_910 = tpu.memref_slice %arg19[%dma_wait3A_909] : memref<8192xi32, #tpu.memory_space<vmem>> -> memref<64xi32, #tpu.memory_space<vmem>>
      %dma_wait3A_911 = arith.constant 0 : i32
      %dma_wait3A_912 = arith.constant 0 : i32
      %dma_wait3A_913 = tpu.memref_slice %arg6[%dma_wait3A_911, %dma_wait3A_912] : memref<100000x128xf32, #tpu.memory_space<hbm>> -> memref<100000x128xf32, #tpu.memory_space<hbm>>
      tpu.wait_indirect_dma semaphore(%arg38 : memref<!tpu.dma_semaphore, #tpu.memory_space<semaphore_mem>>) src(%dma_wait3A_913 : memref<100000x128xf32, #tpu.memory_space<hbm>>) dst(%arg22 : memref<64x128xf32, #tpu.memory_space<vmem>>)
      "tpu.region"() ({
        %run_scoped3A = tpu.sem_alloc : memref<!tpu.dma_semaphore, #tpu.memory_space<semaphore_mem>>
        %dma_start3A_986 = arith.constant 0 : i32
        %dma_start3A_987 = arith.constant 0 : i32
        %dma_start3A_988 = tpu.memref_slice %arg28[%dma_start3A_986, %dma_start3A_987] : memref<4096x128xf32, #tpu.memory_space<vmem_shared>> -> memref<4096x128xf32, #tpu.memory_space<vmem_shared>>
        tpu.enqueue_indirect_dma source(%arg22 : memref<64x128xf32, #tpu.memory_space<vmem>>) target(%dma_start3A_988 : memref<4096x128xf32, #tpu.memory_space<vmem_shared>>) offsets(%arg26 : memref<64xi32, #tpu.memory_space<vmem>>) semaphore(%run_scoped3A : memref<!tpu.dma_semaphore, #tpu.memory_space<semaphore_mem>>) {add = true}
        %dma_wait3A_989 = arith.constant 0 : i32
        %dma_wait3A_990 = arith.constant 0 : i32
        %dma_wait3A_991 = tpu.memref_slice %arg28[%dma_wait3A_989, %dma_wait3A_990] : memref<4096x128xf32, #tpu.memory_space<vmem_shared>> -> memref<4096x128xf32, #tpu.memory_space<vmem_shared>>
        tpu.wait_indirect_dma semaphore(%run_scoped3A : memref<!tpu.dma_semaphore, #tpu.memory_space<semaphore_mem>>) src(%arg22 : memref<64x128xf32, #tpu.memory_space<vmem>>) dst(%dma_wait3A_991 : memref<4096x128xf32, #tpu.memory_space<vmem_shared>>)
        tpu.yield
      }) : () -> ()
      %mul3A_914 = arith.constant 4 : i32
      %mul3A_915 = arith.muli %mul3A_914, %add3A_762 : i32
      %add3A_916 = arith.constant 2 : i32
      %add3A_917 = arith.addi %mul3A_915, %add3A_916 : i32
      %add3A_918 = arith.constant 4 : i32
      %add3A_919 = arith.addi %add3A_917, %add3A_918 : i32
      %and3A_920 = arith.constant 63 : i32
      %and3A_921 = arith.andi %add3A_919, %and3A_920 : i32
      %add3A_922 = arith.constant 64 : i32
      %add3A_923 = arith.addi %add3A_922, %and3A_921 : i32
      %mul3A_924 = arith.constant 64 : i32
      %mul3A_925 = arith.muli %add3A_923, %mul3A_924 : i32
      %dma_start3A_926 = tpu.memref_slice %arg19[%mul3A_925] : memref<8192xi32, #tpu.memory_space<vmem>> -> memref<64xi32, #tpu.memory_space<vmem>>
      %dma_start3A_927 = arith.constant 0 : i32
      %dma_start3A_928 = arith.constant 0 : i32
      %dma_start3A_929 = tpu.memref_slice %arg6[%dma_start3A_927, %dma_start3A_928] : memref<100000x128xf32, #tpu.memory_space<hbm>> -> memref<100000x128xf32, #tpu.memory_space<hbm>>
      tpu.enqueue_indirect_dma source(%dma_start3A_929 : memref<100000x128xf32, #tpu.memory_space<hbm>>) target(%arg22 : memref<64x128xf32, #tpu.memory_space<vmem>>) offsets(%dma_start3A_926 : memref<64xi32, #tpu.memory_space<vmem>>) semaphore(%arg38 : memref<!tpu.dma_semaphore, #tpu.memory_space<semaphore_mem>>)
      %mul3A_930 = arith.constant 256 : i32
      %mul3A_931 = arith.muli %arg1, %mul3A_930 : i32
      %mul3A_932 = arith.constant 16 : i32
      %mul3A_933 = arith.muli %add3A_762, %mul3A_932 : i32
      %add3A_934 = arith.addi %mul3A_931, %mul3A_933 : i32
      %add3A_935 = arith.constant 12 : i32
      %add3A_936 = arith.addi %add3A_934, %add3A_935 : i32
      %add3A_937 = arith.constant 0 : i32
      %add3A_938 = arith.addi %add3A_936, %add3A_937 : i32
      %broadcast_in_dim3A_939 = vector.broadcast %add3A_938 : i32 to vector<16xi32>
      %swap3A_940 = arith.constant 0 : index
      %swap3A_941 = tpu.vector_load %arg27[%swap3A_940] {strides = array<i32>} : memref<64xi32, #tpu.memory_space<vmem>>, vector<16xi32>,
      %swap3A_942 = vector.shape_cast %swap3A_941 : vector<16xi32> to vector<16xi32>
      %swap3A_943 = vector.shape_cast %broadcast_in_dim3A_939 : vector<16xi32> to vector<16xi32>
      tpu.vector_store %arg27[%swap3A_940], %swap3A_943 {strides = array<i32>} : memref<64xi32, #tpu.memory_space<vmem>>, vector<16xi32>,
      %add3A_944 = arith.constant 1 : i32
      %add3A_945 = arith.addi %add3A_936, %add3A_944 : i32
      %broadcast_in_dim3A_946 = vector.broadcast %add3A_945 : i32 to vector<16xi32>
      %swap3A_947 = arith.constant 16 : index
      %swap3A_948 = tpu.vector_load %arg27[%swap3A_947] {strides = array<i32>} : memref<64xi32, #tpu.memory_space<vmem>>, vector<16xi32>,
      %swap3A_949 = vector.shape_cast %swap3A_948 : vector<16xi32> to vector<16xi32>
      %swap3A_950 = vector.shape_cast %broadcast_in_dim3A_946 : vector<16xi32> to vector<16xi32>
      tpu.vector_store %arg27[%swap3A_947], %swap3A_950 {strides = array<i32>} : memref<64xi32, #tpu.memory_space<vmem>>, vector<16xi32>,
      %add3A_951 = arith.constant 2 : i32
      %add3A_952 = arith.addi %add3A_936, %add3A_951 : i32
      %broadcast_in_dim3A_953 = vector.broadcast %add3A_952 : i32 to vector<16xi32>
      %swap3A_954 = arith.constant 32 : index
      %swap3A_955 = tpu.vector_load %arg27[%swap3A_954] {strides = array<i32>} : memref<64xi32, #tpu.memory_space<vmem>>, vector<16xi32>,
      %swap3A_956 = vector.shape_cast %swap3A_955 : vector<16xi32> to vector<16xi32>
      %swap3A_957 = vector.shape_cast %broadcast_in_dim3A_953 : vector<16xi32> to vector<16xi32>
      tpu.vector_store %arg27[%swap3A_954], %swap3A_957 {strides = array<i32>} : memref<64xi32, #tpu.memory_space<vmem>>, vector<16xi32>,
      %add3A_958 = arith.constant 3 : i32
      %add3A_959 = arith.addi %add3A_936, %add3A_958 : i32
      %broadcast_in_dim3A_960 = vector.broadcast %add3A_959 : i32 to vector<16xi32>
      %swap3A_961 = arith.constant 48 : index
      %swap3A_962 = tpu.vector_load %arg27[%swap3A_961] {strides = array<i32>} : memref<64xi32, #tpu.memory_space<vmem>>, vector<16xi32>,
      %swap3A_963 = vector.shape_cast %swap3A_962 : vector<16xi32> to vector<16xi32>
      %swap3A_964 = vector.shape_cast %broadcast_in_dim3A_960 : vector<16xi32> to vector<16xi32>
      tpu.vector_store %arg27[%swap3A_961], %swap3A_964 {strides = array<i32>} : memref<64xi32, #tpu.memory_space<vmem>>, vector<16xi32>,
      %dma_wait3A_965 = arith.constant 0 : i32
      %dma_wait3A_966 = tpu.memref_slice %arg19[%dma_wait3A_965] : memref<8192xi32, #tpu.memory_space<vmem>> -> memref<64xi32, #tpu.memory_space<vmem>>
      %dma_wait3A_967 = arith.constant 0 : i32
      %dma_wait3A_968 = arith.constant 0 : i32
      %dma_wait3A_969 = tpu.memref_slice %arg6[%dma_wait3A_967, %dma_wait3A_968] : memref<100000x128xf32, #tpu.memory_space<hbm>> -> memref<100000x128xf32, #tpu.memory_space<hbm>>
      tpu.wait_indirect_dma semaphore(%arg39 : memref<!tpu.dma_semaphore, #tpu.memory_space<semaphore_mem>>) src(%dma_wait3A_969 : memref<100000x128xf32, #tpu.memory_space<hbm>>) dst(%arg23 : memref<64x128xf32, #tpu.memory_space<vmem>>)
      "tpu.region"() ({
        %run_scoped3A = tpu.sem_alloc : memref<!tpu.dma_semaphore, #tpu.memory_space<semaphore_mem>>
        %dma_start3A_986 = arith.constant 0 : i32
        %dma_start3A_987 = arith.constant 0 : i32
        %dma_start3A_988 = tpu.memref_slice %arg28[%dma_start3A_986, %dma_start3A_987] : memref<4096x128xf32, #tpu.memory_space<vmem_shared>> -> memref<4096x128xf32, #tpu.memory_space<vmem_shared>>
        tpu.enqueue_indirect_dma source(%arg23 : memref<64x128xf32, #tpu.memory_space<vmem>>) target(%dma_start3A_988 : memref<4096x128xf32, #tpu.memory_space<vmem_shared>>) offsets(%arg27 : memref<64xi32, #tpu.memory_space<vmem>>) semaphore(%run_scoped3A : memref<!tpu.dma_semaphore, #tpu.memory_space<semaphore_mem>>) {add = true}
        %dma_wait3A_989 = arith.constant 0 : i32
        %dma_wait3A_990 = arith.constant 0 : i32
        %dma_wait3A_991 = tpu.memref_slice %arg28[%dma_wait3A_989, %dma_wait3A_990] : memref<4096x128xf32, #tpu.memory_space<vmem_shared>> -> memref<4096x128xf32, #tpu.memory_space<vmem_shared>>
        tpu.wait_indirect_dma semaphore(%run_scoped3A : memref<!tpu.dma_semaphore, #tpu.memory_space<semaphore_mem>>) src(%arg23 : memref<64x128xf32, #tpu.memory_space<vmem>>) dst(%dma_wait3A_991 : memref<4096x128xf32, #tpu.memory_space<vmem_shared>>)
        tpu.yield
      }) : () -> ()
      %mul3A_970 = arith.constant 4 : i32
      %mul3A_971 = arith.muli %mul3A_970, %add3A_762 : i32
      %add3A_972 = arith.constant 3 : i32
      %add3A_973 = arith.addi %mul3A_971, %add3A_972 : i32
      %add3A_974 = arith.constant 4 : i32
      %add3A_975 = arith.addi %add3A_973, %add3A_974 : i32
      %and3A_976 = arith.constant 63 : i32
      %and3A_977 = arith.andi %add3A_975, %and3A_976 : i32
      %add3A_978 = arith.constant 64 : i32
      %add3A_979 = arith.addi %add3A_978, %and3A_977 : i32
      %mul3A_980 = arith.constant 64 : i32
      %mul3A_981 = arith.muli %add3A_979, %mul3A_980 : i32
      %dma_start3A_982 = tpu.memref_slice %arg19[%mul3A_981] : memref<8192xi32, #tpu.memory_space<vmem>> -> memref<64xi32, #tpu.memory_space<vmem>>
      %dma_start3A_983 = arith.constant 0 : i32
      %dma_start3A_984 = arith.constant 0 : i32
      %dma_start3A_985 = tpu.memref_slice %arg6[%dma_start3A_983, %dma_start3A_984] : memref<100000x128xf32, #tpu.memory_space<hbm>> -> memref<100000x128xf32, #tpu.memory_space<hbm>>
      tpu.enqueue_indirect_dma source(%dma_start3A_985 : memref<100000x128xf32, #tpu.memory_space<hbm>>) target(%arg23 : memref<64x128xf32, #tpu.memory_space<vmem>>) offsets(%dma_start3A_982 : memref<64xi32, #tpu.memory_space<vmem>>) semaphore(%arg39 : memref<!tpu.dma_semaphore, #tpu.memory_space<semaphore_mem>>)
    }
    %scan3A_727 = arith.constant 16 : i32
    %dma_wait3A_728 = arith.constant 0 : i32
    %dma_wait3A_729 = tpu.memref_slice %arg19[%dma_wait3A_728] : memref<8192xi32, #tpu.memory_space<vmem>> -> memref<64xi32, #tpu.memory_space<vmem>>
    %dma_wait3A_730 = arith.constant 0 : i32
    %dma_wait3A_731 = arith.constant 0 : i32
    %dma_wait3A_732 = tpu.memref_slice %arg6[%dma_wait3A_730, %dma_wait3A_731] : memref<100000x128xf32, #tpu.memory_space<hbm>> -> memref<100000x128xf32, #tpu.memory_space<hbm>>
    tpu.wait_indirect_dma semaphore(%arg36 : memref<!tpu.dma_semaphore, #tpu.memory_space<semaphore_mem>>) src(%dma_wait3A_732 : memref<100000x128xf32, #tpu.memory_space<hbm>>) dst(%arg20 : memref<64x128xf32, #tpu.memory_space<vmem>>)
    %dma_wait3A_733 = arith.constant 0 : i32
    %dma_wait3A_734 = tpu.memref_slice %arg19[%dma_wait3A_733] : memref<8192xi32, #tpu.memory_space<vmem>> -> memref<64xi32, #tpu.memory_space<vmem>>
    %dma_wait3A_735 = arith.constant 0 : i32
    %dma_wait3A_736 = arith.constant 0 : i32
    %dma_wait3A_737 = tpu.memref_slice %arg6[%dma_wait3A_735, %dma_wait3A_736] : memref<100000x128xf32, #tpu.memory_space<hbm>> -> memref<100000x128xf32, #tpu.memory_space<hbm>>
    tpu.wait_indirect_dma semaphore(%arg37 : memref<!tpu.dma_semaphore, #tpu.memory_space<semaphore_mem>>) src(%dma_wait3A_737 : memref<100000x128xf32, #tpu.memory_space<hbm>>) dst(%arg21 : memref<64x128xf32, #tpu.memory_space<vmem>>)
    %dma_wait3A_738 = arith.constant 0 : i32
    %dma_wait3A_739 = tpu.memref_slice %arg19[%dma_wait3A_738] : memref<8192xi32, #tpu.memory_space<vmem>> -> memref<64xi32, #tpu.memory_space<vmem>>
    %dma_wait3A_740 = arith.constant 0 : i32
    %dma_wait3A_741 = arith.constant 0 : i32
    %dma_wait3A_742 = tpu.memref_slice %arg6[%dma_wait3A_740, %dma_wait3A_741] : memref<100000x128xf32, #tpu.memory_space<hbm>> -> memref<100000x128xf32, #tpu.memory_space<hbm>>
    tpu.wait_indirect_dma semaphore(%arg38 : memref<!tpu.dma_semaphore, #tpu.memory_space<semaphore_mem>>) src(%dma_wait3A_742 : memref<100000x128xf32, #tpu.memory_space<hbm>>) dst(%arg22 : memref<64x128xf32, #tpu.memory_space<vmem>>)
    %dma_wait3A_743 = arith.constant 0 : i32
    %dma_wait3A_744 = tpu.memref_slice %arg19[%dma_wait3A_743] : memref<8192xi32, #tpu.memory_space<vmem>> -> memref<64xi32, #tpu.memory_space<vmem>>
    %dma_wait3A_745 = arith.constant 0 : i32
    %dma_wait3A_746 = arith.constant 0 : i32
    %dma_wait3A_747 = tpu.memref_slice %arg6[%dma_wait3A_745, %dma_wait3A_746] : memref<100000x128xf32, #tpu.memory_space<hbm>> -> memref<100000x128xf32, #tpu.memory_space<hbm>>
    tpu.wait_indirect_dma semaphore(%arg39 : memref<!tpu.dma_semaphore, #tpu.memory_space<semaphore_mem>>) src(%dma_wait3A_747 : memref<100000x128xf32, #tpu.memory_space<hbm>>) dst(%arg23 : memref<64x128xf32, #tpu.memory_space<vmem>>)
    %mul3A_748 = arith.constant 256 : i32
    %mul3A_749 = arith.muli %arg1, %mul3A_748 : i32
    %add3A_750 = arith.constant 256 : i32
    %add3A_751 = arith.addi %mul3A_4, %add3A_750 : i32
    "tpu.region"() ({
      %run_scoped3A = tpu.sem_alloc : memref<!tpu.dma_semaphore, #tpu.memory_space<semaphore_mem>>
      %dma_start3A_758 = arith.constant 0 : i32
      %dma_start3A_759 = tpu.memref_slice %arg10[%add3A_751, %dma_start3A_758] : memref<16384x128xf32, #tpu.memory_space<hbm>> -> memref<256x128xf32, #tpu.memory_space<hbm>>
      %dma_start3A_760 = arith.constant 0 : i32
      %dma_start3A_761 = tpu.memref_slice %arg28[%mul3A_749, %dma_start3A_760] : memref<4096x128xf32, #tpu.memory_space<vmem_shared>> -> memref<256x128xf32, #tpu.memory_space<vmem_shared>>
      tpu.enqueue_dma source(%dma_start3A_761 : memref<256x128xf32, #tpu.memory_space<vmem_shared>>) target(%dma_start3A_759 : memref<256x128xf32, #tpu.memory_space<hbm>>) target_semaphore(%run_scoped3A : memref<!tpu.dma_semaphore, #tpu.memory_space<semaphore_mem>>)
      %dma_wait3A_762 = arith.constant 0 : i32
      %dma_wait3A_763 = tpu.memref_slice %arg10[%add3A_751, %dma_wait3A_762] : memref<16384x128xf32, #tpu.memory_space<hbm>> -> memref<256x128xf32, #tpu.memory_space<hbm>>
      %dma_wait3A_764 = arith.constant 0 : i32
      %dma_wait3A_765 = tpu.memref_slice %arg28[%mul3A_749, %dma_wait3A_764] : memref<4096x128xf32, #tpu.memory_space<vmem_shared>> -> memref<256x128xf32, #tpu.memory_space<vmem_shared>>
      tpu.wait_dma2 semaphore(%run_scoped3A : memref<!tpu.dma_semaphore, #tpu.memory_space<semaphore_mem>>) src(%dma_wait3A_765 : memref<256x128xf32, #tpu.memory_space<vmem_shared>>) dst(%dma_wait3A_763 : memref<256x128xf32, #tpu.memory_space<hbm>>)
      tpu.yield
    }) : () -> ()
    %dma_wait3A_752 = arith.constant 0 : i32
    %dma_wait3A_753 = arith.constant 0 : i32
    %dma_wait3A_754 = tpu.memref_slice %arg5[%dma_wait3A_752, %dma_wait3A_753] : memref<10000x128xf32, #tpu.memory_space<hbm>> -> memref<10000x128xf32, #tpu.memory_space<hbm>>
    tpu.wait_indirect_dma semaphore(%arg32 : memref<!tpu.dma_semaphore, #tpu.memory_space<semaphore_mem>>) src(%dma_wait3A_754 : memref<10000x128xf32, #tpu.memory_space<hbm>>) dst(%arg30 : memref<32x128xf32, #tpu.memory_space<vmem>>)
    "tpu.region"() ({
      %run_scoped3A = tpu.sem_alloc : memref<!tpu.dma_semaphore, #tpu.memory_space<semaphore_mem>>
      %dma_start3A_758 = arith.constant 0 : i32
      %dma_start3A_759 = tpu.memref_slice %arg7[%mul3A_2, %dma_start3A_758] : memref<1024x128xf32, #tpu.memory_space<hbm>> -> memref<32x128xf32, #tpu.memory_space<hbm>>
      %dma_start3A_760 = arith.constant 0 : i32
      %dma_start3A_761 = tpu.memref_slice %arg7[%mul3A_2, %dma_start3A_760] : memref<1024x128xf32, #tpu.memory_space<hbm>> -> memref<32x128xf32, #tpu.memory_space<hbm>>
      tpu.enqueue_dma source(%arg30 : memref<32x128xf32, #tpu.memory_space<vmem>>) target(%dma_start3A_761 : memref<32x128xf32, #tpu.memory_space<hbm>>) target_semaphore(%run_scoped3A : memref<!tpu.dma_semaphore, #tpu.memory_space<semaphore_mem>>)
      %dma_wait3A_762 = arith.constant 0 : i32
      %dma_wait3A_763 = tpu.memref_slice %arg7[%mul3A_2, %dma_wait3A_762] : memref<1024x128xf32, #tpu.memory_space<hbm>> -> memref<32x128xf32, #tpu.memory_space<hbm>>
      %dma_wait3A_764 = arith.constant 0 : i32
      %dma_wait3A_765 = tpu.memref_slice %arg7[%mul3A_2, %dma_wait3A_764] : memref<1024x128xf32, #tpu.memory_space<hbm>> -> memref<32x128xf32, #tpu.memory_space<hbm>>
      tpu.wait_dma2 semaphore(%run_scoped3A : memref<!tpu.dma_semaphore, #tpu.memory_space<semaphore_mem>>) src(%arg30 : memref<32x128xf32, #tpu.memory_space<vmem>>) dst(%dma_wait3A_765 : memref<32x128xf32, #tpu.memory_space<hbm>>)
      tpu.yield
    }) : () -> ()
    %dma_wait3A_755 = arith.constant 0 : i32
    %dma_wait3A_756 = arith.constant 0 : i32
    %dma_wait3A_757 = tpu.memref_slice %arg6[%dma_wait3A_755, %dma_wait3A_756] : memref<100000x128xf32, #tpu.memory_space<hbm>> -> memref<100000x128xf32, #tpu.memory_space<hbm>>
    tpu.wait_indirect_dma semaphore(%arg33 : memref<!tpu.dma_semaphore, #tpu.memory_space<semaphore_mem>>) src(%dma_wait3A_757 : memref<100000x128xf32, #tpu.memory_space<hbm>>) dst(%arg31 : memref<32x128xf32, #tpu.memory_space<vmem>>)
    "tpu.region"() ({
      %run_scoped3A = tpu.sem_alloc : memref<!tpu.dma_semaphore, #tpu.memory_space<semaphore_mem>>
      %dma_start3A_758 = arith.constant 0 : i32
      %dma_start3A_759 = tpu.memref_slice %arg8[%mul3A_2, %dma_start3A_758] : memref<1024x128xf32, #tpu.memory_space<hbm>> -> memref<32x128xf32, #tpu.memory_space<hbm>>
      %dma_start3A_760 = arith.constant 0 : i32
      %dma_start3A_761 = tpu.memref_slice %arg8[%mul3A_2, %dma_start3A_760] : memref<1024x128xf32, #tpu.memory_space<hbm>> -> memref<32x128xf32, #tpu.memory_space<hbm>>
      tpu.enqueue_dma source(%arg31 : memref<32x128xf32, #tpu.memory_space<vmem>>) target(%dma_start3A_761 : memref<32x128xf32, #tpu.memory_space<hbm>>) target_semaphore(%run_scoped3A : memref<!tpu.dma_semaphore, #tpu.memory_space<semaphore_mem>>)
      %dma_wait3A_762 = arith.constant 0 : i32
      %dma_wait3A_763 = tpu.memref_slice %arg8[%mul3A_2, %dma_wait3A_762] : memref<1024x128xf32, #tpu.memory_space<hbm>> -> memref<32x128xf32, #tpu.memory_space<hbm>>
      %dma_wait3A_764 = arith.constant 0 : i32
      %dma_wait3A_765 = tpu.memref_slice %arg8[%mul3A_2, %dma_wait3A_764] : memref<1024x128xf32, #tpu.memory_space<hbm>> -> memref<32x128xf32, #tpu.memory_space<hbm>>
      tpu.wait_dma2 semaphore(%run_scoped3A : memref<!tpu.dma_semaphore, #tpu.memory_space<semaphore_mem>>) src(%arg31 : memref<32x128xf32, #tpu.memory_space<vmem>>) dst(%dma_wait3A_765 : memref<32x128xf32, #tpu.memory_space<hbm>>)
      tpu.yield
    }) : () -> ()
    return
  }
}

module attributes {stable_mosaic.version = 14 : i64} {
  func.func @_tc_body(%arg0: i32, %arg1: memref<128x128xf32, #tpu.memory_space<vmem>>, %arg2: memref<128x128xf32, #tpu.memory_space<vmem>>, %arg3: memref<2048x128xf32, #tpu.memory_space<vmem>>, %arg4: memref<2048x128xf32, #tpu.memory_space<vmem>>, %arg5: memref<128x128xf32, #tpu.memory_space<vmem>>, %arg6: memref<1x128xf32, #tpu.memory_space<vmem>>, %arg7: memref<128x128xf32, #tpu.memory_space<vmem>>, %arg8: memref<1x128xf32, #tpu.memory_space<vmem>>, %arg9: memref<128xf32, #tpu.memory_space<vmem>>) attributes {dimension_semantics = [#tpu.dimension_semantics<arbitrary>], iteration_bounds = array<i64: 8>, scalar_prefetch = 0 : i64, scratch_operands = 0 : i64, tpu.core_type = #tpu.core_type<tc>, window_params = [{transform_indices = @transform_0, window_bounds = array<i64: 128, 128>}, {transform_indices = @transform_1, window_bounds = array<i64: 128, 128>}, {transform_indices = @transform_2, window_bounds = array<i64: 2048, 128>}, {transform_indices = @transform_3, window_bounds = array<i64: 2048, 128>}, {pipeline_mode = #tpu.pipeline_mode<synchronous>, transform_indices = @transform_4, window_bounds = array<i64: 128, 128>}, {pipeline_mode = #tpu.pipeline_mode<synchronous>, transform_indices = @transform_5, window_bounds = array<i64: 1, 128>}, {pipeline_mode = #tpu.pipeline_mode<synchronous>, transform_indices = @transform_6, window_bounds = array<i64: 128, 128>}, {pipeline_mode = #tpu.pipeline_mode<synchronous>, transform_indices = @transform_7, window_bounds = array<i64: 1, 128>}, {transform_indices = @transform_8, window_bounds = array<i64: 128>}]} {
    %get3A = arith.constant 0 : index
    %get3A_0 = arith.constant 0 : index
    %get3A_1 = vector.load %arg5[%get3A, %get3A_0] : memref<128x128xf32, #tpu.memory_space<vmem>>, vector<128x128xf32>
    %get3A_2 = arith.constant 0 : index
    %get3A_3 = arith.constant 0 : index
    %get3A_4 = vector.load %arg6[%get3A_2, %get3A_3] : memref<1x128xf32, #tpu.memory_space<vmem>>, vector<1x128xf32>
    %get3A_5 = arith.constant 0 : index
    %get3A_6 = arith.constant 0 : index
    %get3A_7 = vector.load %arg3[%get3A_5, %get3A_6] : memref<2048x128xf32, #tpu.memory_space<vmem>>, vector<2048x128xf32>
    %get3A_8 = arith.constant 0 : index
    %get3A_9 = arith.constant 0 : index
    %get3A_10 = vector.load %arg4[%get3A_8, %get3A_9] : memref<2048x128xf32, #tpu.memory_space<vmem>>, vector<2048x128xf32>
    %mul3A = arith.constant 6.250000e-02 : f32
    %mul3A_11 = vector.broadcast %mul3A : f32 to vector<2048x128xf32>
    %mul3A_12 = arith.mulf %get3A_10, %mul3A_11 : vector<2048x128xf32>
    %add3A = arith.addf %get3A_7, %mul3A_12 : vector<2048x128xf32>
    %dot_general3A = arith.constant dense<0.000000e+00> : vector<2048x128xf32>
    %dot_general3A_13 = tpu.matmul %add3A, %get3A_1, %dot_general3A {dimension_numbers = #tpu.dot_dimension_numbers<[1], [0], [0], [1], [0, 0, 1, 1], [], []>, transpose_lhs_hint = false} : vector<2048x128xf32>, vector<128x128xf32>, vector<2048x128xf32> -> vector<2048x128xf32>
    %add3A_14 = vector.broadcast %get3A_4 : vector<1x128xf32> to vector<2048x128xf32>
    %add3A_15 = arith.addf %dot_general3A_13, %add3A_14 : vector<2048x128xf32>
    %max3A = arith.constant 0.000000e+00 : f32
    %max3A_16 = vector.broadcast %max3A : f32 to vector<2048x128xf32>
    %max3A_17 = arith.maximumf %add3A_15, %max3A_16 : vector<2048x128xf32>
    %get3A_18 = arith.constant 0 : index
    %get3A_19 = arith.constant 0 : index
    %get3A_20 = vector.load %arg3[%get3A_18, %get3A_19] : memref<2048x128xf32, #tpu.memory_space<vmem>>, vector<2048x128xf32>
    %reshape3A = vector.shape_cast %get3A_20 : vector<2048x128xf32> to vector<128x16x128xf32>
    %reduce_sum3A = arith.constant dense<0.000000e+00> : vector<128x128xf32>
    %reduce_sum3A_21 = vector.multi_reduction <add>, %reshape3A, %reduce_sum3A [1] : vector<128x16x128xf32> to vector<128x128xf32>
    %div3A = arith.constant 1.600000e+01 : f32
    %div3A_22 = vector.broadcast %div3A : f32 to vector<128x128xf32>
    %div3A_23 = arith.divf %reduce_sum3A_21, %div3A_22 : vector<128x128xf32>
    %get3A_24 = arith.constant 0 : index
    %get3A_25 = arith.constant 0 : index
    %get3A_26 = vector.load %arg2[%get3A_24, %get3A_25] : memref<128x128xf32, #tpu.memory_space<vmem>>, vector<128x128xf32>
    %add3A_27 = arith.addf %get3A_26, %div3A_23 : vector<128x128xf32>
    %dot_general3A_28 = arith.constant dense<0.000000e+00> : vector<128x128xf32>
    %dot_general3A_29 = tpu.matmul %add3A_27, %get3A_1, %dot_general3A_28 {dimension_numbers = #tpu.dot_dimension_numbers<[1], [0], [0], [1], [0, 0, 1, 1], [], []>, transpose_lhs_hint = false} : vector<128x128xf32>, vector<128x128xf32>, vector<128x128xf32> -> vector<128x128xf32>
    %add3A_30 = vector.broadcast %get3A_4 : vector<1x128xf32> to vector<128x128xf32>
    %add3A_31 = arith.addf %dot_general3A_29, %add3A_30 : vector<128x128xf32>
    %max3A_32 = arith.constant 0.000000e+00 : f32
    %max3A_33 = vector.broadcast %max3A_32 : f32 to vector<128x128xf32>
    %max3A_34 = arith.maximumf %add3A_31, %max3A_33 : vector<128x128xf32>
    %reshape3A_35 = vector.shape_cast %max3A_17 : vector<2048x128xf32> to vector<128x16x128xf32>
    %reduce_sum3A_36 = arith.constant dense<0.000000e+00> : vector<128x128xf32>
    %reduce_sum3A_37 = vector.multi_reduction <add>, %reshape3A_35, %reduce_sum3A_36 [1] : vector<128x16x128xf32> to vector<128x128xf32>
    %div3A_38 = arith.constant 1.600000e+01 : f32
    %div3A_39 = vector.broadcast %div3A_38 : f32 to vector<128x128xf32>
    %div3A_40 = arith.divf %reduce_sum3A_37, %div3A_39 : vector<128x128xf32>
    %add3A_41 = arith.addf %max3A_34, %div3A_40 : vector<128x128xf32>
    %get3A_42 = arith.constant 0 : index
    %get3A_43 = arith.constant 0 : index
    %get3A_44 = vector.load %arg7[%get3A_42, %get3A_43] : memref<128x128xf32, #tpu.memory_space<vmem>>, vector<128x128xf32>
    %dot_general3A_45 = arith.constant dense<0.000000e+00> : vector<128x128xf32>
    %dot_general3A_46 = tpu.matmul %add3A_41, %get3A_44, %dot_general3A_45 {dimension_numbers = #tpu.dot_dimension_numbers<[1], [0], [0], [1], [0, 0, 1, 1], [], []>, transpose_lhs_hint = false} : vector<128x128xf32>, vector<128x128xf32>, vector<128x128xf32> -> vector<128x128xf32>
    %get3A_47 = arith.constant 0 : index
    %get3A_48 = arith.constant 0 : index
    %get3A_49 = vector.load %arg8[%get3A_47, %get3A_48] : memref<1x128xf32, #tpu.memory_space<vmem>>, vector<1x128xf32>
    %add3A_50 = vector.broadcast %get3A_49 : vector<1x128xf32> to vector<128x128xf32>
    %add3A_51 = arith.addf %dot_general3A_46, %add3A_50 : vector<128x128xf32>
    %tanh3A = math.tanh %add3A_51 : vector<128x128xf32>
    %get3A_52 = arith.constant 0 : index
    %get3A_53 = arith.constant 0 : index
    %get3A_54 = vector.load %arg1[%get3A_52, %get3A_53] : memref<128x128xf32, #tpu.memory_space<vmem>>, vector<128x128xf32>
    %mul3A_55 = arith.mulf %get3A_54, %tanh3A : vector<128x128xf32>
    %reduce_sum3A_56 = arith.constant dense<0.000000e+00> : vector<128xf32>
    %reduce_sum3A_57 = vector.multi_reduction <add>, %mul3A_55, %reduce_sum3A_56 [1] : vector<128x128xf32> to vector<128xf32>
    %swap3A = arith.constant 0 : index
    %swap3A_58 = vector.load %arg9[%swap3A] : memref<128xf32, #tpu.memory_space<vmem>>, vector<128xf32>
    tpu.vector_store %arg9[%swap3A], %reduce_sum3A_57 {strides = array<i32>} : memref<128xf32, #tpu.memory_space<vmem>>, vector<128xf32>,
    return
  }
  func.func @transform_0(%arg0: i32) -> (i32, i32) {
    %c0_i32 = arith.constant 0 : i32
    %c0_i32_0 = arith.constant 0 : i32
    return %arg0, %c0_i32 : i32, i32
  }
  func.func @transform_1(%arg0: i32) -> (i32, i32) {
    %c0_i32 = arith.constant 0 : i32
    %c0_i32_0 = arith.constant 0 : i32
    return %arg0, %c0_i32 : i32, i32
  }
  func.func @transform_2(%arg0: i32) -> (i32, i32) {
    %c0_i32 = arith.constant 0 : i32
    %c0_i32_0 = arith.constant 0 : i32
    return %arg0, %c0_i32 : i32, i32
  }
  func.func @transform_3(%arg0: i32) -> (i32, i32) {
    %c0_i32 = arith.constant 0 : i32
    %c0_i32_0 = arith.constant 0 : i32
    return %arg0, %c0_i32 : i32, i32
  }
  func.func @transform_4(%arg0: i32) -> (i32, i32) {
    %c0_i32 = arith.constant 0 : i32
    %c0_i32_0 = arith.constant 0 : i32
    %c0_i32_1 = arith.constant 0 : i32
    return %c0_i32, %c0_i32_0 : i32, i32
  }
  func.func @transform_5(%arg0: i32) -> (i32, i32) {
    %c0_i32 = arith.constant 0 : i32
    %c0_i32_0 = arith.constant 0 : i32
    %c0_i32_1 = arith.constant 0 : i32
    return %c0_i32, %c0_i32_0 : i32, i32
  }
  func.func @transform_6(%arg0: i32) -> (i32, i32) {
    %c0_i32 = arith.constant 0 : i32
    %c0_i32_0 = arith.constant 0 : i32
    %c0_i32_1 = arith.constant 0 : i32
    return %c0_i32, %c0_i32_0 : i32, i32
  }
  func.func @transform_7(%arg0: i32) -> (i32, i32) {
    %c0_i32 = arith.constant 0 : i32
    %c0_i32_0 = arith.constant 0 : i32
    %c0_i32_1 = arith.constant 0 : i32
    return %c0_i32, %c0_i32_0 : i32, i32
  }
  func.func @transform_8(%arg0: i32) -> i32 {
    %c0_i32 = arith.constant 0 : i32
    return %arg0 : i32
  }
}

</mosaic_0001>

<sc_bundles>
// kernel: kernel.4.cloned.1.call-start
scs
__scs_entry_jumppad:
0x0: {  	(pc) =	sbr.rel $0x88, $3  }
0x1: {  	(tag) =	ssettag $0x0;
	lr =	simm.s32 $0x1  }
0x2: {  	[smem:$0x3F98] =	sst lr;
	_ =	strace $0xD0000000  }
0x3: {  	_ = 	snop  }
0x4: {  	_ = 	snop  }
0x5: {  	_ = 	snop  }
0x6: {  	_ = 	snop  }
0x7: {  	_ = 	snop  }
__scs_overlays_trampoline_lowered:
0x8: {  	[smem:$0x3FA7] =	sst s0  }
0x9: {  	[smem:$0x3FA8] =	sst s1  }
0xa: {  	[smem:$0x3FA9] =	sst s2  }
0xb: {  	[smem:$0x3FAA] =	sst s3  }
0xc: {  	[smem:$0x3FAB] =	sst s4  }
0xd: {  	[smem:$0x3FAC] =	sst s5  }
0xe: {  	[smem:$0x3FAD] =	sst s6  }
0xf: {  	[smem:$0x3FAE] =	sst s7  }
0x10: {  	[smem:$0x3FAF] =	sst s8  }
0x11: {  	[smem:$0x3FB0] =	sst s9;
	s0 =	simm.s32 @!p0 $0x0  }
0x12: {  	s1 =	sld [smem:$0x3F96];
	s0 =	simm.s32 @p0 $0x1  }
0x13: {  	[smem:$0x3FB1] =	sst s0;
	s0 =	simm.s32 @!p1 $0x0  }
0x14: {  	s2 =	sld [smem:$0x3F95];
	s0 =	simm.s32 @p1 $0x1  }
0x15: {  	[smem:$0x3FB2] =	sst s0;
	s0 =	simm.s32 @!p2 $0x0  }
0x16: {  	s3 =	sld [smem:$0x3FDB];
	s0 =	simm.s32 @p2 $0x1  }
0x17: {  	s4 =	simm.s32 $0x1BF5;
	[smem:$0x3FB4] =	sst s0  }
0x18: {  	s0 =	sld [smem:$0x3F97];
	_ =	swait.ge [sflag:s4], $0x0  }
0x19: {  	s7 =	sld [smem:$0x3F98]  }
0x1a: {  	s8 =	sadd.s32 $0xFFFFE003, lr  }
0x1b: {  	s9 =	sadd.s32 $0xFFFFFEF7, lr;
	s5 =	simm.s32 $0xFFFFFFFF;
	p2 =	slt.u32 s8, $0xFFFFF086  }
0x1c: {  	p1 =	slt.u32 s9, $0xF7A;
	s5 =	simm.s32 @!p2 $0x0  }
0x1d: {  	s5 =	simm.s32 @p1 $0x1;
	p0 =	seq.s32 s7, s2  }
0x1e: {  	s7 =	smul.u32 @!p0 $0xF7A, s2;
	p2 =	seq.s32 @!p0 s5, $0x0  }
0x1f: {  	s9 =	smul.u32 $0xF7A, s1;
	s8 =	simm.s32 @!p0 $0x1BF5;
	p2 =	por !p2, p0  }
0x20: {  	[sflag:s8] =	ssyncset.s32 @!p0 $0xFFFFF086;
	s6 =	sadd.s32 @!p0 s3, s7;
	s7 =	simm.s32 @!p0 $0x108  }
0x21: {  	s3 =	sadd.s32 s3, s9;
	s6 =	sadd.s32 @!p0 $0x88, s6;
	s7 =	simm.s32 @p2 $0x1082  }
0x22: {  	[simem:s7], [sflag:s8] =	dma.local @!p0 [hbm:s6], $0xF7A  }
0x23: {  	s9 =	sor.u32 $0xD0000000, s2;
	s6 =	simm.s32 $0x108;
	_ =	swait.ge @!p0 [sflag:s8], $0x0  }
0x24: {  	s3 =	sadd.s32 $0x88, s3;
	s6 =	simm.s32 @!p1 $0x1082;
	[sflag:s4] =	ssyncset.s32 $0xFFFFF086  }
0x25: {  	[simem:s6], [sflag:s4] =	dma.local [hbm:s3], $0xF7A  }
0x26: {  	[smem:$0x3F98] =	sst s1;
	(tag) =	ssettag s2;
	_ =	strace s9  }
0x27: {  	s1 =	sld [smem:$0x3FA8]  }
0x28: {  	s2 =	sld [smem:$0x3FA9]  }
0x29: {  	s4 =	sld [smem:$0x3FAB]  }
0x2a: {  	p0 =	seq.s32 s5, $0x0;
	s5 =	sld [smem:$0x3FAC]  }
0x2b: {  	s6 =	sld [smem:$0x3FAD]  }
0x2c: {  	s7 =	sld [smem:$0x3FAE]  }
0x2d: {  	s3 =	simm.s32 $0x108;
	s8 =	sld [smem:$0x3FAF]  }
0x2e: {  	s3 =	simm.s32 @!p0 $0x1082;
	s9 =	sld [smem:$0x3FB0]  }
0x2f: {  	lr =	sadd.s32 s0, s3;
	s0 =	sld [smem:$0x3FA7]  }
0x30: {  	s3 =	sld [smem:$0x3FAA]  }
0x31: {  	[smem:$0x3FB3] =	sst s10  }
0x32: {  	s10 =	sld [smem:$0x3FB1];
	_ =	sdelay $0x3  }
0x33: {  	p0 =	seq.s32 s10, $0x1;
	s10 =	sld [smem:$0x3FB3];
	_ =	sdelay $0x3  }
0x34: {  	[smem:$0x3FB3] =	sst s10  }
0x35: {  	s10 =	sld [smem:$0x3FB2];
	_ =	sdelay $0x3  }
0x36: {  	p1 =	seq.s32 s10, $0x1;
	s10 =	sld [smem:$0x3FB3];
	_ =	sdelay $0x3  }
0x37: {  	[smem:$0x3FB3] =	sst s10  }
0x38: {  	s10 =	sld [smem:$0x3FB4]  }
0x39: {  	_ = 	snop;
	(pc) =	sbr.ind lr, $3  }
0x3a: {  	_ = 	snop  }
0x3b: {  	_ = 	snop  }
0x3c: {  	p2 =	seq.s32 s10, $0x1;
	s10 =	sld [smem:$0x3FB3]  }
0x3d: {  	_ =	shalt  }
0x3e: {  	_ =	shalt  }
0x3f: {  	_ =	shalt  }
0x40: {  	_ =	shalt  }
0x41: {  	_ =	shalt  }
0x42: {  	_ =	shalt  }
0x43: {  	_ =	shalt  }
0x44: {  	_ =	shalt  }
0x45: {  	_ =	shalt  }
0x46: {  	_ =	shalt  }
0x47: {  	_ =	shalt  }
0x48: {  	_ =	shalt  }
0x49: {  	_ =	shalt  }
0x4a: {  	_ =	shalt  }
0x4b: {  	_ =	shalt  }
0x4c: {  	_ =	shalt  }
0x4d: {  	_ =	shalt  }
0x4e: {  	_ =	shalt  }
0x4f: {  	_ =	shalt  }
0x50: {  	_ =	shalt  }
0x51: {  	_ =	shalt  }
0x52: {  	_ =	shalt  }
0x53: {  	_ =	shalt  }
0x54: {  	_ =	shalt  }
0x55: {  	_ =	shalt  }
0x56: {  	_ =	shalt  }
0x57: {  	_ =	shalt  }
0x58: {  	_ =	shalt  }
0x59: {  	_ =	shalt  }
0x5a: {  	_ =	shalt  }
0x5b: {  	_ =	shalt  }
0x5c: {  	_ =	shalt  }
0x5d: {  	_ =	shalt  }
0x5e: {  	_ =	shalt  }
0x5f: {  	_ =	shalt  }
0x60: {  	_ =	shalt  }
0x61: {  	_ =	shalt  }
0x62: {  	_ =	shalt  }
0x63: {  	_ =	shalt  }
0x64: {  	_ =	shalt  }
0x65: {  	_ =	shalt  }
0x66: {  	_ =	shalt  }
0x67: {  	_ =	shalt  }
0x68: {  	_ =	shalt  }
0x69: {  	_ =	shalt  }
0x6a: {  	_ =	shalt  }
0x6b: {  	_ =	shalt  }
0x6c: {  	_ =	shalt  }
0x6d: {  	_ =	shalt  }
0x6e: {  	_ =	shalt  }
0x6f: {  	_ =	shalt  }
0x70: {  	_ =	shalt  }
0x71: {  	_ =	shalt  }
0x72: {  	_ =	shalt  }
0x73: {  	_ =	shalt  }
0x74: {  	_ =	shalt  }
0x75: {  	_ =	shalt  }
0x76: {  	_ =	shalt  }
0x77: {  	_ =	shalt  }
0x78: {  	_ =	shalt  }
0x79: {  	_ =	shalt  }
0x7a: {  	_ =	shalt  }
0x7b: {  	_ =	shalt  }
0x7c: {  	_ =	shalt  }
0x7d: {  	_ =	shalt  }
0x7e: {  	_ =	shalt  }
0x7f: {  	_ =	shalt  }
0x80: {  	_ =	shalt  }
0x81: {  	_ =	shalt  }
0x82: {  	_ =	shalt  }
0x83: {  	_ =	shalt  }
0x84: {  	_ =	shalt  }
0x85: {  	_ =	shalt  }
0x86: {  	_ =	shalt  }
0x87: {  	_ =	shalt  }
.Lfunc_end0:
.L_simem_size_0:
called_computation_lowered:
.L_overlay_start_0:
0x88: {  	s2 =	sld [smem:$0x3FD9]  }
0x89: {  	s3 =	sld [smem:$0x3FFE];
	_ =	sdelay $0x1  }
0x8a: {  	s1 =	srdreg.scid  }
0x8b: {  	s0 =	sand.u32 $0x1, s1  }
0x8c: {  	s17 =	sshll.u32 s0, $0xA;
	s2 =	sadd.s32 s3, s2  }
0x8d: {  	s2 =	sadd.s32 s2, s17  }
0x8e: {  	[smem:$0x3FBF] =	sst s2  }
0x8f: {  	_ = 	snop  }
0x90: {  	s2 =	sld [smem:$0x3FC9]  }
0x91: {  	s18 =	sld [smem:$0x3FC8]  }
0x92: {  	s4 =	sld [smem:$0x3FC6]  }
0x93: {  	s5 =	sld [smem:$0x3FC5];
	(tm) =	ssettm $0x1  }
0x94: {  	s6 =	sld [smem:$0x3FFB];
	_ =	sdelay $0x3  }
0x95: {  	_ =	strace s6  }
0x96: {  	s6 =	sld [smem:$0x3FFC];
	_ =	sdelay $0x3  }
0x97: {  	_ =	strace s6  }
0x98: {  	s6 =	sld [smem:$0x3FFD];
	_ =	sdelay $0x3  }
0x99: {  	_ =	strace s6  }
0x9a: {  	_ =	strace $0x8FFFFFFF  }
0x9b: {  	s19 =	sld [smem:$0x3FDB];
	_ =	sdelay $0x1  }
0x9c: {  	s7 =	simm.s32 $_scs_section_size  }
0x9d: {  	s8 =	simm.s32 $_size__tile_overlayer_lowered;
	s9 =	simm.s32 $_tile_overlayer_lowered  }
0x9e: {  	s22 =	simm.s32 $0x1BFF;
	s21 =	sshll.u32 s9, $0x1;
	s6 =	sadd.s32 s7, s19  }
0x9f: {  	s10 =	simm.s32 $0x0;
	s20 =	sshll.u32 s8, $0x1;
	s8 =	sadd.s32 s21, s6  }
0xa0: {  	[timem:s10], [sflag:s22] =	dma.local [hbm:s8], s20  }
0xa1: {  	_ =	swait.ge [sflag:s22], s20  }
0xa2: {  	s7 =	ssub.s32 $0x0, s20;
	[sflag:s22] =	ssyncset.done $0x0  }
0xa3: {  	[sflag:s22] =	ssyncadd.s32 s7;
	_ =	sdelay $0x1  }
0xa4: {  	s23 =	simm.s32 $0x1B8B  }
0xa5: {  	_ =	swait.ge [sflag:s23], $0x1  }
0xa6: {  	[sflag:s23] =	ssyncset.done $0x0  }
0xa7: {  	s25 =	simm.s32 $0x1B8E;
	s24 =	sld [smem:$0x3FFE];
	[sflag:s23] =	ssyncadd.s32 $0xFFFFFFFF  }
0xa8: {  	s26 =	simm.s32 $execute0_lowered;
	[smem:$0x3FD2] =	sst s25  }
0xa9: {  	s8 =	sshll.u32 s26, $0x1;
	_ =	strace $0x80000046;
	[dreg:$0x1] =	wrdreg $0xFFFFFFFF  }
0xaa: {  	s28 =	simm.s32 $_size_execute0_lowered;
	s6 =	sadd.s32 s6, s8;
	[dreg:$0x0] =	wrdreg $0x0  }
0xab: {  	s8 =	sshll.u32 s28, $0x1;
	[dreg:$0x2] =	wrdreg s6  }
0xac: {  	[dreg:$0x3] =	wrdreg s8  }
0xad: {  	[dreg:$0x4] =	wrdreg $0xC0  }
0xae: {  	_ =	task [dreg:s10], $0x5FFFF  }
0xaf: {  	[dreg:$0x1] =	wrdreg $0xFFFFFFFF  }
0xb0: {  	[dreg:$0x0] =	wrdreg $0x60  }
0xb1: {  	[dreg:$0x2] =	wrdreg s2  }
0xb2: {  	[dreg:$0x3] =	wrdreg s18  }
0xb3: {  	[dreg:$0x4] =	wrdreg s24  }
0xb4: {  	[dreg:$0x5] =	wrdreg s4  }
0xb5: {  	[dreg:$0x6] =	wrdreg s5  }
0xb6: {  	[dreg:$0x7] =	wrdreg $0xF8800  }
0xb7: {  	[dreg:$0x8] =	wrdreg $0x9  }
0xb8: {  	_ =	task.clear_ibuf [dreg:s10], $0x9FFFF;
	_ =	strace $0x90000046  }
0xb9: {  	s29 =	simm.s32 $0x9;
	_ =	strace $0x80000048  }
0xba: {  	_ =	swait.ge [sflag:s29], $0x1  }
0xbb: {  	[sflag:s29] =	ssyncadd.s32 $0xFFFFFFFF  }
0xbc: {  	_ =	strace $0x90000048  }
0xbd: {  	_ =	sfence  }
0xbe: {  	s30 =	sld [smem:$0x0];
	_ =	sdelay $0x2  }
0xbf: {  	s31 =	sshll.u32 s1, $0xD;
	s1 =	sshrl.u32 s1, $0x2  }
0xc0: {  	s3 =	sand.u32 $0x4000, s31;
	s1 =	sadd.s32 s1, s30  }
0xc1: {  	s0 =	sor.u32 s3, s0;
	s1 =	sshll.u32 s1, $0x11  }
0xc2: {  	s0 =	sor.u32 s1, s0  }
0xc3: {  	s0 =	sadd.s32 $0x8F2B, s0  }
0xc4: {  	[sflag:s0] =	ssyncadd.remote.s32 $0x1  }
0xc5: {  	_ =	sfence.sel $0xFFFF  }
0xc6: {  	[dreg:$0x0] =	wrdreg $0xFFFFFFFF;
	(pc) =	sbr.abs _section_cstart, $3  }
0xc7: {  	[dreg:$0x1] =	wrdreg $0xFFFFFFFF  }
0xc8: {  	_ =	task.clear_ibuf [dreg:s10], $0x2FFFF;
	_ =	strace $0x9FFFFFFF  }
0xc9: {  	(tm) =	ssettm $0x7FFFFFFF  }
tec
execute0_lowered:
.L_overlay_start_1:
0x0: {  	(tag) =	ssettag $0x1  }
0x1: {  	s0 =	rddreg [dreg:$0x0]  }
0x2: {  	s1 =	rddreg [dreg:$0x1]  }
0x3: {  	s2 =	rddreg [dreg:$0x2]  }
0x4: {  	s3 =	rddreg [dreg:$0x4]  }
0x5: {  	s4 =	rddreg [dreg:$0x5];
	s5 =	srdreg.scid  }
0x6: {  	s11 =	stileid.u32;
	s12 =	simm.s32 $0x0;
	s5 =	sand.u32 $0x1, s5  }
0x7: {  	s6 =	sshll.u32 s11, $0x1;
	[smem:$0x7FF] =	sst s12;
	s13 =	sadd.s32 $0x188200, s2  }
0x8: {  	s8 =	sadd.s32 $0x1800, s2;
	s10 =	sshll.u32 s11, $0xF;
	s6 =	sor.u32 s5, s6  }
0x9: {  	_ =	strace $0x80000047;
	s5 =	ssub.s32 $0x2, s5;
	s31 =	sshll.u32 s6, $0x2  }
0xa: {  	[dreg:$0x7] =	wrdreg s13;
	s9 =	sshrl.u32 s5, $0x1;
	s1 =	sadd.s32 s1, s31  }
0xb: {  	s15 =	sshll.u32 s6, $0xD;
	s0 =	sadd.s32 s0, s31;
	[dreg:$0x8] =	wrdreg s1  }
0xc: {  	s5 =	ssub.s32 s5, s9;
	s9 =	sadd.s32 s10, s4;
	[dreg:$0x9] =	wrdreg s0  }
0xd: {  	s17 =	sadd.s32 s8, s15;
	[dreg:$0xa] =	wrdreg s9  }
0xe: {  	s28 =	simm.s32 $0x9;
	s14 =	sadd.s32 $0x2000, s9;
	[dreg:$0xe] =	wrdreg s17  }
0xf: {  	s30 =	simm.s32 $0xF700;
	s16 =	sadd.s32 $0x4000, s9;
	[dreg:$0xb] =	wrdreg s14  }
0x10: {  	s7 =	sshll.u32 s6, $0x9;
	s1 =	sadd.s32 $0x6000, s9;
	[dreg:$0xc] =	wrdreg s16  }
0x11: {  	s6 =	simm.s32 $0x20;
	s18 =	sadd.s32 $0x400, s17;
	[dreg:$0xd] =	wrdreg s1  }
0x12: {  	s7 =	sadd.s32 s7, s2;
	s19 =	sadd.s32 $0x800, s17;
	[dreg:$0xf] =	wrdreg s18  }
0x13: {  	s20 =	sor.u32 $0x1000, s15;
	s21 =	sadd.s32 $0xC00, s17;
	[dreg:$0x10] =	wrdreg s19  }
0x14: {  	s2 =	sadd.s32 $0x41800, s2;
	s8 =	sadd.s32 s8, s20;
	[dreg:$0x11] =	wrdreg s21  }
0x15: {  	s10 =	sshll.u32 s11, $0x8;
	s22 =	sadd.s32 $0x1400, s17;
	[dreg:$0x12] =	wrdreg s8  }
0x16: {  	s11 =	simm.s32 $0x0;
	s23 =	sadd.s32 $0x1800, s17;
	[dreg:$0x13] =	wrdreg s22  }
0x17: {  	s0 =	sadd.s32 s2, s15;
	s24 =	sadd.s32 s2, s20;
	[dreg:$0x14] =	wrdreg s23  }
0x18: {  	s25 =	sadd.s32 $0x81800, s7;
	s26 =	sadd.s32 $0x85800, s7;
	[dreg:$0x15] =	wrdreg s0  }
0x19: {  	s29 =	smax.u32 s5, $0x1;
	s31 =	sadd.s32 $0x1C00, s17;
	[dreg:$0x16] =	wrdreg s24  }
0x1a: {  	s5 =	simm.s32 $0x80;
	s2 =	simm.s32 $0x19880;
	[dreg:$0x17] =	wrdreg s25  }
0x1b: {  	s9 =	simm.s32 $0x1A880;
	s7 =	simm.s32 $0x40;
	[dreg:$0x18] =	wrdreg s26  }
0x1c: {  	s15 =	simm.s32 $0x9680;
	s17 =	simm.s32 $0xD680;
	[dreg:$0x19] =	wrdreg s29  }
0x1d: {  	s20 =	simm.s32 $0x8;
	[dreg:$0x1a] =	wrdreg s31;
	s21 =	simm.s32 $0x1680  }
0x1e: {  	s0 =	simm.s32 $0x5;
	s8 =	simm.s32 $0x7680;
	s16 =	simm.s32 $0xB680  }
0x1f: {  	s18 =	simm.s32 $0x6;
	s19 =	simm.s32 $0x7;
	s22 =	simm.s32 $0xF680  }
0x20: {  	v0 =	vimm.f32 $0.0e+00;
	s24 =	simm.s32 $0xF780;
	s25 =	simm.s32 $0xF800;
	s23 =	simm.s32 $0xF680  }
.LBB2_1:
0x21: {  	[dreg:$0x1b] =	wrdreg s11  }
0x22: {  	s1 =	rddreg [dreg:$0x8]  }
0x23: {  	[tilespmem:s12], [sflag:$0x9] =	stream.linear.gather [hbm4b:s1+s12], $0x20, $0x38;
	[tilespmem:$0x1B880] =	vst v63  }
0x24: {  	_ =	swait.ge [sflag:s28], $0x20  }
0x25: {  	[sflag:s28] =	ssyncset.done $0x0  }
0x26: {  	s29 =	rddreg [dreg:$0x9];
	[sflag:s28] =	ssyncadd.s32 $0xFFFFFFE0  }
0x27: {  	[tilespmem:s5], [sflag:$0x9] =	stream.linear.gather [hbm4b:s29+s12], $0x20, $0x38;
	[tilespmem:$0x1B880] =	vst v63  }
0x28: {  	_ =	swait.ge [sflag:s28], $0x20  }
0x29: {  	[sflag:s28] =	ssyncset.done $0x0  }
0x2a: {  	[sflag:s28] =	ssyncadd.s32 $0xFFFFFFE0  }
0x2b: {  	s31 =	rddreg [dreg:$0x3]  }
0x2c: {  	[tilespmem:s2], [sflag:$0x1] =	stream.indirect.gather [hbm4b:s31+s6], $0x80, s5, s6, $0xb8;
	[tilespmem:$0x1B880] =	vst v63  }
0x2d: {  	s1 =	simm.s32 $0x0;
	s2 =	simm.s32 $0x200  }
0x2e: {  	[tilespmem:s9], [sflag:$0x2] =	stream.indirect.gather [hbm4b:s3+s6], $0x80, s12, s6, $0xb8;
	[tilespmem:$0x1B880] =	vst v63  }
.LBB2_2:
0x2f: {  	p0 =	sne.s32 s2, $0x7E00;
	[tilespmem:s1+$0x178F0] =	vst v0  }
0x30: {  	[tilespmem:s1+$0x17880] =	vst v0  }
0x31: {  	[tilespmem:s1+$0x17890] =	vst v0  }
.Ltmp0:
0x32: {  	[tilespmem:s1+$0x178A0] =	vst v0;
	(pc) =	sbr.rel @p0 .LBB2_2-.Ltmp0, $4  }
0x33: {  	[tilespmem:s1+$0x178B0] =	vst v0  }
0x34: {  	[tilespmem:s1+$0x178C0] =	vst v0  }
0x35: {  	[tilespmem:s1+$0x178D0] =	vst v0  }
0x36: {  	[tilespmem:s1+$0x178E0] =	vst v0;
	s1 =	sshra.s32 s2, $0x2;
	s2 =	sadd.s32 $0x200, s2  }
0x37: {  	[tilespmem:s1+$0x178F0] =	vst v0  }
0x38: {  	[tilespmem:s1+$0x17880] =	vst v0  }
0x39: {  	[tilespmem:s1+$0x17890] =	vst v0  }
0x3a: {  	[tilespmem:s1+$0x178A0] =	vst v0  }
0x3b: {  	[tilespmem:s1+$0x178B0] =	vst v0  }
0x3c: {  	[tilespmem:s1+$0x178C0] =	vst v0  }
0x3d: {  	[tilespmem:s1+$0x178D0] =	vst v0  }
0x3e: {  	[tilespmem:s1+$0x178E0] =	vst v0;
	s31 =	rddreg [dreg:$0xa];
	s2 =	simm.s32 $0x17880  }
0x3f: {  	[spmem:s31] =	stream.linear.scatter [tilespmem:s2], [sflag:$0x4], $0x2000, $0x38;
	[tilespmem:$0x1B880] =	vst v63  }
0x40: {  	s9 =	rddreg [dreg:$0xb]  }
0x41: {  	[spmem:s9] =	stream.linear.scatter [tilespmem:s2], [sflag:$0x4], $0x2000, $0x38;
	[tilespmem:$0x1B880] =	vst v63  }
0x42: {  	s11 =	rddreg [dreg:$0xc]  }
0x43: {  	[spmem:s11] =	stream.linear.scatter [tilespmem:s2], [sflag:$0x4], $0x2000, $0x38;
	[tilespmem:$0x1B880] =	vst v63  }
0x44: {  	s12 =	rddreg [dreg:$0xd]  }
0x45: {  	[spmem:s12] =	stream.linear.scatter [tilespmem:s2], [sflag:$0x4], $0x2000, $0x38;
	[tilespmem:$0x1B880] =	vst v63  }
0x46: {  	v1 =	vld [tilespmem:$0x0]  }
0x47: {  	v2 =	vld [tilespmem:$0x10];
	_ =	sdelay $0x3  }
0x48: {  	[tilespmem:$0x180] =	vst v1  }
0x49: {  	v3 =	vshra.s32 v1, $0x3;
	[tilespmem:$0x190] =	vst v2  }
0x4a: {  	v1 =	vshra.s32 v2, $0x3;
	[tilespmem:$0x100] =	vst v3  }
0x4b: {  	s14 =	simm.s32 $0x100;
	s26 =	simm.s32 $0x200;
	s29 =	simm.s32 $0x3;
	[tilespmem:$0x110] =	vst v1  }
0x4c: {  	[tilespmem:s26], [sflag:$0x3] =	stream.indirect.gather [hbm4b:s13+s6], $0x80, s14, s6, $0xb8;
	[tilespmem:$0x1B880] =	vst v63  }
0x4d: {  	_ =	swait.ge [sflag:s29], $0x1000  }
0x4e: {  	[sflag:s29] =	ssyncset.done $0x0  }
0x4f: {  	s2 =	simm.s32 $0x184;
	[sflag:s29] =	ssyncadd.s32 $0xFFFFF000  }
0x50: {  	v1 =	vld [tilespmem:s2+$0xFFFFFFFC];
	_ =	sdelay $0x4  }
0x51: {  	(v2sf) =	vpush v1, $0x0;
	_ =	sdelay $0xe  }
0x52: {  	s31 =	spop (v2sf)  }
0x53: {  	s1 =	sand.u32 $0x7, s31  }
0x54: {  	s1 =	sshll.u32 s1, $0x4  }
0x55: {  	s1 =	sadd.s32 $0x400, s1  }
0x56: {  	v1 =	vld [tilespmem:s1+$0xFFFFFE00];
	_ =	sdelay $0x3  }
0x57: {  	s26 =	simm.s32 $0x1240  }
0x58: {  	[tilespmem:s26+$0xFFFFFFC0] =	vst v1  }
0x59: {  	v1 =	vld [tilespmem:s2+$0xFFFFFFFD];
	_ =	sdelay $0x4  }
0x5a: {  	(v2sf) =	vpush v1, $0x0;
	_ =	sdelay $0xe  }
0x5b: {  	s6 =	spop (v2sf)  }
0x5c: {  	s1 =	sand.u32 $0x7, s6  }
0x5d: {  	s1 =	sshll.u32 s1, $0x4  }
0x5e: {  	s1 =	sadd.s32 $0x400, s1  }
0x5f: {  	v1 =	vld [tilespmem:s1+$0xFFFFFE80];
	_ =	sdelay $0x4  }
0x60: {  	[tilespmem:s26+$0xFFFFFFD0] =	vst v1  }
0x61: {  	v1 =	vld [tilespmem:s2+$0xFFFFFFFE];
	_ =	sdelay $0x4  }
0x62: {  	(v2sf) =	vpush v1, $0x0;
	_ =	sdelay $0xe  }
0x63: {  	s9 =	spop (v2sf)  }
0x64: {  	s1 =	sand.u32 $0x7, s9  }
0x65: {  	s1 =	sshll.u32 s1, $0x4  }
0x66: {  	s1 =	sadd.s32 $0x400, s1  }
0x67: {  	v1 =	vld [tilespmem:s1+$0xFFFFFF00];
	_ =	sdelay $0x4  }
0x68: {  	[tilespmem:s26+$0xFFFFFFE0] =	vst v1  }
0x69: {  	v1 =	vld [tilespmem:s2+$0xFFFFFFFF];
	_ =	sdelay $0x4  }
0x6a: {  	(v2sf) =	vpush v1, $0x0;
	_ =	sdelay $0xe  }
0x6b: {  	s11 =	spop (v2sf)  }
0x6c: {  	s1 =	sand.u32 $0x7, s11  }
0x6d: {  	s1 =	sshll.u32 s1, $0x4  }
0x6e: {  	s1 =	sadd.s32 $0x400, s1  }
0x6f: {  	v1 =	vld [tilespmem:s1+$0xFFFFFF80];
	_ =	sdelay $0x4  }
0x70: {  	[tilespmem:s26+$0xFFFFFFF0] =	vst v1  }
0x71: {  	v1 =	vld [tilespmem:s2+$0x0];
	_ =	sdelay $0x4  }
0x72: {  	(v2sf) =	vpush v1, $0x0;
	_ =	sdelay $0xe  }
0x73: {  	s12 =	spop (v2sf)  }
0x74: {  	s1 =	sand.u32 $0x7, s12  }
0x75: {  	s1 =	sshll.u32 s1, $0x4  }
0x76: {  	s1 =	sadd.s32 $0x400, s1  }
0x77: {  	v1 =	vld [tilespmem:s1+$0x0];
	_ =	sdelay $0x4  }
0x78: {  	[tilespmem:s26+$0x0] =	vst v1  }
0x79: {  	v1 =	vld [tilespmem:s2+$0x1];
	_ =	sdelay $0x4  }
0x7a: {  	(v2sf) =	vpush v1, $0x0;
	_ =	sdelay $0xe  }
0x7b: {  	s14 =	spop (v2sf)  }
0x7c: {  	s1 =	sand.u32 $0x7, s14  }
0x7d: {  	s1 =	sshll.u32 s1, $0x4  }
0x7e: {  	s1 =	sadd.s32 $0x400, s1  }
0x7f: {  	v1 =	vld [tilespmem:s1+$0x80];
	_ =	sdelay $0x4  }
0x80: {  	[tilespmem:s26+$0x10] =	vst v1  }
0x81: {  	v1 =	vld [tilespmem:s2+$0x2];
	_ =	sdelay $0x4  }
0x82: {  	(v2sf) =	vpush v1, $0x0;
	_ =	sdelay $0xe  }
0x83: {  	s29 =	spop (v2sf)  }
0x84: {  	s1 =	sand.u32 $0x7, s29  }
0x85: {  	s1 =	sshll.u32 s1, $0x4  }
0x86: {  	s1 =	sadd.s32 $0x400, s1  }
0x87: {  	v1 =	vld [tilespmem:s1+$0x100];
	_ =	sdelay $0x4  }
0x88: {  	[tilespmem:s26+$0x20] =	vst v1  }
0x89: {  	v1 =	vld [tilespmem:s2+$0x3];
	_ =	sdelay $0x4  }
0x8a: {  	(v2sf) =	vpush v1, $0x0;
	_ =	sdelay $0xe  }
0x8b: {  	s31 =	spop (v2sf)  }
0x8c: {  	s1 =	sand.u32 $0x7, s31  }
0x8d: {  	s1 =	sshll.u32 s1, $0x4  }
0x8e: {  	s1 =	sadd.s32 $0x400, s1  }
0x8f: {  	v1 =	vld [tilespmem:s1+$0x180];
	_ =	sdelay $0x3  }
0x90: {  	s11 =	simm.s32 $0x0;
	s12 =	simm.s32 $0x12C0;
	s14 =	simm.s32 $0x400  }
.LBB2_4:
0x91: {  	s11 =	sadd.s32 $0x8, s11;
	[tilespmem:s26+$0x30] =	vst v1;
	s14 =	sadd.s32 $0x400, s14;
	s2 =	sadd.s32 $0x8, s2  }
0x92: {  	s26 =	smov.u32 s12;
	v1 =	vld [tilespmem:s2+$0xFFFFFFFC];
	p0 =	slt.u32 s11, $0x18;
	_ =	sdelay $0x4  }
0x93: {  	(v2sf) =	vpush v1, $0x0;
	_ =	sdelay $0xe  }
0x94: {  	s1 =	spop (v2sf)  }
0x95: {  	s1 =	sand.u32 $0x7, s1  }
0x96: {  	s1 =	sshll.u32 s1, $0x4  }
0x97: {  	s1 =	sadd.s32 s1, s14  }
0x98: {  	v1 =	vld [tilespmem:s1+$0xFFFFFE00];
	_ =	sdelay $0x4  }
0x99: {  	[tilespmem:s12+$0xFFFFFFC0] =	vst v1  }
0x9a: {  	v1 =	vld [tilespmem:s2+$0xFFFFFFFD];
	_ =	sdelay $0x4  }
0x9b: {  	(v2sf) =	vpush v1, $0x0;
	_ =	sdelay $0xe  }
0x9c: {  	s1 =	spop (v2sf)  }
0x9d: {  	s1 =	sand.u32 $0x7, s1  }
0x9e: {  	s1 =	sshll.u32 s1, $0x4  }
0x9f: {  	s1 =	sadd.s32 s1, s14  }
0xa0: {  	v1 =	vld [tilespmem:s1+$0xFFFFFE80];
	_ =	sdelay $0x4  }
0xa1: {  	[tilespmem:s12+$0xFFFFFFD0] =	vst v1  }
0xa2: {  	v1 =	vld [tilespmem:s2+$0xFFFFFFFE];
	_ =	sdelay $0x4  }
0xa3: {  	(v2sf) =	vpush v1, $0x0;
	_ =	sdelay $0xe  }
0xa4: {  	s1 =	spop (v2sf)  }
0xa5: {  	s1 =	sand.u32 $0x7, s1  }
0xa6: {  	s1 =	sshll.u32 s1, $0x4  }
0xa7: {  	s1 =	sadd.s32 s1, s14  }
0xa8: {  	v1 =	vld [tilespmem:s1+$0xFFFFFF00];
	_ =	sdelay $0x4  }
0xa9: {  	[tilespmem:s12+$0xFFFFFFE0] =	vst v1  }
0xaa: {  	v1 =	vld [tilespmem:s2+$0xFFFFFFFF];
	_ =	sdelay $0x4  }
0xab: {  	(v2sf) =	vpush v1, $0x0;
	_ =	sdelay $0xe  }
0xac: {  	s1 =	spop (v2sf)  }
0xad: {  	s1 =	sand.u32 $0x7, s1  }
0xae: {  	s1 =	sshll.u32 s1, $0x4  }
0xaf: {  	s1 =	sadd.s32 s1, s14  }
0xb0: {  	v1 =	vld [tilespmem:s1+$0xFFFFFF80];
	_ =	sdelay $0x4  }
0xb1: {  	[tilespmem:s12+$0xFFFFFFF0] =	vst v1  }
0xb2: {  	v1 =	vld [tilespmem:s2+$0x0];
	_ =	sdelay $0x4  }
0xb3: {  	(v2sf) =	vpush v1, $0x0;
	_ =	sdelay $0xe  }
0xb4: {  	s1 =	spop (v2sf)  }
0xb5: {  	s1 =	sand.u32 $0x7, s1  }
0xb6: {  	s1 =	sshll.u32 s1, $0x4  }
0xb7: {  	s1 =	sadd.s32 s1, s14  }
0xb8: {  	v1 =	vld [tilespmem:s1+$0x0];
	_ =	sdelay $0x4  }
0xb9: {  	[tilespmem:s12+$0x0] =	vst v1  }
0xba: {  	v1 =	vld [tilespmem:s2+$0x1];
	_ =	sdelay $0x4  }
0xbb: {  	(v2sf) =	vpush v1, $0x0;
	_ =	sdelay $0xe  }
0xbc: {  	s1 =	spop (v2sf)  }
0xbd: {  	s1 =	sand.u32 $0x7, s1  }
0xbe: {  	s1 =	sshll.u32 s1, $0x4  }
0xbf: {  	s1 =	sadd.s32 s1, s14  }
0xc0: {  	v1 =	vld [tilespmem:s1+$0x80];
	_ =	sdelay $0x4  }
0xc1: {  	[tilespmem:s12+$0x10] =	vst v1  }
0xc2: {  	v1 =	vld [tilespmem:s2+$0x2];
	_ =	sdelay $0x4  }
0xc3: {  	(v2sf) =	vpush v1, $0x0;
	_ =	sdelay $0xe  }
0xc4: {  	s1 =	spop (v2sf)  }
0xc5: {  	s1 =	sand.u32 $0x7, s1  }
0xc6: {  	s1 =	sshll.u32 s1, $0x4  }
0xc7: {  	s1 =	sadd.s32 s1, s14  }
0xc8: {  	v1 =	vld [tilespmem:s1+$0x100];
	_ =	sdelay $0x4  }
0xc9: {  	[tilespmem:s12+$0x20] =	vst v1  }
0xca: {  	v1 =	vld [tilespmem:s2+$0x3];
	_ =	sdelay $0x4  }
0xcb: {  	(v2sf) =	vpush v1, $0x0;
	_ =	sdelay $0xe  }
0xcc: {  	s1 =	spop (v2sf)  }
0xcd: {  	s1 =	sand.u32 $0x7, s1  }
0xce: {  	s1 =	sshll.u32 s1, $0x4  }
0xcf: {  	s1 =	sadd.s32 s1, s14  }
.Ltmp1:
0xd0: {  	v1 =	vld [tilespmem:s1+$0x180];
	(pc) =	sbr.rel @p0 .LBB2_4-.Ltmp1, $2  }
0xd1: {  	_ =	sdelay $0x2  }
0xd2: {  	s12 =	sadd.s32 $0x80, s12  }
0xd3: {  	[tilespmem:s26+$0x30] =	vst v1  }
0xd4: {  	v1 =	vld [tilespmem:$0x1200]  }
0xd5: {  	v2 =	vld [tilespmem:$0x1210]  }
0xd6: {  	v3 =	vld [tilespmem:$0x1220]  }
0xd7: {  	v4 =	vld [tilespmem:$0x1230]  }
0xd8: {  	v5 =	vld [tilespmem:$0x1240]  }
0xd9: {  	v6 =	vld [tilespmem:$0x1250];
	v1 =	vshra.s32 v1, $0x3  }
0xda: {  	[tilespmem:$0x1480] =	vst v1;
	v1 =	vshra.s32 v2, $0x3;
	v2 =	vld [tilespmem:$0x1260]  }
0xdb: {  	[tilespmem:$0x1490] =	vst v1;
	v1 =	vshra.s32 v3, $0x3;
	v3 =	vld [tilespmem:$0x1270]  }
0xdc: {  	v49 =	vld [tilespmem:$0x1280];
	[tilespmem:$0x14A0] =	vst v1;
	v1 =	vshra.s32 v4, $0x3  }
0xdd: {  	v50 =	vld [tilespmem:$0x1290];
	[tilespmem:$0x14B0] =	vst v1;
	v1 =	vshra.s32 v5, $0x3  }
0xde: {  	v51 =	vld [tilespmem:$0x12A0];
	[tilespmem:$0x14C0] =	vst v1;
	v1 =	vshra.s32 v6, $0x3  }
0xdf: {  	[tilespmem:$0x14D0] =	vst v1;
	v1 =	vshra.s32 v2, $0x3;
	v2 =	vld [tilespmem:$0x12B0]  }
0xe0: {  	[tilespmem:$0x14E0] =	vst v1;
	v1 =	vshra.s32 v3, $0x3;
	v3 =	vld [tilespmem:$0x12C0]  }
0xe1: {  	v52 =	vld [tilespmem:$0x12D0];
	[tilespmem:$0x14F0] =	vst v1;
	v1 =	vshra.s32 v49, $0x3  }
0xe2: {  	v53 =	vld [tilespmem:$0x12E0];
	[tilespmem:$0x1500] =	vst v1;
	v1 =	vshra.s32 v50, $0x3  }
0xe3: {  	v54 =	vld [tilespmem:$0x12F0];
	[tilespmem:$0x1510] =	vst v1;
	v1 =	vshra.s32 v51, $0x3  }
0xe4: {  	[tilespmem:$0x1520] =	vst v1;
	v1 =	vshra.s32 v2, $0x3;
	v2 =	vld [tilespmem:$0x1300]  }
0xe5: {  	[tilespmem:$0x1530] =	vst v1;
	v1 =	vshra.s32 v3, $0x3;
	v3 =	vld [tilespmem:$0x1310]  }
0xe6: {  	v55 =	vld [tilespmem:$0x1320];
	[tilespmem:$0x1540] =	vst v1;
	v1 =	vshra.s32 v52, $0x3  }
0xe7: {  	v56 =	vld [tilespmem:$0x1330];
	[tilespmem:$0x1550] =	vst v1;
	v1 =	vshra.s32 v53, $0x3  }
0xe8: {  	v57 =	vld [tilespmem:$0x1340];
	[tilespmem:$0x1560] =	vst v1;
	v1 =	vshra.s32 v54, $0x3  }
0xe9: {  	[tilespmem:$0x1570] =	vst v1;
	v1 =	vshra.s32 v2, $0x3;
	v2 =	vld [tilespmem:$0x1350]  }
0xea: {  	[tilespmem:$0x1580] =	vst v1;
	v1 =	vshra.s32 v3, $0x3;
	v3 =	vld [tilespmem:$0x1360]  }
0xeb: {  	v58 =	vld [tilespmem:$0x1370];
	[tilespmem:$0x1590] =	vst v1;
	v1 =	vshra.s32 v55, $0x3  }
0xec: {  	v59 =	vld [tilespmem:$0x1380];
	[tilespmem:$0x15A0] =	vst v1;
	v1 =	vshra.s32 v56, $0x3  }
0xed: {  	v60 =	vld [tilespmem:$0x1390];
	[tilespmem:$0x15B0] =	vst v1;
	v1 =	vshra.s32 v57, $0x3  }
0xee: {  	[tilespmem:$0x15C0] =	vst v1;
	v1 =	vshra.s32 v2, $0x3;
	v2 =	vld [tilespmem:$0x13A0]  }
0xef: {  	[tilespmem:$0x15D0] =	vst v1;
	v1 =	vshra.s32 v3, $0x3;
	v3 =	vld [tilespmem:$0x13B0]  }
0xf0: {  	v61 =	vld [tilespmem:$0x13C0];
	[tilespmem:$0x15E0] =	vst v1;
	v1 =	vshra.s32 v58, $0x3  }
0xf1: {  	v62 =	vld [tilespmem:$0x13D0];
	[tilespmem:$0x15F0] =	vst v1;
	v1 =	vshra.s32 v59, $0x3  }
0xf2: {  	v63 =	vld [tilespmem:$0x13E0];
	[tilespmem:$0x1600] =	vst v1;
	v1 =	vshra.s32 v60, $0x3  }
0xf3: {  	[tilespmem:$0x1610] =	vst v1;
	v1 =	vshra.s32 v2, $0x3;
	v2 =	vld [tilespmem:$0x13F0]  }
0xf4: {  	[tilespmem:$0x1620] =	vst v1;
	v1 =	vshra.s32 v3, $0x3  }
0xf5: {  	[tilespmem:$0x1630] =	vst v1;
	v1 =	vshra.s32 v61, $0x3  }
0xf6: {  	[tilespmem:$0x1640] =	vst v1;
	v1 =	vshra.s32 v62, $0x3  }
0xf7: {  	[tilespmem:$0x1650] =	vst v1;
	v1 =	vshra.s32 v63, $0x3  }
0xf8: {  	[tilespmem:$0x1660] =	vst v1;
	v1 =	vshra.s32 v2, $0x3  }
0xf9: {  	s1 =	simm.s32 $0x1480;
	[tilespmem:$0x1670] =	vst v1  }
0xfa: {  	[tilespmem:s21], [sflag:$0x5] =	stream.indirect.gather [hbm4b:s13+s5], $0x80, s1, s5, $0xb8;
	[tilespmem:$0x1B880] =	vst v63  }
0xfb: {  	_ =	swait.ge [sflag:s0], $0x4000  }
0xfc: {  	s2 =	simm.s32 $0xFFFFFFF0;
	s11 =	simm.s32 $0x1E00;
	[sflag:s0] =	ssyncset.done $0x0  }
0xfd: {  	s12 =	simm.s32 $0x1208;
	s14 =	simm.s32 $0x5700;
	[sflag:s0] =	ssyncadd.s32 $0xFFFFC000  }
.LBB2_6:
0xfe: {  	v1 =	vld [tilespmem:s12+$0xFFFFFFF8];
	_ =	sdelay $0x4  }
0xff: {  	(v2sf) =	vpush v1, $0x0;
	_ =	sdelay $0xe  }
0x100: {  	s1 =	spop (v2sf)  }
0x101: {  	s1 =	sand.u32 $0x7, s1  }
0x102: {  	s1 =	sshll.u32 s1, $0x4  }
0x103: {  	s1 =	sadd.s32 s1, s11  }
0x104: {  	v1 =	vld [tilespmem:s1+$0xFFFFF880];
	_ =	sdelay $0x4  }
0x105: {  	[tilespmem:s14+$0xFFFFFF80] =	vst v1  }
0x106: {  	v1 =	vld [tilespmem:s12+$0xFFFFFFF9];
	_ =	sdelay $0x4  }
0x107: {  	(v2sf) =	vpush v1, $0x0;
	_ =	sdelay $0xe  }
0x108: {  	s6 =	spop (v2sf)  }
0x109: {  	s1 =	sand.u32 $0x7, s6  }
0x10a: {  	s1 =	sshll.u32 s1, $0x4  }
0x10b: {  	s1 =	sadd.s32 s1, s11  }
0x10c: {  	v1 =	vld [tilespmem:s1+$0xFFFFF900];
	_ =	sdelay $0x4  }
0x10d: {  	[tilespmem:s14+$0xFFFFFF90] =	vst v1  }
0x10e: {  	v1 =	vld [tilespmem:s12+$0xFFFFFFFA];
	_ =	sdelay $0x4  }
0x10f: {  	(v2sf) =	vpush v1, $0x0;
	_ =	sdelay $0xe  }
0x110: {  	s9 =	spop (v2sf)  }
0x111: {  	s1 =	sand.u32 $0x7, s9  }
0x112: {  	s1 =	sshll.u32 s1, $0x4  }
0x113: {  	s1 =	sadd.s32 s1, s11  }
0x114: {  	v1 =	vld [tilespmem:s1+$0xFFFFF980];
	_ =	sdelay $0x4  }
0x115: {  	[tilespmem:s14+$0xFFFFFFA0] =	vst v1  }
0x116: {  	v1 =	vld [tilespmem:s12+$0xFFFFFFFB];
	_ =	sdelay $0x4  }
0x117: {  	(v2sf) =	vpush v1, $0x0;
	_ =	sdelay $0xe  }
0x118: {  	s26 =	spop (v2sf)  }
0x119: {  	s1 =	sand.u32 $0x7, s26  }
0x11a: {  	s1 =	sshll.u32 s1, $0x4  }
0x11b: {  	s1 =	sadd.s32 s1, s11  }
0x11c: {  	v1 =	vld [tilespmem:s1+$0xFFFFFA00];
	_ =	sdelay $0x4  }
0x11d: {  	[tilespmem:s14+$0xFFFFFFB0] =	vst v1  }
0x11e: {  	v1 =	vld [tilespmem:s12+$0xFFFFFFFC];
	_ =	sdelay $0x4  }
0x11f: {  	(v2sf) =	vpush v1, $0x0;
	_ =	sdelay $0xe  }
0x120: {  	s29 =	spop (v2sf)  }
0x121: {  	s1 =	sand.u32 $0x7, s29  }
0x122: {  	s1 =	sshll.u32 s1, $0x4  }
0x123: {  	s1 =	sadd.s32 s1, s11  }
0x124: {  	v1 =	vld [tilespmem:s1+$0xFFFFFA80];
	_ =	sdelay $0x4  }
0x125: {  	[tilespmem:s14+$0xFFFFFFC0] =	vst v1  }
0x126: {  	v1 =	vld [tilespmem:s12+$0xFFFFFFFD];
	_ =	sdelay $0x4  }
0x127: {  	(v2sf) =	vpush v1, $0x0;
	_ =	sdelay $0xe  }
0x128: {  	s31 =	spop (v2sf)  }
0x129: {  	s1 =	sand.u32 $0x7, s31  }
0x12a: {  	s1 =	sshll.u32 s1, $0x4  }
0x12b: {  	s1 =	sadd.s32 s1, s11  }
0x12c: {  	v1 =	vld [tilespmem:s1+$0xFFFFFB00];
	_ =	sdelay $0x4  }
0x12d: {  	[tilespmem:s14+$0xFFFFFFD0] =	vst v1  }
0x12e: {  	v1 =	vld [tilespmem:s12+$0xFFFFFFFE];
	_ =	sdelay $0x4  }
0x12f: {  	(v2sf) =	vpush v1, $0x0;
	_ =	sdelay $0xe  }
0x130: {  	s6 =	spop (v2sf)  }
0x131: {  	s1 =	sand.u32 $0x7, s6  }
0x132: {  	s1 =	sshll.u32 s1, $0x4  }
0x133: {  	s1 =	sadd.s32 s1, s11  }
0x134: {  	v1 =	vld [tilespmem:s1+$0xFFFFFB80];
	_ =	sdelay $0x4  }
0x135: {  	[tilespmem:s14+$0xFFFFFFE0] =	vst v1  }
0x136: {  	v1 =	vld [tilespmem:s12+$0xFFFFFFFF];
	_ =	sdelay $0x4  }
0x137: {  	(v2sf) =	vpush v1, $0x0;
	_ =	sdelay $0xe  }
0x138: {  	s9 =	spop (v2sf)  }
0x139: {  	s1 =	sand.u32 $0x7, s9  }
0x13a: {  	s1 =	sshll.u32 s1, $0x4  }
0x13b: {  	s1 =	sadd.s32 s1, s11  }
0x13c: {  	v1 =	vld [tilespmem:s1+$0xFFFFFC00];
	_ =	sdelay $0x4  }
0x13d: {  	[tilespmem:s14+$0xFFFFFFF0] =	vst v1  }
0x13e: {  	v1 =	vld [tilespmem:s12+$0x0];
	_ =	sdelay $0x4  }
0x13f: {  	(v2sf) =	vpush v1, $0x0;
	_ =	sdelay $0xe  }
0x140: {  	s26 =	spop (v2sf)  }
0x141: {  	s1 =	sand.u32 $0x7, s26  }
0x142: {  	s1 =	sshll.u32 s1, $0x4  }
0x143: {  	s1 =	sadd.s32 s1, s11  }
0x144: {  	v1 =	vld [tilespmem:s1+$0xFFFFFC80];
	_ =	sdelay $0x4  }
0x145: {  	[tilespmem:s14+$0x0] =	vst v1  }
0x146: {  	v1 =	vld [tilespmem:s12+$0x1];
	_ =	sdelay $0x4  }
0x147: {  	(v2sf) =	vpush v1, $0x0;
	_ =	sdelay $0xe  }
0x148: {  	s29 =	spop (v2sf)  }
0x149: {  	s1 =	sand.u32 $0x7, s29  }
0x14a: {  	s1 =	sshll.u32 s1, $0x4  }
0x14b: {  	s1 =	sadd.s32 s1, s11  }
0x14c: {  	v1 =	vld [tilespmem:s1+$0xFFFFFD00];
	_ =	sdelay $0x4  }
0x14d: {  	[tilespmem:s14+$0x10] =	vst v1  }
0x14e: {  	v1 =	vld [tilespmem:s12+$0x2];
	_ =	sdelay $0x4  }
0x14f: {  	(v2sf) =	vpush v1, $0x0;
	_ =	sdelay $0xe  }
0x150: {  	s31 =	spop (v2sf)  }
0x151: {  	s1 =	sand.u32 $0x7, s31  }
0x152: {  	s1 =	sshll.u32 s1, $0x4  }
0x153: {  	s1 =	sadd.s32 s1, s11  }
0x154: {  	v1 =	vld [tilespmem:s1+$0xFFFFFD80];
	_ =	sdelay $0x4  }
0x155: {  	[tilespmem:s14+$0x20] =	vst v1  }
0x156: {  	v1 =	vld [tilespmem:s12+$0x3];
	_ =	sdelay $0x4  }
0x157: {  	(v2sf) =	vpush v1, $0x0;
	_ =	sdelay $0xe  }
0x158: {  	s6 =	spop (v2sf)  }
0x159: {  	s1 =	sand.u32 $0x7, s6  }
0x15a: {  	s1 =	sshll.u32 s1, $0x4  }
0x15b: {  	s1 =	sadd.s32 s1, s11  }
0x15c: {  	v1 =	vld [tilespmem:s1+$0xFFFFFE00];
	_ =	sdelay $0x4  }
0x15d: {  	[tilespmem:s14+$0x30] =	vst v1  }
0x15e: {  	v1 =	vld [tilespmem:s12+$0x4];
	_ =	sdelay $0x4  }
0x15f: {  	(v2sf) =	vpush v1, $0x0;
	_ =	sdelay $0xe  }
0x160: {  	s9 =	spop (v2sf)  }
0x161: {  	s1 =	sand.u32 $0x7, s9  }
0x162: {  	s1 =	sshll.u32 s1, $0x4  }
0x163: {  	s1 =	sadd.s32 s1, s11  }
0x164: {  	v1 =	vld [tilespmem:s1+$0xFFFFFE80];
	_ =	sdelay $0x4  }
0x165: {  	[tilespmem:s14+$0x40] =	vst v1  }
0x166: {  	v1 =	vld [tilespmem:s12+$0x5];
	_ =	sdelay $0x4  }
0x167: {  	(v2sf) =	vpush v1, $0x0;
	_ =	sdelay $0xe  }
0x168: {  	s26 =	spop (v2sf)  }
0x169: {  	s1 =	sand.u32 $0x7, s26  }
0x16a: {  	s1 =	sshll.u32 s1, $0x4  }
0x16b: {  	s1 =	sadd.s32 s1, s11  }
0x16c: {  	v1 =	vld [tilespmem:s1+$0xFFFFFF00];
	_ =	sdelay $0x4  }
0x16d: {  	[tilespmem:s14+$0x50] =	vst v1  }
0x16e: {  	v1 =	vld [tilespmem:s12+$0x6];
	_ =	sdelay $0x4  }
0x16f: {  	(v2sf) =	vpush v1, $0x0;
	_ =	sdelay $0xe  }
0x170: {  	s29 =	spop (v2sf)  }
0x171: {  	s1 =	sand.u32 $0x7, s29  }
0x172: {  	s1 =	sshll.u32 s1, $0x4  }
0x173: {  	s1 =	sadd.s32 s1, s11  }
0x174: {  	v1 =	vld [tilespmem:s1+$0xFFFFFF80];
	_ =	sdelay $0x4  }
0x175: {  	[tilespmem:s14+$0x60] =	vst v1  }
0x176: {  	v1 =	vld [tilespmem:s12+$0x7];
	_ =	sdelay $0x4  }
0x177: {  	(v2sf) =	vpush v1, $0x0;
	_ =	sdelay $0xe  }
0x178: {  	s31 =	spop (v2sf)  }
0x179: {  	s1 =	sand.u32 $0x7, s31  }
0x17a: {  	s1 =	sshll.u32 s1, $0x4  }
0x17b: {  	s2 =	sadd.s32 $0x10, s2;
	s1 =	sadd.s32 s1, s11  }
0x17c: {  	p0 =	slt.u32 s2, $0x70;
	v1 =	vld [tilespmem:s1+$0x0]  }
.Ltmp2:
0x17d: {  	_ = 	snop;
	(pc) =	sbr.rel @p0 .LBB2_6-.Ltmp2, $2  }
0x17e: {  	_ =	sdelay $0x2  }
0x17f: {  	s12 =	sadd.s32 $0x10, s12;
	s11 =	sadd.s32 $0x800, s11;
	[tilespmem:s14+$0x70] =	vst v1;
	s14 =	sadd.s32 $0x100, s14  }
0x180: {  	s1 =	simm.s32 $0x1500  }
0x181: {  	[tilespmem:s21], [sflag:$0x5] =	stream.indirect.gather [hbm4b:s13+s5], $0x80, s1, s5, $0xb8;
	[tilespmem:$0x1B880] =	vst v63  }
0x182: {  	_ =	swait.ge [sflag:s0], $0x4000  }
0x183: {  	s2 =	simm.s32 $0xFFFFFFF0;
	s11 =	simm.s32 $0x1E00;
	[sflag:s0] =	ssyncset.done $0x0  }
0x184: {  	s12 =	simm.s32 $0x128F;
	s14 =	simm.s32 $0x5F70;
	[sflag:s0] =	ssyncadd.s32 $0xFFFFC000  }
.LBB2_8:
0x185: {  	v1 =	vld [tilespmem:s12+$0xFFFFFFF1];
	_ =	sdelay $0x4  }
0x186: {  	(v2sf) =	vpush v1, $0x0;
	_ =	sdelay $0xe  }
0x187: {  	s1 =	spop (v2sf)  }
0x188: {  	s1 =	sand.u32 $0x7, s1  }
0x189: {  	s1 =	sshll.u32 s1, $0x4  }
0x18a: {  	s1 =	sadd.s32 s1, s11  }
0x18b: {  	v1 =	vld [tilespmem:s1+$0xFFFFF880];
	_ =	sdelay $0x4  }
0x18c: {  	[tilespmem:s14+$0xFFFFFF10] =	vst v1  }
0x18d: {  	v1 =	vld [tilespmem:s12+$0xFFFFFFF2];
	_ =	sdelay $0x4  }
0x18e: {  	(v2sf) =	vpush v1, $0x0;
	_ =	sdelay $0xe  }
0x18f: {  	s6 =	spop (v2sf)  }
0x190: {  	s1 =	sand.u32 $0x7, s6  }
0x191: {  	s1 =	sshll.u32 s1, $0x4  }
0x192: {  	s1 =	sadd.s32 s1, s11  }
0x193: {  	v1 =	vld [tilespmem:s1+$0xFFFFF900];
	_ =	sdelay $0x4  }
0x194: {  	[tilespmem:s14+$0xFFFFFF20] =	vst v1  }
0x195: {  	v1 =	vld [tilespmem:s12+$0xFFFFFFF3];
	_ =	sdelay $0x4  }
0x196: {  	(v2sf) =	vpush v1, $0x0;
	_ =	sdelay $0xe  }
0x197: {  	s9 =	spop (v2sf)  }
0x198: {  	s1 =	sand.u32 $0x7, s9  }
0x199: {  	s1 =	sshll.u32 s1, $0x4  }
0x19a: {  	s1 =	sadd.s32 s1, s11  }
0x19b: {  	v1 =	vld [tilespmem:s1+$0xFFFFF980];
	_ =	sdelay $0x4  }
0x19c: {  	[tilespmem:s14+$0xFFFFFF30] =	vst v1  }
0x19d: {  	v1 =	vld [tilespmem:s12+$0xFFFFFFF4];
	_ =	sdelay $0x4  }
0x19e: {  	(v2sf) =	vpush v1, $0x0;
	_ =	sdelay $0xe  }
0x19f: {  	s26 =	spop (v2sf)  }
0x1a0: {  	s1 =	sand.u32 $0x7, s26  }
0x1a1: {  	s1 =	sshll.u32 s1, $0x4  }
0x1a2: {  	s1 =	sadd.s32 s1, s11  }
0x1a3: {  	v1 =	vld [tilespmem:s1+$0xFFFFFA00];
	_ =	sdelay $0x4  }
0x1a4: {  	[tilespmem:s14+$0xFFFFFF40] =	vst v1  }
0x1a5: {  	v1 =	vld [tilespmem:s12+$0xFFFFFFF5];
	_ =	sdelay $0x4  }
0x1a6: {  	(v2sf) =	vpush v1, $0x0;
	_ =	sdelay $0xe  }
0x1a7: {  	s29 =	spop (v2sf)  }
0x1a8: {  	s1 =	sand.u32 $0x7, s29  }
0x1a9: {  	s1 =	sshll.u32 s1, $0x4  }
0x1aa: {  	s1 =	sadd.s32 s1, s11  }
0x1ab: {  	v1 =	vld [tilespmem:s1+$0xFFFFFA80];
	_ =	sdelay $0x4  }
0x1ac: {  	[tilespmem:s14+$0xFFFFFF50] =	vst v1  }
0x1ad: {  	v1 =	vld [tilespmem:s12+$0xFFFFFFF6];
	_ =	sdelay $0x4  }
0x1ae: {  	(v2sf) =	vpush v1, $0x0;
	_ =	sdelay $0xe  }
0x1af: {  	s31 =	spop (v2sf)  }
0x1b0: {  	s1 =	sand.u32 $0x7, s31  }
0x1b1: {  	s1 =	sshll.u32 s1, $0x4  }
0x1b2: {  	s1 =	sadd.s32 s1, s11  }
0x1b3: {  	v1 =	vld [tilespmem:s1+$0xFFFFFB00];
	_ =	sdelay $0x4  }
0x1b4: {  	[tilespmem:s14+$0xFFFFFF60] =	vst v1  }
0x1b5: {  	v1 =	vld [tilespmem:s12+$0xFFFFFFF7];
	_ =	sdelay $0x4  }
0x1b6: {  	(v2sf) =	vpush v1, $0x0;
	_ =	sdelay $0xe  }
0x1b7: {  	s6 =	spop (v2sf)  }
0x1b8: {  	s1 =	sand.u32 $0x7, s6  }
0x1b9: {  	s1 =	sshll.u32 s1, $0x4  }
0x1ba: {  	s1 =	sadd.s32 s1, s11  }
0x1bb: {  	v1 =	vld [tilespmem:s1+$0xFFFFFB80];
	_ =	sdelay $0x4  }
0x1bc: {  	[tilespmem:s14+$0xFFFFFF70] =	vst v1  }
0x1bd: {  	v1 =	vld [tilespmem:s12+$0xFFFFFFF8];
	_ =	sdelay $0x4  }
0x1be: {  	(v2sf) =	vpush v1, $0x0;
	_ =	sdelay $0xe  }
0x1bf: {  	s9 =	spop (v2sf)  }
0x1c0: {  	s1 =	sand.u32 $0x7, s9  }
0x1c1: {  	s1 =	sshll.u32 s1, $0x4  }
0x1c2: {  	s1 =	sadd.s32 s1, s11  }
0x1c3: {  	v1 =	vld [tilespmem:s1+$0xFFFFFC00];
	_ =	sdelay $0x4  }
0x1c4: {  	[tilespmem:s14+$0xFFFFFF80] =	vst v1  }
0x1c5: {  	v1 =	vld [tilespmem:s12+$0xFFFFFFF9];
	_ =	sdelay $0x4  }
0x1c6: {  	(v2sf) =	vpush v1, $0x0;
	_ =	sdelay $0xe  }
0x1c7: {  	s26 =	spop (v2sf)  }
0x1c8: {  	s1 =	sand.u32 $0x7, s26  }
0x1c9: {  	s1 =	sshll.u32 s1, $0x4  }
0x1ca: {  	s1 =	sadd.s32 s1, s11  }
0x1cb: {  	v1 =	vld [tilespmem:s1+$0xFFFFFC80];
	_ =	sdelay $0x4  }
0x1cc: {  	[tilespmem:s14+$0xFFFFFF90] =	vst v1  }
0x1cd: {  	v1 =	vld [tilespmem:s12+$0xFFFFFFFA];
	_ =	sdelay $0x4  }
0x1ce: {  	(v2sf) =	vpush v1, $0x0;
	_ =	sdelay $0xe  }
0x1cf: {  	s29 =	spop (v2sf)  }
0x1d0: {  	s1 =	sand.u32 $0x7, s29  }
0x1d1: {  	s1 =	sshll.u32 s1, $0x4  }
0x1d2: {  	s1 =	sadd.s32 s1, s11  }
0x1d3: {  	v1 =	vld [tilespmem:s1+$0xFFFFFD00];
	_ =	sdelay $0x4  }
0x1d4: {  	[tilespmem:s14+$0xFFFFFFA0] =	vst v1  }
0x1d5: {  	v1 =	vld [tilespmem:s12+$0xFFFFFFFB];
	_ =	sdelay $0x4  }
0x1d6: {  	(v2sf) =	vpush v1, $0x0;
	_ =	sdelay $0xe  }
0x1d7: {  	s31 =	spop (v2sf)  }
0x1d8: {  	s1 =	sand.u32 $0x7, s31  }
0x1d9: {  	s1 =	sshll.u32 s1, $0x4  }
0x1da: {  	s1 =	sadd.s32 s1, s11  }
0x1db: {  	v1 =	vld [tilespmem:s1+$0xFFFFFD80];
	_ =	sdelay $0x4  }
0x1dc: {  	[tilespmem:s14+$0xFFFFFFB0] =	vst v1  }
0x1dd: {  	v1 =	vld [tilespmem:s12+$0xFFFFFFFC];
	_ =	sdelay $0x4  }
0x1de: {  	(v2sf) =	vpush v1, $0x0;
	_ =	sdelay $0xe  }
0x1df: {  	s6 =	spop (v2sf)  }
0x1e0: {  	s1 =	sand.u32 $0x7, s6  }
0x1e1: {  	s1 =	sshll.u32 s1, $0x4  }
0x1e2: {  	s1 =	sadd.s32 s1, s11  }
0x1e3: {  	v1 =	vld [tilespmem:s1+$0xFFFFFE00];
	_ =	sdelay $0x4  }
0x1e4: {  	[tilespmem:s14+$0xFFFFFFC0] =	vst v1  }
0x1e5: {  	v1 =	vld [tilespmem:s12+$0xFFFFFFFD];
	_ =	sdelay $0x4  }
0x1e6: {  	(v2sf) =	vpush v1, $0x0;
	_ =	sdelay $0xe  }
0x1e7: {  	s9 =	spop (v2sf)  }
0x1e8: {  	s1 =	sand.u32 $0x7, s9  }
0x1e9: {  	s1 =	sshll.u32 s1, $0x4  }
0x1ea: {  	s1 =	sadd.s32 s1, s11  }
0x1eb: {  	v1 =	vld [tilespmem:s1+$0xFFFFFE80];
	_ =	sdelay $0x4  }
0x1ec: {  	[tilespmem:s14+$0xFFFFFFD0] =	vst v1  }
0x1ed: {  	v1 =	vld [tilespmem:s12+$0xFFFFFFFE];
	_ =	sdelay $0x4  }
0x1ee: {  	(v2sf) =	vpush v1, $0x0;
	_ =	sdelay $0xe  }
0x1ef: {  	s26 =	spop (v2sf)  }
0x1f0: {  	s1 =	sand.u32 $0x7, s26  }
0x1f1: {  	s1 =	sshll.u32 s1, $0x4  }
0x1f2: {  	s1 =	sadd.s32 s1, s11  }
0x1f3: {  	v1 =	vld [tilespmem:s1+$0xFFFFFF00];
	_ =	sdelay $0x4  }
0x1f4: {  	[tilespmem:s14+$0xFFFFFFE0] =	vst v1  }
0x1f5: {  	v1 =	vld [tilespmem:s12+$0xFFFFFFFF];
	_ =	sdelay $0x4  }
0x1f6: {  	(v2sf) =	vpush v1, $0x0;
	_ =	sdelay $0xe  }
0x1f7: {  	s29 =	spop (v2sf)  }
0x1f8: {  	s1 =	sand.u32 $0x7, s29  }
0x1f9: {  	s1 =	sshll.u32 s1, $0x4  }
0x1fa: {  	s1 =	sadd.s32 s1, s11  }
0x1fb: {  	v1 =	vld [tilespmem:s1+$0xFFFFFF80];
	_ =	sdelay $0x4  }
0x1fc: {  	[tilespmem:s14+$0xFFFFFFF0] =	vst v1  }
0x1fd: {  	v1 =	vld [tilespmem:s12+$0x0];
	_ =	sdelay $0x4  }
0x1fe: {  	(v2sf) =	vpush v1, $0x0;
	_ =	sdelay $0xe  }
0x1ff: {  	s31 =	spop (v2sf)  }
0x200: {  	s1 =	sand.u32 $0x7, s31  }
0x201: {  	s1 =	sshll.u32 s1, $0x4  }
0x202: {  	s2 =	sadd.s32 $0x10, s2;
	s1 =	sadd.s32 s1, s11  }
0x203: {  	p0 =	slt.u32 s2, $0x70;
	v1 =	vld [tilespmem:s1+$0x0]  }
.Ltmp3:
0x204: {  	_ = 	snop;
	(pc) =	sbr.rel @p0 .LBB2_8-.Ltmp3, $2  }
0x205: {  	_ =	sdelay $0x2  }
0x206: {  	s12 =	sadd.s32 $0x10, s12;
	s11 =	sadd.s32 $0x800, s11;
	[tilespmem:s14+$0x0] =	vst v1;
	s14 =	sadd.s32 $0x100, s14  }
0x207: {  	s1 =	simm.s32 $0x1580  }
0x208: {  	[tilespmem:s21], [sflag:$0x5] =	stream.indirect.gather [hbm4b:s13+s5], $0x80, s1, s5, $0xb8;
	[tilespmem:$0x1B880] =	vst v63  }
0x209: {  	_ =	swait.ge [sflag:s0], $0x4000  }
0x20a: {  	s2 =	simm.s32 $0xFFFFFFF0;
	s11 =	simm.s32 $0x1E00;
	[sflag:s0] =	ssyncset.done $0x0  }
0x20b: {  	s12 =	simm.s32 $0x130F;
	s14 =	simm.s32 $0x6770;
	[sflag:s0] =	ssyncadd.s32 $0xFFFFC000  }
.LBB2_10:
0x20c: {  	v1 =	vld [tilespmem:s12+$0xFFFFFFF1];
	_ =	sdelay $0x4  }
0x20d: {  	(v2sf) =	vpush v1, $0x0;
	_ =	sdelay $0xe  }
0x20e: {  	s1 =	spop (v2sf)  }
0x20f: {  	s1 =	sand.u32 $0x7, s1  }
0x210: {  	s1 =	sshll.u32 s1, $0x4  }
0x211: {  	s1 =	sadd.s32 s1, s11  }
0x212: {  	v1 =	vld [tilespmem:s1+$0xFFFFF880];
	_ =	sdelay $0x4  }
0x213: {  	[tilespmem:s14+$0xFFFFFF10] =	vst v1  }
0x214: {  	v1 =	vld [tilespmem:s12+$0xFFFFFFF2];
	_ =	sdelay $0x4  }
0x215: {  	(v2sf) =	vpush v1, $0x0;
	_ =	sdelay $0xe  }
0x216: {  	s6 =	spop (v2sf)  }
0x217: {  	s1 =	sand.u32 $0x7, s6  }
0x218: {  	s1 =	sshll.u32 s1, $0x4  }
0x219: {  	s1 =	sadd.s32 s1, s11  }
0x21a: {  	v1 =	vld [tilespmem:s1+$0xFFFFF900];
	_ =	sdelay $0x4  }
0x21b: {  	[tilespmem:s14+$0xFFFFFF20] =	vst v1  }
0x21c: {  	v1 =	vld [tilespmem:s12+$0xFFFFFFF3];
	_ =	sdelay $0x4  }
0x21d: {  	(v2sf) =	vpush v1, $0x0;
	_ =	sdelay $0xe  }
0x21e: {  	s9 =	spop (v2sf)  }
0x21f: {  	s1 =	sand.u32 $0x7, s9  }
0x220: {  	s1 =	sshll.u32 s1, $0x4  }
0x221: {  	s1 =	sadd.s32 s1, s11  }
0x222: {  	v1 =	vld [tilespmem:s1+$0xFFFFF980];
	_ =	sdelay $0x4  }
0x223: {  	[tilespmem:s14+$0xFFFFFF30] =	vst v1  }
0x224: {  	v1 =	vld [tilespmem:s12+$0xFFFFFFF4];
	_ =	sdelay $0x4  }
0x225: {  	(v2sf) =	vpush v1, $0x0;
	_ =	sdelay $0xe  }
0x226: {  	s26 =	spop (v2sf)  }
0x227: {  	s1 =	sand.u32 $0x7, s26  }
0x228: {  	s1 =	sshll.u32 s1, $0x4  }
0x229: {  	s1 =	sadd.s32 s1, s11  }
0x22a: {  	v1 =	vld [tilespmem:s1+$0xFFFFFA00];
	_ =	sdelay $0x4  }
0x22b: {  	[tilespmem:s14+$0xFFFFFF40] =	vst v1  }
0x22c: {  	v1 =	vld [tilespmem:s12+$0xFFFFFFF5];
	_ =	sdelay $0x4  }
0x22d: {  	(v2sf) =	vpush v1, $0x0;
	_ =	sdelay $0xe  }
0x22e: {  	s29 =	spop (v2sf)  }
0x22f: {  	s1 =	sand.u32 $0x7, s29  }
0x230: {  	s1 =	sshll.u32 s1, $0x4  }
0x231: {  	s1 =	sadd.s32 s1, s11  }
0x232: {  	v1 =	vld [tilespmem:s1+$0xFFFFFA80];
	_ =	sdelay $0x4  }
0x233: {  	[tilespmem:s14+$0xFFFFFF50] =	vst v1  }
0x234: {  	v1 =	vld [tilespmem:s12+$0xFFFFFFF6];
	_ =	sdelay $0x4  }
0x235: {  	(v2sf) =	vpush v1, $0x0;
	_ =	sdelay $0xe  }
0x236: {  	s31 =	spop (v2sf)  }
0x237: {  	s1 =	sand.u32 $0x7, s31  }
0x238: {  	s1 =	sshll.u32 s1, $0x4  }
0x239: {  	s1 =	sadd.s32 s1, s11  }
0x23a: {  	v1 =	vld [tilespmem:s1+$0xFFFFFB00];
	_ =	sdelay $0x4  }
0x23b: {  	[tilespmem:s14+$0xFFFFFF60] =	vst v1  }
0x23c: {  	v1 =	vld [tilespmem:s12+$0xFFFFFFF7];
	_ =	sdelay $0x4  }
0x23d: {  	(v2sf) =	vpush v1, $0x0;
	_ =	sdelay $0xe  }
0x23e: {  	s6 =	spop (v2sf)  }
0x23f: {  	s1 =	sand.u32 $0x7, s6  }
0x240: {  	s1 =	sshll.u32 s1, $0x4  }
0x241: {  	s1 =	sadd.s32 s1, s11  }
0x242: {  	v1 =	vld [tilespmem:s1+$0xFFFFFB80];
	_ =	sdelay $0x4  }
0x243: {  	[tilespmem:s14+$0xFFFFFF70] =	vst v1  }
0x244: {  	v1 =	vld [tilespmem:s12+$0xFFFFFFF8];
	_ =	sdelay $0x4  }
0x245: {  	(v2sf) =	vpush v1, $0x0;
	_ =	sdelay $0xe  }
0x246: {  	s9 =	spop (v2sf)  }
0x247: {  	s1 =	sand.u32 $0x7, s9  }
0x248: {  	s1 =	sshll.u32 s1, $0x4  }
0x249: {  	s1 =	sadd.s32 s1, s11  }
0x24a: {  	v1 =	vld [tilespmem:s1+$0xFFFFFC00];
	_ =	sdelay $0x4  }
0x24b: {  	[tilespmem:s14+$0xFFFFFF80] =	vst v1  }
0x24c: {  	v1 =	vld [tilespmem:s12+$0xFFFFFFF9];
	_ =	sdelay $0x4  }
0x24d: {  	(v2sf) =	vpush v1, $0x0;
	_ =	sdelay $0xe  }
0x24e: {  	s26 =	spop (v2sf)  }
0x24f: {  	s1 =	sand.u32 $0x7, s26  }
0x250: {  	s1 =	sshll.u32 s1, $0x4  }
0x251: {  	s1 =	sadd.s32 s1, s11  }
0x252: {  	v1 =	vld [tilespmem:s1+$0xFFFFFC80];
	_ =	sdelay $0x4  }
0x253: {  	[tilespmem:s14+$0xFFFFFF90] =	vst v1  }
0x254: {  	v1 =	vld [tilespmem:s12+$0xFFFFFFFA];
	_ =	sdelay $0x4  }
0x255: {  	(v2sf) =	vpush v1, $0x0;
	_ =	sdelay $0xe  }
0x256: {  	s29 =	spop (v2sf)  }
0x257: {  	s1 =	sand.u32 $0x7, s29  }
0x258: {  	s1 =	sshll.u32 s1, $0x4  }
0x259: {  	s1 =	sadd.s32 s1, s11  }
0x25a: {  	v1 =	vld [tilespmem:s1+$0xFFFFFD00];
	_ =	sdelay $0x4  }
0x25b: {  	[tilespmem:s14+$0xFFFFFFA0] =	vst v1  }
0x25c: {  	v1 =	vld [tilespmem:s12+$0xFFFFFFFB];
	_ =	sdelay $0x4  }
0x25d: {  	(v2sf) =	vpush v1, $0x0;
	_ =	sdelay $0xe  }
0x25e: {  	s31 =	spop (v2sf)  }
0x25f: {  	s1 =	sand.u32 $0x7, s31  }
0x260: {  	s1 =	sshll.u32 s1, $0x4  }
0x261: {  	s1 =	sadd.s32 s1, s11  }
0x262: {  	v1 =	vld [tilespmem:s1+$0xFFFFFD80];
	_ =	sdelay $0x4  }
0x263: {  	[tilespmem:s14+$0xFFFFFFB0] =	vst v1  }
0x264: {  	v1 =	vld [tilespmem:s12+$0xFFFFFFFC];
	_ =	sdelay $0x4  }
0x265: {  	(v2sf) =	vpush v1, $0x0;
	_ =	sdelay $0xe  }
0x266: {  	s6 =	spop (v2sf)  }
0x267: {  	s1 =	sand.u32 $0x7, s6  }
0x268: {  	s1 =	sshll.u32 s1, $0x4  }
0x269: {  	s1 =	sadd.s32 s1, s11  }
0x26a: {  	v1 =	vld [tilespmem:s1+$0xFFFFFE00];
	_ =	sdelay $0x4  }
0x26b: {  	[tilespmem:s14+$0xFFFFFFC0] =	vst v1  }
0x26c: {  	v1 =	vld [tilespmem:s12+$0xFFFFFFFD];
	_ =	sdelay $0x4  }
0x26d: {  	(v2sf) =	vpush v1, $0x0;
	_ =	sdelay $0xe  }
0x26e: {  	s9 =	spop (v2sf)  }
0x26f: {  	s1 =	sand.u32 $0x7, s9  }
0x270: {  	s1 =	sshll.u32 s1, $0x4  }
0x271: {  	s1 =	sadd.s32 s1, s11  }
0x272: {  	v1 =	vld [tilespmem:s1+$0xFFFFFE80];
	_ =	sdelay $0x4  }
0x273: {  	[tilespmem:s14+$0xFFFFFFD0] =	vst v1  }
0x274: {  	v1 =	vld [tilespmem:s12+$0xFFFFFFFE];
	_ =	sdelay $0x4  }
0x275: {  	(v2sf) =	vpush v1, $0x0;
	_ =	sdelay $0xe  }
0x276: {  	s26 =	spop (v2sf)  }
0x277: {  	s1 =	sand.u32 $0x7, s26  }
0x278: {  	s1 =	sshll.u32 s1, $0x4  }
0x279: {  	s1 =	sadd.s32 s1, s11  }
0x27a: {  	v1 =	vld [tilespmem:s1+$0xFFFFFF00];
	_ =	sdelay $0x4  }
0x27b: {  	[tilespmem:s14+$0xFFFFFFE0] =	vst v1  }
0x27c: {  	v1 =	vld [tilespmem:s12+$0xFFFFFFFF];
	_ =	sdelay $0x4  }
0x27d: {  	(v2sf) =	vpush v1, $0x0;
	_ =	sdelay $0xe  }
0x27e: {  	s29 =	spop (v2sf)  }
0x27f: {  	s1 =	sand.u32 $0x7, s29  }
0x280: {  	s1 =	sshll.u32 s1, $0x4  }
0x281: {  	s1 =	sadd.s32 s1, s11  }
0x282: {  	v1 =	vld [tilespmem:s1+$0xFFFFFF80];
	_ =	sdelay $0x4  }
0x283: {  	[tilespmem:s14+$0xFFFFFFF0] =	vst v1  }
0x284: {  	v1 =	vld [tilespmem:s12+$0x0];
	_ =	sdelay $0x4  }
0x285: {  	(v2sf) =	vpush v1, $0x0;
	_ =	sdelay $0xe  }
0x286: {  	s31 =	spop (v2sf)  }
0x287: {  	s1 =	sand.u32 $0x7, s31  }
0x288: {  	s1 =	sshll.u32 s1, $0x4  }
0x289: {  	s2 =	sadd.s32 $0x10, s2;
	s1 =	sadd.s32 s1, s11  }
0x28a: {  	p0 =	slt.u32 s2, $0x70;
	v1 =	vld [tilespmem:s1+$0x0]  }
.Ltmp4:
0x28b: {  	_ = 	snop;
	(pc) =	sbr.rel @p0 .LBB2_10-.Ltmp4, $2  }
0x28c: {  	_ =	sdelay $0x2  }
0x28d: {  	s12 =	sadd.s32 $0x10, s12;
	s11 =	sadd.s32 $0x800, s11;
	[tilespmem:s14+$0x0] =	vst v1;
	s14 =	sadd.s32 $0x100, s14  }
0x28e: {  	s1 =	simm.s32 $0x1600  }
0x28f: {  	[tilespmem:s21], [sflag:$0x5] =	stream.indirect.gather [hbm4b:s13+s5], $0x80, s1, s5, $0xb8;
	[tilespmem:$0x1B880] =	vst v63  }
0x290: {  	_ =	swait.ge [sflag:s0], $0x4000  }
0x291: {  	s2 =	simm.s32 $0xFFFFFFF0;
	s11 =	simm.s32 $0x1E00;
	[sflag:s0] =	ssyncset.done $0x0  }
0x292: {  	s12 =	simm.s32 $0x138F;
	s14 =	simm.s32 $0x6F70;
	[sflag:s0] =	ssyncadd.s32 $0xFFFFC000  }
.LBB2_12:
0x293: {  	v1 =	vld [tilespmem:s12+$0xFFFFFFF1];
	_ =	sdelay $0x4  }
0x294: {  	(v2sf) =	vpush v1, $0x0;
	_ =	sdelay $0xe  }
0x295: {  	s1 =	spop (v2sf)  }
0x296: {  	s1 =	sand.u32 $0x7, s1  }
0x297: {  	s1 =	sshll.u32 s1, $0x4  }
0x298: {  	s1 =	sadd.s32 s1, s11  }
0x299: {  	v1 =	vld [tilespmem:s1+$0xFFFFF880];
	_ =	sdelay $0x4  }
0x29a: {  	[tilespmem:s14+$0xFFFFFF10] =	vst v1  }
0x29b: {  	v1 =	vld [tilespmem:s12+$0xFFFFFFF2];
	_ =	sdelay $0x4  }
0x29c: {  	(v2sf) =	vpush v1, $0x0;
	_ =	sdelay $0xe  }
0x29d: {  	s6 =	spop (v2sf)  }
0x29e: {  	s1 =	sand.u32 $0x7, s6  }
0x29f: {  	s1 =	sshll.u32 s1, $0x4  }
0x2a0: {  	s1 =	sadd.s32 s1, s11  }
0x2a1: {  	v1 =	vld [tilespmem:s1+$0xFFFFF900];
	_ =	sdelay $0x4  }
0x2a2: {  	[tilespmem:s14+$0xFFFFFF20] =	vst v1  }
0x2a3: {  	v1 =	vld [tilespmem:s12+$0xFFFFFFF3];
	_ =	sdelay $0x4  }
0x2a4: {  	(v2sf) =	vpush v1, $0x0;
	_ =	sdelay $0xe  }
0x2a5: {  	s9 =	spop (v2sf)  }
0x2a6: {  	s1 =	sand.u32 $0x7, s9  }
0x2a7: {  	s1 =	sshll.u32 s1, $0x4  }
0x2a8: {  	s1 =	sadd.s32 s1, s11  }
0x2a9: {  	v1 =	vld [tilespmem:s1+$0xFFFFF980];
	_ =	sdelay $0x4  }
0x2aa: {  	[tilespmem:s14+$0xFFFFFF30] =	vst v1  }
0x2ab: {  	v1 =	vld [tilespmem:s12+$0xFFFFFFF4];
	_ =	sdelay $0x4  }
0x2ac: {  	(v2sf) =	vpush v1, $0x0;
	_ =	sdelay $0xe  }
0x2ad: {  	s13 =	spop (v2sf)  }
0x2ae: {  	s1 =	sand.u32 $0x7, s13  }
0x2af: {  	s1 =	sshll.u32 s1, $0x4  }
0x2b0: {  	s1 =	sadd.s32 s1, s11  }
0x2b1: {  	v1 =	vld [tilespmem:s1+$0xFFFFFA00];
	_ =	sdelay $0x4  }
0x2b2: {  	[tilespmem:s14+$0xFFFFFF40] =	vst v1  }
0x2b3: {  	v1 =	vld [tilespmem:s12+$0xFFFFFFF5];
	_ =	sdelay $0x4  }
0x2b4: {  	(v2sf) =	vpush v1, $0x0;
	_ =	sdelay $0xe  }
0x2b5: {  	s21 =	spop (v2sf)  }
0x2b6: {  	s1 =	sand.u32 $0x7, s21  }
0x2b7: {  	s1 =	sshll.u32 s1, $0x4  }
0x2b8: {  	s1 =	sadd.s32 s1, s11  }
0x2b9: {  	v1 =	vld [tilespmem:s1+$0xFFFFFA80];
	_ =	sdelay $0x4  }
0x2ba: {  	[tilespmem:s14+$0xFFFFFF50] =	vst v1  }
0x2bb: {  	v1 =	vld [tilespmem:s12+$0xFFFFFFF6];
	_ =	sdelay $0x4  }
0x2bc: {  	(v2sf) =	vpush v1, $0x0;
	_ =	sdelay $0xe  }
0x2bd: {  	s26 =	spop (v2sf)  }
0x2be: {  	s1 =	sand.u32 $0x7, s26  }
0x2bf: {  	s1 =	sshll.u32 s1, $0x4  }
0x2c0: {  	s1 =	sadd.s32 s1, s11  }
0x2c1: {  	v1 =	vld [tilespmem:s1+$0xFFFFFB00];
	_ =	sdelay $0x4  }
0x2c2: {  	[tilespmem:s14+$0xFFFFFF60] =	vst v1  }
0x2c3: {  	v1 =	vld [tilespmem:s12+$0xFFFFFFF7];
	_ =	sdelay $0x4  }
0x2c4: {  	(v2sf) =	vpush v1, $0x0;
	_ =	sdelay $0xe  }
0x2c5: {  	s29 =	spop (v2sf)  }
0x2c6: {  	s1 =	sand.u32 $0x7, s29  }
0x2c7: {  	s1 =	sshll.u32 s1, $0x4  }
0x2c8: {  	s1 =	sadd.s32 s1, s11  }
0x2c9: {  	v1 =	vld [tilespmem:s1+$0xFFFFFB80];
	_ =	sdelay $0x4  }
0x2ca: {  	[tilespmem:s14+$0xFFFFFF70] =	vst v1  }
0x2cb: {  	v1 =	vld [tilespmem:s12+$0xFFFFFFF8];
	_ =	sdelay $0x4  }
0x2cc: {  	(v2sf) =	vpush v1, $0x0;
	_ =	sdelay $0xe  }
0x2cd: {  	s31 =	spop (v2sf)  }
0x2ce: {  	s1 =	sand.u32 $0x7, s31  }
0x2cf: {  	s1 =	sshll.u32 s1, $0x4  }
0x2d0: {  	s1 =	sadd.s32 s1, s11  }
0x2d1: {  	v1 =	vld [tilespmem:s1+$0xFFFFFC00];
	_ =	sdelay $0x4  }
0x2d2: {  	[tilespmem:s14+$0xFFFFFF80] =	vst v1  }
0x2d3: {  	v1 =	vld [tilespmem:s12+$0xFFFFFFF9];
	_ =	sdelay $0x4  }
0x2d4: {  	(v2sf) =	vpush v1, $0x0;
	_ =	sdelay $0xe  }
0x2d5: {  	s5 =	spop (v2sf)  }
0x2d6: {  	s1 =	sand.u32 $0x7, s5  }
0x2d7: {  	s1 =	sshll.u32 s1, $0x4  }
0x2d8: {  	s1 =	sadd.s32 s1, s11  }
0x2d9: {  	v1 =	vld [tilespmem:s1+$0xFFFFFC80];
	_ =	sdelay $0x4  }
0x2da: {  	[tilespmem:s14+$0xFFFFFF90] =	vst v1  }
0x2db: {  	v1 =	vld [tilespmem:s12+$0xFFFFFFFA];
	_ =	sdelay $0x4  }
0x2dc: {  	(v2sf) =	vpush v1, $0x0;
	_ =	sdelay $0xe  }
0x2dd: {  	s6 =	spop (v2sf)  }
0x2de: {  	s1 =	sand.u32 $0x7, s6  }
0x2df: {  	s1 =	sshll.u32 s1, $0x4  }
0x2e0: {  	s1 =	sadd.s32 s1, s11  }
0x2e1: {  	v1 =	vld [tilespmem:s1+$0xFFFFFD00];
	_ =	sdelay $0x4  }
0x2e2: {  	[tilespmem:s14+$0xFFFFFFA0] =	vst v1  }
0x2e3: {  	v1 =	vld [tilespmem:s12+$0xFFFFFFFB];
	_ =	sdelay $0x4  }
0x2e4: {  	(v2sf) =	vpush v1, $0x0;
	_ =	sdelay $0xe  }
0x2e5: {  	s9 =	spop (v2sf)  }
0x2e6: {  	s1 =	sand.u32 $0x7, s9  }
0x2e7: {  	s1 =	sshll.u32 s1, $0x4  }
0x2e8: {  	s1 =	sadd.s32 s1, s11  }
0x2e9: {  	v1 =	vld [tilespmem:s1+$0xFFFFFD80];
	_ =	sdelay $0x4  }
0x2ea: {  	[tilespmem:s14+$0xFFFFFFB0] =	vst v1  }
0x2eb: {  	v1 =	vld [tilespmem:s12+$0xFFFFFFFC];
	_ =	sdelay $0x4  }
0x2ec: {  	(v2sf) =	vpush v1, $0x0;
	_ =	sdelay $0xe  }
0x2ed: {  	s13 =	spop (v2sf)  }
0x2ee: {  	s1 =	sand.u32 $0x7, s13  }
0x2ef: {  	s1 =	sshll.u32 s1, $0x4  }
0x2f0: {  	s1 =	sadd.s32 s1, s11  }
0x2f1: {  	v1 =	vld [tilespmem:s1+$0xFFFFFE00];
	_ =	sdelay $0x4  }
0x2f2: {  	[tilespmem:s14+$0xFFFFFFC0] =	vst v1  }
0x2f3: {  	v1 =	vld [tilespmem:s12+$0xFFFFFFFD];
	_ =	sdelay $0x4  }
0x2f4: {  	(v2sf) =	vpush v1, $0x0;
	_ =	sdelay $0xe  }
0x2f5: {  	s21 =	spop (v2sf)  }
0x2f6: {  	s1 =	sand.u32 $0x7, s21  }
0x2f7: {  	s1 =	sshll.u32 s1, $0x4  }
0x2f8: {  	s1 =	sadd.s32 s1, s11  }
0x2f9: {  	v1 =	vld [tilespmem:s1+$0xFFFFFE80];
	_ =	sdelay $0x4  }
0x2fa: {  	[tilespmem:s14+$0xFFFFFFD0] =	vst v1  }
0x2fb: {  	v1 =	vld [tilespmem:s12+$0xFFFFFFFE];
	_ =	sdelay $0x4  }
0x2fc: {  	(v2sf) =	vpush v1, $0x0;
	_ =	sdelay $0xe  }
0x2fd: {  	s26 =	spop (v2sf)  }
0x2fe: {  	s1 =	sand.u32 $0x7, s26  }
0x2ff: {  	s1 =	sshll.u32 s1, $0x4  }
0x300: {  	s1 =	sadd.s32 s1, s11  }
0x301: {  	v1 =	vld [tilespmem:s1+$0xFFFFFF00];
	_ =	sdelay $0x4  }
0x302: {  	[tilespmem:s14+$0xFFFFFFE0] =	vst v1  }
0x303: {  	v1 =	vld [tilespmem:s12+$0xFFFFFFFF];
	_ =	sdelay $0x4  }
0x304: {  	(v2sf) =	vpush v1, $0x0;
	_ =	sdelay $0xe  }
0x305: {  	s29 =	spop (v2sf)  }
0x306: {  	s1 =	sand.u32 $0x7, s29  }
0x307: {  	s1 =	sshll.u32 s1, $0x4  }
0x308: {  	s1 =	sadd.s32 s1, s11  }
0x309: {  	v1 =	vld [tilespmem:s1+$0xFFFFFF80];
	_ =	sdelay $0x4  }
0x30a: {  	[tilespmem:s14+$0xFFFFFFF0] =	vst v1  }
0x30b: {  	v1 =	vld [tilespmem:s12+$0x0];
	_ =	sdelay $0x4  }
0x30c: {  	(v2sf) =	vpush v1, $0x0;
	_ =	sdelay $0xe  }
0x30d: {  	s31 =	spop (v2sf)  }
0x30e: {  	s1 =	sand.u32 $0x7, s31  }
0x30f: {  	s1 =	sshll.u32 s1, $0x4  }
0x310: {  	s2 =	sadd.s32 $0x10, s2;
	s1 =	sadd.s32 s1, s11  }
0x311: {  	p0 =	slt.u32 s2, $0x70;
	v1 =	vld [tilespmem:s1+$0x0]  }
.Ltmp5:
0x312: {  	_ = 	snop;
	(pc) =	sbr.rel @p0 .LBB2_12-.Ltmp5, $2  }
0x313: {  	_ =	sdelay $0x2  }
0x314: {  	s12 =	sadd.s32 $0x10, s12;
	s11 =	sadd.s32 $0x800, s11;
	[tilespmem:s14+$0x0] =	vst v1;
	s14 =	sadd.s32 $0x100, s14  }
0x315: {  	s1 =	simm.s32 $0x1200  }
0x316: {  	[tilespmem:s8], [sflag:$0x5] =	stream.indirect.gather [hbm4b:s3+s7], $0x80, s1, s7, $0xb8;
	[tilespmem:$0x1B880] =	vst v63  }
0x317: {  	s5 =	simm.s32 $0x1240  }
0x318: {  	[tilespmem:s15], [sflag:$0x6] =	stream.indirect.gather [hbm4b:s3+s7], $0x80, s5, s7, $0xb8;
	[tilespmem:$0x1B880] =	vst v63  }
0x319: {  	s6 =	simm.s32 $0x1280  }
0x31a: {  	[tilespmem:s16], [sflag:$0x7] =	stream.indirect.gather [hbm4b:s3+s7], $0x80, s6, s7, $0xb8;
	[tilespmem:$0x1B880] =	vst v63  }
0x31b: {  	s9 =	simm.s32 $0x12C0  }
0x31c: {  	[tilespmem:s17], [sflag:$0x8] =	stream.indirect.gather [hbm4b:s3+s7], $0x80, s9, s7, $0xb8;
	[tilespmem:$0x1B880] =	vst v63  }
0x31d: {  	_ =	swait.ge [sflag:s0], $0x2000  }
0x31e: {  	[sflag:s0] =	ssyncset.done $0x0  }
0x31f: {  	s1 =	simm.s32 $0x0;
	s2 =	rddreg [dreg:$0xe];
	[sflag:s0] =	ssyncadd.s32 $0xFFFFE000  }
0x320: {  	[hbm4b:s2+s1] =	stream.linear.scatter [tilespmem:s8], [sflag:$0x9], $0x2000, $0x38;
	[tilespmem:$0x1B880] =	vst v63  }
0x321: {  	_ =	swait.ge [sflag:s28], $0x2000  }
0x322: {  	[sflag:s28] =	ssyncset.done $0x0  }
0x323: {  	s11 =	simm.s32 $0x1300;
	[sflag:s28] =	ssyncadd.s32 $0xFFFFE000  }
0x324: {  	[tilespmem:s8], [sflag:$0x5] =	stream.indirect.gather [hbm4b:s3+s7], $0x80, s11, s7, $0xb8;
	[tilespmem:$0x1B880] =	vst v63  }
0x325: {  	_ =	swait.ge [sflag:s18], $0x2000  }
0x326: {  	[sflag:s18] =	ssyncset.done $0x0  }
0x327: {  	s12 =	rddreg [dreg:$0xf];
	[sflag:s18] =	ssyncadd.s32 $0xFFFFE000  }
0x328: {  	[hbm4b:s12+s1] =	stream.linear.scatter [tilespmem:s15], [sflag:$0x9], $0x2000, $0x38;
	[tilespmem:$0x1B880] =	vst v63  }
0x329: {  	_ =	swait.ge [sflag:s28], $0x2000  }
0x32a: {  	[sflag:s28] =	ssyncset.done $0x0  }
0x32b: {  	s13 =	simm.s32 $0x1340;
	[sflag:s28] =	ssyncadd.s32 $0xFFFFE000  }
0x32c: {  	[tilespmem:s15], [sflag:$0x6] =	stream.indirect.gather [hbm4b:s3+s7], $0x80, s13, s7, $0xb8;
	[tilespmem:$0x1B880] =	vst v63  }
0x32d: {  	_ =	swait.ge [sflag:s19], $0x2000  }
0x32e: {  	[sflag:s19] =	ssyncset.done $0x0  }
0x32f: {  	s14 =	rddreg [dreg:$0x10];
	[sflag:s19] =	ssyncadd.s32 $0xFFFFE000  }
0x330: {  	[hbm4b:s14+s1] =	stream.linear.scatter [tilespmem:s16], [sflag:$0x9], $0x2000, $0x38;
	[tilespmem:$0x1B880] =	vst v63  }
0x331: {  	_ =	swait.ge [sflag:s28], $0x2000  }
0x332: {  	[sflag:s28] =	ssyncset.done $0x0  }
0x333: {  	s21 =	simm.s32 $0x1380;
	[sflag:s28] =	ssyncadd.s32 $0xFFFFE000  }
0x334: {  	[tilespmem:s16], [sflag:$0x7] =	stream.indirect.gather [hbm4b:s3+s7], $0x80, s21, s7, $0xb8;
	[tilespmem:$0x1B880] =	vst v63  }
0x335: {  	_ =	swait.ge [sflag:s20], $0x2000  }
0x336: {  	[sflag:s20] =	ssyncset.done $0x0  }
0x337: {  	s26 =	rddreg [dreg:$0x11];
	[sflag:s20] =	ssyncadd.s32 $0xFFFFE000  }
0x338: {  	[hbm4b:s26+s1] =	stream.linear.scatter [tilespmem:s17], [sflag:$0x9], $0x2000, $0x38;
	[tilespmem:$0x1B880] =	vst v63  }
0x339: {  	_ =	swait.ge [sflag:s28], $0x2000  }
0x33a: {  	[sflag:s28] =	ssyncset.done $0x0  }
0x33b: {  	s29 =	simm.s32 $0x13C0;
	[sflag:s28] =	ssyncadd.s32 $0xFFFFE000  }
0x33c: {  	[tilespmem:s17], [sflag:$0x8] =	stream.indirect.gather [hbm4b:s3+s7], $0x80, s29, s7, $0xb8;
	[tilespmem:$0x1B880] =	vst v63  }
0x33d: {  	_ =	swait.ge [sflag:s0], $0x2000  }
0x33e: {  	[sflag:s0] =	ssyncset.done $0x0  }
0x33f: {  	s31 =	rddreg [dreg:$0x12];
	[sflag:s0] =	ssyncadd.s32 $0xFFFFE000  }
0x340: {  	[hbm4b:s31+s1] =	stream.linear.scatter [tilespmem:s8], [sflag:$0x9], $0x2000, $0x38;
	[tilespmem:$0x1B880] =	vst v63  }
0x341: {  	_ =	swait.ge [sflag:s28], $0x2000  }
0x342: {  	[sflag:s28] =	ssyncset.done $0x0  }
0x343: {  	[sflag:s28] =	ssyncadd.s32 $0xFFFFE000  }
0x344: {  	_ =	swait.ge [sflag:s18], $0x2000  }
0x345: {  	[sflag:s18] =	ssyncset.done $0x0  }
0x346: {  	s5 =	rddreg [dreg:$0x13];
	[sflag:s18] =	ssyncadd.s32 $0xFFFFE000  }
0x347: {  	[hbm4b:s5+s1] =	stream.linear.scatter [tilespmem:s15], [sflag:$0x9], $0x2000, $0x38;
	[tilespmem:$0x1B880] =	vst v63  }
0x348: {  	_ =	swait.ge [sflag:s28], $0x2000  }
0x349: {  	[sflag:s28] =	ssyncset.done $0x0  }
0x34a: {  	[sflag:s28] =	ssyncadd.s32 $0xFFFFE000  }
0x34b: {  	_ =	swait.ge [sflag:s19], $0x2000  }
0x34c: {  	[sflag:s19] =	ssyncset.done $0x0  }
0x34d: {  	s6 =	rddreg [dreg:$0x14];
	[sflag:s19] =	ssyncadd.s32 $0xFFFFE000  }
0x34e: {  	[hbm4b:s6+s1] =	stream.linear.scatter [tilespmem:s16], [sflag:$0x9], $0x2000, $0x38;
	[tilespmem:$0x1B880] =	vst v63  }
0x34f: {  	_ =	swait.ge [sflag:s28], $0x2000  }
0x350: {  	[sflag:s28] =	ssyncset.done $0x0  }
0x351: {  	[sflag:s28] =	ssyncadd.s32 $0xFFFFE000  }
0x352: {  	_ =	swait.ge [sflag:s20], $0x2000  }
0x353: {  	[sflag:s20] =	ssyncset.done $0x0  }
0x354: {  	s9 =	rddreg [dreg:$0x1a];
	[sflag:s20] =	ssyncadd.s32 $0xFFFFE000  }
0x355: {  	[hbm4b:s9+s1] =	stream.linear.scatter [tilespmem:s17], [sflag:$0x9], $0x2000, $0x38;
	[tilespmem:$0x1B880] =	vst v63  }
0x356: {  	_ =	swait.ge [sflag:s28], $0x2000  }
0x357: {  	[sflag:s28] =	ssyncset.done $0x0  }
0x358: {  	s11 =	simm.s32 $0x4;
	[sflag:s28] =	ssyncadd.s32 $0xFFFFE000  }
0x359: {  	_ =	swait.ge [sflag:s11], $0x2000  }
0x35a: {  	[sflag:s11] =	ssyncset.done $0x0  }
0x35b: {  	[sflag:s11] =	ssyncadd.s32 $0xFFFFE000  }
0x35c: {  	_ =	swait.ge [sflag:s11], $0x2000  }
0x35d: {  	[sflag:s11] =	ssyncset.done $0x0  }
0x35e: {  	[sflag:s11] =	ssyncadd.s32 $0xFFFFE000  }
0x35f: {  	_ =	swait.ge [sflag:s11], $0x2000  }
0x360: {  	[sflag:s11] =	ssyncset.done $0x0  }
0x361: {  	[sflag:s11] =	ssyncadd.s32 $0xFFFFE000  }
0x362: {  	_ =	swait.ge [sflag:s11], $0x2000  }
0x363: {  	[sflag:s11] =	ssyncset.done $0x0  }
0x364: {  	s12 =	simm.s32 $0x5680;
	[sflag:s11] =	ssyncadd.s32 $0xFFFFE000  }
0x365: {  	[tilespmem:s8], [sflag:$0x5] =	stream.indirect.gather [hbm4b:s3+s7], $0x80, s12, s7, $0xb8;
	[tilespmem:$0x1B880] =	vst v63  }
0x366: {  	s13 =	simm.s32 $0x56C0  }
0x367: {  	[tilespmem:s15], [sflag:$0x6] =	stream.indirect.gather [hbm4b:s3+s7], $0x80, s13, s7, $0xb8;
	[tilespmem:$0x1B880] =	vst v63  }
0x368: {  	s14 =	simm.s32 $0x5700;
	s5 =	sadd.s32 $0x0, s10  }
0x369: {  	[tilespmem:s16], [sflag:$0x7] =	stream.indirect.gather [hbm4b:s3+s7], $0x80, s14, s7, $0xb8;
	[tilespmem:$0x1B880] =	vst v63  }
0x36a: {  	s21 =	simm.s32 $0x5740;
	s29 =	sadd.s32 $0x1, s5  }
0x36b: {  	v1 =	vmov s5;
	[tilespmem:s17], [sflag:$0x8] =	stream.indirect.gather [hbm4b:s3+s7], $0x80, s21, s7, $0xb8;
	[tilespmem:$0x1B880] =	vst v63  }
0x36c: {  	s26 =	sadd.s32 $0x3, s5;
	v2 =	vmov s29;
	[tilespmem:$0xF680] =	vst v1  }
0x36d: {  	s31 =	sadd.s32 $0x2, s5;
	v1 =	vmov s26;
	[tilespmem:$0xF690] =	vst v2  }
0x36e: {  	[tilespmem:$0xF6B0] =	vst v1;
	v1 =	vmov s31  }
0x36f: {  	[tilespmem:$0xF6A0] =	vst v1  }
0x370: {  	_ =	swait.ge [sflag:s0], $0x2000  }
0x371: {  	[sflag:s0] =	ssyncset.done $0x0  }
0x372: {  	[sflag:s0] =	ssyncadd.s32 $0xFFFFE000  }
0x373: {  	[spmem:s4] =	stream.indirect.scatter.add.f32 [tilespmem:s8], [sflag:$0x9], $0x80, s22, s7, $0xb8;
	[tilespmem:$0x1B880] =	vst v63  }
0x374: {  	s6 =	simm.s32 $0x100;
	_ =	swait.ge [sflag:s28], $0x2000  }
0x375: {  	s9 =	sadd.s32 $0x4, s5;
	s1 =	sand.u32 $0xF00, s6;
	[sflag:s28] =	ssyncset.done $0x0  }
0x376: {  	s6 =	sadd.s32 $0x7, s5;
	s1 =	sadd.s32 $0x5680, s1;
	[sflag:s28] =	ssyncadd.s32 $0xFFFFE000  }
0x377: {  	v1 =	vmov s6;
	[tilespmem:s8], [sflag:$0x5] =	stream.indirect.gather [hbm4b:s3+s7], $0x80, s1, s7, $0xb8;
	[tilespmem:$0x1B880] =	vst v63  }
0x378: {  	s11 =	sadd.s32 $0x5, s5;
	v2 =	vmov s9;
	[tilespmem:$0xF730] =	vst v1  }
0x379: {  	s12 =	sadd.s32 $0x6, s5;
	[tilespmem:$0xF700] =	vst v2;
	v1 =	vmov s11  }
0x37a: {  	[tilespmem:$0xF710] =	vst v1;
	v1 =	vmov s12  }
0x37b: {  	[tilespmem:$0xF720] =	vst v1  }
0x37c: {  	_ =	swait.ge [sflag:s18], $0x2000  }
0x37d: {  	[sflag:s18] =	ssyncset.done $0x0  }
0x37e: {  	[sflag:s18] =	ssyncadd.s32 $0xFFFFE000  }
0x37f: {  	[spmem:s4] =	stream.indirect.scatter.add.f32 [tilespmem:s15], [sflag:$0x9], $0x80, s30, s7, $0xb8;
	[tilespmem:$0x1B880] =	vst v63  }
0x380: {  	s13 =	simm.s32 $0x140;
	_ =	swait.ge [sflag:s28], $0x2000  }
0x381: {  	s14 =	sadd.s32 $0xA, s5;
	s1 =	sand.u32 $0xF40, s13;
	[sflag:s28] =	ssyncset.done $0x0  }
0x382: {  	s22 =	sadd.s32 $0x8, s5;
	s1 =	sadd.s32 $0x5680, s1;
	[sflag:s28] =	ssyncadd.s32 $0xFFFFE000  }
0x383: {  	v1 =	vmov s14;
	[tilespmem:s15], [sflag:$0x6] =	stream.indirect.gather [hbm4b:s3+s7], $0x80, s1, s7, $0xb8;
	[tilespmem:$0x1B880] =	vst v63  }
0x384: {  	s21 =	sadd.s32 $0xB, s5;
	v2 =	vmov s22;
	[tilespmem:$0xF7A0] =	vst v1  }
0x385: {  	s26 =	sadd.s32 $0x9, s5;
	v1 =	vmov s21;
	[tilespmem:$0xF780] =	vst v2  }
0x386: {  	[tilespmem:$0xF7B0] =	vst v1;
	v1 =	vmov s26  }
0x387: {  	[tilespmem:$0xF790] =	vst v1  }
0x388: {  	_ =	swait.ge [sflag:s19], $0x2000  }
0x389: {  	s29 =	simm.s32 $0x180;
	s31 =	sadd.s32 $0xF, s5;
	[sflag:s19] =	ssyncset.done $0x0  }
0x38a: {  	s13 =	sadd.s32 $0xE, s5;
	s11 =	simm.s32 $0x1C0;
	[sflag:s19] =	ssyncadd.s32 $0xFFFFE000  }
0x38b: {  	[spmem:s4] =	stream.indirect.scatter.add.f32 [tilespmem:s16], [sflag:$0x9], $0x80, s24, s7, $0xb8;
	[tilespmem:$0x1B880] =	vst v63  }
0x38c: {  	s12 =	simm.s32 $0x10;
	s2 =	sand.u32 $0xFC0, s11;
	_ =	swait.ge [sflag:s28], $0x2000  }
0x38d: {  	s14 =	sadd.s32 $0xD, s5;
	s1 =	sand.u32 $0xF80, s29;
	[sflag:s28] =	ssyncset.done $0x0  }
0x38e: {  	s30 =	sadd.s32 $0xC, s5;
	s1 =	sadd.s32 $0x5680, s1;
	[sflag:s28] =	ssyncadd.s32 $0xFFFFE000  }
0x38f: {  	v2 =	vmov s30;
	v1 =	vmov s31;
	[tilespmem:s16], [sflag:$0x7] =	stream.indirect.gather [hbm4b:s3+s7], $0x80, s1, s7, $0xb8;
	[tilespmem:$0x1B880] =	vst v63  }
.LBB2_14:
0x390: {  	p0 =	sne.s32 s12, $0xF0  }
0x391: {  	[tilespmem:$0xF800] =	vst v2;
	s11 =	sadd.s32 $0x100, s11;
	s1 =	smov.u32 s12;
	s12 =	sadd.s32 $0x10, s12  }
0x392: {  	v2 =	vmov s14;
	v3 =	vmov s13;
	s5 =	sand.u32 $0xFC0, s11;
	[tilespmem:$0xF830] =	vst v1  }
0x393: {  	[tilespmem:$0xF820] =	vst v3  }
0x394: {  	[tilespmem:$0xF810] =	vst v2  }
0x395: {  	_ =	swait.ge [sflag:s20], $0x2000  }
0x396: {  	[sflag:s20] =	ssyncset.done $0x0  }
0x397: {  	[sflag:s20] =	ssyncadd.s32 $0xFFFFE000  }
0x398: {  	[spmem:s4] =	stream.indirect.scatter.add.f32 [tilespmem:s17], [sflag:$0x9], $0x80, s25, s7, $0xb8;
	[tilespmem:$0x1B880] =	vst v63  }
0x399: {  	_ =	swait.ge [sflag:s28], $0x2000  }
0x39a: {  	s6 =	sadd.s32 $0x5680, s2;
	s2 =	smov.u32 s5;
	[sflag:s28] =	ssyncset.done $0x0  }
0x39b: {  	s31 =	sadd.s32 s1, s10;
	[sflag:s28] =	ssyncadd.s32 $0xFFFFE000  }
0x39c: {  	[tilespmem:s17], [sflag:$0x8] =	stream.indirect.gather [hbm4b:s3+s7], $0x80, s6, s7, $0xb8;
	[tilespmem:$0x1B880] =	vst v63  }
0x39d: {  	v1 =	vmov s31;
	s1 =	sadd.s32 $0x1, s31;
	s5 =	sadd.s32 $0x2, s31;
	s6 =	sadd.s32 $0x3, s31  }
0x39e: {  	s30 =	sadd.s32 $0x5, s31;
	s21 =	sadd.s32 $0x7, s31;
	v2 =	vmov s5;
	v3 =	vmov s6;
	s6 =	sadd.s32 $0x4, s31;
	[tilespmem:$0xF680] =	vst v1;
	v1 =	vmov s1  }
0x39f: {  	s22 =	sadd.s32 $0x6, s31;
	s29 =	sadd.s32 $0xB, s31;
	s1 =	sadd.s32 $0xA, s31;
	[tilespmem:$0xF6B0] =	vst v3  }
0x3a0: {  	s9 =	sadd.s32 $0x8, s31;
	s26 =	sadd.s32 $0xC, s31;
	s5 =	sadd.s32 $0x9, s31;
	[tilespmem:$0xF690] =	vst v1  }
0x3a1: {  	s14 =	sadd.s32 $0xD, s31;
	s13 =	sadd.s32 $0xE, s31;
	s31 =	sadd.s32 $0xF, s31;
	[tilespmem:$0xF6A0] =	vst v2  }
0x3a2: {  	v1 =	vmov s31;
	_ =	swait.ge [sflag:s0], $0x2000  }
0x3a3: {  	[sflag:s0] =	ssyncset.done $0x0  }
0x3a4: {  	[sflag:s0] =	ssyncadd.s32 $0xFFFFE000  }
0x3a5: {  	[spmem:s4] =	stream.indirect.scatter.add.f32 [tilespmem:s8], [sflag:$0x9], $0x80, s23, s7, $0xb8;
	[tilespmem:$0x1B880] =	vst v63  }
0x3a6: {  	s31 =	sadd.s32 $0xFFFFFF40, s11;
	_ =	swait.ge [sflag:s28], $0x2000  }
0x3a7: {  	s31 =	sand.u32 $0xF00, s31;
	[sflag:s28] =	ssyncset.done $0x0  }
0x3a8: {  	s31 =	sadd.s32 $0x5680, s31;
	[sflag:s28] =	ssyncadd.s32 $0xFFFFE000  }
0x3a9: {  	v2 =	vmov s21;
	[tilespmem:s8], [sflag:$0x5] =	stream.indirect.gather [hbm4b:s3+s7], $0x80, s31, s7, $0xb8;
	[tilespmem:$0x1B880] =	vst v63  }
0x3aa: {  	v3 =	vmov s6;
	[tilespmem:$0xF730] =	vst v2  }
0x3ab: {  	s21 =	simm.s32 $0xF700;
	v2 =	vmov s30;
	[tilespmem:$0xF700] =	vst v3  }
0x3ac: {  	[tilespmem:$0xF710] =	vst v2;
	v2 =	vmov s22  }
0x3ad: {  	[tilespmem:$0xF720] =	vst v2  }
0x3ae: {  	_ =	swait.ge [sflag:s18], $0x2000  }
0x3af: {  	[sflag:s18] =	ssyncset.done $0x0  }
0x3b0: {  	[sflag:s18] =	ssyncadd.s32 $0xFFFFE000  }
0x3b1: {  	[spmem:s4] =	stream.indirect.scatter.add.f32 [tilespmem:s15], [sflag:$0x9], $0x80, s21, s7, $0xb8;
	[tilespmem:$0x1B880] =	vst v63  }
0x3b2: {  	s6 =	sadd.s32 $0xFFFFFF80, s11;
	_ =	swait.ge [sflag:s28], $0x2000  }
0x3b3: {  	s6 =	sand.u32 $0xF40, s6;
	[sflag:s28] =	ssyncset.done $0x0  }
0x3b4: {  	s6 =	sadd.s32 $0x5680, s6;
	[sflag:s28] =	ssyncadd.s32 $0xFFFFE000  }
0x3b5: {  	v2 =	vmov s1;
	[tilespmem:s15], [sflag:$0x6] =	stream.indirect.gather [hbm4b:s3+s7], $0x80, s6, s7, $0xb8;
	[tilespmem:$0x1B880] =	vst v63  }
0x3b6: {  	[tilespmem:$0xF7A0] =	vst v2;
	v2 =	vmov s29  }
0x3b7: {  	v3 =	vmov s9;
	[tilespmem:$0xF7B0] =	vst v2  }
0x3b8: {  	v2 =	vmov s5;
	[tilespmem:$0xF780] =	vst v3  }
0x3b9: {  	[tilespmem:$0xF790] =	vst v2  }
0x3ba: {  	_ =	swait.ge [sflag:s19], $0x2000  }
0x3bb: {  	[sflag:s19] =	ssyncset.done $0x0  }
0x3bc: {  	[sflag:s19] =	ssyncadd.s32 $0xFFFFE000  }
0x3bd: {  	[spmem:s4] =	stream.indirect.scatter.add.f32 [tilespmem:s16], [sflag:$0x9], $0x80, s24, s7, $0xb8;
	[tilespmem:$0x1B880] =	vst v63  }
.Ltmp6:
0x3be: {  	_ = 	snop;
	(pc) =	sbr.rel @p0 .LBB2_14-.Ltmp6, $4  }
0x3bf: {  	s1 =	sadd.s32 $0xFFFFFFC0, s11;
	_ =	swait.ge [sflag:s28], $0x2000  }
0x3c0: {  	s1 =	sand.u32 $0xF80, s1;
	[sflag:s28] =	ssyncset.done $0x0  }
0x3c1: {  	s1 =	sadd.s32 $0x5680, s1;
	[sflag:s28] =	ssyncadd.s32 $0xFFFFE000  }
0x3c2: {  	v2 =	vmov s26;
	[tilespmem:s16], [sflag:$0x7] =	stream.indirect.gather [hbm4b:s3+s7], $0x80, s1, s7, $0xb8;
	[tilespmem:$0x1B880] =	vst v63  }
0x3c3: {  	[tilespmem:$0xF800] =	vst v2  }
0x3c4: {  	v2 =	vmov s13;
	[tilespmem:$0xF830] =	vst v1  }
0x3c5: {  	v1 =	vmov s14;
	[tilespmem:$0xF820] =	vst v2  }
0x3c6: {  	[tilespmem:$0xF810] =	vst v1  }
0x3c7: {  	_ =	swait.ge [sflag:s20], $0x2000  }
0x3c8: {  	[sflag:s20] =	ssyncset.done $0x0  }
0x3c9: {  	[sflag:s20] =	ssyncadd.s32 $0xFFFFE000  }
0x3ca: {  	[spmem:s4] =	stream.indirect.scatter.add.f32 [tilespmem:s17], [sflag:$0x9], $0x80, s25, s7, $0xb8;
	[tilespmem:$0x1B880] =	vst v63  }
0x3cb: {  	_ =	swait.ge [sflag:s28], $0x2000  }
0x3cc: {  	[sflag:s28] =	ssyncset.done $0x0  }
0x3cd: {  	s1 =	sadd.s32 $0x5680, s2;
	[sflag:s28] =	ssyncadd.s32 $0xFFFFE000  }
0x3ce: {  	[tilespmem:s17], [sflag:$0x8] =	stream.indirect.gather [hbm4b:s3+s7], $0x80, s1, s7, $0xb8;
	[tilespmem:$0x1B880] =	vst v63  }
0x3cf: {  	_ =	swait.ge [sflag:s0], $0x2000  }
0x3d0: {  	[sflag:s0] =	ssyncset.done $0x0  }
0x3d1: {  	[sflag:s0] =	ssyncadd.s32 $0xFFFFE000  }
0x3d2: {  	_ =	swait.ge [sflag:s18], $0x2000  }
0x3d3: {  	[sflag:s18] =	ssyncset.done $0x0  }
0x3d4: {  	[sflag:s18] =	ssyncadd.s32 $0xFFFFE000  }
0x3d5: {  	s14 =	stileid.u32;
	_ =	swait.ge [sflag:s19], $0x2000  }
0x3d6: {  	s1 =	sshll.u32 s14, $0x6;
	[sflag:s19] =	ssyncset.done $0x0  }
0x3d7: {  	s5 =	sor.u32 $0x1C09, s1;
	[sflag:s19] =	ssyncadd.s32 $0xFFFFE000  }
0x3d8: {  	_ =	swait.ge [sflag:s20], $0x2000;
	[dreg:$0x1c] =	wrdreg s5  }
0x3d9: {  	s22 =	rddreg [dreg:$0xa]  }
0x3da: {  	[sflag:s20] =	ssyncset.done $0x0;
	s26 =	rddreg [dreg:$0x15];
	s6 =	sshrl.u32 s22, $0x3  }
0x3db: {  	[sflag:s20] =	ssyncadd.s32 $0xFFFFE000;
	[dreg:$0x1d] =	wrdreg s6  }
0x3dc: {  	[hbm:s26], [sflag:s5] =	dma.local [spmem:s6], $0x1000  }
0x3dd: {  	_ =	swait.ge [sflag:s28], $0x1000  }
0x3de: {  	[sflag:s28] =	ssyncset.done $0x0  }
0x3df: {  	s29 =	simm.s32 $0x17880;
	[sflag:s28] =	ssyncadd.s32 $0xFFFFF000  }
0x3e0: {  	[spmem:s22] =	stream.linear.scatter [tilespmem:s29], [sflag:$0x4], $0x2000, $0x38;
	[tilespmem:$0x1B880] =	vst v63  }
0x3e1: {  	s30 =	rddreg [dreg:$0xb]  }
0x3e2: {  	[spmem:s30] =	stream.linear.scatter [tilespmem:s29], [sflag:$0x4], $0x2000, $0x38;
	[tilespmem:$0x1B880] =	vst v63  }
0x3e3: {  	s5 =	rddreg [dreg:$0xc]  }
0x3e4: {  	[spmem:s5] =	stream.linear.scatter [tilespmem:s29], [sflag:$0x4], $0x2000, $0x38;
	[tilespmem:$0x1B880] =	vst v63  }
0x3e5: {  	s9 =	simm.s32 $0x4;
	s6 =	rddreg [dreg:$0xd]  }
0x3e6: {  	[spmem:s6] =	stream.linear.scatter [tilespmem:s29], [sflag:$0x4], $0x2000, $0x38;
	[tilespmem:$0x1B880] =	vst v63  }
0x3e7: {  	_ =	swait.ge [sflag:s9], $0x2000  }
0x3e8: {  	[sflag:s9] =	ssyncset.done $0x0  }
0x3e9: {  	[sflag:s9] =	ssyncadd.s32 $0xFFFFE000  }
0x3ea: {  	_ =	swait.ge [sflag:s9], $0x2000  }
0x3eb: {  	[sflag:s9] =	ssyncset.done $0x0  }
0x3ec: {  	[sflag:s9] =	ssyncadd.s32 $0xFFFFE000  }
0x3ed: {  	_ =	swait.ge [sflag:s9], $0x2000  }
0x3ee: {  	[sflag:s9] =	ssyncset.done $0x0  }
0x3ef: {  	[sflag:s9] =	ssyncadd.s32 $0xFFFFE000  }
0x3f0: {  	_ =	swait.ge [sflag:s9], $0x2000  }
0x3f1: {  	[sflag:s9] =	ssyncset.done $0x0  }
0x3f2: {  	s11 =	simm.s32 $0x6680;
	[sflag:s9] =	ssyncadd.s32 $0xFFFFE000  }
0x3f3: {  	[tilespmem:s8], [sflag:$0x5] =	stream.indirect.gather [hbm4b:s3+s7], $0x80, s11, s7, $0xb8;
	[tilespmem:$0x1B880] =	vst v63  }
0x3f4: {  	s12 =	simm.s32 $0x66C0  }
0x3f5: {  	[tilespmem:s15], [sflag:$0x6] =	stream.indirect.gather [hbm4b:s3+s7], $0x80, s12, s7, $0xb8;
	[tilespmem:$0x1B880] =	vst v63  }
0x3f6: {  	s13 =	simm.s32 $0x6700;
	s5 =	sadd.s32 $0x0, s10  }
0x3f7: {  	[tilespmem:s16], [sflag:$0x7] =	stream.indirect.gather [hbm4b:s3+s7], $0x80, s13, s7, $0xb8;
	[tilespmem:$0x1B880] =	vst v63  }
0x3f8: {  	s14 =	simm.s32 $0x6740;
	s26 =	sadd.s32 $0x1, s5  }
0x3f9: {  	v1 =	vmov s5;
	[tilespmem:s17], [sflag:$0x8] =	stream.indirect.gather [hbm4b:s3+s7], $0x80, s14, s7, $0xb8;
	[tilespmem:$0x1B880] =	vst v63  }
0x3fa: {  	s22 =	sadd.s32 $0x3, s5;
	v2 =	vmov s26;
	[tilespmem:$0xF680] =	vst v1  }
0x3fb: {  	s29 =	sadd.s32 $0x2, s5;
	v1 =	vmov s22;
	[tilespmem:$0xF690] =	vst v2  }
0x3fc: {  	[tilespmem:$0xF6B0] =	vst v1;
	v1 =	vmov s29  }
0x3fd: {  	[tilespmem:$0xF6A0] =	vst v1  }
0x3fe: {  	_ =	swait.ge [sflag:s0], $0x2000  }
0x3ff: {  	[sflag:s0] =	ssyncset.done $0x0  }
0x400: {  	s30 =	simm.s32 $0x100;
	[sflag:s0] =	ssyncadd.s32 $0xFFFFE000  }
0x401: {  	[spmem:s4] =	stream.indirect.scatter.add.f32 [tilespmem:s8], [sflag:$0x9], $0x80, s23, s7, $0xb8;
	[tilespmem:$0x1B880] =	vst v63  }
0x402: {  	s1 =	sand.u32 $0xF00, s30;
	_ =	swait.ge [sflag:s28], $0x2000  }
0x403: {  	s1 =	sadd.s32 $0x6680, s1;
	[sflag:s28] =	ssyncset.done $0x0  }
0x404: {  	s2 =	sadd.s32 $0x4, s5;
	s9 =	sadd.s32 $0x7, s5;
	[sflag:s28] =	ssyncadd.s32 $0xFFFFE000  }
0x405: {  	v1 =	vmov s9;
	[tilespmem:s8], [sflag:$0x5] =	stream.indirect.gather [hbm4b:s3+s7], $0x80, s1, s7, $0xb8;
	[tilespmem:$0x1B880] =	vst v63  }
0x406: {  	v2 =	vmov s2;
	s9 =	sadd.s32 $0x5, s5;
	[tilespmem:$0xF730] =	vst v1  }
0x407: {  	s11 =	sadd.s32 $0x6, s5;
	[tilespmem:$0xF700] =	vst v2;
	v1 =	vmov s9  }
0x408: {  	[tilespmem:$0xF710] =	vst v1;
	v1 =	vmov s11  }
0x409: {  	[tilespmem:$0xF720] =	vst v1  }
0x40a: {  	_ =	swait.ge [sflag:s18], $0x2000  }
0x40b: {  	[sflag:s18] =	ssyncset.done $0x0  }
0x40c: {  	[sflag:s18] =	ssyncadd.s32 $0xFFFFE000  }
0x40d: {  	[spmem:s4] =	stream.indirect.scatter.add.f32 [tilespmem:s15], [sflag:$0x9], $0x80, s21, s7, $0xb8;
	[tilespmem:$0x1B880] =	vst v63  }
0x40e: {  	s12 =	simm.s32 $0x140;
	_ =	swait.ge [sflag:s28], $0x2000  }
0x40f: {  	s13 =	sadd.s32 $0xA, s5;
	s1 =	sand.u32 $0xF40, s12;
	[sflag:s28] =	ssyncset.done $0x0  }
0x410: {  	s1 =	sadd.s32 $0x6680, s1;
	s21 =	sadd.s32 $0x8, s5;
	[sflag:s28] =	ssyncadd.s32 $0xFFFFE000  }
0x411: {  	v1 =	vmov s13;
	[tilespmem:s15], [sflag:$0x6] =	stream.indirect.gather [hbm4b:s3+s7], $0x80, s1, s7, $0xb8;
	[tilespmem:$0x1B880] =	vst v63  }
0x412: {  	s14 =	sadd.s32 $0xB, s5;
	v2 =	vmov s21;
	[tilespmem:$0xF7A0] =	vst v1  }
0x413: {  	s22 =	sadd.s32 $0x9, s5;
	v1 =	vmov s14;
	[tilespmem:$0xF780] =	vst v2  }
0x414: {  	[tilespmem:$0xF7B0] =	vst v1;
	v1 =	vmov s22  }
0x415: {  	[tilespmem:$0xF790] =	vst v1  }
0x416: {  	_ =	swait.ge [sflag:s19], $0x2000  }
0x417: {  	s30 =	sadd.s32 $0xF, s5;
	s31 =	sadd.s32 $0xE, s5;
	[sflag:s19] =	ssyncset.done $0x0  }
0x418: {  	s26 =	simm.s32 $0x180;
	s29 =	sadd.s32 $0xC, s5;
	[sflag:s19] =	ssyncadd.s32 $0xFFFFE000  }
0x419: {  	[spmem:s4] =	stream.indirect.scatter.add.f32 [tilespmem:s16], [sflag:$0x9], $0x80, s24, s7, $0xb8;
	[tilespmem:$0x1B880] =	vst v63  }
0x41a: {  	s13 =	sadd.s32 $0xD, s5;
	s1 =	sand.u32 $0xF80, s26;
	_ =	swait.ge [sflag:s28], $0x2000  }
0x41b: {  	s26 =	simm.s32 $0x10;
	s14 =	simm.s32 $0x1C0;
	[sflag:s28] =	ssyncset.done $0x0  }
0x41c: {  	s1 =	sadd.s32 $0x6680, s1;
	s12 =	sand.u32 $0xFC0, s14;
	[sflag:s28] =	ssyncadd.s32 $0xFFFFE000  }
0x41d: {  	v2 =	vmov s29;
	v1 =	vmov s30;
	[tilespmem:s16], [sflag:$0x7] =	stream.indirect.gather [hbm4b:s3+s7], $0x80, s1, s7, $0xb8;
	[tilespmem:$0x1B880] =	vst v63  }
.LBB2_16:
0x41e: {  	p0 =	sne.s32 s26, $0xF0  }
0x41f: {  	[tilespmem:$0xF800] =	vst v2;
	s14 =	sadd.s32 $0x100, s14;
	s1 =	smov.u32 s26;
	s26 =	sadd.s32 $0x10, s26  }
0x420: {  	v2 =	vmov s13;
	v3 =	vmov s31;
	s5 =	sand.u32 $0xFC0, s14;
	[tilespmem:$0xF830] =	vst v1  }
0x421: {  	[tilespmem:$0xF820] =	vst v3  }
0x422: {  	[tilespmem:$0xF810] =	vst v2  }
0x423: {  	_ =	swait.ge [sflag:s20], $0x2000  }
0x424: {  	[sflag:s20] =	ssyncset.done $0x0  }
0x425: {  	[sflag:s20] =	ssyncadd.s32 $0xFFFFE000  }
0x426: {  	[spmem:s4] =	stream.indirect.scatter.add.f32 [tilespmem:s17], [sflag:$0x9], $0x80, s25, s7, $0xb8;
	[tilespmem:$0x1B880] =	vst v63  }
0x427: {  	_ =	swait.ge [sflag:s28], $0x2000  }
0x428: {  	s6 =	sadd.s32 $0x6680, s12;
	s12 =	smov.u32 s5;
	[sflag:s28] =	ssyncset.done $0x0  }
0x429: {  	s21 =	sadd.s32 s1, s10;
	[sflag:s28] =	ssyncadd.s32 $0xFFFFE000  }
0x42a: {  	[tilespmem:s17], [sflag:$0x8] =	stream.indirect.gather [hbm4b:s3+s7], $0x80, s6, s7, $0xb8;
	[tilespmem:$0x1B880] =	vst v63  }
0x42b: {  	v1 =	vmov s21;
	s1 =	sadd.s32 $0x1, s21;
	s5 =	sadd.s32 $0x2, s21;
	s6 =	sadd.s32 $0x3, s21  }
0x42c: {  	s22 =	sadd.s32 $0x4, s21;
	s30 =	sadd.s32 $0x5, s21;
	s2 =	sadd.s32 $0x7, s21;
	v2 =	vmov s5;
	v3 =	vmov s6;
	[tilespmem:$0xF680] =	vst v1;
	v1 =	vmov s1  }
0x42d: {  	s11 =	sadd.s32 $0x6, s21;
	s9 =	sadd.s32 $0xB, s21;
	s6 =	sadd.s32 $0xA, s21;
	[tilespmem:$0xF6B0] =	vst v3  }
0x42e: {  	s29 =	sadd.s32 $0x9, s21;
	s5 =	sadd.s32 $0xC, s21;
	s1 =	sadd.s32 $0x8, s21;
	[tilespmem:$0xF690] =	vst v1  }
0x42f: {  	s13 =	sadd.s32 $0xD, s21;
	s31 =	sadd.s32 $0xE, s21;
	s21 =	sadd.s32 $0xF, s21;
	[tilespmem:$0xF6A0] =	vst v2  }
0x430: {  	v1 =	vmov s21;
	_ =	swait.ge [sflag:s0], $0x2000  }
0x431: {  	[sflag:s0] =	ssyncset.done $0x0  }
0x432: {  	[sflag:s0] =	ssyncadd.s32 $0xFFFFE000  }
0x433: {  	[spmem:s4] =	stream.indirect.scatter.add.f32 [tilespmem:s8], [sflag:$0x9], $0x80, s23, s7, $0xb8;
	[tilespmem:$0x1B880] =	vst v63  }
0x434: {  	s21 =	sadd.s32 $0xFFFFFF40, s14;
	_ =	swait.ge [sflag:s28], $0x2000  }
0x435: {  	s21 =	sand.u32 $0xF00, s21;
	[sflag:s28] =	ssyncset.done $0x0  }
0x436: {  	s21 =	sadd.s32 $0x6680, s21;
	[sflag:s28] =	ssyncadd.s32 $0xFFFFE000  }
0x437: {  	v2 =	vmov s2;
	[tilespmem:s8], [sflag:$0x5] =	stream.indirect.gather [hbm4b:s3+s7], $0x80, s21, s7, $0xb8;
	[tilespmem:$0x1B880] =	vst v63  }
0x438: {  	v3 =	vmov s22;
	[tilespmem:$0xF730] =	vst v2  }
0x439: {  	v2 =	vmov s30;
	s30 =	simm.s32 $0xF700;
	[tilespmem:$0xF700] =	vst v3  }
0x43a: {  	[tilespmem:$0xF710] =	vst v2;
	v2 =	vmov s11  }
0x43b: {  	[tilespmem:$0xF720] =	vst v2  }
0x43c: {  	_ =	swait.ge [sflag:s18], $0x2000  }
0x43d: {  	[sflag:s18] =	ssyncset.done $0x0  }
0x43e: {  	[sflag:s18] =	ssyncadd.s32 $0xFFFFE000  }
0x43f: {  	[spmem:s4] =	stream.indirect.scatter.add.f32 [tilespmem:s15], [sflag:$0x9], $0x80, s30, s7, $0xb8;
	[tilespmem:$0x1B880] =	vst v63  }
0x440: {  	s2 =	sadd.s32 $0xFFFFFF80, s14;
	_ =	swait.ge [sflag:s28], $0x2000  }
0x441: {  	s2 =	sand.u32 $0xF40, s2;
	[sflag:s28] =	ssyncset.done $0x0  }
0x442: {  	s2 =	sadd.s32 $0x6680, s2;
	[sflag:s28] =	ssyncadd.s32 $0xFFFFE000  }
0x443: {  	v2 =	vmov s6;
	[tilespmem:s15], [sflag:$0x6] =	stream.indirect.gather [hbm4b:s3+s7], $0x80, s2, s7, $0xb8;
	[tilespmem:$0x1B880] =	vst v63  }
0x444: {  	[tilespmem:$0xF7A0] =	vst v2;
	v2 =	vmov s9  }
0x445: {  	v3 =	vmov s1;
	[tilespmem:$0xF7B0] =	vst v2  }
0x446: {  	v2 =	vmov s29;
	[tilespmem:$0xF780] =	vst v3  }
0x447: {  	[tilespmem:$0xF790] =	vst v2  }
0x448: {  	_ =	swait.ge [sflag:s19], $0x2000  }
0x449: {  	[sflag:s19] =	ssyncset.done $0x0  }
0x44a: {  	[sflag:s19] =	ssyncadd.s32 $0xFFFFE000  }
0x44b: {  	[spmem:s4] =	stream.indirect.scatter.add.f32 [tilespmem:s16], [sflag:$0x9], $0x80, s24, s7, $0xb8;
	[tilespmem:$0x1B880] =	vst v63  }
.Ltmp7:
0x44c: {  	_ = 	snop;
	(pc) =	sbr.rel @p0 .LBB2_16-.Ltmp7, $4  }
0x44d: {  	s1 =	sadd.s32 $0xFFFFFFC0, s14;
	_ =	swait.ge [sflag:s28], $0x2000  }
0x44e: {  	s1 =	sand.u32 $0xF80, s1;
	[sflag:s28] =	ssyncset.done $0x0  }
0x44f: {  	s1 =	sadd.s32 $0x6680, s1;
	[sflag:s28] =	ssyncadd.s32 $0xFFFFE000  }
0x450: {  	v2 =	vmov s5;
	[tilespmem:s16], [sflag:$0x7] =	stream.indirect.gather [hbm4b:s3+s7], $0x80, s1, s7, $0xb8;
	[tilespmem:$0x1B880] =	vst v63  }
0x451: {  	[tilespmem:$0xF800] =	vst v2  }
0x452: {  	v2 =	vmov s31;
	[tilespmem:$0xF830] =	vst v1  }
0x453: {  	v1 =	vmov s13;
	[tilespmem:$0xF820] =	vst v2  }
0x454: {  	[tilespmem:$0xF810] =	vst v1  }
0x455: {  	_ =	swait.ge [sflag:s20], $0x2000  }
0x456: {  	[sflag:s20] =	ssyncset.done $0x0  }
0x457: {  	[sflag:s20] =	ssyncadd.s32 $0xFFFFE000  }
0x458: {  	[spmem:s4] =	stream.indirect.scatter.add.f32 [tilespmem:s17], [sflag:$0x9], $0x80, s25, s7, $0xb8;
	[tilespmem:$0x1B880] =	vst v63  }
0x459: {  	_ =	swait.ge [sflag:s28], $0x2000  }
0x45a: {  	[sflag:s28] =	ssyncset.done $0x0  }
0x45b: {  	s1 =	sadd.s32 $0x6680, s12;
	[sflag:s28] =	ssyncadd.s32 $0xFFFFE000  }
0x45c: {  	[tilespmem:s17], [sflag:$0x8] =	stream.indirect.gather [hbm4b:s3+s7], $0x80, s1, s7, $0xb8;
	[tilespmem:$0x1B880] =	vst v63  }
0x45d: {  	_ =	swait.ge [sflag:s0], $0x2000  }
0x45e: {  	[sflag:s0] =	ssyncset.done $0x0  }
0x45f: {  	[sflag:s0] =	ssyncadd.s32 $0xFFFFE000  }
0x460: {  	_ =	swait.ge [sflag:s18], $0x2000  }
0x461: {  	[sflag:s18] =	ssyncset.done $0x0  }
0x462: {  	[sflag:s18] =	ssyncadd.s32 $0xFFFFE000  }
0x463: {  	_ =	swait.ge [sflag:s19], $0x2000  }
0x464: {  	[sflag:s19] =	ssyncset.done $0x0  }
0x465: {  	[sflag:s19] =	ssyncadd.s32 $0xFFFFE000  }
0x466: {  	_ =	swait.ge [sflag:s20], $0x2000  }
0x467: {  	s14 =	rddreg [dreg:$0x16]  }
0x468: {  	[sflag:s20] =	ssyncset.done $0x0;
	s2 =	rddreg [dreg:$0x1c]  }
0x469: {  	s5 =	rddreg [dreg:$0x1d];
	[sflag:s20] =	ssyncadd.s32 $0xFFFFE000  }
0x46a: {  	[hbm:s14], [sflag:s2] =	dma.local [spmem:s5], $0x1000  }
0x46b: {  	_ =	swait.ge [sflag:s28], $0x1000  }
0x46c: {  	[sflag:s28] =	ssyncset.done $0x0  }
0x46d: {  	s21 =	simm.s32 $0x1;
	[sflag:s28] =	ssyncadd.s32 $0xFFFFF000  }
0x46e: {  	_ =	swait.ge [sflag:s21], $0x1000  }
0x46f: {  	s12 =	simm.s32 $0x0;
	[sflag:s21] =	ssyncset.done $0x0  }
0x470: {  	s2 =	simm.s32 $0x19880;
	s22 =	rddreg [dreg:$0x17];
	[sflag:s21] =	ssyncadd.s32 $0xFFFFF000  }
0x471: {  	[hbm4b:s22+s12] =	stream.linear.scatter [tilespmem:s2], [sflag:$0x9], $0x1000, $0x38;
	[tilespmem:$0x1B880] =	vst v63  }
0x472: {  	_ =	swait.ge [sflag:s28], $0x1000  }
0x473: {  	[sflag:s28] =	ssyncset.done $0x0  }
0x474: {  	s26 =	simm.s32 $0x2;
	[sflag:s28] =	ssyncadd.s32 $0xFFFFF000  }
0x475: {  	_ =	swait.ge [sflag:s26], $0x1000  }
0x476: {  	[sflag:s26] =	ssyncset.done $0x0  }
0x477: {  	s9 =	simm.s32 $0x1A880;
	s29 =	rddreg [dreg:$0x18];
	[sflag:s26] =	ssyncadd.s32 $0xFFFFF000  }
0x478: {  	[hbm4b:s29+s12] =	stream.linear.scatter [tilespmem:s9], [sflag:$0x9], $0x1000, $0x38;
	[tilespmem:$0x1B880] =	vst v63  }
0x479: {  	_ =	swait.ge [sflag:s28], $0x1000  }
0x47a: {  	s11 =	rddreg [dreg:$0x1b]  }
0x47b: {  	s31 =	rddreg [dreg:$0x19];
	s11 =	sadd.s32 $0x1, s11  }
0x47c: {  	p0 =	sne.s32 s11, s31  }
.Ltmp8:
0x47d: {  	_ = 	snop;
	(pc) =	sbr.rel @p0 .LBB2_1-.Ltmp8, $4  }
0x47e: {  	_ = 	snop  }
0x47f: {  	s6 =	simm.s32 $0x20  }
0x480: {  	s5 =	simm.s32 $0x80;
	s21 =	simm.s32 $0x1680;
	[sflag:s28] =	ssyncset.done $0x0  }
0x481: {  	s22 =	simm.s32 $0xF680;
	s13 =	rddreg [dreg:$0x7];
	[sflag:s28] =	ssyncadd.s32 $0xFFFFF000  }
0x482: {  	_ =	sfence.sel $0x180000  }
0x483: {  	[bflag:$0x0] =	sbarrier.arrive $0xFFFF  }
0x484: {  	_ =	strace $0x90000047  }
0x485: {  	s0 =	stileid.u32;
	[bflag:$0x2] =	sbarrier.arrive $0xFFFF  }
0x486: {  	p0 =	sne.s32 s0, $0x0;
	s0 =	rddreg [dreg:$0x6]  }
0x487: {  	s0 =	sadd.s32 @!p0 $0x100000, s0  }
0x488: {  	[sflag:s0] =	ssyncadd.tile.s32 @!p0 $0x1;
	_ =	shalt  }
.Lfunc_end2:
_tile_overlayer_lowered:
.L_overlay_start_2:
0x489: {  	(tag) =	ssettag $0x2  }
0x48a: {  	s0 =	rddreg [dreg:$0x0];
	s2 =	stileid.u32  }
0x48b: {  	s1 =	rddreg [dreg:$0x1];
	p0 =	sne.s32 s2, $0x0  }
0x48c: {  	s3 =	rddreg [dreg:$0x2];
	[bflag:$0x3] =	sbarrier.arrive $0xFFFF;
	s2 =	simm.s32 @!p0 $0x1C09  }
0x48d: {  	[timem:s3], [sflag:s2] =	dma.local @!p0 [hbm:s0], s1  }
0x48e: {  	s0 =	simm.s32 @!p0 $0x9  }
0x48f: {  	_ =	swait.ge @!p0 [sflag:s0], s1  }
0x490: {  	s1 =	ssub.s32 @!p0 $0x0, s1;
	[sflag:s0] =	ssyncset.done @!p0 $0x0  }
0x491: {  	[sflag:s0] =	ssyncadd.s32 @!p0 s1  }
0x492: {  	[bflag:$0x3] =	sbarrier.arrive $0xFFFF  }
0x493: {  	_ =	shalt  }

</sc_bundles>
